<compile_context>
chip_gen: v7x
topology: tpu7x:2x2x1
jax: 0.10.2.dev20260603
libtpu: 0.0.44.dev20260713+nightly
codegen_flags: <defaults>
</compile_context>

<pallas_src>
import functools

import jax
import jax.numpy as jnp
from jax import lax
from jax.experimental import pallas as pl
from jax.experimental.pallas import tpu as pltpu
from jax.experimental.pallas import tpu_sc as plsc

HID = 2560
L = 16
NC, NS = 2, 16
NW = NC * NS
T = 8


@functools.lru_cache(maxsize=None)
def _emb_lookup(n_tokens):
    pw = n_tokens // NW
    nchunks = pw // T
    npairs = nchunks // 2
    mesh = plsc.VectorSubcoreMesh(core_axis_name="c", subcore_axis_name="s")

    @functools.partial(
        pl.kernel,
        mesh=mesh,
        out_type=jax.ShapeDtypeStruct((n_tokens * HID,), jnp.bfloat16),
        scratch_types=[
            pltpu.VMEM((pw + L,), jnp.int32),
            pltpu.VMEM((pw + L,), jnp.int32),
            pltpu.VMEM((T * HID,), jnp.float32),
            pltpu.VMEM((T * HID,), jnp.float32),
            pltpu.VMEM((T * HID,), jnp.float32),
            pltpu.VMEM((T * HID,), jnp.float32),
            pltpu.VMEM((T * HID,), jnp.bfloat16),
            pltpu.VMEM((T * HID,), jnp.bfloat16),
            pltpu.SemaphoreType.DMA,
            pltpu.SemaphoreType.DMA,
            pltpu.SemaphoreType.DMA,
            pltpu.SemaphoreType.DMA,
            pltpu.SemaphoreType.DMA,
            pltpu.SemaphoreType.DMA,
        ],
        compiler_params=pltpu.CompilerParams(
            use_tc_tiling_on_sc=True, needs_layout_passes=False),
    )
    def body(tok_ids, pos_ids, tok_tab, pos_tab, out_hbm,
             idx_t, idx_p, tok0, tok1, pos0, pos1, out0, out1,
             sem_t0, sem_t1, sem_p0, sem_p1, sem_o0, sem_o1):
        wid = lax.axis_index("s") * NC + lax.axis_index("c")
        base = wid * pw
        pltpu.sync_copy(tok_ids.at[pl.ds(base, pw)], idx_t.at[pl.ds(0, pw)])
        pltpu.sync_copy(pos_ids.at[pl.ds(base, pw)], idx_p.at[pl.ds(0, pw)])
        lane = lax.iota(jnp.int32, L)
        ev = lane * 2
        od = ev + 1

        def fire(c, tok_v, pos_v, sem_t, sem_p):
            vt = idx_t[pl.ds(c * T, L)]
            vp = idx_p[pl.ds(c * T, L)]
            for r in range(T):
                pltpu.async_copy(
                    tok_tab.at[vt[r]], tok_v.at[pl.ds(r * HID, HID)], sem_t)
                pltpu.async_copy(
                    pos_tab.at[vp[r]], pos_v.at[pl.ds(r * HID, HID)], sem_p)

        def drain_gather(tok_v, pos_v, sem_t, sem_p):
            for r in range(T):
                pltpu.make_async_copy(
                    tok_tab.at[0], tok_v.at[pl.ds(r * HID, HID)], sem_t).wait()
                pltpu.make_async_copy(
                    pos_tab.at[0], pos_v.at[pl.ds(r * HID, HID)], sem_p).wait()

        def compute(tok_v, pos_v, out_v):
            def group(j, c2):
                off = j * 32
                ie = off + ev
                io = off + od
                for tt in range(T):
                    rb = tt * HID
                    st = tok_v.at[pl.ds(rb, HID)]
                    sp = pos_v.at[pl.ds(rb, HID)]
                    te = plsc.load_gather(st, [ie])
                    to = plsc.load_gather(st, [io])
                    pe = plsc.load_gather(sp, [ie])
                    po = plsc.load_gather(sp, [io])
                    out_v[pl.ds(rb + off, 32)] = plsc.pack(
                        te + pe, to + po, format=plsc.PackFormat.INTERLEAVED)
                return c2

            lax.fori_loop(0, HID // 32, group, 0, unroll=5)

        def out_slice(c):
            return out_hbm.at[pl.ds((base + c * T) * HID, T * HID)]

        def drain_out(out_v, sem_o):
            pltpu.make_async_copy(out_v, out_slice(0), sem_o).wait()

        fire(0, tok0, pos0, sem_t0, sem_p0)
        fire(1, tok1, pos1, sem_t1, sem_p1)

        def pair(cc, carry):
            c0 = cc * 2
            c1 = c0 + 1

            @pl.when(cc > 0)
            def _():
                drain_out(out0, sem_o0)
                drain_out(out1, sem_o1)

            drain_gather(tok0, pos0, sem_t0, sem_p0)
            compute(tok0, pos0, out0)
            pltpu.async_copy(out0, out_slice(c0), sem_o0)

            @pl.when(c0 + 2 < nchunks)
            def _():
                fire(c0 + 2, tok0, pos0, sem_t0, sem_p0)

            drain_gather(tok1, pos1, sem_t1, sem_p1)
            compute(tok1, pos1, out1)
            pltpu.async_copy(out1, out_slice(c1), sem_o1)

            @pl.when(c1 + 2 < nchunks)
            def _():
                fire(c1 + 2, tok1, pos1, sem_t1, sem_p1)

            return carry

        lax.fori_loop(0, npairs, pair, 0)
        drain_out(out0, sem_o0)
        drain_out(out1, sem_o1)

    return body


def kernel(input_ids, position_ids, token_table, pos_table):
    b, s = input_ids.shape
    n = b * s
    out = _emb_lookup(n)(
        input_ids.reshape(n).astype(jnp.int32),
        position_ids.reshape(n).astype(jnp.int32),
        token_table,
        pos_table,
    )
    return out.reshape(b, s, HID)

# --- scband reference (transcript-rebuilt; emitter-appended) ---
"""Pipeline reference for scband-token-embedding-57724360458763 (READ-ONLY COPY).

The authoritative reference and input builder live on the scoring server;
editing this copy changes nothing except your own understanding.
"""

import jax, jax.numpy as jnp
import numpy as np

VOCAB = 50257
HID = 2560
MAXPOS = 8192
B = 4
S = 4096
INIT_STD = 0.02


def setup_inputs(seed: int = 0) -> dict:
    key = jax.random.key(seed)
    k1, k2, k3, k4 = jax.random.split(key, 4)
    input_ids = jax.random.randint(k1, (B, S), 0, VOCAB, dtype=jnp.int64 if jax.config.jax_enable_x64 else jnp.int32)
    position_ids = jax.random.randint(k2, (B, S), 0, S, dtype=jnp.int64 if jax.config.jax_enable_x64 else jnp.int32)
    token_table = jax.random.normal(k3, (VOCAB, HID), dtype=jnp.float32) * INIT_STD
    pos_table = jax.random.normal(k4, (MAXPOS, HID), dtype=jnp.float32) * INIT_STD
    return {
        "input_ids": input_ids,
        "position_ids": position_ids,
        "token_table": token_table,
        "pos_table": pos_table,
    }


def reference(input_ids, position_ids, token_table, pos_table):
    # flax nn.Embed with dtype=bfloat16: params stored fp32, cast to bf16 for lookup.
    tok = jnp.take(token_table.astype(jnp.bfloat16), input_ids, axis=0)
    pos = jnp.take(pos_table.astype(jnp.bfloat16), position_ids, axis=0)
    return tok + pos

if __name__ == "__main__":
    import jax
    _d = setup_inputs()
    print(jax.jit(kernel)(*tuple(_d.values())))

</pallas_src>

<mosaic_0001>
#map = affine_map<(d0, d1) -> (0)>
#map1 = affine_map<(d0, d1) -> (0, 0)>
module attributes {stable_mosaic.version = 14 : i64} {
  func.func @body(%arg0: i32, %arg1: i32, %arg2: memref<16384xi32, #tpu.memory_space<hbm>>, %arg3: memref<16384xi32, #tpu.memory_space<hbm>>, %arg4: memref<50257x2560xf32, #tpu.memory_space<hbm>>, %arg5: memref<8192x2560xf32, #tpu.memory_space<hbm>>, %arg6: memref<41943040xbf16, #tpu.memory_space<hbm>>, %arg7: memref<528xi32, #tpu.memory_space<vmem>>, %arg8: memref<528xi32, #tpu.memory_space<vmem>>, %arg9: memref<20480xf32, #tpu.memory_space<vmem>>, %arg10: memref<20480xf32, #tpu.memory_space<vmem>>, %arg11: memref<20480xf32, #tpu.memory_space<vmem>>, %arg12: memref<20480xf32, #tpu.memory_space<vmem>>, %arg13: memref<20480xbf16, #tpu.memory_space<vmem>>, %arg14: memref<20480xbf16, #tpu.memory_space<vmem>>, %arg15: memref<!tpu.dma_semaphore, #tpu.memory_space<semaphore_mem>>, %arg16: memref<!tpu.dma_semaphore, #tpu.memory_space<semaphore_mem>>, %arg17: memref<!tpu.dma_semaphore, #tpu.memory_space<semaphore_mem>>, %arg18: memref<!tpu.dma_semaphore, #tpu.memory_space<semaphore_mem>>, %arg19: memref<!tpu.dma_semaphore, #tpu.memory_space<semaphore_mem>>, %arg20: memref<!tpu.dma_semaphore, #tpu.memory_space<semaphore_mem>>) attributes {dimension_semantics = [#tpu.dimension_semantics<core_parallel>, #tpu.dimension_semantics<subcore_parallel>], iteration_bounds = array<i64: 2, 16>, scalar_prefetch = 0 : i64, scratch_operands = 14 : i64, tpu.core_type = #tpu.core_type<sc_vector_subcore>, window_params = [{transform_indices = #map}, {transform_indices = #map}, {transform_indices = #map1}, {transform_indices = #map1}, {transform_indices = #map}]} {
    %mul3A = arith.constant 2 : i32
    %mul3A_0 = arith.muli %arg1, %mul3A : i32
    %add3A = arith.addi %mul3A_0, %arg0 : i32
    %mul3A_1 = arith.constant 512 : i32
    %mul3A_2 = arith.muli %add3A, %mul3A_1 : i32
    "tpu.region"() ({
      %run_scoped3A = tpu.sem_alloc : memref<!tpu.dma_semaphore, #tpu.memory_space<semaphore_mem>>
      %dma_start3A_413 = arith.constant 0 : i32
      %dma_start3A_414 = tpu.memref_slice %arg7[%dma_start3A_413] : memref<528xi32, #tpu.memory_space<vmem>> -> memref<512xi32, #tpu.memory_space<vmem>>
      %dma_start3A_415 = tpu.memref_slice %arg2[%mul3A_2] : memref<16384xi32, #tpu.memory_space<hbm>> -> memref<512xi32, #tpu.memory_space<hbm>>
      %dma_start3A_416 = arith.constant 0 : i32
      %dma_start3A_417 = tpu.memref_slice %arg7[%dma_start3A_416] : memref<528xi32, #tpu.memory_space<vmem>> -> memref<512xi32, #tpu.memory_space<vmem>>
      %dma_start3A_418 = tpu.memref_slice %arg2[%mul3A_2] : memref<16384xi32, #tpu.memory_space<hbm>> -> memref<512xi32, #tpu.memory_space<hbm>>
      tpu.enqueue_dma source(%dma_start3A_418 : memref<512xi32, #tpu.memory_space<hbm>>) target(%dma_start3A_417 : memref<512xi32, #tpu.memory_space<vmem>>) target_semaphore(%run_scoped3A : memref<!tpu.dma_semaphore, #tpu.memory_space<semaphore_mem>>)
      %dma_wait3A_419 = arith.constant 0 : i32
      %dma_wait3A_420 = tpu.memref_slice %arg7[%dma_wait3A_419] : memref<528xi32, #tpu.memory_space<vmem>> -> memref<512xi32, #tpu.memory_space<vmem>>
      %dma_wait3A_421 = tpu.memref_slice %arg2[%mul3A_2] : memref<16384xi32, #tpu.memory_space<hbm>> -> memref<512xi32, #tpu.memory_space<hbm>>
      %dma_wait3A_422 = arith.constant 0 : i32
      %dma_wait3A_423 = tpu.memref_slice %arg7[%dma_wait3A_422] : memref<528xi32, #tpu.memory_space<vmem>> -> memref<512xi32, #tpu.memory_space<vmem>>
      %dma_wait3A_424 = tpu.memref_slice %arg2[%mul3A_2] : memref<16384xi32, #tpu.memory_space<hbm>> -> memref<512xi32, #tpu.memory_space<hbm>>
      tpu.wait_dma2 semaphore(%run_scoped3A : memref<!tpu.dma_semaphore, #tpu.memory_space<semaphore_mem>>) src(%dma_wait3A_424 : memref<512xi32, #tpu.memory_space<hbm>>) dst(%dma_wait3A_423 : memref<512xi32, #tpu.memory_space<vmem>>)
      tpu.yield
    }) : () -> ()
    "tpu.region"() ({
      %run_scoped3A = tpu.sem_alloc : memref<!tpu.dma_semaphore, #tpu.memory_space<semaphore_mem>>
      %dma_start3A_413 = arith.constant 0 : i32
      %dma_start3A_414 = tpu.memref_slice %arg8[%dma_start3A_413] : memref<528xi32, #tpu.memory_space<vmem>> -> memref<512xi32, #tpu.memory_space<vmem>>
      %dma_start3A_415 = tpu.memref_slice %arg3[%mul3A_2] : memref<16384xi32, #tpu.memory_space<hbm>> -> memref<512xi32, #tpu.memory_space<hbm>>
      %dma_start3A_416 = arith.constant 0 : i32
      %dma_start3A_417 = tpu.memref_slice %arg8[%dma_start3A_416] : memref<528xi32, #tpu.memory_space<vmem>> -> memref<512xi32, #tpu.memory_space<vmem>>
      %dma_start3A_418 = tpu.memref_slice %arg3[%mul3A_2] : memref<16384xi32, #tpu.memory_space<hbm>> -> memref<512xi32, #tpu.memory_space<hbm>>
      tpu.enqueue_dma source(%dma_start3A_418 : memref<512xi32, #tpu.memory_space<hbm>>) target(%dma_start3A_417 : memref<512xi32, #tpu.memory_space<vmem>>) target_semaphore(%run_scoped3A : memref<!tpu.dma_semaphore, #tpu.memory_space<semaphore_mem>>)
      %dma_wait3A_419 = arith.constant 0 : i32
      %dma_wait3A_420 = tpu.memref_slice %arg8[%dma_wait3A_419] : memref<528xi32, #tpu.memory_space<vmem>> -> memref<512xi32, #tpu.memory_space<vmem>>
      %dma_wait3A_421 = tpu.memref_slice %arg3[%mul3A_2] : memref<16384xi32, #tpu.memory_space<hbm>> -> memref<512xi32, #tpu.memory_space<hbm>>
      %dma_wait3A_422 = arith.constant 0 : i32
      %dma_wait3A_423 = tpu.memref_slice %arg8[%dma_wait3A_422] : memref<528xi32, #tpu.memory_space<vmem>> -> memref<512xi32, #tpu.memory_space<vmem>>
      %dma_wait3A_424 = tpu.memref_slice %arg3[%mul3A_2] : memref<16384xi32, #tpu.memory_space<hbm>> -> memref<512xi32, #tpu.memory_space<hbm>>
      tpu.wait_dma2 semaphore(%run_scoped3A : memref<!tpu.dma_semaphore, #tpu.memory_space<semaphore_mem>>) src(%dma_wait3A_424 : memref<512xi32, #tpu.memory_space<hbm>>) dst(%dma_wait3A_423 : memref<512xi32, #tpu.memory_space<vmem>>)
      tpu.yield
    }) : () -> ()
    %iota3A = tpu.iota {dimensions = array<i32: 0>} : vector<16xi32>
    %mul3A_3 = arith.constant 2 : i32
    %mul3A_4 = vector.broadcast %mul3A_3 : i32 to vector<16xi32>
    %mul3A_5 = arith.muli %iota3A, %mul3A_4 : vector<16xi32>
    %add3A_6 = arith.constant 1 : i32
    %add3A_7 = vector.broadcast %add3A_6 : i32 to vector<16xi32>
    %add3A_8 = arith.addi %mul3A_5, %add3A_7 : vector<16xi32>
    %get3A = arith.constant 0 : index
    %get3A_9 = tpu.vector_load %arg7[%get3A] {strides = array<i32>} : memref<528xi32, #tpu.memory_space<vmem>>, vector<16xi32>,
    %get3A_10 = arith.constant 0 : index
    %get3A_11 = tpu.vector_load %arg8[%get3A_10] {strides = array<i32>} : memref<528xi32, #tpu.memory_space<vmem>>, vector<16xi32>,
    %slice3A = vector.extract_strided_slice %get3A_9 {offsets = [0], sizes = [1], strides = [1]} : vector<16xi32> to vector<1xi32>
    %squeeze3A = vector.extract %slice3A[0] : i32 from vector<1xi32>
    %dma_start3A = arith.constant 0 : i32
    %dma_start3A_12 = tpu.memref_slice %arg9[%dma_start3A] : memref<20480xf32, #tpu.memory_space<vmem>> -> memref<2560xf32, #tpu.memory_space<vmem>>
    %dma_start3A_13 = arith.constant 0 : i32
    %dma_start3A_14 = tpu.memref_slice %arg4[%squeeze3A, %dma_start3A_13] : memref<50257x2560xf32, #tpu.memory_space<hbm>> -> memref<1x2560xf32, #tpu.memory_space<hbm>>
    %dma_start3A_15 = tpu.memref_squeeze %dma_start3A_14 : memref<1x2560xf32, #tpu.memory_space<hbm>> -> memref<2560xf32, #tpu.memory_space<hbm>>
    %dma_start3A_16 = arith.constant 0 : i32
    %dma_start3A_17 = tpu.memref_slice %arg9[%dma_start3A_16] : memref<20480xf32, #tpu.memory_space<vmem>> -> memref<2560xf32, #tpu.memory_space<vmem>>
    %dma_start3A_18 = arith.constant 0 : i32
    %dma_start3A_19 = tpu.memref_slice %arg4[%squeeze3A, %dma_start3A_18] : memref<50257x2560xf32, #tpu.memory_space<hbm>> -> memref<1x2560xf32, #tpu.memory_space<hbm>>
    %dma_start3A_20 = tpu.memref_squeeze %dma_start3A_19 : memref<1x2560xf32, #tpu.memory_space<hbm>> -> memref<2560xf32, #tpu.memory_space<hbm>>
    tpu.enqueue_dma source(%dma_start3A_20 : memref<2560xf32, #tpu.memory_space<hbm>>) target(%dma_start3A_17 : memref<2560xf32, #tpu.memory_space<vmem>>) target_semaphore(%arg15 : memref<!tpu.dma_semaphore, #tpu.memory_space<semaphore_mem>>)
    %slice3A_21 = vector.extract_strided_slice %get3A_11 {offsets = [0], sizes = [1], strides = [1]} : vector<16xi32> to vector<1xi32>
    %squeeze3A_22 = vector.extract %slice3A_21[0] : i32 from vector<1xi32>
    %dma_start3A_23 = arith.constant 0 : i32
    %dma_start3A_24 = tpu.memref_slice %arg11[%dma_start3A_23] : memref<20480xf32, #tpu.memory_space<vmem>> -> memref<2560xf32, #tpu.memory_space<vmem>>
    %dma_start3A_25 = arith.constant 0 : i32
    %dma_start3A_26 = tpu.memref_slice %arg5[%squeeze3A_22, %dma_start3A_25] : memref<8192x2560xf32, #tpu.memory_space<hbm>> -> memref<1x2560xf32, #tpu.memory_space<hbm>>
    %dma_start3A_27 = tpu.memref_squeeze %dma_start3A_26 : memref<1x2560xf32, #tpu.memory_space<hbm>> -> memref<2560xf32, #tpu.memory_space<hbm>>
    %dma_start3A_28 = arith.constant 0 : i32
    %dma_start3A_29 = tpu.memref_slice %arg11[%dma_start3A_28] : memref<20480xf32, #tpu.memory_space<vmem>> -> memref<2560xf32, #tpu.memory_space<vmem>>
    %dma_start3A_30 = arith.constant 0 : i32
    %dma_start3A_31 = tpu.memref_slice %arg5[%squeeze3A_22, %dma_start3A_30] : memref<8192x2560xf32, #tpu.memory_space<hbm>> -> memref<1x2560xf32, #tpu.memory_space<hbm>>
    %dma_start3A_32 = tpu.memref_squeeze %dma_start3A_31 : memref<1x2560xf32, #tpu.memory_space<hbm>> -> memref<2560xf32, #tpu.memory_space<hbm>>
    tpu.enqueue_dma source(%dma_start3A_32 : memref<2560xf32, #tpu.memory_space<hbm>>) target(%dma_start3A_29 : memref<2560xf32, #tpu.memory_space<vmem>>) target_semaphore(%arg17 : memref<!tpu.dma_semaphore, #tpu.memory_space<semaphore_mem>>)
    %slice3A_33 = vector.extract_strided_slice %get3A_9 {offsets = [1], sizes = [1], strides = [1]} : vector<16xi32> to vector<1xi32>
    %squeeze3A_34 = vector.extract %slice3A_33[0] : i32 from vector<1xi32>
    %dma_start3A_35 = arith.constant 2560 : i32
    %dma_start3A_36 = tpu.memref_slice %arg9[%dma_start3A_35] : memref<20480xf32, #tpu.memory_space<vmem>> -> memref<2560xf32, #tpu.memory_space<vmem>>
    %dma_start3A_37 = arith.constant 0 : i32
    %dma_start3A_38 = tpu.memref_slice %arg4[%squeeze3A_34, %dma_start3A_37] : memref<50257x2560xf32, #tpu.memory_space<hbm>> -> memref<1x2560xf32, #tpu.memory_space<hbm>>
    %dma_start3A_39 = tpu.memref_squeeze %dma_start3A_38 : memref<1x2560xf32, #tpu.memory_space<hbm>> -> memref<2560xf32, #tpu.memory_space<hbm>>
    %dma_start3A_40 = arith.constant 2560 : i32
    %dma_start3A_41 = tpu.memref_slice %arg9[%dma_start3A_40] : memref<20480xf32, #tpu.memory_space<vmem>> -> memref<2560xf32, #tpu.memory_space<vmem>>
    %dma_start3A_42 = arith.constant 0 : i32
    %dma_start3A_43 = tpu.memref_slice %arg4[%squeeze3A_34, %dma_start3A_42] : memref<50257x2560xf32, #tpu.memory_space<hbm>> -> memref<1x2560xf32, #tpu.memory_space<hbm>>
    %dma_start3A_44 = tpu.memref_squeeze %dma_start3A_43 : memref<1x2560xf32, #tpu.memory_space<hbm>> -> memref<2560xf32, #tpu.memory_space<hbm>>
    tpu.enqueue_dma source(%dma_start3A_44 : memref<2560xf32, #tpu.memory_space<hbm>>) target(%dma_start3A_41 : memref<2560xf32, #tpu.memory_space<vmem>>) target_semaphore(%arg15 : memref<!tpu.dma_semaphore, #tpu.memory_space<semaphore_mem>>)
    %slice3A_45 = vector.extract_strided_slice %get3A_11 {offsets = [1], sizes = [1], strides = [1]} : vector<16xi32> to vector<1xi32>
    %squeeze3A_46 = vector.extract %slice3A_45[0] : i32 from vector<1xi32>
    %dma_start3A_47 = arith.constant 2560 : i32
    %dma_start3A_48 = tpu.memref_slice %arg11[%dma_start3A_47] : memref<20480xf32, #tpu.memory_space<vmem>> -> memref<2560xf32, #tpu.memory_space<vmem>>
    %dma_start3A_49 = arith.constant 0 : i32
    %dma_start3A_50 = tpu.memref_slice %arg5[%squeeze3A_46, %dma_start3A_49] : memref<8192x2560xf32, #tpu.memory_space<hbm>> -> memref<1x2560xf32, #tpu.memory_space<hbm>>
    %dma_start3A_51 = tpu.memref_squeeze %dma_start3A_50 : memref<1x2560xf32, #tpu.memory_space<hbm>> -> memref<2560xf32, #tpu.memory_space<hbm>>
    %dma_start3A_52 = arith.constant 2560 : i32
    %dma_start3A_53 = tpu.memref_slice %arg11[%dma_start3A_52] : memref<20480xf32, #tpu.memory_space<vmem>> -> memref<2560xf32, #tpu.memory_space<vmem>>
    %dma_start3A_54 = arith.constant 0 : i32
    %dma_start3A_55 = tpu.memref_slice %arg5[%squeeze3A_46, %dma_start3A_54] : memref<8192x2560xf32, #tpu.memory_space<hbm>> -> memref<1x2560xf32, #tpu.memory_space<hbm>>
    %dma_start3A_56 = tpu.memref_squeeze %dma_start3A_55 : memref<1x2560xf32, #tpu.memory_space<hbm>> -> memref<2560xf32, #tpu.memory_space<hbm>>
    tpu.enqueue_dma source(%dma_start3A_56 : memref<2560xf32, #tpu.memory_space<hbm>>) target(%dma_start3A_53 : memref<2560xf32, #tpu.memory_space<vmem>>) target_semaphore(%arg17 : memref<!tpu.dma_semaphore, #tpu.memory_space<semaphore_mem>>)
    %slice3A_57 = vector.extract_strided_slice %get3A_9 {offsets = [2], sizes = [1], strides = [1]} : vector<16xi32> to vector<1xi32>
    %squeeze3A_58 = vector.extract %slice3A_57[0] : i32 from vector<1xi32>
    %dma_start3A_59 = arith.constant 5120 : i32
    %dma_start3A_60 = tpu.memref_slice %arg9[%dma_start3A_59] : memref<20480xf32, #tpu.memory_space<vmem>> -> memref<2560xf32, #tpu.memory_space<vmem>>
    %dma_start3A_61 = arith.constant 0 : i32
    %dma_start3A_62 = tpu.memref_slice %arg4[%squeeze3A_58, %dma_start3A_61] : memref<50257x2560xf32, #tpu.memory_space<hbm>> -> memref<1x2560xf32, #tpu.memory_space<hbm>>
    %dma_start3A_63 = tpu.memref_squeeze %dma_start3A_62 : memref<1x2560xf32, #tpu.memory_space<hbm>> -> memref<2560xf32, #tpu.memory_space<hbm>>
    %dma_start3A_64 = arith.constant 5120 : i32
    %dma_start3A_65 = tpu.memref_slice %arg9[%dma_start3A_64] : memref<20480xf32, #tpu.memory_space<vmem>> -> memref<2560xf32, #tpu.memory_space<vmem>>
    %dma_start3A_66 = arith.constant 0 : i32
    %dma_start3A_67 = tpu.memref_slice %arg4[%squeeze3A_58, %dma_start3A_66] : memref<50257x2560xf32, #tpu.memory_space<hbm>> -> memref<1x2560xf32, #tpu.memory_space<hbm>>
    %dma_start3A_68 = tpu.memref_squeeze %dma_start3A_67 : memref<1x2560xf32, #tpu.memory_space<hbm>> -> memref<2560xf32, #tpu.memory_space<hbm>>
    tpu.enqueue_dma source(%dma_start3A_68 : memref<2560xf32, #tpu.memory_space<hbm>>) target(%dma_start3A_65 : memref<2560xf32, #tpu.memory_space<vmem>>) target_semaphore(%arg15 : memref<!tpu.dma_semaphore, #tpu.memory_space<semaphore_mem>>)
    %slice3A_69 = vector.extract_strided_slice %get3A_11 {offsets = [2], sizes = [1], strides = [1]} : vector<16xi32> to vector<1xi32>
    %squeeze3A_70 = vector.extract %slice3A_69[0] : i32 from vector<1xi32>
    %dma_start3A_71 = arith.constant 5120 : i32
    %dma_start3A_72 = tpu.memref_slice %arg11[%dma_start3A_71] : memref<20480xf32, #tpu.memory_space<vmem>> -> memref<2560xf32, #tpu.memory_space<vmem>>
    %dma_start3A_73 = arith.constant 0 : i32
    %dma_start3A_74 = tpu.memref_slice %arg5[%squeeze3A_70, %dma_start3A_73] : memref<8192x2560xf32, #tpu.memory_space<hbm>> -> memref<1x2560xf32, #tpu.memory_space<hbm>>
    %dma_start3A_75 = tpu.memref_squeeze %dma_start3A_74 : memref<1x2560xf32, #tpu.memory_space<hbm>> -> memref<2560xf32, #tpu.memory_space<hbm>>
    %dma_start3A_76 = arith.constant 5120 : i32
    %dma_start3A_77 = tpu.memref_slice %arg11[%dma_start3A_76] : memref<20480xf32, #tpu.memory_space<vmem>> -> memref<2560xf32, #tpu.memory_space<vmem>>
    %dma_start3A_78 = arith.constant 0 : i32
    %dma_start3A_79 = tpu.memref_slice %arg5[%squeeze3A_70, %dma_start3A_78] : memref<8192x2560xf32, #tpu.memory_space<hbm>> -> memref<1x2560xf32, #tpu.memory_space<hbm>>
    %dma_start3A_80 = tpu.memref_squeeze %dma_start3A_79 : memref<1x2560xf32, #tpu.memory_space<hbm>> -> memref<2560xf32, #tpu.memory_space<hbm>>
    tpu.enqueue_dma source(%dma_start3A_80 : memref<2560xf32, #tpu.memory_space<hbm>>) target(%dma_start3A_77 : memref<2560xf32, #tpu.memory_space<vmem>>) target_semaphore(%arg17 : memref<!tpu.dma_semaphore, #tpu.memory_space<semaphore_mem>>)
    %slice3A_81 = vector.extract_strided_slice %get3A_9 {offsets = [3], sizes = [1], strides = [1]} : vector<16xi32> to vector<1xi32>
    %squeeze3A_82 = vector.extract %slice3A_81[0] : i32 from vector<1xi32>
    %dma_start3A_83 = arith.constant 7680 : i32
    %dma_start3A_84 = tpu.memref_slice %arg9[%dma_start3A_83] : memref<20480xf32, #tpu.memory_space<vmem>> -> memref<2560xf32, #tpu.memory_space<vmem>>
    %dma_start3A_85 = arith.constant 0 : i32
    %dma_start3A_86 = tpu.memref_slice %arg4[%squeeze3A_82, %dma_start3A_85] : memref<50257x2560xf32, #tpu.memory_space<hbm>> -> memref<1x2560xf32, #tpu.memory_space<hbm>>
    %dma_start3A_87 = tpu.memref_squeeze %dma_start3A_86 : memref<1x2560xf32, #tpu.memory_space<hbm>> -> memref<2560xf32, #tpu.memory_space<hbm>>
    %dma_start3A_88 = arith.constant 7680 : i32
    %dma_start3A_89 = tpu.memref_slice %arg9[%dma_start3A_88] : memref<20480xf32, #tpu.memory_space<vmem>> -> memref<2560xf32, #tpu.memory_space<vmem>>
    %dma_start3A_90 = arith.constant 0 : i32
    %dma_start3A_91 = tpu.memref_slice %arg4[%squeeze3A_82, %dma_start3A_90] : memref<50257x2560xf32, #tpu.memory_space<hbm>> -> memref<1x2560xf32, #tpu.memory_space<hbm>>
    %dma_start3A_92 = tpu.memref_squeeze %dma_start3A_91 : memref<1x2560xf32, #tpu.memory_space<hbm>> -> memref<2560xf32, #tpu.memory_space<hbm>>
    tpu.enqueue_dma source(%dma_start3A_92 : memref<2560xf32, #tpu.memory_space<hbm>>) target(%dma_start3A_89 : memref<2560xf32, #tpu.memory_space<vmem>>) target_semaphore(%arg15 : memref<!tpu.dma_semaphore, #tpu.memory_space<semaphore_mem>>)
    %slice3A_93 = vector.extract_strided_slice %get3A_11 {offsets = [3], sizes = [1], strides = [1]} : vector<16xi32> to vector<1xi32>
    %squeeze3A_94 = vector.extract %slice3A_93[0] : i32 from vector<1xi32>
    %dma_start3A_95 = arith.constant 7680 : i32
    %dma_start3A_96 = tpu.memref_slice %arg11[%dma_start3A_95] : memref<20480xf32, #tpu.memory_space<vmem>> -> memref<2560xf32, #tpu.memory_space<vmem>>
    %dma_start3A_97 = arith.constant 0 : i32
    %dma_start3A_98 = tpu.memref_slice %arg5[%squeeze3A_94, %dma_start3A_97] : memref<8192x2560xf32, #tpu.memory_space<hbm>> -> memref<1x2560xf32, #tpu.memory_space<hbm>>
    %dma_start3A_99 = tpu.memref_squeeze %dma_start3A_98 : memref<1x2560xf32, #tpu.memory_space<hbm>> -> memref<2560xf32, #tpu.memory_space<hbm>>
    %dma_start3A_100 = arith.constant 7680 : i32
    %dma_start3A_101 = tpu.memref_slice %arg11[%dma_start3A_100] : memref<20480xf32, #tpu.memory_space<vmem>> -> memref<2560xf32, #tpu.memory_space<vmem>>
    %dma_start3A_102 = arith.constant 0 : i32
    %dma_start3A_103 = tpu.memref_slice %arg5[%squeeze3A_94, %dma_start3A_102] : memref<8192x2560xf32, #tpu.memory_space<hbm>> -> memref<1x2560xf32, #tpu.memory_space<hbm>>
    %dma_start3A_104 = tpu.memref_squeeze %dma_start3A_103 : memref<1x2560xf32, #tpu.memory_space<hbm>> -> memref<2560xf32, #tpu.memory_space<hbm>>
    tpu.enqueue_dma source(%dma_start3A_104 : memref<2560xf32, #tpu.memory_space<hbm>>) target(%dma_start3A_101 : memref<2560xf32, #tpu.memory_space<vmem>>) target_semaphore(%arg17 : memref<!tpu.dma_semaphore, #tpu.memory_space<semaphore_mem>>)
    %slice3A_105 = vector.extract_strided_slice %get3A_9 {offsets = [4], sizes = [1], strides = [1]} : vector<16xi32> to vector<1xi32>
    %squeeze3A_106 = vector.extract %slice3A_105[0] : i32 from vector<1xi32>
    %dma_start3A_107 = arith.constant 10240 : i32
    %dma_start3A_108 = tpu.memref_slice %arg9[%dma_start3A_107] : memref<20480xf32, #tpu.memory_space<vmem>> -> memref<2560xf32, #tpu.memory_space<vmem>>
    %dma_start3A_109 = arith.constant 0 : i32
    %dma_start3A_110 = tpu.memref_slice %arg4[%squeeze3A_106, %dma_start3A_109] : memref<50257x2560xf32, #tpu.memory_space<hbm>> -> memref<1x2560xf32, #tpu.memory_space<hbm>>
    %dma_start3A_111 = tpu.memref_squeeze %dma_start3A_110 : memref<1x2560xf32, #tpu.memory_space<hbm>> -> memref<2560xf32, #tpu.memory_space<hbm>>
    %dma_start3A_112 = arith.constant 10240 : i32
    %dma_start3A_113 = tpu.memref_slice %arg9[%dma_start3A_112] : memref<20480xf32, #tpu.memory_space<vmem>> -> memref<2560xf32, #tpu.memory_space<vmem>>
    %dma_start3A_114 = arith.constant 0 : i32
    %dma_start3A_115 = tpu.memref_slice %arg4[%squeeze3A_106, %dma_start3A_114] : memref<50257x2560xf32, #tpu.memory_space<hbm>> -> memref<1x2560xf32, #tpu.memory_space<hbm>>
    %dma_start3A_116 = tpu.memref_squeeze %dma_start3A_115 : memref<1x2560xf32, #tpu.memory_space<hbm>> -> memref<2560xf32, #tpu.memory_space<hbm>>
    tpu.enqueue_dma source(%dma_start3A_116 : memref<2560xf32, #tpu.memory_space<hbm>>) target(%dma_start3A_113 : memref<2560xf32, #tpu.memory_space<vmem>>) target_semaphore(%arg15 : memref<!tpu.dma_semaphore, #tpu.memory_space<semaphore_mem>>)
    %slice3A_117 = vector.extract_strided_slice %get3A_11 {offsets = [4], sizes = [1], strides = [1]} : vector<16xi32> to vector<1xi32>
    %squeeze3A_118 = vector.extract %slice3A_117[0] : i32 from vector<1xi32>
    %dma_start3A_119 = arith.constant 10240 : i32
    %dma_start3A_120 = tpu.memref_slice %arg11[%dma_start3A_119] : memref<20480xf32, #tpu.memory_space<vmem>> -> memref<2560xf32, #tpu.memory_space<vmem>>
    %dma_start3A_121 = arith.constant 0 : i32
    %dma_start3A_122 = tpu.memref_slice %arg5[%squeeze3A_118, %dma_start3A_121] : memref<8192x2560xf32, #tpu.memory_space<hbm>> -> memref<1x2560xf32, #tpu.memory_space<hbm>>
    %dma_start3A_123 = tpu.memref_squeeze %dma_start3A_122 : memref<1x2560xf32, #tpu.memory_space<hbm>> -> memref<2560xf32, #tpu.memory_space<hbm>>
    %dma_start3A_124 = arith.constant 10240 : i32
    %dma_start3A_125 = tpu.memref_slice %arg11[%dma_start3A_124] : memref<20480xf32, #tpu.memory_space<vmem>> -> memref<2560xf32, #tpu.memory_space<vmem>>
    %dma_start3A_126 = arith.constant 0 : i32
    %dma_start3A_127 = tpu.memref_slice %arg5[%squeeze3A_118, %dma_start3A_126] : memref<8192x2560xf32, #tpu.memory_space<hbm>> -> memref<1x2560xf32, #tpu.memory_space<hbm>>
    %dma_start3A_128 = tpu.memref_squeeze %dma_start3A_127 : memref<1x2560xf32, #tpu.memory_space<hbm>> -> memref<2560xf32, #tpu.memory_space<hbm>>
    tpu.enqueue_dma source(%dma_start3A_128 : memref<2560xf32, #tpu.memory_space<hbm>>) target(%dma_start3A_125 : memref<2560xf32, #tpu.memory_space<vmem>>) target_semaphore(%arg17 : memref<!tpu.dma_semaphore, #tpu.memory_space<semaphore_mem>>)
    %slice3A_129 = vector.extract_strided_slice %get3A_9 {offsets = [5], sizes = [1], strides = [1]} : vector<16xi32> to vector<1xi32>
    %squeeze3A_130 = vector.extract %slice3A_129[0] : i32 from vector<1xi32>
    %dma_start3A_131 = arith.constant 12800 : i32
    %dma_start3A_132 = tpu.memref_slice %arg9[%dma_start3A_131] : memref<20480xf32, #tpu.memory_space<vmem>> -> memref<2560xf32, #tpu.memory_space<vmem>>
    %dma_start3A_133 = arith.constant 0 : i32
    %dma_start3A_134 = tpu.memref_slice %arg4[%squeeze3A_130, %dma_start3A_133] : memref<50257x2560xf32, #tpu.memory_space<hbm>> -> memref<1x2560xf32, #tpu.memory_space<hbm>>
    %dma_start3A_135 = tpu.memref_squeeze %dma_start3A_134 : memref<1x2560xf32, #tpu.memory_space<hbm>> -> memref<2560xf32, #tpu.memory_space<hbm>>
    %dma_start3A_136 = arith.constant 12800 : i32
    %dma_start3A_137 = tpu.memref_slice %arg9[%dma_start3A_136] : memref<20480xf32, #tpu.memory_space<vmem>> -> memref<2560xf32, #tpu.memory_space<vmem>>
    %dma_start3A_138 = arith.constant 0 : i32
    %dma_start3A_139 = tpu.memref_slice %arg4[%squeeze3A_130, %dma_start3A_138] : memref<50257x2560xf32, #tpu.memory_space<hbm>> -> memref<1x2560xf32, #tpu.memory_space<hbm>>
    %dma_start3A_140 = tpu.memref_squeeze %dma_start3A_139 : memref<1x2560xf32, #tpu.memory_space<hbm>> -> memref<2560xf32, #tpu.memory_space<hbm>>
    tpu.enqueue_dma source(%dma_start3A_140 : memref<2560xf32, #tpu.memory_space<hbm>>) target(%dma_start3A_137 : memref<2560xf32, #tpu.memory_space<vmem>>) target_semaphore(%arg15 : memref<!tpu.dma_semaphore, #tpu.memory_space<semaphore_mem>>)
    %slice3A_141 = vector.extract_strided_slice %get3A_11 {offsets = [5], sizes = [1], strides = [1]} : vector<16xi32> to vector<1xi32>
    %squeeze3A_142 = vector.extract %slice3A_141[0] : i32 from vector<1xi32>
    %dma_start3A_143 = arith.constant 12800 : i32
    %dma_start3A_144 = tpu.memref_slice %arg11[%dma_start3A_143] : memref<20480xf32, #tpu.memory_space<vmem>> -> memref<2560xf32, #tpu.memory_space<vmem>>
    %dma_start3A_145 = arith.constant 0 : i32
    %dma_start3A_146 = tpu.memref_slice %arg5[%squeeze3A_142, %dma_start3A_145] : memref<8192x2560xf32, #tpu.memory_space<hbm>> -> memref<1x2560xf32, #tpu.memory_space<hbm>>
    %dma_start3A_147 = tpu.memref_squeeze %dma_start3A_146 : memref<1x2560xf32, #tpu.memory_space<hbm>> -> memref<2560xf32, #tpu.memory_space<hbm>>
    %dma_start3A_148 = arith.constant 12800 : i32
    %dma_start3A_149 = tpu.memref_slice %arg11[%dma_start3A_148] : memref<20480xf32, #tpu.memory_space<vmem>> -> memref<2560xf32, #tpu.memory_space<vmem>>
    %dma_start3A_150 = arith.constant 0 : i32
    %dma_start3A_151 = tpu.memref_slice %arg5[%squeeze3A_142, %dma_start3A_150] : memref<8192x2560xf32, #tpu.memory_space<hbm>> -> memref<1x2560xf32, #tpu.memory_space<hbm>>
    %dma_start3A_152 = tpu.memref_squeeze %dma_start3A_151 : memref<1x2560xf32, #tpu.memory_space<hbm>> -> memref<2560xf32, #tpu.memory_space<hbm>>
    tpu.enqueue_dma source(%dma_start3A_152 : memref<2560xf32, #tpu.memory_space<hbm>>) target(%dma_start3A_149 : memref<2560xf32, #tpu.memory_space<vmem>>) target_semaphore(%arg17 : memref<!tpu.dma_semaphore, #tpu.memory_space<semaphore_mem>>)
    %slice3A_153 = vector.extract_strided_slice %get3A_9 {offsets = [6], sizes = [1], strides = [1]} : vector<16xi32> to vector<1xi32>
    %squeeze3A_154 = vector.extract %slice3A_153[0] : i32 from vector<1xi32>
    %dma_start3A_155 = arith.constant 15360 : i32
    %dma_start3A_156 = tpu.memref_slice %arg9[%dma_start3A_155] : memref<20480xf32, #tpu.memory_space<vmem>> -> memref<2560xf32, #tpu.memory_space<vmem>>
    %dma_start3A_157 = arith.constant 0 : i32
    %dma_start3A_158 = tpu.memref_slice %arg4[%squeeze3A_154, %dma_start3A_157] : memref<50257x2560xf32, #tpu.memory_space<hbm>> -> memref<1x2560xf32, #tpu.memory_space<hbm>>
    %dma_start3A_159 = tpu.memref_squeeze %dma_start3A_158 : memref<1x2560xf32, #tpu.memory_space<hbm>> -> memref<2560xf32, #tpu.memory_space<hbm>>
    %dma_start3A_160 = arith.constant 15360 : i32
    %dma_start3A_161 = tpu.memref_slice %arg9[%dma_start3A_160] : memref<20480xf32, #tpu.memory_space<vmem>> -> memref<2560xf32, #tpu.memory_space<vmem>>
    %dma_start3A_162 = arith.constant 0 : i32
    %dma_start3A_163 = tpu.memref_slice %arg4[%squeeze3A_154, %dma_start3A_162] : memref<50257x2560xf32, #tpu.memory_space<hbm>> -> memref<1x2560xf32, #tpu.memory_space<hbm>>
    %dma_start3A_164 = tpu.memref_squeeze %dma_start3A_163 : memref<1x2560xf32, #tpu.memory_space<hbm>> -> memref<2560xf32, #tpu.memory_space<hbm>>
    tpu.enqueue_dma source(%dma_start3A_164 : memref<2560xf32, #tpu.memory_space<hbm>>) target(%dma_start3A_161 : memref<2560xf32, #tpu.memory_space<vmem>>) target_semaphore(%arg15 : memref<!tpu.dma_semaphore, #tpu.memory_space<semaphore_mem>>)
    %slice3A_165 = vector.extract_strided_slice %get3A_11 {offsets = [6], sizes = [1], strides = [1]} : vector<16xi32> to vector<1xi32>
    %squeeze3A_166 = vector.extract %slice3A_165[0] : i32 from vector<1xi32>
    %dma_start3A_167 = arith.constant 15360 : i32
    %dma_start3A_168 = tpu.memref_slice %arg11[%dma_start3A_167] : memref<20480xf32, #tpu.memory_space<vmem>> -> memref<2560xf32, #tpu.memory_space<vmem>>
    %dma_start3A_169 = arith.constant 0 : i32
    %dma_start3A_170 = tpu.memref_slice %arg5[%squeeze3A_166, %dma_start3A_169] : memref<8192x2560xf32, #tpu.memory_space<hbm>> -> memref<1x2560xf32, #tpu.memory_space<hbm>>
    %dma_start3A_171 = tpu.memref_squeeze %dma_start3A_170 : memref<1x2560xf32, #tpu.memory_space<hbm>> -> memref<2560xf32, #tpu.memory_space<hbm>>
    %dma_start3A_172 = arith.constant 15360 : i32
    %dma_start3A_173 = tpu.memref_slice %arg11[%dma_start3A_172] : memref<20480xf32, #tpu.memory_space<vmem>> -> memref<2560xf32, #tpu.memory_space<vmem>>
    %dma_start3A_174 = arith.constant 0 : i32
    %dma_start3A_175 = tpu.memref_slice %arg5[%squeeze3A_166, %dma_start3A_174] : memref<8192x2560xf32, #tpu.memory_space<hbm>> -> memref<1x2560xf32, #tpu.memory_space<hbm>>
    %dma_start3A_176 = tpu.memref_squeeze %dma_start3A_175 : memref<1x2560xf32, #tpu.memory_space<hbm>> -> memref<2560xf32, #tpu.memory_space<hbm>>
    tpu.enqueue_dma source(%dma_start3A_176 : memref<2560xf32, #tpu.memory_space<hbm>>) target(%dma_start3A_173 : memref<2560xf32, #tpu.memory_space<vmem>>) target_semaphore(%arg17 : memref<!tpu.dma_semaphore, #tpu.memory_space<semaphore_mem>>)
    %slice3A_177 = vector.extract_strided_slice %get3A_9 {offsets = [7], sizes = [1], strides = [1]} : vector<16xi32> to vector<1xi32>
    %squeeze3A_178 = vector.extract %slice3A_177[0] : i32 from vector<1xi32>
    %dma_start3A_179 = arith.constant 17920 : i32
    %dma_start3A_180 = tpu.memref_slice %arg9[%dma_start3A_179] : memref<20480xf32, #tpu.memory_space<vmem>> -> memref<2560xf32, #tpu.memory_space<vmem>>
    %dma_start3A_181 = arith.constant 0 : i32
    %dma_start3A_182 = tpu.memref_slice %arg4[%squeeze3A_178, %dma_start3A_181] : memref<50257x2560xf32, #tpu.memory_space<hbm>> -> memref<1x2560xf32, #tpu.memory_space<hbm>>
    %dma_start3A_183 = tpu.memref_squeeze %dma_start3A_182 : memref<1x2560xf32, #tpu.memory_space<hbm>> -> memref<2560xf32, #tpu.memory_space<hbm>>
    %dma_start3A_184 = arith.constant 17920 : i32
    %dma_start3A_185 = tpu.memref_slice %arg9[%dma_start3A_184] : memref<20480xf32, #tpu.memory_space<vmem>> -> memref<2560xf32, #tpu.memory_space<vmem>>
    %dma_start3A_186 = arith.constant 0 : i32
    %dma_start3A_187 = tpu.memref_slice %arg4[%squeeze3A_178, %dma_start3A_186] : memref<50257x2560xf32, #tpu.memory_space<hbm>> -> memref<1x2560xf32, #tpu.memory_space<hbm>>
    %dma_start3A_188 = tpu.memref_squeeze %dma_start3A_187 : memref<1x2560xf32, #tpu.memory_space<hbm>> -> memref<2560xf32, #tpu.memory_space<hbm>>
    tpu.enqueue_dma source(%dma_start3A_188 : memref<2560xf32, #tpu.memory_space<hbm>>) target(%dma_start3A_185 : memref<2560xf32, #tpu.memory_space<vmem>>) target_semaphore(%arg15 : memref<!tpu.dma_semaphore, #tpu.memory_space<semaphore_mem>>)
    %slice3A_189 = vector.extract_strided_slice %get3A_11 {offsets = [7], sizes = [1], strides = [1]} : vector<16xi32> to vector<1xi32>
    %squeeze3A_190 = vector.extract %slice3A_189[0] : i32 from vector<1xi32>
    %dma_start3A_191 = arith.constant 17920 : i32
    %dma_start3A_192 = tpu.memref_slice %arg11[%dma_start3A_191] : memref<20480xf32, #tpu.memory_space<vmem>> -> memref<2560xf32, #tpu.memory_space<vmem>>
    %dma_start3A_193 = arith.constant 0 : i32
    %dma_start3A_194 = tpu.memref_slice %arg5[%squeeze3A_190, %dma_start3A_193] : memref<8192x2560xf32, #tpu.memory_space<hbm>> -> memref<1x2560xf32, #tpu.memory_space<hbm>>
    %dma_start3A_195 = tpu.memref_squeeze %dma_start3A_194 : memref<1x2560xf32, #tpu.memory_space<hbm>> -> memref<2560xf32, #tpu.memory_space<hbm>>
    %dma_start3A_196 = arith.constant 17920 : i32
    %dma_start3A_197 = tpu.memref_slice %arg11[%dma_start3A_196] : memref<20480xf32, #tpu.memory_space<vmem>> -> memref<2560xf32, #tpu.memory_space<vmem>>
    %dma_start3A_198 = arith.constant 0 : i32
    %dma_start3A_199 = tpu.memref_slice %arg5[%squeeze3A_190, %dma_start3A_198] : memref<8192x2560xf32, #tpu.memory_space<hbm>> -> memref<1x2560xf32, #tpu.memory_space<hbm>>
    %dma_start3A_200 = tpu.memref_squeeze %dma_start3A_199 : memref<1x2560xf32, #tpu.memory_space<hbm>> -> memref<2560xf32, #tpu.memory_space<hbm>>
    tpu.enqueue_dma source(%dma_start3A_200 : memref<2560xf32, #tpu.memory_space<hbm>>) target(%dma_start3A_197 : memref<2560xf32, #tpu.memory_space<vmem>>) target_semaphore(%arg17 : memref<!tpu.dma_semaphore, #tpu.memory_space<semaphore_mem>>)
    %get3A_201 = arith.constant 8 : index
    %get3A_202 = tpu.vector_load %arg7[%get3A_201] {strides = array<i32>} : memref<528xi32, #tpu.memory_space<vmem>>, vector<16xi32>,
    %get3A_203 = arith.constant 8 : index
    %get3A_204 = tpu.vector_load %arg8[%get3A_203] {strides = array<i32>} : memref<528xi32, #tpu.memory_space<vmem>>, vector<16xi32>,
    %slice3A_205 = vector.extract_strided_slice %get3A_202 {offsets = [0], sizes = [1], strides = [1]} : vector<16xi32> to vector<1xi32>
    %squeeze3A_206 = vector.extract %slice3A_205[0] : i32 from vector<1xi32>
    %dma_start3A_207 = arith.constant 0 : i32
    %dma_start3A_208 = tpu.memref_slice %arg10[%dma_start3A_207] : memref<20480xf32, #tpu.memory_space<vmem>> -> memref<2560xf32, #tpu.memory_space<vmem>>
    %dma_start3A_209 = arith.constant 0 : i32
    %dma_start3A_210 = tpu.memref_slice %arg4[%squeeze3A_206, %dma_start3A_209] : memref<50257x2560xf32, #tpu.memory_space<hbm>> -> memref<1x2560xf32, #tpu.memory_space<hbm>>
    %dma_start3A_211 = tpu.memref_squeeze %dma_start3A_210 : memref<1x2560xf32, #tpu.memory_space<hbm>> -> memref<2560xf32, #tpu.memory_space<hbm>>
    %dma_start3A_212 = arith.constant 0 : i32
    %dma_start3A_213 = tpu.memref_slice %arg10[%dma_start3A_212] : memref<20480xf32, #tpu.memory_space<vmem>> -> memref<2560xf32, #tpu.memory_space<vmem>>
    %dma_start3A_214 = arith.constant 0 : i32
    %dma_start3A_215 = tpu.memref_slice %arg4[%squeeze3A_206, %dma_start3A_214] : memref<50257x2560xf32, #tpu.memory_space<hbm>> -> memref<1x2560xf32, #tpu.memory_space<hbm>>
    %dma_start3A_216 = tpu.memref_squeeze %dma_start3A_215 : memref<1x2560xf32, #tpu.memory_space<hbm>> -> memref<2560xf32, #tpu.memory_space<hbm>>
    tpu.enqueue_dma source(%dma_start3A_216 : memref<2560xf32, #tpu.memory_space<hbm>>) target(%dma_start3A_213 : memref<2560xf32, #tpu.memory_space<vmem>>) target_semaphore(%arg16 : memref<!tpu.dma_semaphore, #tpu.memory_space<semaphore_mem>>)
    %slice3A_217 = vector.extract_strided_slice %get3A_204 {offsets = [0], sizes = [1], strides = [1]} : vector<16xi32> to vector<1xi32>
    %squeeze3A_218 = vector.extract %slice3A_217[0] : i32 from vector<1xi32>
    %dma_start3A_219 = arith.constant 0 : i32
    %dma_start3A_220 = tpu.memref_slice %arg12[%dma_start3A_219] : memref<20480xf32, #tpu.memory_space<vmem>> -> memref<2560xf32, #tpu.memory_space<vmem>>
    %dma_start3A_221 = arith.constant 0 : i32
    %dma_start3A_222 = tpu.memref_slice %arg5[%squeeze3A_218, %dma_start3A_221] : memref<8192x2560xf32, #tpu.memory_space<hbm>> -> memref<1x2560xf32, #tpu.memory_space<hbm>>
    %dma_start3A_223 = tpu.memref_squeeze %dma_start3A_222 : memref<1x2560xf32, #tpu.memory_space<hbm>> -> memref<2560xf32, #tpu.memory_space<hbm>>
    %dma_start3A_224 = arith.constant 0 : i32
    %dma_start3A_225 = tpu.memref_slice %arg12[%dma_start3A_224] : memref<20480xf32, #tpu.memory_space<vmem>> -> memref<2560xf32, #tpu.memory_space<vmem>>
    %dma_start3A_226 = arith.constant 0 : i32
    %dma_start3A_227 = tpu.memref_slice %arg5[%squeeze3A_218, %dma_start3A_226] : memref<8192x2560xf32, #tpu.memory_space<hbm>> -> memref<1x2560xf32, #tpu.memory_space<hbm>>
    %dma_start3A_228 = tpu.memref_squeeze %dma_start3A_227 : memref<1x2560xf32, #tpu.memory_space<hbm>> -> memref<2560xf32, #tpu.memory_space<hbm>>
    tpu.enqueue_dma source(%dma_start3A_228 : memref<2560xf32, #tpu.memory_space<hbm>>) target(%dma_start3A_225 : memref<2560xf32, #tpu.memory_space<vmem>>) target_semaphore(%arg18 : memref<!tpu.dma_semaphore, #tpu.memory_space<semaphore_mem>>)
    %slice3A_229 = vector.extract_strided_slice %get3A_202 {offsets = [1], sizes = [1], strides = [1]} : vector<16xi32> to vector<1xi32>
    %squeeze3A_230 = vector.extract %slice3A_229[0] : i32 from vector<1xi32>
    %dma_start3A_231 = arith.constant 2560 : i32
    %dma_start3A_232 = tpu.memref_slice %arg10[%dma_start3A_231] : memref<20480xf32, #tpu.memory_space<vmem>> -> memref<2560xf32, #tpu.memory_space<vmem>>
    %dma_start3A_233 = arith.constant 0 : i32
    %dma_start3A_234 = tpu.memref_slice %arg4[%squeeze3A_230, %dma_start3A_233] : memref<50257x2560xf32, #tpu.memory_space<hbm>> -> memref<1x2560xf32, #tpu.memory_space<hbm>>
    %dma_start3A_235 = tpu.memref_squeeze %dma_start3A_234 : memref<1x2560xf32, #tpu.memory_space<hbm>> -> memref<2560xf32, #tpu.memory_space<hbm>>
    %dma_start3A_236 = arith.constant 2560 : i32
    %dma_start3A_237 = tpu.memref_slice %arg10[%dma_start3A_236] : memref<20480xf32, #tpu.memory_space<vmem>> -> memref<2560xf32, #tpu.memory_space<vmem>>
    %dma_start3A_238 = arith.constant 0 : i32
    %dma_start3A_239 = tpu.memref_slice %arg4[%squeeze3A_230, %dma_start3A_238] : memref<50257x2560xf32, #tpu.memory_space<hbm>> -> memref<1x2560xf32, #tpu.memory_space<hbm>>
    %dma_start3A_240 = tpu.memref_squeeze %dma_start3A_239 : memref<1x2560xf32, #tpu.memory_space<hbm>> -> memref<2560xf32, #tpu.memory_space<hbm>>
    tpu.enqueue_dma source(%dma_start3A_240 : memref<2560xf32, #tpu.memory_space<hbm>>) target(%dma_start3A_237 : memref<2560xf32, #tpu.memory_space<vmem>>) target_semaphore(%arg16 : memref<!tpu.dma_semaphore, #tpu.memory_space<semaphore_mem>>)
    %slice3A_241 = vector.extract_strided_slice %get3A_204 {offsets = [1], sizes = [1], strides = [1]} : vector<16xi32> to vector<1xi32>
    %squeeze3A_242 = vector.extract %slice3A_241[0] : i32 from vector<1xi32>
    %dma_start3A_243 = arith.constant 2560 : i32
    %dma_start3A_244 = tpu.memref_slice %arg12[%dma_start3A_243] : memref<20480xf32, #tpu.memory_space<vmem>> -> memref<2560xf32, #tpu.memory_space<vmem>>
    %dma_start3A_245 = arith.constant 0 : i32
    %dma_start3A_246 = tpu.memref_slice %arg5[%squeeze3A_242, %dma_start3A_245] : memref<8192x2560xf32, #tpu.memory_space<hbm>> -> memref<1x2560xf32, #tpu.memory_space<hbm>>
    %dma_start3A_247 = tpu.memref_squeeze %dma_start3A_246 : memref<1x2560xf32, #tpu.memory_space<hbm>> -> memref<2560xf32, #tpu.memory_space<hbm>>
    %dma_start3A_248 = arith.constant 2560 : i32
    %dma_start3A_249 = tpu.memref_slice %arg12[%dma_start3A_248] : memref<20480xf32, #tpu.memory_space<vmem>> -> memref<2560xf32, #tpu.memory_space<vmem>>
    %dma_start3A_250 = arith.constant 0 : i32
    %dma_start3A_251 = tpu.memref_slice %arg5[%squeeze3A_242, %dma_start3A_250] : memref<8192x2560xf32, #tpu.memory_space<hbm>> -> memref<1x2560xf32, #tpu.memory_space<hbm>>
    %dma_start3A_252 = tpu.memref_squeeze %dma_start3A_251 : memref<1x2560xf32, #tpu.memory_space<hbm>> -> memref<2560xf32, #tpu.memory_space<hbm>>
    tpu.enqueue_dma source(%dma_start3A_252 : memref<2560xf32, #tpu.memory_space<hbm>>) target(%dma_start3A_249 : memref<2560xf32, #tpu.memory_space<vmem>>) target_semaphore(%arg18 : memref<!tpu.dma_semaphore, #tpu.memory_space<semaphore_mem>>)
    %slice3A_253 = vector.extract_strided_slice %get3A_202 {offsets = [2], sizes = [1], strides = [1]} : vector<16xi32> to vector<1xi32>
    %squeeze3A_254 = vector.extract %slice3A_253[0] : i32 from vector<1xi32>
    %dma_start3A_255 = arith.constant 5120 : i32
    %dma_start3A_256 = tpu.memref_slice %arg10[%dma_start3A_255] : memref<20480xf32, #tpu.memory_space<vmem>> -> memref<2560xf32, #tpu.memory_space<vmem>>
    %dma_start3A_257 = arith.constant 0 : i32
    %dma_start3A_258 = tpu.memref_slice %arg4[%squeeze3A_254, %dma_start3A_257] : memref<50257x2560xf32, #tpu.memory_space<hbm>> -> memref<1x2560xf32, #tpu.memory_space<hbm>>
    %dma_start3A_259 = tpu.memref_squeeze %dma_start3A_258 : memref<1x2560xf32, #tpu.memory_space<hbm>> -> memref<2560xf32, #tpu.memory_space<hbm>>
    %dma_start3A_260 = arith.constant 5120 : i32
    %dma_start3A_261 = tpu.memref_slice %arg10[%dma_start3A_260] : memref<20480xf32, #tpu.memory_space<vmem>> -> memref<2560xf32, #tpu.memory_space<vmem>>
    %dma_start3A_262 = arith.constant 0 : i32
    %dma_start3A_263 = tpu.memref_slice %arg4[%squeeze3A_254, %dma_start3A_262] : memref<50257x2560xf32, #tpu.memory_space<hbm>> -> memref<1x2560xf32, #tpu.memory_space<hbm>>
    %dma_start3A_264 = tpu.memref_squeeze %dma_start3A_263 : memref<1x2560xf32, #tpu.memory_space<hbm>> -> memref<2560xf32, #tpu.memory_space<hbm>>
    tpu.enqueue_dma source(%dma_start3A_264 : memref<2560xf32, #tpu.memory_space<hbm>>) target(%dma_start3A_261 : memref<2560xf32, #tpu.memory_space<vmem>>) target_semaphore(%arg16 : memref<!tpu.dma_semaphore, #tpu.memory_space<semaphore_mem>>)
    %slice3A_265 = vector.extract_strided_slice %get3A_204 {offsets = [2], sizes = [1], strides = [1]} : vector<16xi32> to vector<1xi32>
    %squeeze3A_266 = vector.extract %slice3A_265[0] : i32 from vector<1xi32>
    %dma_start3A_267 = arith.constant 5120 : i32
    %dma_start3A_268 = tpu.memref_slice %arg12[%dma_start3A_267] : memref<20480xf32, #tpu.memory_space<vmem>> -> memref<2560xf32, #tpu.memory_space<vmem>>
    %dma_start3A_269 = arith.constant 0 : i32
    %dma_start3A_270 = tpu.memref_slice %arg5[%squeeze3A_266, %dma_start3A_269] : memref<8192x2560xf32, #tpu.memory_space<hbm>> -> memref<1x2560xf32, #tpu.memory_space<hbm>>
    %dma_start3A_271 = tpu.memref_squeeze %dma_start3A_270 : memref<1x2560xf32, #tpu.memory_space<hbm>> -> memref<2560xf32, #tpu.memory_space<hbm>>
    %dma_start3A_272 = arith.constant 5120 : i32
    %dma_start3A_273 = tpu.memref_slice %arg12[%dma_start3A_272] : memref<20480xf32, #tpu.memory_space<vmem>> -> memref<2560xf32, #tpu.memory_space<vmem>>
    %dma_start3A_274 = arith.constant 0 : i32
    %dma_start3A_275 = tpu.memref_slice %arg5[%squeeze3A_266, %dma_start3A_274] : memref<8192x2560xf32, #tpu.memory_space<hbm>> -> memref<1x2560xf32, #tpu.memory_space<hbm>>
    %dma_start3A_276 = tpu.memref_squeeze %dma_start3A_275 : memref<1x2560xf32, #tpu.memory_space<hbm>> -> memref<2560xf32, #tpu.memory_space<hbm>>
    tpu.enqueue_dma source(%dma_start3A_276 : memref<2560xf32, #tpu.memory_space<hbm>>) target(%dma_start3A_273 : memref<2560xf32, #tpu.memory_space<vmem>>) target_semaphore(%arg18 : memref<!tpu.dma_semaphore, #tpu.memory_space<semaphore_mem>>)
    %slice3A_277 = vector.extract_strided_slice %get3A_202 {offsets = [3], sizes = [1], strides = [1]} : vector<16xi32> to vector<1xi32>
    %squeeze3A_278 = vector.extract %slice3A_277[0] : i32 from vector<1xi32>
    %dma_start3A_279 = arith.constant 7680 : i32
    %dma_start3A_280 = tpu.memref_slice %arg10[%dma_start3A_279] : memref<20480xf32, #tpu.memory_space<vmem>> -> memref<2560xf32, #tpu.memory_space<vmem>>
    %dma_start3A_281 = arith.constant 0 : i32
    %dma_start3A_282 = tpu.memref_slice %arg4[%squeeze3A_278, %dma_start3A_281] : memref<50257x2560xf32, #tpu.memory_space<hbm>> -> memref<1x2560xf32, #tpu.memory_space<hbm>>
    %dma_start3A_283 = tpu.memref_squeeze %dma_start3A_282 : memref<1x2560xf32, #tpu.memory_space<hbm>> -> memref<2560xf32, #tpu.memory_space<hbm>>
    %dma_start3A_284 = arith.constant 7680 : i32
    %dma_start3A_285 = tpu.memref_slice %arg10[%dma_start3A_284] : memref<20480xf32, #tpu.memory_space<vmem>> -> memref<2560xf32, #tpu.memory_space<vmem>>
    %dma_start3A_286 = arith.constant 0 : i32
    %dma_start3A_287 = tpu.memref_slice %arg4[%squeeze3A_278, %dma_start3A_286] : memref<50257x2560xf32, #tpu.memory_space<hbm>> -> memref<1x2560xf32, #tpu.memory_space<hbm>>
    %dma_start3A_288 = tpu.memref_squeeze %dma_start3A_287 : memref<1x2560xf32, #tpu.memory_space<hbm>> -> memref<2560xf32, #tpu.memory_space<hbm>>
    tpu.enqueue_dma source(%dma_start3A_288 : memref<2560xf32, #tpu.memory_space<hbm>>) target(%dma_start3A_285 : memref<2560xf32, #tpu.memory_space<vmem>>) target_semaphore(%arg16 : memref<!tpu.dma_semaphore, #tpu.memory_space<semaphore_mem>>)
    %slice3A_289 = vector.extract_strided_slice %get3A_204 {offsets = [3], sizes = [1], strides = [1]} : vector<16xi32> to vector<1xi32>
    %squeeze3A_290 = vector.extract %slice3A_289[0] : i32 from vector<1xi32>
    %dma_start3A_291 = arith.constant 7680 : i32
    %dma_start3A_292 = tpu.memref_slice %arg12[%dma_start3A_291] : memref<20480xf32, #tpu.memory_space<vmem>> -> memref<2560xf32, #tpu.memory_space<vmem>>
    %dma_start3A_293 = arith.constant 0 : i32
    %dma_start3A_294 = tpu.memref_slice %arg5[%squeeze3A_290, %dma_start3A_293] : memref<8192x2560xf32, #tpu.memory_space<hbm>> -> memref<1x2560xf32, #tpu.memory_space<hbm>>
    %dma_start3A_295 = tpu.memref_squeeze %dma_start3A_294 : memref<1x2560xf32, #tpu.memory_space<hbm>> -> memref<2560xf32, #tpu.memory_space<hbm>>
    %dma_start3A_296 = arith.constant 7680 : i32
    %dma_start3A_297 = tpu.memref_slice %arg12[%dma_start3A_296] : memref<20480xf32, #tpu.memory_space<vmem>> -> memref<2560xf32, #tpu.memory_space<vmem>>
    %dma_start3A_298 = arith.constant 0 : i32
    %dma_start3A_299 = tpu.memref_slice %arg5[%squeeze3A_290, %dma_start3A_298] : memref<8192x2560xf32, #tpu.memory_space<hbm>> -> memref<1x2560xf32, #tpu.memory_space<hbm>>
    %dma_start3A_300 = tpu.memref_squeeze %dma_start3A_299 : memref<1x2560xf32, #tpu.memory_space<hbm>> -> memref<2560xf32, #tpu.memory_space<hbm>>
    tpu.enqueue_dma source(%dma_start3A_300 : memref<2560xf32, #tpu.memory_space<hbm>>) target(%dma_start3A_297 : memref<2560xf32, #tpu.memory_space<vmem>>) target_semaphore(%arg18 : memref<!tpu.dma_semaphore, #tpu.memory_space<semaphore_mem>>)
    %slice3A_301 = vector.extract_strided_slice %get3A_202 {offsets = [4], sizes = [1], strides = [1]} : vector<16xi32> to vector<1xi32>
    %squeeze3A_302 = vector.extract %slice3A_301[0] : i32 from vector<1xi32>
    %dma_start3A_303 = arith.constant 10240 : i32
    %dma_start3A_304 = tpu.memref_slice %arg10[%dma_start3A_303] : memref<20480xf32, #tpu.memory_space<vmem>> -> memref<2560xf32, #tpu.memory_space<vmem>>
    %dma_start3A_305 = arith.constant 0 : i32
    %dma_start3A_306 = tpu.memref_slice %arg4[%squeeze3A_302, %dma_start3A_305] : memref<50257x2560xf32, #tpu.memory_space<hbm>> -> memref<1x2560xf32, #tpu.memory_space<hbm>>
    %dma_start3A_307 = tpu.memref_squeeze %dma_start3A_306 : memref<1x2560xf32, #tpu.memory_space<hbm>> -> memref<2560xf32, #tpu.memory_space<hbm>>
    %dma_start3A_308 = arith.constant 10240 : i32
    %dma_start3A_309 = tpu.memref_slice %arg10[%dma_start3A_308] : memref<20480xf32, #tpu.memory_space<vmem>> -> memref<2560xf32, #tpu.memory_space<vmem>>
    %dma_start3A_310 = arith.constant 0 : i32
    %dma_start3A_311 = tpu.memref_slice %arg4[%squeeze3A_302, %dma_start3A_310] : memref<50257x2560xf32, #tpu.memory_space<hbm>> -> memref<1x2560xf32, #tpu.memory_space<hbm>>
    %dma_start3A_312 = tpu.memref_squeeze %dma_start3A_311 : memref<1x2560xf32, #tpu.memory_space<hbm>> -> memref<2560xf32, #tpu.memory_space<hbm>>
    tpu.enqueue_dma source(%dma_start3A_312 : memref<2560xf32, #tpu.memory_space<hbm>>) target(%dma_start3A_309 : memref<2560xf32, #tpu.memory_space<vmem>>) target_semaphore(%arg16 : memref<!tpu.dma_semaphore, #tpu.memory_space<semaphore_mem>>)
    %slice3A_313 = vector.extract_strided_slice %get3A_204 {offsets = [4], sizes = [1], strides = [1]} : vector<16xi32> to vector<1xi32>
    %squeeze3A_314 = vector.extract %slice3A_313[0] : i32 from vector<1xi32>
    %dma_start3A_315 = arith.constant 10240 : i32
    %dma_start3A_316 = tpu.memref_slice %arg12[%dma_start3A_315] : memref<20480xf32, #tpu.memory_space<vmem>> -> memref<2560xf32, #tpu.memory_space<vmem>>
    %dma_start3A_317 = arith.constant 0 : i32
    %dma_start3A_318 = tpu.memref_slice %arg5[%squeeze3A_314, %dma_start3A_317] : memref<8192x2560xf32, #tpu.memory_space<hbm>> -> memref<1x2560xf32, #tpu.memory_space<hbm>>
    %dma_start3A_319 = tpu.memref_squeeze %dma_start3A_318 : memref<1x2560xf32, #tpu.memory_space<hbm>> -> memref<2560xf32, #tpu.memory_space<hbm>>
    %dma_start3A_320 = arith.constant 10240 : i32
    %dma_start3A_321 = tpu.memref_slice %arg12[%dma_start3A_320] : memref<20480xf32, #tpu.memory_space<vmem>> -> memref<2560xf32, #tpu.memory_space<vmem>>
    %dma_start3A_322 = arith.constant 0 : i32
    %dma_start3A_323 = tpu.memref_slice %arg5[%squeeze3A_314, %dma_start3A_322] : memref<8192x2560xf32, #tpu.memory_space<hbm>> -> memref<1x2560xf32, #tpu.memory_space<hbm>>
    %dma_start3A_324 = tpu.memref_squeeze %dma_start3A_323 : memref<1x2560xf32, #tpu.memory_space<hbm>> -> memref<2560xf32, #tpu.memory_space<hbm>>
    tpu.enqueue_dma source(%dma_start3A_324 : memref<2560xf32, #tpu.memory_space<hbm>>) target(%dma_start3A_321 : memref<2560xf32, #tpu.memory_space<vmem>>) target_semaphore(%arg18 : memref<!tpu.dma_semaphore, #tpu.memory_space<semaphore_mem>>)
    %slice3A_325 = vector.extract_strided_slice %get3A_202 {offsets = [5], sizes = [1], strides = [1]} : vector<16xi32> to vector<1xi32>
    %squeeze3A_326 = vector.extract %slice3A_325[0] : i32 from vector<1xi32>
    %dma_start3A_327 = arith.constant 12800 : i32
    %dma_start3A_328 = tpu.memref_slice %arg10[%dma_start3A_327] : memref<20480xf32, #tpu.memory_space<vmem>> -> memref<2560xf32, #tpu.memory_space<vmem>>
    %dma_start3A_329 = arith.constant 0 : i32
    %dma_start3A_330 = tpu.memref_slice %arg4[%squeeze3A_326, %dma_start3A_329] : memref<50257x2560xf32, #tpu.memory_space<hbm>> -> memref<1x2560xf32, #tpu.memory_space<hbm>>
    %dma_start3A_331 = tpu.memref_squeeze %dma_start3A_330 : memref<1x2560xf32, #tpu.memory_space<hbm>> -> memref<2560xf32, #tpu.memory_space<hbm>>
    %dma_start3A_332 = arith.constant 12800 : i32
    %dma_start3A_333 = tpu.memref_slice %arg10[%dma_start3A_332] : memref<20480xf32, #tpu.memory_space<vmem>> -> memref<2560xf32, #tpu.memory_space<vmem>>
    %dma_start3A_334 = arith.constant 0 : i32
    %dma_start3A_335 = tpu.memref_slice %arg4[%squeeze3A_326, %dma_start3A_334] : memref<50257x2560xf32, #tpu.memory_space<hbm>> -> memref<1x2560xf32, #tpu.memory_space<hbm>>
    %dma_start3A_336 = tpu.memref_squeeze %dma_start3A_335 : memref<1x2560xf32, #tpu.memory_space<hbm>> -> memref<2560xf32, #tpu.memory_space<hbm>>
    tpu.enqueue_dma source(%dma_start3A_336 : memref<2560xf32, #tpu.memory_space<hbm>>) target(%dma_start3A_333 : memref<2560xf32, #tpu.memory_space<vmem>>) target_semaphore(%arg16 : memref<!tpu.dma_semaphore, #tpu.memory_space<semaphore_mem>>)
    %slice3A_337 = vector.extract_strided_slice %get3A_204 {offsets = [5], sizes = [1], strides = [1]} : vector<16xi32> to vector<1xi32>
    %squeeze3A_338 = vector.extract %slice3A_337[0] : i32 from vector<1xi32>
    %dma_start3A_339 = arith.constant 12800 : i32
    %dma_start3A_340 = tpu.memref_slice %arg12[%dma_start3A_339] : memref<20480xf32, #tpu.memory_space<vmem>> -> memref<2560xf32, #tpu.memory_space<vmem>>
    %dma_start3A_341 = arith.constant 0 : i32
    %dma_start3A_342 = tpu.memref_slice %arg5[%squeeze3A_338, %dma_start3A_341] : memref<8192x2560xf32, #tpu.memory_space<hbm>> -> memref<1x2560xf32, #tpu.memory_space<hbm>>
    %dma_start3A_343 = tpu.memref_squeeze %dma_start3A_342 : memref<1x2560xf32, #tpu.memory_space<hbm>> -> memref<2560xf32, #tpu.memory_space<hbm>>
    %dma_start3A_344 = arith.constant 12800 : i32
    %dma_start3A_345 = tpu.memref_slice %arg12[%dma_start3A_344] : memref<20480xf32, #tpu.memory_space<vmem>> -> memref<2560xf32, #tpu.memory_space<vmem>>
    %dma_start3A_346 = arith.constant 0 : i32
    %dma_start3A_347 = tpu.memref_slice %arg5[%squeeze3A_338, %dma_start3A_346] : memref<8192x2560xf32, #tpu.memory_space<hbm>> -> memref<1x2560xf32, #tpu.memory_space<hbm>>
    %dma_start3A_348 = tpu.memref_squeeze %dma_start3A_347 : memref<1x2560xf32, #tpu.memory_space<hbm>> -> memref<2560xf32, #tpu.memory_space<hbm>>
    tpu.enqueue_dma source(%dma_start3A_348 : memref<2560xf32, #tpu.memory_space<hbm>>) target(%dma_start3A_345 : memref<2560xf32, #tpu.memory_space<vmem>>) target_semaphore(%arg18 : memref<!tpu.dma_semaphore, #tpu.memory_space<semaphore_mem>>)
    %slice3A_349 = vector.extract_strided_slice %get3A_202 {offsets = [6], sizes = [1], strides = [1]} : vector<16xi32> to vector<1xi32>
    %squeeze3A_350 = vector.extract %slice3A_349[0] : i32 from vector<1xi32>
    %dma_start3A_351 = arith.constant 15360 : i32
    %dma_start3A_352 = tpu.memref_slice %arg10[%dma_start3A_351] : memref<20480xf32, #tpu.memory_space<vmem>> -> memref<2560xf32, #tpu.memory_space<vmem>>
    %dma_start3A_353 = arith.constant 0 : i32
    %dma_start3A_354 = tpu.memref_slice %arg4[%squeeze3A_350, %dma_start3A_353] : memref<50257x2560xf32, #tpu.memory_space<hbm>> -> memref<1x2560xf32, #tpu.memory_space<hbm>>
    %dma_start3A_355 = tpu.memref_squeeze %dma_start3A_354 : memref<1x2560xf32, #tpu.memory_space<hbm>> -> memref<2560xf32, #tpu.memory_space<hbm>>
    %dma_start3A_356 = arith.constant 15360 : i32
    %dma_start3A_357 = tpu.memref_slice %arg10[%dma_start3A_356] : memref<20480xf32, #tpu.memory_space<vmem>> -> memref<2560xf32, #tpu.memory_space<vmem>>
    %dma_start3A_358 = arith.constant 0 : i32
    %dma_start3A_359 = tpu.memref_slice %arg4[%squeeze3A_350, %dma_start3A_358] : memref<50257x2560xf32, #tpu.memory_space<hbm>> -> memref<1x2560xf32, #tpu.memory_space<hbm>>
    %dma_start3A_360 = tpu.memref_squeeze %dma_start3A_359 : memref<1x2560xf32, #tpu.memory_space<hbm>> -> memref<2560xf32, #tpu.memory_space<hbm>>
    tpu.enqueue_dma source(%dma_start3A_360 : memref<2560xf32, #tpu.memory_space<hbm>>) target(%dma_start3A_357 : memref<2560xf32, #tpu.memory_space<vmem>>) target_semaphore(%arg16 : memref<!tpu.dma_semaphore, #tpu.memory_space<semaphore_mem>>)
    %slice3A_361 = vector.extract_strided_slice %get3A_204 {offsets = [6], sizes = [1], strides = [1]} : vector<16xi32> to vector<1xi32>
    %squeeze3A_362 = vector.extract %slice3A_361[0] : i32 from vector<1xi32>
    %dma_start3A_363 = arith.constant 15360 : i32
    %dma_start3A_364 = tpu.memref_slice %arg12[%dma_start3A_363] : memref<20480xf32, #tpu.memory_space<vmem>> -> memref<2560xf32, #tpu.memory_space<vmem>>
    %dma_start3A_365 = arith.constant 0 : i32
    %dma_start3A_366 = tpu.memref_slice %arg5[%squeeze3A_362, %dma_start3A_365] : memref<8192x2560xf32, #tpu.memory_space<hbm>> -> memref<1x2560xf32, #tpu.memory_space<hbm>>
    %dma_start3A_367 = tpu.memref_squeeze %dma_start3A_366 : memref<1x2560xf32, #tpu.memory_space<hbm>> -> memref<2560xf32, #tpu.memory_space<hbm>>
    %dma_start3A_368 = arith.constant 15360 : i32
    %dma_start3A_369 = tpu.memref_slice %arg12[%dma_start3A_368] : memref<20480xf32, #tpu.memory_space<vmem>> -> memref<2560xf32, #tpu.memory_space<vmem>>
    %dma_start3A_370 = arith.constant 0 : i32
    %dma_start3A_371 = tpu.memref_slice %arg5[%squeeze3A_362, %dma_start3A_370] : memref<8192x2560xf32, #tpu.memory_space<hbm>> -> memref<1x2560xf32, #tpu.memory_space<hbm>>
    %dma_start3A_372 = tpu.memref_squeeze %dma_start3A_371 : memref<1x2560xf32, #tpu.memory_space<hbm>> -> memref<2560xf32, #tpu.memory_space<hbm>>
    tpu.enqueue_dma source(%dma_start3A_372 : memref<2560xf32, #tpu.memory_space<hbm>>) target(%dma_start3A_369 : memref<2560xf32, #tpu.memory_space<vmem>>) target_semaphore(%arg18 : memref<!tpu.dma_semaphore, #tpu.memory_space<semaphore_mem>>)
    %slice3A_373 = vector.extract_strided_slice %get3A_202 {offsets = [7], sizes = [1], strides = [1]} : vector<16xi32> to vector<1xi32>
    %squeeze3A_374 = vector.extract %slice3A_373[0] : i32 from vector<1xi32>
    %dma_start3A_375 = arith.constant 17920 : i32
    %dma_start3A_376 = tpu.memref_slice %arg10[%dma_start3A_375] : memref<20480xf32, #tpu.memory_space<vmem>> -> memref<2560xf32, #tpu.memory_space<vmem>>
    %dma_start3A_377 = arith.constant 0 : i32
    %dma_start3A_378 = tpu.memref_slice %arg4[%squeeze3A_374, %dma_start3A_377] : memref<50257x2560xf32, #tpu.memory_space<hbm>> -> memref<1x2560xf32, #tpu.memory_space<hbm>>
    %dma_start3A_379 = tpu.memref_squeeze %dma_start3A_378 : memref<1x2560xf32, #tpu.memory_space<hbm>> -> memref<2560xf32, #tpu.memory_space<hbm>>
    %dma_start3A_380 = arith.constant 17920 : i32
    %dma_start3A_381 = tpu.memref_slice %arg10[%dma_start3A_380] : memref<20480xf32, #tpu.memory_space<vmem>> -> memref<2560xf32, #tpu.memory_space<vmem>>
    %dma_start3A_382 = arith.constant 0 : i32
    %dma_start3A_383 = tpu.memref_slice %arg4[%squeeze3A_374, %dma_start3A_382] : memref<50257x2560xf32, #tpu.memory_space<hbm>> -> memref<1x2560xf32, #tpu.memory_space<hbm>>
    %dma_start3A_384 = tpu.memref_squeeze %dma_start3A_383 : memref<1x2560xf32, #tpu.memory_space<hbm>> -> memref<2560xf32, #tpu.memory_space<hbm>>
    tpu.enqueue_dma source(%dma_start3A_384 : memref<2560xf32, #tpu.memory_space<hbm>>) target(%dma_start3A_381 : memref<2560xf32, #tpu.memory_space<vmem>>) target_semaphore(%arg16 : memref<!tpu.dma_semaphore, #tpu.memory_space<semaphore_mem>>)
    %slice3A_385 = vector.extract_strided_slice %get3A_204 {offsets = [7], sizes = [1], strides = [1]} : vector<16xi32> to vector<1xi32>
    %squeeze3A_386 = vector.extract %slice3A_385[0] : i32 from vector<1xi32>
    %dma_start3A_387 = arith.constant 17920 : i32
    %dma_start3A_388 = tpu.memref_slice %arg12[%dma_start3A_387] : memref<20480xf32, #tpu.memory_space<vmem>> -> memref<2560xf32, #tpu.memory_space<vmem>>
    %dma_start3A_389 = arith.constant 0 : i32
    %dma_start3A_390 = tpu.memref_slice %arg5[%squeeze3A_386, %dma_start3A_389] : memref<8192x2560xf32, #tpu.memory_space<hbm>> -> memref<1x2560xf32, #tpu.memory_space<hbm>>
    %dma_start3A_391 = tpu.memref_squeeze %dma_start3A_390 : memref<1x2560xf32, #tpu.memory_space<hbm>> -> memref<2560xf32, #tpu.memory_space<hbm>>
    %dma_start3A_392 = arith.constant 17920 : i32
    %dma_start3A_393 = tpu.memref_slice %arg12[%dma_start3A_392] : memref<20480xf32, #tpu.memory_space<vmem>> -> memref<2560xf32, #tpu.memory_space<vmem>>
    %dma_start3A_394 = arith.constant 0 : i32
    %dma_start3A_395 = tpu.memref_slice %arg5[%squeeze3A_386, %dma_start3A_394] : memref<8192x2560xf32, #tpu.memory_space<hbm>> -> memref<1x2560xf32, #tpu.memory_space<hbm>>
    %dma_start3A_396 = tpu.memref_squeeze %dma_start3A_395 : memref<1x2560xf32, #tpu.memory_space<hbm>> -> memref<2560xf32, #tpu.memory_space<hbm>>
    tpu.enqueue_dma source(%dma_start3A_396 : memref<2560xf32, #tpu.memory_space<hbm>>) target(%dma_start3A_393 : memref<2560xf32, #tpu.memory_space<vmem>>) target_semaphore(%arg18 : memref<!tpu.dma_semaphore, #tpu.memory_space<semaphore_mem>>)
    %scan3A = arith.constant 0 : i32
    %scan3A_397 = arith.constant 0 : i32
    %scan3A_398 = arith.constant 32 : i32
    %scan3A_399 = arith.addi %scan3A_397, %scan3A_398 : i32
    %scan3A_400 = arith.constant 1 : i32
    scf.for %scan3A_413 = %scan3A_397 to %scan3A_399 step %scan3A_400  : i32 {
      %mul3A_414 = arith.constant 2 : i32
      %mul3A_415 = arith.muli %scan3A_413, %mul3A_414 : i32
      %add3A_416 = arith.constant 1 : i32
      %add3A_417 = arith.addi %mul3A_415, %add3A_416 : i32
      %gt3A = arith.constant 0 : i32
      %gt3A_418 = arith.cmpi sgt, %scan3A_413, %gt3A : i32
      %convert_element_type3A = arith.extui %gt3A_418 : i1 to i32
      %cond3A = arith.constant 0 : i32
      %cond3A_419 = arith.cmpi ne, %convert_element_type3A, %cond3A : i32
      scf.if %cond3A_419 {
        %add3A_811 = arith.constant 0 : i32
        %add3A_812 = arith.addi %mul3A_2, %add3A_811 : i32
        %mul3A_813 = arith.constant 2560 : i32
        %mul3A_814 = arith.muli %add3A_812, %mul3A_813 : i32
        %dma_wait3A_815 = tpu.memref_slice %arg6[%mul3A_814] : memref<41943040xbf16, #tpu.memory_space<hbm>> -> memref<20480xbf16, #tpu.memory_space<hbm>>
        %dma_wait3A_816 = tpu.memref_slice %arg6[%mul3A_814] : memref<41943040xbf16, #tpu.memory_space<hbm>> -> memref<20480xbf16, #tpu.memory_space<hbm>>
        tpu.wait_dma2 semaphore(%arg19 : memref<!tpu.dma_semaphore, #tpu.memory_space<semaphore_mem>>) src(%arg13 : memref<20480xbf16, #tpu.memory_space<vmem>>) dst(%dma_wait3A_816 : memref<20480xbf16, #tpu.memory_space<hbm>>)
        %add3A_817 = arith.constant 0 : i32
        %add3A_818 = arith.addi %mul3A_2, %add3A_817 : i32
        %mul3A_819 = arith.constant 2560 : i32
        %mul3A_820 = arith.muli %add3A_818, %mul3A_819 : i32
        %dma_wait3A_821 = tpu.memref_slice %arg6[%mul3A_820] : memref<41943040xbf16, #tpu.memory_space<hbm>> -> memref<20480xbf16, #tpu.memory_space<hbm>>
        %dma_wait3A_822 = tpu.memref_slice %arg6[%mul3A_820] : memref<41943040xbf16, #tpu.memory_space<hbm>> -> memref<20480xbf16, #tpu.memory_space<hbm>>
        tpu.wait_dma2 semaphore(%arg20 : memref<!tpu.dma_semaphore, #tpu.memory_space<semaphore_mem>>) src(%arg14 : memref<20480xbf16, #tpu.memory_space<vmem>>) dst(%dma_wait3A_822 : memref<20480xbf16, #tpu.memory_space<hbm>>)
      } else {
      }
      %dma_wait3A_420 = arith.constant 0 : i32
      %dma_wait3A_421 = arith.constant 0 : i32
      %dma_wait3A_422 = tpu.memref_slice %arg9[%dma_wait3A_421] : memref<20480xf32, #tpu.memory_space<vmem>> -> memref<2560xf32, #tpu.memory_space<vmem>>
      %dma_wait3A_423 = arith.constant 0 : i32
      %dma_wait3A_424 = tpu.memref_slice %arg4[%dma_wait3A_420, %dma_wait3A_423] : memref<50257x2560xf32, #tpu.memory_space<hbm>> -> memref<1x2560xf32, #tpu.memory_space<hbm>>
      %dma_wait3A_425 = tpu.memref_squeeze %dma_wait3A_424 : memref<1x2560xf32, #tpu.memory_space<hbm>> -> memref<2560xf32, #tpu.memory_space<hbm>>
      %dma_wait3A_426 = arith.constant 0 : i32
      %dma_wait3A_427 = tpu.memref_slice %arg9[%dma_wait3A_426] : memref<20480xf32, #tpu.memory_space<vmem>> -> memref<2560xf32, #tpu.memory_space<vmem>>
      %dma_wait3A_428 = arith.constant 0 : i32
      %dma_wait3A_429 = tpu.memref_slice %arg4[%dma_wait3A_420, %dma_wait3A_428] : memref<50257x2560xf32, #tpu.memory_space<hbm>> -> memref<1x2560xf32, #tpu.memory_space<hbm>>
      %dma_wait3A_430 = tpu.memref_squeeze %dma_wait3A_429 : memref<1x2560xf32, #tpu.memory_space<hbm>> -> memref<2560xf32, #tpu.memory_space<hbm>>
      tpu.wait_dma2 semaphore(%arg15 : memref<!tpu.dma_semaphore, #tpu.memory_space<semaphore_mem>>) src(%dma_wait3A_430 : memref<2560xf32, #tpu.memory_space<hbm>>) dst(%dma_wait3A_427 : memref<2560xf32, #tpu.memory_space<vmem>>)
      %dma_wait3A_431 = arith.constant 0 : i32
      %dma_wait3A_432 = arith.constant 0 : i32
      %dma_wait3A_433 = tpu.memref_slice %arg11[%dma_wait3A_432] : memref<20480xf32, #tpu.memory_space<vmem>> -> memref<2560xf32, #tpu.memory_space<vmem>>
      %dma_wait3A_434 = arith.constant 0 : i32
      %dma_wait3A_435 = tpu.memref_slice %arg5[%dma_wait3A_431, %dma_wait3A_434] : memref<8192x2560xf32, #tpu.memory_space<hbm>> -> memref<1x2560xf32, #tpu.memory_space<hbm>>
      %dma_wait3A_436 = tpu.memref_squeeze %dma_wait3A_435 : memref<1x2560xf32, #tpu.memory_space<hbm>> -> memref<2560xf32, #tpu.memory_space<hbm>>
      %dma_wait3A_437 = arith.constant 0 : i32
      %dma_wait3A_438 = tpu.memref_slice %arg11[%dma_wait3A_437] : memref<20480xf32, #tpu.memory_space<vmem>> -> memref<2560xf32, #tpu.memory_space<vmem>>
      %dma_wait3A_439 = arith.constant 0 : i32
      %dma_wait3A_440 = tpu.memref_slice %arg5[%dma_wait3A_431, %dma_wait3A_439] : memref<8192x2560xf32, #tpu.memory_space<hbm>> -> memref<1x2560xf32, #tpu.memory_space<hbm>>
      %dma_wait3A_441 = tpu.memref_squeeze %dma_wait3A_440 : memref<1x2560xf32, #tpu.memory_space<hbm>> -> memref<2560xf32, #tpu.memory_space<hbm>>
      tpu.wait_dma2 semaphore(%arg17 : memref<!tpu.dma_semaphore, #tpu.memory_space<semaphore_mem>>) src(%dma_wait3A_441 : memref<2560xf32, #tpu.memory_space<hbm>>) dst(%dma_wait3A_438 : memref<2560xf32, #tpu.memory_space<vmem>>)
      %dma_wait3A_442 = arith.constant 0 : i32
      %dma_wait3A_443 = arith.constant 2560 : i32
      %dma_wait3A_444 = tpu.memref_slice %arg9[%dma_wait3A_443] : memref<20480xf32, #tpu.memory_space<vmem>> -> memref<2560xf32, #tpu.memory_space<vmem>>
      %dma_wait3A_445 = arith.constant 0 : i32
      %dma_wait3A_446 = tpu.memref_slice %arg4[%dma_wait3A_442, %dma_wait3A_445] : memref<50257x2560xf32, #tpu.memory_space<hbm>> -> memref<1x2560xf32, #tpu.memory_space<hbm>>
      %dma_wait3A_447 = tpu.memref_squeeze %dma_wait3A_446 : memref<1x2560xf32, #tpu.memory_space<hbm>> -> memref<2560xf32, #tpu.memory_space<hbm>>
      %dma_wait3A_448 = arith.constant 2560 : i32
      %dma_wait3A_449 = tpu.memref_slice %arg9[%dma_wait3A_448] : memref<20480xf32, #tpu.memory_space<vmem>> -> memref<2560xf32, #tpu.memory_space<vmem>>
      %dma_wait3A_450 = arith.constant 0 : i32
      %dma_wait3A_451 = tpu.memref_slice %arg4[%dma_wait3A_442, %dma_wait3A_450] : memref<50257x2560xf32, #tpu.memory_space<hbm>> -> memref<1x2560xf32, #tpu.memory_space<hbm>>
      %dma_wait3A_452 = tpu.memref_squeeze %dma_wait3A_451 : memref<1x2560xf32, #tpu.memory_space<hbm>> -> memref<2560xf32, #tpu.memory_space<hbm>>
      tpu.wait_dma2 semaphore(%arg15 : memref<!tpu.dma_semaphore, #tpu.memory_space<semaphore_mem>>) src(%dma_wait3A_452 : memref<2560xf32, #tpu.memory_space<hbm>>) dst(%dma_wait3A_449 : memref<2560xf32, #tpu.memory_space<vmem>>)
      %dma_wait3A_453 = arith.constant 0 : i32
      %dma_wait3A_454 = arith.constant 2560 : i32
      %dma_wait3A_455 = tpu.memref_slice %arg11[%dma_wait3A_454] : memref<20480xf32, #tpu.memory_space<vmem>> -> memref<2560xf32, #tpu.memory_space<vmem>>
      %dma_wait3A_456 = arith.constant 0 : i32
      %dma_wait3A_457 = tpu.memref_slice %arg5[%dma_wait3A_453, %dma_wait3A_456] : memref<8192x2560xf32, #tpu.memory_space<hbm>> -> memref<1x2560xf32, #tpu.memory_space<hbm>>
      %dma_wait3A_458 = tpu.memref_squeeze %dma_wait3A_457 : memref<1x2560xf32, #tpu.memory_space<hbm>> -> memref<2560xf32, #tpu.memory_space<hbm>>
      %dma_wait3A_459 = arith.constant 2560 : i32
      %dma_wait3A_460 = tpu.memref_slice %arg11[%dma_wait3A_459] : memref<20480xf32, #tpu.memory_space<vmem>> -> memref<2560xf32, #tpu.memory_space<vmem>>
      %dma_wait3A_461 = arith.constant 0 : i32
      %dma_wait3A_462 = tpu.memref_slice %arg5[%dma_wait3A_453, %dma_wait3A_461] : memref<8192x2560xf32, #tpu.memory_space<hbm>> -> memref<1x2560xf32, #tpu.memory_space<hbm>>
      %dma_wait3A_463 = tpu.memref_squeeze %dma_wait3A_462 : memref<1x2560xf32, #tpu.memory_space<hbm>> -> memref<2560xf32, #tpu.memory_space<hbm>>
      tpu.wait_dma2 semaphore(%arg17 : memref<!tpu.dma_semaphore, #tpu.memory_space<semaphore_mem>>) src(%dma_wait3A_463 : memref<2560xf32, #tpu.memory_space<hbm>>) dst(%dma_wait3A_460 : memref<2560xf32, #tpu.memory_space<vmem>>)
      %dma_wait3A_464 = arith.constant 0 : i32
      %dma_wait3A_465 = arith.constant 5120 : i32
      %dma_wait3A_466 = tpu.memref_slice %arg9[%dma_wait3A_465] : memref<20480xf32, #tpu.memory_space<vmem>> -> memref<2560xf32, #tpu.memory_space<vmem>>
      %dma_wait3A_467 = arith.constant 0 : i32
      %dma_wait3A_468 = tpu.memref_slice %arg4[%dma_wait3A_464, %dma_wait3A_467] : memref<50257x2560xf32, #tpu.memory_space<hbm>> -> memref<1x2560xf32, #tpu.memory_space<hbm>>
      %dma_wait3A_469 = tpu.memref_squeeze %dma_wait3A_468 : memref<1x2560xf32, #tpu.memory_space<hbm>> -> memref<2560xf32, #tpu.memory_space<hbm>>
      %dma_wait3A_470 = arith.constant 5120 : i32
      %dma_wait3A_471 = tpu.memref_slice %arg9[%dma_wait3A_470] : memref<20480xf32, #tpu.memory_space<vmem>> -> memref<2560xf32, #tpu.memory_space<vmem>>
      %dma_wait3A_472 = arith.constant 0 : i32
      %dma_wait3A_473 = tpu.memref_slice %arg4[%dma_wait3A_464, %dma_wait3A_472] : memref<50257x2560xf32, #tpu.memory_space<hbm>> -> memref<1x2560xf32, #tpu.memory_space<hbm>>
      %dma_wait3A_474 = tpu.memref_squeeze %dma_wait3A_473 : memref<1x2560xf32, #tpu.memory_space<hbm>> -> memref<2560xf32, #tpu.memory_space<hbm>>
      tpu.wait_dma2 semaphore(%arg15 : memref<!tpu.dma_semaphore, #tpu.memory_space<semaphore_mem>>) src(%dma_wait3A_474 : memref<2560xf32, #tpu.memory_space<hbm>>) dst(%dma_wait3A_471 : memref<2560xf32, #tpu.memory_space<vmem>>)
      %dma_wait3A_475 = arith.constant 0 : i32
      %dma_wait3A_476 = arith.constant 5120 : i32
      %dma_wait3A_477 = tpu.memref_slice %arg11[%dma_wait3A_476] : memref<20480xf32, #tpu.memory_space<vmem>> -> memref<2560xf32, #tpu.memory_space<vmem>>
      %dma_wait3A_478 = arith.constant 0 : i32
      %dma_wait3A_479 = tpu.memref_slice %arg5[%dma_wait3A_475, %dma_wait3A_478] : memref<8192x2560xf32, #tpu.memory_space<hbm>> -> memref<1x2560xf32, #tpu.memory_space<hbm>>
      %dma_wait3A_480 = tpu.memref_squeeze %dma_wait3A_479 : memref<1x2560xf32, #tpu.memory_space<hbm>> -> memref<2560xf32, #tpu.memory_space<hbm>>
      %dma_wait3A_481 = arith.constant 5120 : i32
      %dma_wait3A_482 = tpu.memref_slice %arg11[%dma_wait3A_481] : memref<20480xf32, #tpu.memory_space<vmem>> -> memref<2560xf32, #tpu.memory_space<vmem>>
      %dma_wait3A_483 = arith.constant 0 : i32
      %dma_wait3A_484 = tpu.memref_slice %arg5[%dma_wait3A_475, %dma_wait3A_483] : memref<8192x2560xf32, #tpu.memory_space<hbm>> -> memref<1x2560xf32, #tpu.memory_space<hbm>>
      %dma_wait3A_485 = tpu.memref_squeeze %dma_wait3A_484 : memref<1x2560xf32, #tpu.memory_space<hbm>> -> memref<2560xf32, #tpu.memory_space<hbm>>
      tpu.wait_dma2 semaphore(%arg17 : memref<!tpu.dma_semaphore, #tpu.memory_space<semaphore_mem>>) src(%dma_wait3A_485 : memref<2560xf32, #tpu.memory_space<hbm>>) dst(%dma_wait3A_482 : memref<2560xf32, #tpu.memory_space<vmem>>)
      %dma_wait3A_486 = arith.constant 0 : i32
      %dma_wait3A_487 = arith.constant 7680 : i32
      %dma_wait3A_488 = tpu.memref_slice %arg9[%dma_wait3A_487] : memref<20480xf32, #tpu.memory_space<vmem>> -> memref<2560xf32, #tpu.memory_space<vmem>>
      %dma_wait3A_489 = arith.constant 0 : i32
      %dma_wait3A_490 = tpu.memref_slice %arg4[%dma_wait3A_486, %dma_wait3A_489] : memref<50257x2560xf32, #tpu.memory_space<hbm>> -> memref<1x2560xf32, #tpu.memory_space<hbm>>
      %dma_wait3A_491 = tpu.memref_squeeze %dma_wait3A_490 : memref<1x2560xf32, #tpu.memory_space<hbm>> -> memref<2560xf32, #tpu.memory_space<hbm>>
      %dma_wait3A_492 = arith.constant 7680 : i32
      %dma_wait3A_493 = tpu.memref_slice %arg9[%dma_wait3A_492] : memref<20480xf32, #tpu.memory_space<vmem>> -> memref<2560xf32, #tpu.memory_space<vmem>>
      %dma_wait3A_494 = arith.constant 0 : i32
      %dma_wait3A_495 = tpu.memref_slice %arg4[%dma_wait3A_486, %dma_wait3A_494] : memref<50257x2560xf32, #tpu.memory_space<hbm>> -> memref<1x2560xf32, #tpu.memory_space<hbm>>
      %dma_wait3A_496 = tpu.memref_squeeze %dma_wait3A_495 : memref<1x2560xf32, #tpu.memory_space<hbm>> -> memref<2560xf32, #tpu.memory_space<hbm>>
      tpu.wait_dma2 semaphore(%arg15 : memref<!tpu.dma_semaphore, #tpu.memory_space<semaphore_mem>>) src(%dma_wait3A_496 : memref<2560xf32, #tpu.memory_space<hbm>>) dst(%dma_wait3A_493 : memref<2560xf32, #tpu.memory_space<vmem>>)
      %dma_wait3A_497 = arith.constant 0 : i32
      %dma_wait3A_498 = arith.constant 7680 : i32
      %dma_wait3A_499 = tpu.memref_slice %arg11[%dma_wait3A_498] : memref<20480xf32, #tpu.memory_space<vmem>> -> memref<2560xf32, #tpu.memory_space<vmem>>
      %dma_wait3A_500 = arith.constant 0 : i32
      %dma_wait3A_501 = tpu.memref_slice %arg5[%dma_wait3A_497, %dma_wait3A_500] : memref<8192x2560xf32, #tpu.memory_space<hbm>> -> memref<1x2560xf32, #tpu.memory_space<hbm>>
      %dma_wait3A_502 = tpu.memref_squeeze %dma_wait3A_501 : memref<1x2560xf32, #tpu.memory_space<hbm>> -> memref<2560xf32, #tpu.memory_space<hbm>>
      %dma_wait3A_503 = arith.constant 7680 : i32
      %dma_wait3A_504 = tpu.memref_slice %arg11[%dma_wait3A_503] : memref<20480xf32, #tpu.memory_space<vmem>> -> memref<2560xf32, #tpu.memory_space<vmem>>
      %dma_wait3A_505 = arith.constant 0 : i32
      %dma_wait3A_506 = tpu.memref_slice %arg5[%dma_wait3A_497, %dma_wait3A_505] : memref<8192x2560xf32, #tpu.memory_space<hbm>> -> memref<1x2560xf32, #tpu.memory_space<hbm>>
      %dma_wait3A_507 = tpu.memref_squeeze %dma_wait3A_506 : memref<1x2560xf32, #tpu.memory_space<hbm>> -> memref<2560xf32, #tpu.memory_space<hbm>>
      tpu.wait_dma2 semaphore(%arg17 : memref<!tpu.dma_semaphore, #tpu.memory_space<semaphore_mem>>) src(%dma_wait3A_507 : memref<2560xf32, #tpu.memory_space<hbm>>) dst(%dma_wait3A_504 : memref<2560xf32, #tpu.memory_space<vmem>>)
      %dma_wait3A_508 = arith.constant 0 : i32
      %dma_wait3A_509 = arith.constant 10240 : i32
      %dma_wait3A_510 = tpu.memref_slice %arg9[%dma_wait3A_509] : memref<20480xf32, #tpu.memory_space<vmem>> -> memref<2560xf32, #tpu.memory_space<vmem>>
      %dma_wait3A_511 = arith.constant 0 : i32
      %dma_wait3A_512 = tpu.memref_slice %arg4[%dma_wait3A_508, %dma_wait3A_511] : memref<50257x2560xf32, #tpu.memory_space<hbm>> -> memref<1x2560xf32, #tpu.memory_space<hbm>>
      %dma_wait3A_513 = tpu.memref_squeeze %dma_wait3A_512 : memref<1x2560xf32, #tpu.memory_space<hbm>> -> memref<2560xf32, #tpu.memory_space<hbm>>
      %dma_wait3A_514 = arith.constant 10240 : i32
      %dma_wait3A_515 = tpu.memref_slice %arg9[%dma_wait3A_514] : memref<20480xf32, #tpu.memory_space<vmem>> -> memref<2560xf32, #tpu.memory_space<vmem>>
      %dma_wait3A_516 = arith.constant 0 : i32
      %dma_wait3A_517 = tpu.memref_slice %arg4[%dma_wait3A_508, %dma_wait3A_516] : memref<50257x2560xf32, #tpu.memory_space<hbm>> -> memref<1x2560xf32, #tpu.memory_space<hbm>>
      %dma_wait3A_518 = tpu.memref_squeeze %dma_wait3A_517 : memref<1x2560xf32, #tpu.memory_space<hbm>> -> memref<2560xf32, #tpu.memory_space<hbm>>
      tpu.wait_dma2 semaphore(%arg15 : memref<!tpu.dma_semaphore, #tpu.memory_space<semaphore_mem>>) src(%dma_wait3A_518 : memref<2560xf32, #tpu.memory_space<hbm>>) dst(%dma_wait3A_515 : memref<2560xf32, #tpu.memory_space<vmem>>)
      %dma_wait3A_519 = arith.constant 0 : i32
      %dma_wait3A_520 = arith.constant 10240 : i32
      %dma_wait3A_521 = tpu.memref_slice %arg11[%dma_wait3A_520] : memref<20480xf32, #tpu.memory_space<vmem>> -> memref<2560xf32, #tpu.memory_space<vmem>>
      %dma_wait3A_522 = arith.constant 0 : i32
      %dma_wait3A_523 = tpu.memref_slice %arg5[%dma_wait3A_519, %dma_wait3A_522] : memref<8192x2560xf32, #tpu.memory_space<hbm>> -> memref<1x2560xf32, #tpu.memory_space<hbm>>
      %dma_wait3A_524 = tpu.memref_squeeze %dma_wait3A_523 : memref<1x2560xf32, #tpu.memory_space<hbm>> -> memref<2560xf32, #tpu.memory_space<hbm>>
      %dma_wait3A_525 = arith.constant 10240 : i32
      %dma_wait3A_526 = tpu.memref_slice %arg11[%dma_wait3A_525] : memref<20480xf32, #tpu.memory_space<vmem>> -> memref<2560xf32, #tpu.memory_space<vmem>>
      %dma_wait3A_527 = arith.constant 0 : i32
      %dma_wait3A_528 = tpu.memref_slice %arg5[%dma_wait3A_519, %dma_wait3A_527] : memref<8192x2560xf32, #tpu.memory_space<hbm>> -> memref<1x2560xf32, #tpu.memory_space<hbm>>
      %dma_wait3A_529 = tpu.memref_squeeze %dma_wait3A_528 : memref<1x2560xf32, #tpu.memory_space<hbm>> -> memref<2560xf32, #tpu.memory_space<hbm>>
      tpu.wait_dma2 semaphore(%arg17 : memref<!tpu.dma_semaphore, #tpu.memory_space<semaphore_mem>>) src(%dma_wait3A_529 : memref<2560xf32, #tpu.memory_space<hbm>>) dst(%dma_wait3A_526 : memref<2560xf32, #tpu.memory_space<vmem>>)
      %dma_wait3A_530 = arith.constant 0 : i32
      %dma_wait3A_531 = arith.constant 12800 : i32
      %dma_wait3A_532 = tpu.memref_slice %arg9[%dma_wait3A_531] : memref<20480xf32, #tpu.memory_space<vmem>> -> memref<2560xf32, #tpu.memory_space<vmem>>
      %dma_wait3A_533 = arith.constant 0 : i32
      %dma_wait3A_534 = tpu.memref_slice %arg4[%dma_wait3A_530, %dma_wait3A_533] : memref<50257x2560xf32, #tpu.memory_space<hbm>> -> memref<1x2560xf32, #tpu.memory_space<hbm>>
      %dma_wait3A_535 = tpu.memref_squeeze %dma_wait3A_534 : memref<1x2560xf32, #tpu.memory_space<hbm>> -> memref<2560xf32, #tpu.memory_space<hbm>>
      %dma_wait3A_536 = arith.constant 12800 : i32
      %dma_wait3A_537 = tpu.memref_slice %arg9[%dma_wait3A_536] : memref<20480xf32, #tpu.memory_space<vmem>> -> memref<2560xf32, #tpu.memory_space<vmem>>
      %dma_wait3A_538 = arith.constant 0 : i32
      %dma_wait3A_539 = tpu.memref_slice %arg4[%dma_wait3A_530, %dma_wait3A_538] : memref<50257x2560xf32, #tpu.memory_space<hbm>> -> memref<1x2560xf32, #tpu.memory_space<hbm>>
      %dma_wait3A_540 = tpu.memref_squeeze %dma_wait3A_539 : memref<1x2560xf32, #tpu.memory_space<hbm>> -> memref<2560xf32, #tpu.memory_space<hbm>>
      tpu.wait_dma2 semaphore(%arg15 : memref<!tpu.dma_semaphore, #tpu.memory_space<semaphore_mem>>) src(%dma_wait3A_540 : memref<2560xf32, #tpu.memory_space<hbm>>) dst(%dma_wait3A_537 : memref<2560xf32, #tpu.memory_space<vmem>>)
      %dma_wait3A_541 = arith.constant 0 : i32
      %dma_wait3A_542 = arith.constant 12800 : i32
      %dma_wait3A_543 = tpu.memref_slice %arg11[%dma_wait3A_542] : memref<20480xf32, #tpu.memory_space<vmem>> -> memref<2560xf32, #tpu.memory_space<vmem>>
      %dma_wait3A_544 = arith.constant 0 : i32
      %dma_wait3A_545 = tpu.memref_slice %arg5[%dma_wait3A_541, %dma_wait3A_544] : memref<8192x2560xf32, #tpu.memory_space<hbm>> -> memref<1x2560xf32, #tpu.memory_space<hbm>>
      %dma_wait3A_546 = tpu.memref_squeeze %dma_wait3A_545 : memref<1x2560xf32, #tpu.memory_space<hbm>> -> memref<2560xf32, #tpu.memory_space<hbm>>
      %dma_wait3A_547 = arith.constant 12800 : i32
      %dma_wait3A_548 = tpu.memref_slice %arg11[%dma_wait3A_547] : memref<20480xf32, #tpu.memory_space<vmem>> -> memref<2560xf32, #tpu.memory_space<vmem>>
      %dma_wait3A_549 = arith.constant 0 : i32
      %dma_wait3A_550 = tpu.memref_slice %arg5[%dma_wait3A_541, %dma_wait3A_549] : memref<8192x2560xf32, #tpu.memory_space<hbm>> -> memref<1x2560xf32, #tpu.memory_space<hbm>>
      %dma_wait3A_551 = tpu.memref_squeeze %dma_wait3A_550 : memref<1x2560xf32, #tpu.memory_space<hbm>> -> memref<2560xf32, #tpu.memory_space<hbm>>
      tpu.wait_dma2 semaphore(%arg17 : memref<!tpu.dma_semaphore, #tpu.memory_space<semaphore_mem>>) src(%dma_wait3A_551 : memref<2560xf32, #tpu.memory_space<hbm>>) dst(%dma_wait3A_548 : memref<2560xf32, #tpu.memory_space<vmem>>)
      %dma_wait3A_552 = arith.constant 0 : i32
      %dma_wait3A_553 = arith.constant 15360 : i32
      %dma_wait3A_554 = tpu.memref_slice %arg9[%dma_wait3A_553] : memref<20480xf32, #tpu.memory_space<vmem>> -> memref<2560xf32, #tpu.memory_space<vmem>>
      %dma_wait3A_555 = arith.constant 0 : i32
      %dma_wait3A_556 = tpu.memref_slice %arg4[%dma_wait3A_552, %dma_wait3A_555] : memref<50257x2560xf32, #tpu.memory_space<hbm>> -> memref<1x2560xf32, #tpu.memory_space<hbm>>
      %dma_wait3A_557 = tpu.memref_squeeze %dma_wait3A_556 : memref<1x2560xf32, #tpu.memory_space<hbm>> -> memref<2560xf32, #tpu.memory_space<hbm>>
      %dma_wait3A_558 = arith.constant 15360 : i32
      %dma_wait3A_559 = tpu.memref_slice %arg9[%dma_wait3A_558] : memref<20480xf32, #tpu.memory_space<vmem>> -> memref<2560xf32, #tpu.memory_space<vmem>>
      %dma_wait3A_560 = arith.constant 0 : i32
      %dma_wait3A_561 = tpu.memref_slice %arg4[%dma_wait3A_552, %dma_wait3A_560] : memref<50257x2560xf32, #tpu.memory_space<hbm>> -> memref<1x2560xf32, #tpu.memory_space<hbm>>
      %dma_wait3A_562 = tpu.memref_squeeze %dma_wait3A_561 : memref<1x2560xf32, #tpu.memory_space<hbm>> -> memref<2560xf32, #tpu.memory_space<hbm>>
      tpu.wait_dma2 semaphore(%arg15 : memref<!tpu.dma_semaphore, #tpu.memory_space<semaphore_mem>>) src(%dma_wait3A_562 : memref<2560xf32, #tpu.memory_space<hbm>>) dst(%dma_wait3A_559 : memref<2560xf32, #tpu.memory_space<vmem>>)
      %dma_wait3A_563 = arith.constant 0 : i32
      %dma_wait3A_564 = arith.constant 15360 : i32
      %dma_wait3A_565 = tpu.memref_slice %arg11[%dma_wait3A_564] : memref<20480xf32, #tpu.memory_space<vmem>> -> memref<2560xf32, #tpu.memory_space<vmem>>
      %dma_wait3A_566 = arith.constant 0 : i32
      %dma_wait3A_567 = tpu.memref_slice %arg5[%dma_wait3A_563, %dma_wait3A_566] : memref<8192x2560xf32, #tpu.memory_space<hbm>> -> memref<1x2560xf32, #tpu.memory_space<hbm>>
      %dma_wait3A_568 = tpu.memref_squeeze %dma_wait3A_567 : memref<1x2560xf32, #tpu.memory_space<hbm>> -> memref<2560xf32, #tpu.memory_space<hbm>>
      %dma_wait3A_569 = arith.constant 15360 : i32
      %dma_wait3A_570 = tpu.memref_slice %arg11[%dma_wait3A_569] : memref<20480xf32, #tpu.memory_space<vmem>> -> memref<2560xf32, #tpu.memory_space<vmem>>
      %dma_wait3A_571 = arith.constant 0 : i32
      %dma_wait3A_572 = tpu.memref_slice %arg5[%dma_wait3A_563, %dma_wait3A_571] : memref<8192x2560xf32, #tpu.memory_space<hbm>> -> memref<1x2560xf32, #tpu.memory_space<hbm>>
      %dma_wait3A_573 = tpu.memref_squeeze %dma_wait3A_572 : memref<1x2560xf32, #tpu.memory_space<hbm>> -> memref<2560xf32, #tpu.memory_space<hbm>>
      tpu.wait_dma2 semaphore(%arg17 : memref<!tpu.dma_semaphore, #tpu.memory_space<semaphore_mem>>) src(%dma_wait3A_573 : memref<2560xf32, #tpu.memory_space<hbm>>) dst(%dma_wait3A_570 : memref<2560xf32, #tpu.memory_space<vmem>>)
      %dma_wait3A_574 = arith.constant 0 : i32
      %dma_wait3A_575 = arith.constant 17920 : i32
      %dma_wait3A_576 = tpu.memref_slice %arg9[%dma_wait3A_575] : memref<20480xf32, #tpu.memory_space<vmem>> -> memref<2560xf32, #tpu.memory_space<vmem>>
      %dma_wait3A_577 = arith.constant 0 : i32
      %dma_wait3A_578 = tpu.memref_slice %arg4[%dma_wait3A_574, %dma_wait3A_577] : memref<50257x2560xf32, #tpu.memory_space<hbm>> -> memref<1x2560xf32, #tpu.memory_space<hbm>>
      %dma_wait3A_579 = tpu.memref_squeeze %dma_wait3A_578 : memref<1x2560xf32, #tpu.memory_space<hbm>> -> memref<2560xf32, #tpu.memory_space<hbm>>
      %dma_wait3A_580 = arith.constant 17920 : i32
      %dma_wait3A_581 = tpu.memref_slice %arg9[%dma_wait3A_580] : memref<20480xf32, #tpu.memory_space<vmem>> -> memref<2560xf32, #tpu.memory_space<vmem>>
      %dma_wait3A_582 = arith.constant 0 : i32
      %dma_wait3A_583 = tpu.memref_slice %arg4[%dma_wait3A_574, %dma_wait3A_582] : memref<50257x2560xf32, #tpu.memory_space<hbm>> -> memref<1x2560xf32, #tpu.memory_space<hbm>>
      %dma_wait3A_584 = tpu.memref_squeeze %dma_wait3A_583 : memref<1x2560xf32, #tpu.memory_space<hbm>> -> memref<2560xf32, #tpu.memory_space<hbm>>
      tpu.wait_dma2 semaphore(%arg15 : memref<!tpu.dma_semaphore, #tpu.memory_space<semaphore_mem>>) src(%dma_wait3A_584 : memref<2560xf32, #tpu.memory_space<hbm>>) dst(%dma_wait3A_581 : memref<2560xf32, #tpu.memory_space<vmem>>)
      %dma_wait3A_585 = arith.constant 0 : i32
      %dma_wait3A_586 = arith.constant 17920 : i32
      %dma_wait3A_587 = tpu.memref_slice %arg11[%dma_wait3A_586] : memref<20480xf32, #tpu.memory_space<vmem>> -> memref<2560xf32, #tpu.memory_space<vmem>>
      %dma_wait3A_588 = arith.constant 0 : i32
      %dma_wait3A_589 = tpu.memref_slice %arg5[%dma_wait3A_585, %dma_wait3A_588] : memref<8192x2560xf32, #tpu.memory_space<hbm>> -> memref<1x2560xf32, #tpu.memory_space<hbm>>
      %dma_wait3A_590 = tpu.memref_squeeze %dma_wait3A_589 : memref<1x2560xf32, #tpu.memory_space<hbm>> -> memref<2560xf32, #tpu.memory_space<hbm>>
      %dma_wait3A_591 = arith.constant 17920 : i32
      %dma_wait3A_592 = tpu.memref_slice %arg11[%dma_wait3A_591] : memref<20480xf32, #tpu.memory_space<vmem>> -> memref<2560xf32, #tpu.memory_space<vmem>>
      %dma_wait3A_593 = arith.constant 0 : i32
      %dma_wait3A_594 = tpu.memref_slice %arg5[%dma_wait3A_585, %dma_wait3A_593] : memref<8192x2560xf32, #tpu.memory_space<hbm>> -> memref<1x2560xf32, #tpu.memory_space<hbm>>
      %dma_wait3A_595 = tpu.memref_squeeze %dma_wait3A_594 : memref<1x2560xf32, #tpu.memory_space<hbm>> -> memref<2560xf32, #tpu.memory_space<hbm>>
      tpu.wait_dma2 semaphore(%arg17 : memref<!tpu.dma_semaphore, #tpu.memory_space<semaphore_mem>>) src(%dma_wait3A_595 : memref<2560xf32, #tpu.memory_space<hbm>>) dst(%dma_wait3A_592 : memref<2560xf32, #tpu.memory_space<vmem>>)
      %scan3A_596 = arith.constant 0 : i32
      %scan3A_597 = arith.constant 0 : i32
      %scan3A_598 = arith.constant 80 : i32
      %scan3A_599 = arith.addi %scan3A_597, %scan3A_598 : i32
      %scan3A_600 = arith.constant 5 : i32
      scf.for %scan3A_811 = %scan3A_597 to %scan3A_599 step %scan3A_600  : i32 {
        %mul3A_812 = arith.constant 32 : i32
        %mul3A_813 = arith.muli %scan3A_811, %mul3A_812 : i32
        %add3A_814 = vector.broadcast %mul3A_813 : i32 to vector<16xi32>
        %add3A_815 = arith.addi %add3A_814, %mul3A_5 : vector<16xi32>
        %add3A_816 = vector.broadcast %mul3A_813 : i32 to vector<16xi32>
        %add3A_817 = arith.addi %add3A_816, %add3A_8 : vector<16xi32>
        %gather3A = arith.constant 0 : i32
        %gather3A_818 = tpu.memref_slice %arg9[%gather3A] : memref<20480xf32, #tpu.memory_space<vmem>> -> memref<2560xf32, #tpu.memory_space<vmem>>
        %gather3A_819 = tpu.vector_load_idx %gather3A_818[%add3A_815] : memref<2560xf32, #tpu.memory_space<vmem>>[vector<16xi32>], vector<16xf32>,
        %gather3A_820 = arith.constant 0 : i32
        %gather3A_821 = tpu.memref_slice %arg9[%gather3A_820] : memref<20480xf32, #tpu.memory_space<vmem>> -> memref<2560xf32, #tpu.memory_space<vmem>>
        %gather3A_822 = tpu.vector_load_idx %gather3A_821[%add3A_817] : memref<2560xf32, #tpu.memory_space<vmem>>[vector<16xi32>], vector<16xf32>,
        %gather3A_823 = arith.constant 0 : i32
        %gather3A_824 = tpu.memref_slice %arg11[%gather3A_823] : memref<20480xf32, #tpu.memory_space<vmem>> -> memref<2560xf32, #tpu.memory_space<vmem>>
        %gather3A_825 = tpu.vector_load_idx %gather3A_824[%add3A_815] : memref<2560xf32, #tpu.memory_space<vmem>>[vector<16xi32>], vector<16xf32>,
        %gather3A_826 = arith.constant 0 : i32
        %gather3A_827 = tpu.memref_slice %arg11[%gather3A_826] : memref<20480xf32, #tpu.memory_space<vmem>> -> memref<2560xf32, #tpu.memory_space<vmem>>
        %gather3A_828 = tpu.vector_load_idx %gather3A_827[%add3A_817] : memref<2560xf32, #tpu.memory_space<vmem>>[vector<16xi32>], vector<16xf32>,
        %add3A_829 = arith.addf %gather3A_819, %gather3A_825 : vector<16xf32>
        %add3A_830 = arith.addf %gather3A_822, %gather3A_828 : vector<16xf32>
        %pack3A = tpu.pack_subelements %add3A_829, %add3A_830 {pack_format = #tpu.pack_format<interleaved>, positions = array<i32: 0, 1>} : vector<16xf32>, vector<16xf32> -> vector<32xbf16>
        %add3A_831 = arith.constant 0 : i32
        %add3A_832 = arith.addi %add3A_831, %mul3A_813 : i32
        %swap3A = arith.index_cast %add3A_832 : i32 to index
        %swap3A_833 = tpu.vector_load %arg13[%swap3A] {strides = array<i32>} : memref<20480xbf16, #tpu.memory_space<vmem>>, vector<32xbf16>,
        tpu.vector_store %arg13[%swap3A], %pack3A {strides = array<i32>} : memref<20480xbf16, #tpu.memory_space<vmem>>, vector<32xbf16>,
        %gather3A_834 = arith.constant 2560 : i32
        %gather3A_835 = tpu.memref_slice %arg9[%gather3A_834] : memref<20480xf32, #tpu.memory_space<vmem>> -> memref<2560xf32, #tpu.memory_space<vmem>>
        %gather3A_836 = tpu.vector_load_idx %gather3A_835[%add3A_815] : memref<2560xf32, #tpu.memory_space<vmem>>[vector<16xi32>], vector<16xf32>,
        %gather3A_837 = arith.constant 2560 : i32
        %gather3A_838 = tpu.memref_slice %arg9[%gather3A_837] : memref<20480xf32, #tpu.memory_space<vmem>> -> memref<2560xf32, #tpu.memory_space<vmem>>
        %gather3A_839 = tpu.vector_load_idx %gather3A_838[%add3A_817] : memref<2560xf32, #tpu.memory_space<vmem>>[vector<16xi32>], vector<16xf32>,
        %gather3A_840 = arith.constant 2560 : i32
        %gather3A_841 = tpu.memref_slice %arg11[%gather3A_840] : memref<20480xf32, #tpu.memory_space<vmem>> -> memref<2560xf32, #tpu.memory_space<vmem>>
        %gather3A_842 = tpu.vector_load_idx %gather3A_841[%add3A_815] : memref<2560xf32, #tpu.memory_space<vmem>>[vector<16xi32>], vector<16xf32>,
        %gather3A_843 = arith.constant 2560 : i32
        %gather3A_844 = tpu.memref_slice %arg11[%gather3A_843] : memref<20480xf32, #tpu.memory_space<vmem>> -> memref<2560xf32, #tpu.memory_space<vmem>>
        %gather3A_845 = tpu.vector_load_idx %gather3A_844[%add3A_817] : memref<2560xf32, #tpu.memory_space<vmem>>[vector<16xi32>], vector<16xf32>,
        %add3A_846 = arith.addf %gather3A_836, %gather3A_842 : vector<16xf32>
        %add3A_847 = arith.addf %gather3A_839, %gather3A_845 : vector<16xf32>
        %pack3A_848 = tpu.pack_subelements %add3A_846, %add3A_847 {pack_format = #tpu.pack_format<interleaved>, positions = array<i32: 0, 1>} : vector<16xf32>, vector<16xf32> -> vector<32xbf16>
        %add3A_849 = arith.constant 2560 : i32
        %add3A_850 = arith.addi %add3A_849, %mul3A_813 : i32
        %swap3A_851 = arith.index_cast %add3A_850 : i32 to index
        %swap3A_852 = tpu.vector_load %arg13[%swap3A_851] {strides = array<i32>} : memref<20480xbf16, #tpu.memory_space<vmem>>, vector<32xbf16>,
        tpu.vector_store %arg13[%swap3A_851], %pack3A_848 {strides = array<i32>} : memref<20480xbf16, #tpu.memory_space<vmem>>, vector<32xbf16>,
        %gather3A_853 = arith.constant 5120 : i32
        %gather3A_854 = tpu.memref_slice %arg9[%gather3A_853] : memref<20480xf32, #tpu.memory_space<vmem>> -> memref<2560xf32, #tpu.memory_space<vmem>>
        %gather3A_855 = tpu.vector_load_idx %gather3A_854[%add3A_815] : memref<2560xf32, #tpu.memory_space<vmem>>[vector<16xi32>], vector<16xf32>,
        %gather3A_856 = arith.constant 5120 : i32
        %gather3A_857 = tpu.memref_slice %arg9[%gather3A_856] : memref<20480xf32, #tpu.memory_space<vmem>> -> memref<2560xf32, #tpu.memory_space<vmem>>
        %gather3A_858 = tpu.vector_load_idx %gather3A_857[%add3A_817] : memref<2560xf32, #tpu.memory_space<vmem>>[vector<16xi32>], vector<16xf32>,
        %gather3A_859 = arith.constant 5120 : i32
        %gather3A_860 = tpu.memref_slice %arg11[%gather3A_859] : memref<20480xf32, #tpu.memory_space<vmem>> -> memref<2560xf32, #tpu.memory_space<vmem>>
        %gather3A_861 = tpu.vector_load_idx %gather3A_860[%add3A_815] : memref<2560xf32, #tpu.memory_space<vmem>>[vector<16xi32>], vector<16xf32>,
        %gather3A_862 = arith.constant 5120 : i32
        %gather3A_863 = tpu.memref_slice %arg11[%gather3A_862] : memref<20480xf32, #tpu.memory_space<vmem>> -> memref<2560xf32, #tpu.memory_space<vmem>>
        %gather3A_864 = tpu.vector_load_idx %gather3A_863[%add3A_817] : memref<2560xf32, #tpu.memory_space<vmem>>[vector<16xi32>], vector<16xf32>,
        %add3A_865 = arith.addf %gather3A_855, %gather3A_861 : vector<16xf32>
        %add3A_866 = arith.addf %gather3A_858, %gather3A_864 : vector<16xf32>
        %pack3A_867 = tpu.pack_subelements %add3A_865, %add3A_866 {pack_format = #tpu.pack_format<interleaved>, positions = array<i32: 0, 1>} : vector<16xf32>, vector<16xf32> -> vector<32xbf16>
        %add3A_868 = arith.constant 5120 : i32
        %add3A_869 = arith.addi %add3A_868, %mul3A_813 : i32
        %swap3A_870 = arith.index_cast %add3A_869 : i32 to index
        %swap3A_871 = tpu.vector_load %arg13[%swap3A_870] {strides = array<i32>} : memref<20480xbf16, #tpu.memory_space<vmem>>, vector<32xbf16>,
        tpu.vector_store %arg13[%swap3A_870], %pack3A_867 {strides = array<i32>} : memref<20480xbf16, #tpu.memory_space<vmem>>, vector<32xbf16>,
        %gather3A_872 = arith.constant 7680 : i32
        %gather3A_873 = tpu.memref_slice %arg9[%gather3A_872] : memref<20480xf32, #tpu.memory_space<vmem>> -> memref<2560xf32, #tpu.memory_space<vmem>>
        %gather3A_874 = tpu.vector_load_idx %gather3A_873[%add3A_815] : memref<2560xf32, #tpu.memory_space<vmem>>[vector<16xi32>], vector<16xf32>,
        %gather3A_875 = arith.constant 7680 : i32
        %gather3A_876 = tpu.memref_slice %arg9[%gather3A_875] : memref<20480xf32, #tpu.memory_space<vmem>> -> memref<2560xf32, #tpu.memory_space<vmem>>
        %gather3A_877 = tpu.vector_load_idx %gather3A_876[%add3A_817] : memref<2560xf32, #tpu.memory_space<vmem>>[vector<16xi32>], vector<16xf32>,
        %gather3A_878 = arith.constant 7680 : i32
        %gather3A_879 = tpu.memref_slice %arg11[%gather3A_878] : memref<20480xf32, #tpu.memory_space<vmem>> -> memref<2560xf32, #tpu.memory_space<vmem>>
        %gather3A_880 = tpu.vector_load_idx %gather3A_879[%add3A_815] : memref<2560xf32, #tpu.memory_space<vmem>>[vector<16xi32>], vector<16xf32>,
        %gather3A_881 = arith.constant 7680 : i32
        %gather3A_882 = tpu.memref_slice %arg11[%gather3A_881] : memref<20480xf32, #tpu.memory_space<vmem>> -> memref<2560xf32, #tpu.memory_space<vmem>>
        %gather3A_883 = tpu.vector_load_idx %gather3A_882[%add3A_817] : memref<2560xf32, #tpu.memory_space<vmem>>[vector<16xi32>], vector<16xf32>,
        %add3A_884 = arith.addf %gather3A_874, %gather3A_880 : vector<16xf32>
        %add3A_885 = arith.addf %gather3A_877, %gather3A_883 : vector<16xf32>
        %pack3A_886 = tpu.pack_subelements %add3A_884, %add3A_885 {pack_format = #tpu.pack_format<interleaved>, positions = array<i32: 0, 1>} : vector<16xf32>, vector<16xf32> -> vector<32xbf16>
        %add3A_887 = arith.constant 7680 : i32
        %add3A_888 = arith.addi %add3A_887, %mul3A_813 : i32
        %swap3A_889 = arith.index_cast %add3A_888 : i32 to index
        %swap3A_890 = tpu.vector_load %arg13[%swap3A_889] {strides = array<i32>} : memref<20480xbf16, #tpu.memory_space<vmem>>, vector<32xbf16>,
        tpu.vector_store %arg13[%swap3A_889], %pack3A_886 {strides = array<i32>} : memref<20480xbf16, #tpu.memory_space<vmem>>, vector<32xbf16>,
        %gather3A_891 = arith.constant 10240 : i32
        %gather3A_892 = tpu.memref_slice %arg9[%gather3A_891] : memref<20480xf32, #tpu.memory_space<vmem>> -> memref<2560xf32, #tpu.memory_space<vmem>>
        %gather3A_893 = tpu.vector_load_idx %gather3A_892[%add3A_815] : memref<2560xf32, #tpu.memory_space<vmem>>[vector<16xi32>], vector<16xf32>,
        %gather3A_894 = arith.constant 10240 : i32
        %gather3A_895 = tpu.memref_slice %arg9[%gather3A_894] : memref<20480xf32, #tpu.memory_space<vmem>> -> memref<2560xf32, #tpu.memory_space<vmem>>
        %gather3A_896 = tpu.vector_load_idx %gather3A_895[%add3A_817] : memref<2560xf32, #tpu.memory_space<vmem>>[vector<16xi32>], vector<16xf32>,
        %gather3A_897 = arith.constant 10240 : i32
        %gather3A_898 = tpu.memref_slice %arg11[%gather3A_897] : memref<20480xf32, #tpu.memory_space<vmem>> -> memref<2560xf32, #tpu.memory_space<vmem>>
        %gather3A_899 = tpu.vector_load_idx %gather3A_898[%add3A_815] : memref<2560xf32, #tpu.memory_space<vmem>>[vector<16xi32>], vector<16xf32>,
        %gather3A_900 = arith.constant 10240 : i32
        %gather3A_901 = tpu.memref_slice %arg11[%gather3A_900] : memref<20480xf32, #tpu.memory_space<vmem>> -> memref<2560xf32, #tpu.memory_space<vmem>>
        %gather3A_902 = tpu.vector_load_idx %gather3A_901[%add3A_817] : memref<2560xf32, #tpu.memory_space<vmem>>[vector<16xi32>], vector<16xf32>,
        %add3A_903 = arith.addf %gather3A_893, %gather3A_899 : vector<16xf32>
        %add3A_904 = arith.addf %gather3A_896, %gather3A_902 : vector<16xf32>
        %pack3A_905 = tpu.pack_subelements %add3A_903, %add3A_904 {pack_format = #tpu.pack_format<interleaved>, positions = array<i32: 0, 1>} : vector<16xf32>, vector<16xf32> -> vector<32xbf16>
        %add3A_906 = arith.constant 10240 : i32
        %add3A_907 = arith.addi %add3A_906, %mul3A_813 : i32
        %swap3A_908 = arith.index_cast %add3A_907 : i32 to index
        %swap3A_909 = tpu.vector_load %arg13[%swap3A_908] {strides = array<i32>} : memref<20480xbf16, #tpu.memory_space<vmem>>, vector<32xbf16>,
        tpu.vector_store %arg13[%swap3A_908], %pack3A_905 {strides = array<i32>} : memref<20480xbf16, #tpu.memory_space<vmem>>, vector<32xbf16>,
        %gather3A_910 = arith.constant 12800 : i32
        %gather3A_911 = tpu.memref_slice %arg9[%gather3A_910] : memref<20480xf32, #tpu.memory_space<vmem>> -> memref<2560xf32, #tpu.memory_space<vmem>>
        %gather3A_912 = tpu.vector_load_idx %gather3A_911[%add3A_815] : memref<2560xf32, #tpu.memory_space<vmem>>[vector<16xi32>], vector<16xf32>,
        %gather3A_913 = arith.constant 12800 : i32
        %gather3A_914 = tpu.memref_slice %arg9[%gather3A_913] : memref<20480xf32, #tpu.memory_space<vmem>> -> memref<2560xf32, #tpu.memory_space<vmem>>
        %gather3A_915 = tpu.vector_load_idx %gather3A_914[%add3A_817] : memref<2560xf32, #tpu.memory_space<vmem>>[vector<16xi32>], vector<16xf32>,
        %gather3A_916 = arith.constant 12800 : i32
        %gather3A_917 = tpu.memref_slice %arg11[%gather3A_916] : memref<20480xf32, #tpu.memory_space<vmem>> -> memref<2560xf32, #tpu.memory_space<vmem>>
        %gather3A_918 = tpu.vector_load_idx %gather3A_917[%add3A_815] : memref<2560xf32, #tpu.memory_space<vmem>>[vector<16xi32>], vector<16xf32>,
        %gather3A_919 = arith.constant 12800 : i32
        %gather3A_920 = tpu.memref_slice %arg11[%gather3A_919] : memref<20480xf32, #tpu.memory_space<vmem>> -> memref<2560xf32, #tpu.memory_space<vmem>>
        %gather3A_921 = tpu.vector_load_idx %gather3A_920[%add3A_817] : memref<2560xf32, #tpu.memory_space<vmem>>[vector<16xi32>], vector<16xf32>,
        %add3A_922 = arith.addf %gather3A_912, %gather3A_918 : vector<16xf32>
        %add3A_923 = arith.addf %gather3A_915, %gather3A_921 : vector<16xf32>
        %pack3A_924 = tpu.pack_subelements %add3A_922, %add3A_923 {pack_format = #tpu.pack_format<interleaved>, positions = array<i32: 0, 1>} : vector<16xf32>, vector<16xf32> -> vector<32xbf16>
        %add3A_925 = arith.constant 12800 : i32
        %add3A_926 = arith.addi %add3A_925, %mul3A_813 : i32
        %swap3A_927 = arith.index_cast %add3A_926 : i32 to index
        %swap3A_928 = tpu.vector_load %arg13[%swap3A_927] {strides = array<i32>} : memref<20480xbf16, #tpu.memory_space<vmem>>, vector<32xbf16>,
        tpu.vector_store %arg13[%swap3A_927], %pack3A_924 {strides = array<i32>} : memref<20480xbf16, #tpu.memory_space<vmem>>, vector<32xbf16>,
        %gather3A_929 = arith.constant 15360 : i32
        %gather3A_930 = tpu.memref_slice %arg9[%gather3A_929] : memref<20480xf32, #tpu.memory_space<vmem>> -> memref<2560xf32, #tpu.memory_space<vmem>>
        %gather3A_931 = tpu.vector_load_idx %gather3A_930[%add3A_815] : memref<2560xf32, #tpu.memory_space<vmem>>[vector<16xi32>], vector<16xf32>,
        %gather3A_932 = arith.constant 15360 : i32
        %gather3A_933 = tpu.memref_slice %arg9[%gather3A_932] : memref<20480xf32, #tpu.memory_space<vmem>> -> memref<2560xf32, #tpu.memory_space<vmem>>
        %gather3A_934 = tpu.vector_load_idx %gather3A_933[%add3A_817] : memref<2560xf32, #tpu.memory_space<vmem>>[vector<16xi32>], vector<16xf32>,
        %gather3A_935 = arith.constant 15360 : i32
        %gather3A_936 = tpu.memref_slice %arg11[%gather3A_935] : memref<20480xf32, #tpu.memory_space<vmem>> -> memref<2560xf32, #tpu.memory_space<vmem>>
        %gather3A_937 = tpu.vector_load_idx %gather3A_936[%add3A_815] : memref<2560xf32, #tpu.memory_space<vmem>>[vector<16xi32>], vector<16xf32>,
        %gather3A_938 = arith.constant 15360 : i32
        %gather3A_939 = tpu.memref_slice %arg11[%gather3A_938] : memref<20480xf32, #tpu.memory_space<vmem>> -> memref<2560xf32, #tpu.memory_space<vmem>>
        %gather3A_940 = tpu.vector_load_idx %gather3A_939[%add3A_817] : memref<2560xf32, #tpu.memory_space<vmem>>[vector<16xi32>], vector<16xf32>,
        %add3A_941 = arith.addf %gather3A_931, %gather3A_937 : vector<16xf32>
        %add3A_942 = arith.addf %gather3A_934, %gather3A_940 : vector<16xf32>
        %pack3A_943 = tpu.pack_subelements %add3A_941, %add3A_942 {pack_format = #tpu.pack_format<interleaved>, positions = array<i32: 0, 1>} : vector<16xf32>, vector<16xf32> -> vector<32xbf16>
        %add3A_944 = arith.constant 15360 : i32
        %add3A_945 = arith.addi %add3A_944, %mul3A_813 : i32
        %swap3A_946 = arith.index_cast %add3A_945 : i32 to index
        %swap3A_947 = tpu.vector_load %arg13[%swap3A_946] {strides = array<i32>} : memref<20480xbf16, #tpu.memory_space<vmem>>, vector<32xbf16>,
        tpu.vector_store %arg13[%swap3A_946], %pack3A_943 {strides = array<i32>} : memref<20480xbf16, #tpu.memory_space<vmem>>, vector<32xbf16>,
        %gather3A_948 = arith.constant 17920 : i32
        %gather3A_949 = tpu.memref_slice %arg9[%gather3A_948] : memref<20480xf32, #tpu.memory_space<vmem>> -> memref<2560xf32, #tpu.memory_space<vmem>>
        %gather3A_950 = tpu.vector_load_idx %gather3A_949[%add3A_815] : memref<2560xf32, #tpu.memory_space<vmem>>[vector<16xi32>], vector<16xf32>,
        %gather3A_951 = arith.constant 17920 : i32
        %gather3A_952 = tpu.memref_slice %arg9[%gather3A_951] : memref<20480xf32, #tpu.memory_space<vmem>> -> memref<2560xf32, #tpu.memory_space<vmem>>
        %gather3A_953 = tpu.vector_load_idx %gather3A_952[%add3A_817] : memref<2560xf32, #tpu.memory_space<vmem>>[vector<16xi32>], vector<16xf32>,
        %gather3A_954 = arith.constant 17920 : i32
        %gather3A_955 = tpu.memref_slice %arg11[%gather3A_954] : memref<20480xf32, #tpu.memory_space<vmem>> -> memref<2560xf32, #tpu.memory_space<vmem>>
        %gather3A_956 = tpu.vector_load_idx %gather3A_955[%add3A_815] : memref<2560xf32, #tpu.memory_space<vmem>>[vector<16xi32>], vector<16xf32>,
        %gather3A_957 = arith.constant 17920 : i32
        %gather3A_958 = tpu.memref_slice %arg11[%gather3A_957] : memref<20480xf32, #tpu.memory_space<vmem>> -> memref<2560xf32, #tpu.memory_space<vmem>>
        %gather3A_959 = tpu.vector_load_idx %gather3A_958[%add3A_817] : memref<2560xf32, #tpu.memory_space<vmem>>[vector<16xi32>], vector<16xf32>,
        %add3A_960 = arith.addf %gather3A_950, %gather3A_956 : vector<16xf32>
        %add3A_961 = arith.addf %gather3A_953, %gather3A_959 : vector<16xf32>
        %pack3A_962 = tpu.pack_subelements %add3A_960, %add3A_961 {pack_format = #tpu.pack_format<interleaved>, positions = array<i32: 0, 1>} : vector<16xf32>, vector<16xf32> -> vector<32xbf16>
        %add3A_963 = arith.constant 17920 : i32
        %add3A_964 = arith.addi %add3A_963, %mul3A_813 : i32
        %swap3A_965 = arith.index_cast %add3A_964 : i32 to index
        %swap3A_966 = tpu.vector_load %arg13[%swap3A_965] {strides = array<i32>} : memref<20480xbf16, #tpu.memory_space<vmem>>, vector<32xbf16>,
        tpu.vector_store %arg13[%swap3A_965], %pack3A_962 {strides = array<i32>} : memref<20480xbf16, #tpu.memory_space<vmem>>, vector<32xbf16>,
        %scan3A_967 = arith.constant 1 : i32
        %scan3A_968 = arith.addi %scan3A_811, %scan3A_967 : i32
        %mul3A_969 = arith.constant 32 : i32
        %mul3A_970 = arith.muli %scan3A_968, %mul3A_969 : i32
        %add3A_971 = vector.broadcast %mul3A_970 : i32 to vector<16xi32>
        %add3A_972 = arith.addi %add3A_971, %mul3A_5 : vector<16xi32>
        %add3A_973 = vector.broadcast %mul3A_970 : i32 to vector<16xi32>
        %add3A_974 = arith.addi %add3A_973, %add3A_8 : vector<16xi32>
        %gather3A_975 = arith.constant 0 : i32
        %gather3A_976 = tpu.memref_slice %arg9[%gather3A_975] : memref<20480xf32, #tpu.memory_space<vmem>> -> memref<2560xf32, #tpu.memory_space<vmem>>
        %gather3A_977 = tpu.vector_load_idx %gather3A_976[%add3A_972] : memref<2560xf32, #tpu.memory_space<vmem>>[vector<16xi32>], vector<16xf32>,
        %gather3A_978 = arith.constant 0 : i32
        %gather3A_979 = tpu.memref_slice %arg9[%gather3A_978] : memref<20480xf32, #tpu.memory_space<vmem>> -> memref<2560xf32, #tpu.memory_space<vmem>>
        %gather3A_980 = tpu.vector_load_idx %gather3A_979[%add3A_974] : memref<2560xf32, #tpu.memory_space<vmem>>[vector<16xi32>], vector<16xf32>,
        %gather3A_981 = arith.constant 0 : i32
        %gather3A_982 = tpu.memref_slice %arg11[%gather3A_981] : memref<20480xf32, #tpu.memory_space<vmem>> -> memref<2560xf32, #tpu.memory_space<vmem>>
        %gather3A_983 = tpu.vector_load_idx %gather3A_982[%add3A_972] : memref<2560xf32, #tpu.memory_space<vmem>>[vector<16xi32>], vector<16xf32>,
        %gather3A_984 = arith.constant 0 : i32
        %gather3A_985 = tpu.memref_slice %arg11[%gather3A_984] : memref<20480xf32, #tpu.memory_space<vmem>> -> memref<2560xf32, #tpu.memory_space<vmem>>
        %gather3A_986 = tpu.vector_load_idx %gather3A_985[%add3A_974] : memref<2560xf32, #tpu.memory_space<vmem>>[vector<16xi32>], vector<16xf32>,
        %add3A_987 = arith.addf %gather3A_977, %gather3A_983 : vector<16xf32>
        %add3A_988 = arith.addf %gather3A_980, %gather3A_986 : vector<16xf32>
        %pack3A_989 = tpu.pack_subelements %add3A_987, %add3A_988 {pack_format = #tpu.pack_format<interleaved>, positions = array<i32: 0, 1>} : vector<16xf32>, vector<16xf32> -> vector<32xbf16>
        %add3A_990 = arith.constant 0 : i32
        %add3A_991 = arith.addi %add3A_990, %mul3A_970 : i32
        %swap3A_992 = arith.index_cast %add3A_991 : i32 to index
        %swap3A_993 = tpu.vector_load %arg13[%swap3A_992] {strides = array<i32>} : memref<20480xbf16, #tpu.memory_space<vmem>>, vector<32xbf16>,
        tpu.vector_store %arg13[%swap3A_992], %pack3A_989 {strides = array<i32>} : memref<20480xbf16, #tpu.memory_space<vmem>>, vector<32xbf16>,
        %gather3A_994 = arith.constant 2560 : i32
        %gather3A_995 = tpu.memref_slice %arg9[%gather3A_994] : memref<20480xf32, #tpu.memory_space<vmem>> -> memref<2560xf32, #tpu.memory_space<vmem>>
        %gather3A_996 = tpu.vector_load_idx %gather3A_995[%add3A_972] : memref<2560xf32, #tpu.memory_space<vmem>>[vector<16xi32>], vector<16xf32>,
        %gather3A_997 = arith.constant 2560 : i32
        %gather3A_998 = tpu.memref_slice %arg9[%gather3A_997] : memref<20480xf32, #tpu.memory_space<vmem>> -> memref<2560xf32, #tpu.memory_space<vmem>>
        %gather3A_999 = tpu.vector_load_idx %gather3A_998[%add3A_974] : memref<2560xf32, #tpu.memory_space<vmem>>[vector<16xi32>], vector<16xf32>,
        %gather3A_1000 = arith.constant 2560 : i32
        %gather3A_1001 = tpu.memref_slice %arg11[%gather3A_1000] : memref<20480xf32, #tpu.memory_space<vmem>> -> memref<2560xf32, #tpu.memory_space<vmem>>
        %gather3A_1002 = tpu.vector_load_idx %gather3A_1001[%add3A_972] : memref<2560xf32, #tpu.memory_space<vmem>>[vector<16xi32>], vector<16xf32>,
        %gather3A_1003 = arith.constant 2560 : i32
        %gather3A_1004 = tpu.memref_slice %arg11[%gather3A_1003] : memref<20480xf32, #tpu.memory_space<vmem>> -> memref<2560xf32, #tpu.memory_space<vmem>>
        %gather3A_1005 = tpu.vector_load_idx %gather3A_1004[%add3A_974] : memref<2560xf32, #tpu.memory_space<vmem>>[vector<16xi32>], vector<16xf32>,
        %add3A_1006 = arith.addf %gather3A_996, %gather3A_1002 : vector<16xf32>
        %add3A_1007 = arith.addf %gather3A_999, %gather3A_1005 : vector<16xf32>
        %pack3A_1008 = tpu.pack_subelements %add3A_1006, %add3A_1007 {pack_format = #tpu.pack_format<interleaved>, positions = array<i32: 0, 1>} : vector<16xf32>, vector<16xf32> -> vector<32xbf16>
        %add3A_1009 = arith.constant 2560 : i32
        %add3A_1010 = arith.addi %add3A_1009, %mul3A_970 : i32
        %swap3A_1011 = arith.index_cast %add3A_1010 : i32 to index
        %swap3A_1012 = tpu.vector_load %arg13[%swap3A_1011] {strides = array<i32>} : memref<20480xbf16, #tpu.memory_space<vmem>>, vector<32xbf16>,
        tpu.vector_store %arg13[%swap3A_1011], %pack3A_1008 {strides = array<i32>} : memref<20480xbf16, #tpu.memory_space<vmem>>, vector<32xbf16>,
        %gather3A_1013 = arith.constant 5120 : i32
        %gather3A_1014 = tpu.memref_slice %arg9[%gather3A_1013] : memref<20480xf32, #tpu.memory_space<vmem>> -> memref<2560xf32, #tpu.memory_space<vmem>>
        %gather3A_1015 = tpu.vector_load_idx %gather3A_1014[%add3A_972] : memref<2560xf32, #tpu.memory_space<vmem>>[vector<16xi32>], vector<16xf32>,
        %gather3A_1016 = arith.constant 5120 : i32
        %gather3A_1017 = tpu.memref_slice %arg9[%gather3A_1016] : memref<20480xf32, #tpu.memory_space<vmem>> -> memref<2560xf32, #tpu.memory_space<vmem>>
        %gather3A_1018 = tpu.vector_load_idx %gather3A_1017[%add3A_974] : memref<2560xf32, #tpu.memory_space<vmem>>[vector<16xi32>], vector<16xf32>,
        %gather3A_1019 = arith.constant 5120 : i32
        %gather3A_1020 = tpu.memref_slice %arg11[%gather3A_1019] : memref<20480xf32, #tpu.memory_space<vmem>> -> memref<2560xf32, #tpu.memory_space<vmem>>
        %gather3A_1021 = tpu.vector_load_idx %gather3A_1020[%add3A_972] : memref<2560xf32, #tpu.memory_space<vmem>>[vector<16xi32>], vector<16xf32>,
        %gather3A_1022 = arith.constant 5120 : i32
        %gather3A_1023 = tpu.memref_slice %arg11[%gather3A_1022] : memref<20480xf32, #tpu.memory_space<vmem>> -> memref<2560xf32, #tpu.memory_space<vmem>>
        %gather3A_1024 = tpu.vector_load_idx %gather3A_1023[%add3A_974] : memref<2560xf32, #tpu.memory_space<vmem>>[vector<16xi32>], vector<16xf32>,
        %add3A_1025 = arith.addf %gather3A_1015, %gather3A_1021 : vector<16xf32>
        %add3A_1026 = arith.addf %gather3A_1018, %gather3A_1024 : vector<16xf32>
        %pack3A_1027 = tpu.pack_subelements %add3A_1025, %add3A_1026 {pack_format = #tpu.pack_format<interleaved>, positions = array<i32: 0, 1>} : vector<16xf32>, vector<16xf32> -> vector<32xbf16>
        %add3A_1028 = arith.constant 5120 : i32
        %add3A_1029 = arith.addi %add3A_1028, %mul3A_970 : i32
        %swap3A_1030 = arith.index_cast %add3A_1029 : i32 to index
        %swap3A_1031 = tpu.vector_load %arg13[%swap3A_1030] {strides = array<i32>} : memref<20480xbf16, #tpu.memory_space<vmem>>, vector<32xbf16>,
        tpu.vector_store %arg13[%swap3A_1030], %pack3A_1027 {strides = array<i32>} : memref<20480xbf16, #tpu.memory_space<vmem>>, vector<32xbf16>,
        %gather3A_1032 = arith.constant 7680 : i32
        %gather3A_1033 = tpu.memref_slice %arg9[%gather3A_1032] : memref<20480xf32, #tpu.memory_space<vmem>> -> memref<2560xf32, #tpu.memory_space<vmem>>
        %gather3A_1034 = tpu.vector_load_idx %gather3A_1033[%add3A_972] : memref<2560xf32, #tpu.memory_space<vmem>>[vector<16xi32>], vector<16xf32>,
        %gather3A_1035 = arith.constant 7680 : i32
        %gather3A_1036 = tpu.memref_slice %arg9[%gather3A_1035] : memref<20480xf32, #tpu.memory_space<vmem>> -> memref<2560xf32, #tpu.memory_space<vmem>>
        %gather3A_1037 = tpu.vector_load_idx %gather3A_1036[%add3A_974] : memref<2560xf32, #tpu.memory_space<vmem>>[vector<16xi32>], vector<16xf32>,
        %gather3A_1038 = arith.constant 7680 : i32
        %gather3A_1039 = tpu.memref_slice %arg11[%gather3A_1038] : memref<20480xf32, #tpu.memory_space<vmem>> -> memref<2560xf32, #tpu.memory_space<vmem>>
        %gather3A_1040 = tpu.vector_load_idx %gather3A_1039[%add3A_972] : memref<2560xf32, #tpu.memory_space<vmem>>[vector<16xi32>], vector<16xf32>,
        %gather3A_1041 = arith.constant 7680 : i32
        %gather3A_1042 = tpu.memref_slice %arg11[%gather3A_1041] : memref<20480xf32, #tpu.memory_space<vmem>> -> memref<2560xf32, #tpu.memory_space<vmem>>
        %gather3A_1043 = tpu.vector_load_idx %gather3A_1042[%add3A_974] : memref<2560xf32, #tpu.memory_space<vmem>>[vector<16xi32>], vector<16xf32>,
        %add3A_1044 = arith.addf %gather3A_1034, %gather3A_1040 : vector<16xf32>
        %add3A_1045 = arith.addf %gather3A_1037, %gather3A_1043 : vector<16xf32>
        %pack3A_1046 = tpu.pack_subelements %add3A_1044, %add3A_1045 {pack_format = #tpu.pack_format<interleaved>, positions = array<i32: 0, 1>} : vector<16xf32>, vector<16xf32> -> vector<32xbf16>
        %add3A_1047 = arith.constant 7680 : i32
        %add3A_1048 = arith.addi %add3A_1047, %mul3A_970 : i32
        %swap3A_1049 = arith.index_cast %add3A_1048 : i32 to index
        %swap3A_1050 = tpu.vector_load %arg13[%swap3A_1049] {strides = array<i32>} : memref<20480xbf16, #tpu.memory_space<vmem>>, vector<32xbf16>,
        tpu.vector_store %arg13[%swap3A_1049], %pack3A_1046 {strides = array<i32>} : memref<20480xbf16, #tpu.memory_space<vmem>>, vector<32xbf16>,
        %gather3A_1051 = arith.constant 10240 : i32
        %gather3A_1052 = tpu.memref_slice %arg9[%gather3A_1051] : memref<20480xf32, #tpu.memory_space<vmem>> -> memref<2560xf32, #tpu.memory_space<vmem>>
        %gather3A_1053 = tpu.vector_load_idx %gather3A_1052[%add3A_972] : memref<2560xf32, #tpu.memory_space<vmem>>[vector<16xi32>], vector<16xf32>,
        %gather3A_1054 = arith.constant 10240 : i32
        %gather3A_1055 = tpu.memref_slice %arg9[%gather3A_1054] : memref<20480xf32, #tpu.memory_space<vmem>> -> memref<2560xf32, #tpu.memory_space<vmem>>
        %gather3A_1056 = tpu.vector_load_idx %gather3A_1055[%add3A_974] : memref<2560xf32, #tpu.memory_space<vmem>>[vector<16xi32>], vector<16xf32>,
        %gather3A_1057 = arith.constant 10240 : i32
        %gather3A_1058 = tpu.memref_slice %arg11[%gather3A_1057] : memref<20480xf32, #tpu.memory_space<vmem>> -> memref<2560xf32, #tpu.memory_space<vmem>>
        %gather3A_1059 = tpu.vector_load_idx %gather3A_1058[%add3A_972] : memref<2560xf32, #tpu.memory_space<vmem>>[vector<16xi32>], vector<16xf32>,
        %gather3A_1060 = arith.constant 10240 : i32
        %gather3A_1061 = tpu.memref_slice %arg11[%gather3A_1060] : memref<20480xf32, #tpu.memory_space<vmem>> -> memref<2560xf32, #tpu.memory_space<vmem>>
        %gather3A_1062 = tpu.vector_load_idx %gather3A_1061[%add3A_974] : memref<2560xf32, #tpu.memory_space<vmem>>[vector<16xi32>], vector<16xf32>,
        %add3A_1063 = arith.addf %gather3A_1053, %gather3A_1059 : vector<16xf32>
        %add3A_1064 = arith.addf %gather3A_1056, %gather3A_1062 : vector<16xf32>
        %pack3A_1065 = tpu.pack_subelements %add3A_1063, %add3A_1064 {pack_format = #tpu.pack_format<interleaved>, positions = array<i32: 0, 1>} : vector<16xf32>, vector<16xf32> -> vector<32xbf16>
        %add3A_1066 = arith.constant 10240 : i32
        %add3A_1067 = arith.addi %add3A_1066, %mul3A_970 : i32
        %swap3A_1068 = arith.index_cast %add3A_1067 : i32 to index
        %swap3A_1069 = tpu.vector_load %arg13[%swap3A_1068] {strides = array<i32>} : memref<20480xbf16, #tpu.memory_space<vmem>>, vector<32xbf16>,
        tpu.vector_store %arg13[%swap3A_1068], %pack3A_1065 {strides = array<i32>} : memref<20480xbf16, #tpu.memory_space<vmem>>, vector<32xbf16>,
        %gather3A_1070 = arith.constant 12800 : i32
        %gather3A_1071 = tpu.memref_slice %arg9[%gather3A_1070] : memref<20480xf32, #tpu.memory_space<vmem>> -> memref<2560xf32, #tpu.memory_space<vmem>>
        %gather3A_1072 = tpu.vector_load_idx %gather3A_1071[%add3A_972] : memref<2560xf32, #tpu.memory_space<vmem>>[vector<16xi32>], vector<16xf32>,
        %gather3A_1073 = arith.constant 12800 : i32
        %gather3A_1074 = tpu.memref_slice %arg9[%gather3A_1073] : memref<20480xf32, #tpu.memory_space<vmem>> -> memref<2560xf32, #tpu.memory_space<vmem>>
        %gather3A_1075 = tpu.vector_load_idx %gather3A_1074[%add3A_974] : memref<2560xf32, #tpu.memory_space<vmem>>[vector<16xi32>], vector<16xf32>,
        %gather3A_1076 = arith.constant 12800 : i32
        %gather3A_1077 = tpu.memref_slice %arg11[%gather3A_1076] : memref<20480xf32, #tpu.memory_space<vmem>> -> memref<2560xf32, #tpu.memory_space<vmem>>
        %gather3A_1078 = tpu.vector_load_idx %gather3A_1077[%add3A_972] : memref<2560xf32, #tpu.memory_space<vmem>>[vector<16xi32>], vector<16xf32>,
        %gather3A_1079 = arith.constant 12800 : i32
        %gather3A_1080 = tpu.memref_slice %arg11[%gather3A_1079] : memref<20480xf32, #tpu.memory_space<vmem>> -> memref<2560xf32, #tpu.memory_space<vmem>>
        %gather3A_1081 = tpu.vector_load_idx %gather3A_1080[%add3A_974] : memref<2560xf32, #tpu.memory_space<vmem>>[vector<16xi32>], vector<16xf32>,
        %add3A_1082 = arith.addf %gather3A_1072, %gather3A_1078 : vector<16xf32>
        %add3A_1083 = arith.addf %gather3A_1075, %gather3A_1081 : vector<16xf32>
        %pack3A_1084 = tpu.pack_subelements %add3A_1082, %add3A_1083 {pack_format = #tpu.pack_format<interleaved>, positions = array<i32: 0, 1>} : vector<16xf32>, vector<16xf32> -> vector<32xbf16>
        %add3A_1085 = arith.constant 12800 : i32
        %add3A_1086 = arith.addi %add3A_1085, %mul3A_970 : i32
        %swap3A_1087 = arith.index_cast %add3A_1086 : i32 to index
        %swap3A_1088 = tpu.vector_load %arg13[%swap3A_1087] {strides = array<i32>} : memref<20480xbf16, #tpu.memory_space<vmem>>, vector<32xbf16>,
        tpu.vector_store %arg13[%swap3A_1087], %pack3A_1084 {strides = array<i32>} : memref<20480xbf16, #tpu.memory_space<vmem>>, vector<32xbf16>,
        %gather3A_1089 = arith.constant 15360 : i32
        %gather3A_1090 = tpu.memref_slice %arg9[%gather3A_1089] : memref<20480xf32, #tpu.memory_space<vmem>> -> memref<2560xf32, #tpu.memory_space<vmem>>
        %gather3A_1091 = tpu.vector_load_idx %gather3A_1090[%add3A_972] : memref<2560xf32, #tpu.memory_space<vmem>>[vector<16xi32>], vector<16xf32>,
        %gather3A_1092 = arith.constant 15360 : i32
        %gather3A_1093 = tpu.memref_slice %arg9[%gather3A_1092] : memref<20480xf32, #tpu.memory_space<vmem>> -> memref<2560xf32, #tpu.memory_space<vmem>>
        %gather3A_1094 = tpu.vector_load_idx %gather3A_1093[%add3A_974] : memref<2560xf32, #tpu.memory_space<vmem>>[vector<16xi32>], vector<16xf32>,
        %gather3A_1095 = arith.constant 15360 : i32
        %gather3A_1096 = tpu.memref_slice %arg11[%gather3A_1095] : memref<20480xf32, #tpu.memory_space<vmem>> -> memref<2560xf32, #tpu.memory_space<vmem>>
        %gather3A_1097 = tpu.vector_load_idx %gather3A_1096[%add3A_972] : memref<2560xf32, #tpu.memory_space<vmem>>[vector<16xi32>], vector<16xf32>,
        %gather3A_1098 = arith.constant 15360 : i32
        %gather3A_1099 = tpu.memref_slice %arg11[%gather3A_1098] : memref<20480xf32, #tpu.memory_space<vmem>> -> memref<2560xf32, #tpu.memory_space<vmem>>
        %gather3A_1100 = tpu.vector_load_idx %gather3A_1099[%add3A_974] : memref<2560xf32, #tpu.memory_space<vmem>>[vector<16xi32>], vector<16xf32>,
        %add3A_1101 = arith.addf %gather3A_1091, %gather3A_1097 : vector<16xf32>
        %add3A_1102 = arith.addf %gather3A_1094, %gather3A_1100 : vector<16xf32>
        %pack3A_1103 = tpu.pack_subelements %add3A_1101, %add3A_1102 {pack_format = #tpu.pack_format<interleaved>, positions = array<i32: 0, 1>} : vector<16xf32>, vector<16xf32> -> vector<32xbf16>
        %add3A_1104 = arith.constant 15360 : i32
        %add3A_1105 = arith.addi %add3A_1104, %mul3A_970 : i32
        %swap3A_1106 = arith.index_cast %add3A_1105 : i32 to index
        %swap3A_1107 = tpu.vector_load %arg13[%swap3A_1106] {strides = array<i32>} : memref<20480xbf16, #tpu.memory_space<vmem>>, vector<32xbf16>,
        tpu.vector_store %arg13[%swap3A_1106], %pack3A_1103 {strides = array<i32>} : memref<20480xbf16, #tpu.memory_space<vmem>>, vector<32xbf16>,
        %gather3A_1108 = arith.constant 17920 : i32
        %gather3A_1109 = tpu.memref_slice %arg9[%gather3A_1108] : memref<20480xf32, #tpu.memory_space<vmem>> -> memref<2560xf32, #tpu.memory_space<vmem>>
        %gather3A_1110 = tpu.vector_load_idx %gather3A_1109[%add3A_972] : memref<2560xf32, #tpu.memory_space<vmem>>[vector<16xi32>], vector<16xf32>,
        %gather3A_1111 = arith.constant 17920 : i32
        %gather3A_1112 = tpu.memref_slice %arg9[%gather3A_1111] : memref<20480xf32, #tpu.memory_space<vmem>> -> memref<2560xf32, #tpu.memory_space<vmem>>
        %gather3A_1113 = tpu.vector_load_idx %gather3A_1112[%add3A_974] : memref<2560xf32, #tpu.memory_space<vmem>>[vector<16xi32>], vector<16xf32>,
        %gather3A_1114 = arith.constant 17920 : i32
        %gather3A_1115 = tpu.memref_slice %arg11[%gather3A_1114] : memref<20480xf32, #tpu.memory_space<vmem>> -> memref<2560xf32, #tpu.memory_space<vmem>>
        %gather3A_1116 = tpu.vector_load_idx %gather3A_1115[%add3A_972] : memref<2560xf32, #tpu.memory_space<vmem>>[vector<16xi32>], vector<16xf32>,
        %gather3A_1117 = arith.constant 17920 : i32
        %gather3A_1118 = tpu.memref_slice %arg11[%gather3A_1117] : memref<20480xf32, #tpu.memory_space<vmem>> -> memref<2560xf32, #tpu.memory_space<vmem>>
        %gather3A_1119 = tpu.vector_load_idx %gather3A_1118[%add3A_974] : memref<2560xf32, #tpu.memory_space<vmem>>[vector<16xi32>], vector<16xf32>,
        %add3A_1120 = arith.addf %gather3A_1110, %gather3A_1116 : vector<16xf32>
        %add3A_1121 = arith.addf %gather3A_1113, %gather3A_1119 : vector<16xf32>
        %pack3A_1122 = tpu.pack_subelements %add3A_1120, %add3A_1121 {pack_format = #tpu.pack_format<interleaved>, positions = array<i32: 0, 1>} : vector<16xf32>, vector<16xf32> -> vector<32xbf16>
        %add3A_1123 = arith.constant 17920 : i32
        %add3A_1124 = arith.addi %add3A_1123, %mul3A_970 : i32
        %swap3A_1125 = arith.index_cast %add3A_1124 : i32 to index
        %swap3A_1126 = tpu.vector_load %arg13[%swap3A_1125] {strides = array<i32>} : memref<20480xbf16, #tpu.memory_space<vmem>>, vector<32xbf16>,
        tpu.vector_store %arg13[%swap3A_1125], %pack3A_1122 {strides = array<i32>} : memref<20480xbf16, #tpu.memory_space<vmem>>, vector<32xbf16>,
        %scan3A_1127 = arith.constant 2 : i32
        %scan3A_1128 = arith.addi %scan3A_811, %scan3A_1127 : i32
        %mul3A_1129 = arith.constant 32 : i32
        %mul3A_1130 = arith.muli %scan3A_1128, %mul3A_1129 : i32
        %add3A_1131 = vector.broadcast %mul3A_1130 : i32 to vector<16xi32>
        %add3A_1132 = arith.addi %add3A_1131, %mul3A_5 : vector<16xi32>
        %add3A_1133 = vector.broadcast %mul3A_1130 : i32 to vector<16xi32>
        %add3A_1134 = arith.addi %add3A_1133, %add3A_8 : vector<16xi32>
        %gather3A_1135 = arith.constant 0 : i32
        %gather3A_1136 = tpu.memref_slice %arg9[%gather3A_1135] : memref<20480xf32, #tpu.memory_space<vmem>> -> memref<2560xf32, #tpu.memory_space<vmem>>
        %gather3A_1137 = tpu.vector_load_idx %gather3A_1136[%add3A_1132] : memref<2560xf32, #tpu.memory_space<vmem>>[vector<16xi32>], vector<16xf32>,
        %gather3A_1138 = arith.constant 0 : i32
        %gather3A_1139 = tpu.memref_slice %arg9[%gather3A_1138] : memref<20480xf32, #tpu.memory_space<vmem>> -> memref<2560xf32, #tpu.memory_space<vmem>>
        %gather3A_1140 = tpu.vector_load_idx %gather3A_1139[%add3A_1134] : memref<2560xf32, #tpu.memory_space<vmem>>[vector<16xi32>], vector<16xf32>,
        %gather3A_1141 = arith.constant 0 : i32
        %gather3A_1142 = tpu.memref_slice %arg11[%gather3A_1141] : memref<20480xf32, #tpu.memory_space<vmem>> -> memref<2560xf32, #tpu.memory_space<vmem>>
        %gather3A_1143 = tpu.vector_load_idx %gather3A_1142[%add3A_1132] : memref<2560xf32, #tpu.memory_space<vmem>>[vector<16xi32>], vector<16xf32>,
        %gather3A_1144 = arith.constant 0 : i32
        %gather3A_1145 = tpu.memref_slice %arg11[%gather3A_1144] : memref<20480xf32, #tpu.memory_space<vmem>> -> memref<2560xf32, #tpu.memory_space<vmem>>
        %gather3A_1146 = tpu.vector_load_idx %gather3A_1145[%add3A_1134] : memref<2560xf32, #tpu.memory_space<vmem>>[vector<16xi32>], vector<16xf32>,
        %add3A_1147 = arith.addf %gather3A_1137, %gather3A_1143 : vector<16xf32>
        %add3A_1148 = arith.addf %gather3A_1140, %gather3A_1146 : vector<16xf32>
        %pack3A_1149 = tpu.pack_subelements %add3A_1147, %add3A_1148 {pack_format = #tpu.pack_format<interleaved>, positions = array<i32: 0, 1>} : vector<16xf32>, vector<16xf32> -> vector<32xbf16>
        %add3A_1150 = arith.constant 0 : i32
        %add3A_1151 = arith.addi %add3A_1150, %mul3A_1130 : i32
        %swap3A_1152 = arith.index_cast %add3A_1151 : i32 to index
        %swap3A_1153 = tpu.vector_load %arg13[%swap3A_1152] {strides = array<i32>} : memref<20480xbf16, #tpu.memory_space<vmem>>, vector<32xbf16>,
        tpu.vector_store %arg13[%swap3A_1152], %pack3A_1149 {strides = array<i32>} : memref<20480xbf16, #tpu.memory_space<vmem>>, vector<32xbf16>,
        %gather3A_1154 = arith.constant 2560 : i32
        %gather3A_1155 = tpu.memref_slice %arg9[%gather3A_1154] : memref<20480xf32, #tpu.memory_space<vmem>> -> memref<2560xf32, #tpu.memory_space<vmem>>
        %gather3A_1156 = tpu.vector_load_idx %gather3A_1155[%add3A_1132] : memref<2560xf32, #tpu.memory_space<vmem>>[vector<16xi32>], vector<16xf32>,
        %gather3A_1157 = arith.constant 2560 : i32
        %gather3A_1158 = tpu.memref_slice %arg9[%gather3A_1157] : memref<20480xf32, #tpu.memory_space<vmem>> -> memref<2560xf32, #tpu.memory_space<vmem>>
        %gather3A_1159 = tpu.vector_load_idx %gather3A_1158[%add3A_1134] : memref<2560xf32, #tpu.memory_space<vmem>>[vector<16xi32>], vector<16xf32>,
        %gather3A_1160 = arith.constant 2560 : i32
        %gather3A_1161 = tpu.memref_slice %arg11[%gather3A_1160] : memref<20480xf32, #tpu.memory_space<vmem>> -> memref<2560xf32, #tpu.memory_space<vmem>>
        %gather3A_1162 = tpu.vector_load_idx %gather3A_1161[%add3A_1132] : memref<2560xf32, #tpu.memory_space<vmem>>[vector<16xi32>], vector<16xf32>,
        %gather3A_1163 = arith.constant 2560 : i32
        %gather3A_1164 = tpu.memref_slice %arg11[%gather3A_1163] : memref<20480xf32, #tpu.memory_space<vmem>> -> memref<2560xf32, #tpu.memory_space<vmem>>
        %gather3A_1165 = tpu.vector_load_idx %gather3A_1164[%add3A_1134] : memref<2560xf32, #tpu.memory_space<vmem>>[vector<16xi32>], vector<16xf32>,
        %add3A_1166 = arith.addf %gather3A_1156, %gather3A_1162 : vector<16xf32>
        %add3A_1167 = arith.addf %gather3A_1159, %gather3A_1165 : vector<16xf32>
        %pack3A_1168 = tpu.pack_subelements %add3A_1166, %add3A_1167 {pack_format = #tpu.pack_format<interleaved>, positions = array<i32: 0, 1>} : vector<16xf32>, vector<16xf32> -> vector<32xbf16>
        %add3A_1169 = arith.constant 2560 : i32
        %add3A_1170 = arith.addi %add3A_1169, %mul3A_1130 : i32
        %swap3A_1171 = arith.index_cast %add3A_1170 : i32 to index
        %swap3A_1172 = tpu.vector_load %arg13[%swap3A_1171] {strides = array<i32>} : memref<20480xbf16, #tpu.memory_space<vmem>>, vector<32xbf16>,
        tpu.vector_store %arg13[%swap3A_1171], %pack3A_1168 {strides = array<i32>} : memref<20480xbf16, #tpu.memory_space<vmem>>, vector<32xbf16>,
        %gather3A_1173 = arith.constant 5120 : i32
        %gather3A_1174 = tpu.memref_slice %arg9[%gather3A_1173] : memref<20480xf32, #tpu.memory_space<vmem>> -> memref<2560xf32, #tpu.memory_space<vmem>>
        %gather3A_1175 = tpu.vector_load_idx %gather3A_1174[%add3A_1132] : memref<2560xf32, #tpu.memory_space<vmem>>[vector<16xi32>], vector<16xf32>,
        %gather3A_1176 = arith.constant 5120 : i32
        %gather3A_1177 = tpu.memref_slice %arg9[%gather3A_1176] : memref<20480xf32, #tpu.memory_space<vmem>> -> memref<2560xf32, #tpu.memory_space<vmem>>
        %gather3A_1178 = tpu.vector_load_idx %gather3A_1177[%add3A_1134] : memref<2560xf32, #tpu.memory_space<vmem>>[vector<16xi32>], vector<16xf32>,
        %gather3A_1179 = arith.constant 5120 : i32
        %gather3A_1180 = tpu.memref_slice %arg11[%gather3A_1179] : memref<20480xf32, #tpu.memory_space<vmem>> -> memref<2560xf32, #tpu.memory_space<vmem>>
        %gather3A_1181 = tpu.vector_load_idx %gather3A_1180[%add3A_1132] : memref<2560xf32, #tpu.memory_space<vmem>>[vector<16xi32>], vector<16xf32>,
        %gather3A_1182 = arith.constant 5120 : i32
        %gather3A_1183 = tpu.memref_slice %arg11[%gather3A_1182] : memref<20480xf32, #tpu.memory_space<vmem>> -> memref<2560xf32, #tpu.memory_space<vmem>>
        %gather3A_1184 = tpu.vector_load_idx %gather3A_1183[%add3A_1134] : memref<2560xf32, #tpu.memory_space<vmem>>[vector<16xi32>], vector<16xf32>,
        %add3A_1185 = arith.addf %gather3A_1175, %gather3A_1181 : vector<16xf32>
        %add3A_1186 = arith.addf %gather3A_1178, %gather3A_1184 : vector<16xf32>
        %pack3A_1187 = tpu.pack_subelements %add3A_1185, %add3A_1186 {pack_format = #tpu.pack_format<interleaved>, positions = array<i32: 0, 1>} : vector<16xf32>, vector<16xf32> -> vector<32xbf16>
        %add3A_1188 = arith.constant 5120 : i32
        %add3A_1189 = arith.addi %add3A_1188, %mul3A_1130 : i32
        %swap3A_1190 = arith.index_cast %add3A_1189 : i32 to index
        %swap3A_1191 = tpu.vector_load %arg13[%swap3A_1190] {strides = array<i32>} : memref<20480xbf16, #tpu.memory_space<vmem>>, vector<32xbf16>,
        tpu.vector_store %arg13[%swap3A_1190], %pack3A_1187 {strides = array<i32>} : memref<20480xbf16, #tpu.memory_space<vmem>>, vector<32xbf16>,
        %gather3A_1192 = arith.constant 7680 : i32
        %gather3A_1193 = tpu.memref_slice %arg9[%gather3A_1192] : memref<20480xf32, #tpu.memory_space<vmem>> -> memref<2560xf32, #tpu.memory_space<vmem>>
        %gather3A_1194 = tpu.vector_load_idx %gather3A_1193[%add3A_1132] : memref<2560xf32, #tpu.memory_space<vmem>>[vector<16xi32>], vector<16xf32>,
        %gather3A_1195 = arith.constant 7680 : i32
        %gather3A_1196 = tpu.memref_slice %arg9[%gather3A_1195] : memref<20480xf32, #tpu.memory_space<vmem>> -> memref<2560xf32, #tpu.memory_space<vmem>>
        %gather3A_1197 = tpu.vector_load_idx %gather3A_1196[%add3A_1134] : memref<2560xf32, #tpu.memory_space<vmem>>[vector<16xi32>], vector<16xf32>,
        %gather3A_1198 = arith.constant 7680 : i32
        %gather3A_1199 = tpu.memref_slice %arg11[%gather3A_1198] : memref<20480xf32, #tpu.memory_space<vmem>> -> memref<2560xf32, #tpu.memory_space<vmem>>
        %gather3A_1200 = tpu.vector_load_idx %gather3A_1199[%add3A_1132] : memref<2560xf32, #tpu.memory_space<vmem>>[vector<16xi32>], vector<16xf32>,
        %gather3A_1201 = arith.constant 7680 : i32
        %gather3A_1202 = tpu.memref_slice %arg11[%gather3A_1201] : memref<20480xf32, #tpu.memory_space<vmem>> -> memref<2560xf32, #tpu.memory_space<vmem>>
        %gather3A_1203 = tpu.vector_load_idx %gather3A_1202[%add3A_1134] : memref<2560xf32, #tpu.memory_space<vmem>>[vector<16xi32>], vector<16xf32>,
        %add3A_1204 = arith.addf %gather3A_1194, %gather3A_1200 : vector<16xf32>
        %add3A_1205 = arith.addf %gather3A_1197, %gather3A_1203 : vector<16xf32>
        %pack3A_1206 = tpu.pack_subelements %add3A_1204, %add3A_1205 {pack_format = #tpu.pack_format<interleaved>, positions = array<i32: 0, 1>} : vector<16xf32>, vector<16xf32> -> vector<32xbf16>
        %add3A_1207 = arith.constant 7680 : i32
        %add3A_1208 = arith.addi %add3A_1207, %mul3A_1130 : i32
        %swap3A_1209 = arith.index_cast %add3A_1208 : i32 to index
        %swap3A_1210 = tpu.vector_load %arg13[%swap3A_1209] {strides = array<i32>} : memref<20480xbf16, #tpu.memory_space<vmem>>, vector<32xbf16>,
        tpu.vector_store %arg13[%swap3A_1209], %pack3A_1206 {strides = array<i32>} : memref<20480xbf16, #tpu.memory_space<vmem>>, vector<32xbf16>,
        %gather3A_1211 = arith.constant 10240 : i32
        %gather3A_1212 = tpu.memref_slice %arg9[%gather3A_1211] : memref<20480xf32, #tpu.memory_space<vmem>> -> memref<2560xf32, #tpu.memory_space<vmem>>
        %gather3A_1213 = tpu.vector_load_idx %gather3A_1212[%add3A_1132] : memref<2560xf32, #tpu.memory_space<vmem>>[vector<16xi32>], vector<16xf32>,
        %gather3A_1214 = arith.constant 10240 : i32
        %gather3A_1215 = tpu.memref_slice %arg9[%gather3A_1214] : memref<20480xf32, #tpu.memory_space<vmem>> -> memref<2560xf32, #tpu.memory_space<vmem>>
        %gather3A_1216 = tpu.vector_load_idx %gather3A_1215[%add3A_1134] : memref<2560xf32, #tpu.memory_space<vmem>>[vector<16xi32>], vector<16xf32>,
        %gather3A_1217 = arith.constant 10240 : i32
        %gather3A_1218 = tpu.memref_slice %arg11[%gather3A_1217] : memref<20480xf32, #tpu.memory_space<vmem>> -> memref<2560xf32, #tpu.memory_space<vmem>>
        %gather3A_1219 = tpu.vector_load_idx %gather3A_1218[%add3A_1132] : memref<2560xf32, #tpu.memory_space<vmem>>[vector<16xi32>], vector<16xf32>,
        %gather3A_1220 = arith.constant 10240 : i32
        %gather3A_1221 = tpu.memref_slice %arg11[%gather3A_1220] : memref<20480xf32, #tpu.memory_space<vmem>> -> memref<2560xf32, #tpu.memory_space<vmem>>
        %gather3A_1222 = tpu.vector_load_idx %gather3A_1221[%add3A_1134] : memref<2560xf32, #tpu.memory_space<vmem>>[vector<16xi32>], vector<16xf32>,
        %add3A_1223 = arith.addf %gather3A_1213, %gather3A_1219 : vector<16xf32>
        %add3A_1224 = arith.addf %gather3A_1216, %gather3A_1222 : vector<16xf32>
        %pack3A_1225 = tpu.pack_subelements %add3A_1223, %add3A_1224 {pack_format = #tpu.pack_format<interleaved>, positions = array<i32: 0, 1>} : vector<16xf32>, vector<16xf32> -> vector<32xbf16>
        %add3A_1226 = arith.constant 10240 : i32
        %add3A_1227 = arith.addi %add3A_1226, %mul3A_1130 : i32
        %swap3A_1228 = arith.index_cast %add3A_1227 : i32 to index
        %swap3A_1229 = tpu.vector_load %arg13[%swap3A_1228] {strides = array<i32>} : memref<20480xbf16, #tpu.memory_space<vmem>>, vector<32xbf16>,
        tpu.vector_store %arg13[%swap3A_1228], %pack3A_1225 {strides = array<i32>} : memref<20480xbf16, #tpu.memory_space<vmem>>, vector<32xbf16>,
        %gather3A_1230 = arith.constant 12800 : i32
        %gather3A_1231 = tpu.memref_slice %arg9[%gather3A_1230] : memref<20480xf32, #tpu.memory_space<vmem>> -> memref<2560xf32, #tpu.memory_space<vmem>>
        %gather3A_1232 = tpu.vector_load_idx %gather3A_1231[%add3A_1132] : memref<2560xf32, #tpu.memory_space<vmem>>[vector<16xi32>], vector<16xf32>,
        %gather3A_1233 = arith.constant 12800 : i32
        %gather3A_1234 = tpu.memref_slice %arg9[%gather3A_1233] : memref<20480xf32, #tpu.memory_space<vmem>> -> memref<2560xf32, #tpu.memory_space<vmem>>
        %gather3A_1235 = tpu.vector_load_idx %gather3A_1234[%add3A_1134] : memref<2560xf32, #tpu.memory_space<vmem>>[vector<16xi32>], vector<16xf32>,
        %gather3A_1236 = arith.constant 12800 : i32
        %gather3A_1237 = tpu.memref_slice %arg11[%gather3A_1236] : memref<20480xf32, #tpu.memory_space<vmem>> -> memref<2560xf32, #tpu.memory_space<vmem>>
        %gather3A_1238 = tpu.vector_load_idx %gather3A_1237[%add3A_1132] : memref<2560xf32, #tpu.memory_space<vmem>>[vector<16xi32>], vector<16xf32>,
        %gather3A_1239 = arith.constant 12800 : i32
        %gather3A_1240 = tpu.memref_slice %arg11[%gather3A_1239] : memref<20480xf32, #tpu.memory_space<vmem>> -> memref<2560xf32, #tpu.memory_space<vmem>>
        %gather3A_1241 = tpu.vector_load_idx %gather3A_1240[%add3A_1134] : memref<2560xf32, #tpu.memory_space<vmem>>[vector<16xi32>], vector<16xf32>,
        %add3A_1242 = arith.addf %gather3A_1232, %gather3A_1238 : vector<16xf32>
        %add3A_1243 = arith.addf %gather3A_1235, %gather3A_1241 : vector<16xf32>
        %pack3A_1244 = tpu.pack_subelements %add3A_1242, %add3A_1243 {pack_format = #tpu.pack_format<interleaved>, positions = array<i32: 0, 1>} : vector<16xf32>, vector<16xf32> -> vector<32xbf16>
        %add3A_1245 = arith.constant 12800 : i32
        %add3A_1246 = arith.addi %add3A_1245, %mul3A_1130 : i32
        %swap3A_1247 = arith.index_cast %add3A_1246 : i32 to index
        %swap3A_1248 = tpu.vector_load %arg13[%swap3A_1247] {strides = array<i32>} : memref<20480xbf16, #tpu.memory_space<vmem>>, vector<32xbf16>,
        tpu.vector_store %arg13[%swap3A_1247], %pack3A_1244 {strides = array<i32>} : memref<20480xbf16, #tpu.memory_space<vmem>>, vector<32xbf16>,
        %gather3A_1249 = arith.constant 15360 : i32
        %gather3A_1250 = tpu.memref_slice %arg9[%gather3A_1249] : memref<20480xf32, #tpu.memory_space<vmem>> -> memref<2560xf32, #tpu.memory_space<vmem>>
        %gather3A_1251 = tpu.vector_load_idx %gather3A_1250[%add3A_1132] : memref<2560xf32, #tpu.memory_space<vmem>>[vector<16xi32>], vector<16xf32>,
        %gather3A_1252 = arith.constant 15360 : i32
        %gather3A_1253 = tpu.memref_slice %arg9[%gather3A_1252] : memref<20480xf32, #tpu.memory_space<vmem>> -> memref<2560xf32, #tpu.memory_space<vmem>>
        %gather3A_1254 = tpu.vector_load_idx %gather3A_1253[%add3A_1134] : memref<2560xf32, #tpu.memory_space<vmem>>[vector<16xi32>], vector<16xf32>,
        %gather3A_1255 = arith.constant 15360 : i32
        %gather3A_1256 = tpu.memref_slice %arg11[%gather3A_1255] : memref<20480xf32, #tpu.memory_space<vmem>> -> memref<2560xf32, #tpu.memory_space<vmem>>
        %gather3A_1257 = tpu.vector_load_idx %gather3A_1256[%add3A_1132] : memref<2560xf32, #tpu.memory_space<vmem>>[vector<16xi32>], vector<16xf32>,
        %gather3A_1258 = arith.constant 15360 : i32
        %gather3A_1259 = tpu.memref_slice %arg11[%gather3A_1258] : memref<20480xf32, #tpu.memory_space<vmem>> -> memref<2560xf32, #tpu.memory_space<vmem>>
        %gather3A_1260 = tpu.vector_load_idx %gather3A_1259[%add3A_1134] : memref<2560xf32, #tpu.memory_space<vmem>>[vector<16xi32>], vector<16xf32>,
        %add3A_1261 = arith.addf %gather3A_1251, %gather3A_1257 : vector<16xf32>
        %add3A_1262 = arith.addf %gather3A_1254, %gather3A_1260 : vector<16xf32>
        %pack3A_1263 = tpu.pack_subelements %add3A_1261, %add3A_1262 {pack_format = #tpu.pack_format<interleaved>, positions = array<i32: 0, 1>} : vector<16xf32>, vector<16xf32> -> vector<32xbf16>
        %add3A_1264 = arith.constant 15360 : i32
        %add3A_1265 = arith.addi %add3A_1264, %mul3A_1130 : i32
        %swap3A_1266 = arith.index_cast %add3A_1265 : i32 to index
        %swap3A_1267 = tpu.vector_load %arg13[%swap3A_1266] {strides = array<i32>} : memref<20480xbf16, #tpu.memory_space<vmem>>, vector<32xbf16>,
        tpu.vector_store %arg13[%swap3A_1266], %pack3A_1263 {strides = array<i32>} : memref<20480xbf16, #tpu.memory_space<vmem>>, vector<32xbf16>,
        %gather3A_1268 = arith.constant 17920 : i32
        %gather3A_1269 = tpu.memref_slice %arg9[%gather3A_1268] : memref<20480xf32, #tpu.memory_space<vmem>> -> memref<2560xf32, #tpu.memory_space<vmem>>
        %gather3A_1270 = tpu.vector_load_idx %gather3A_1269[%add3A_1132] : memref<2560xf32, #tpu.memory_space<vmem>>[vector<16xi32>], vector<16xf32>,
        %gather3A_1271 = arith.constant 17920 : i32
        %gather3A_1272 = tpu.memref_slice %arg9[%gather3A_1271] : memref<20480xf32, #tpu.memory_space<vmem>> -> memref<2560xf32, #tpu.memory_space<vmem>>
        %gather3A_1273 = tpu.vector_load_idx %gather3A_1272[%add3A_1134] : memref<2560xf32, #tpu.memory_space<vmem>>[vector<16xi32>], vector<16xf32>,
        %gather3A_1274 = arith.constant 17920 : i32
        %gather3A_1275 = tpu.memref_slice %arg11[%gather3A_1274] : memref<20480xf32, #tpu.memory_space<vmem>> -> memref<2560xf32, #tpu.memory_space<vmem>>
        %gather3A_1276 = tpu.vector_load_idx %gather3A_1275[%add3A_1132] : memref<2560xf32, #tpu.memory_space<vmem>>[vector<16xi32>], vector<16xf32>,
        %gather3A_1277 = arith.constant 17920 : i32
        %gather3A_1278 = tpu.memref_slice %arg11[%gather3A_1277] : memref<20480xf32, #tpu.memory_space<vmem>> -> memref<2560xf32, #tpu.memory_space<vmem>>
        %gather3A_1279 = tpu.vector_load_idx %gather3A_1278[%add3A_1134] : memref<2560xf32, #tpu.memory_space<vmem>>[vector<16xi32>], vector<16xf32>,
        %add3A_1280 = arith.addf %gather3A_1270, %gather3A_1276 : vector<16xf32>
        %add3A_1281 = arith.addf %gather3A_1273, %gather3A_1279 : vector<16xf32>
        %pack3A_1282 = tpu.pack_subelements %add3A_1280, %add3A_1281 {pack_format = #tpu.pack_format<interleaved>, positions = array<i32: 0, 1>} : vector<16xf32>, vector<16xf32> -> vector<32xbf16>
        %add3A_1283 = arith.constant 17920 : i32
        %add3A_1284 = arith.addi %add3A_1283, %mul3A_1130 : i32
        %swap3A_1285 = arith.index_cast %add3A_1284 : i32 to index
        %swap3A_1286 = tpu.vector_load %arg13[%swap3A_1285] {strides = array<i32>} : memref<20480xbf16, #tpu.memory_space<vmem>>, vector<32xbf16>,
        tpu.vector_store %arg13[%swap3A_1285], %pack3A_1282 {strides = array<i32>} : memref<20480xbf16, #tpu.memory_space<vmem>>, vector<32xbf16>,
        %scan3A_1287 = arith.constant 3 : i32
        %scan3A_1288 = arith.addi %scan3A_811, %scan3A_1287 : i32
        %mul3A_1289 = arith.constant 32 : i32
        %mul3A_1290 = arith.muli %scan3A_1288, %mul3A_1289 : i32
        %add3A_1291 = vector.broadcast %mul3A_1290 : i32 to vector<16xi32>
        %add3A_1292 = arith.addi %add3A_1291, %mul3A_5 : vector<16xi32>
        %add3A_1293 = vector.broadcast %mul3A_1290 : i32 to vector<16xi32>
        %add3A_1294 = arith.addi %add3A_1293, %add3A_8 : vector<16xi32>
        %gather3A_1295 = arith.constant 0 : i32
        %gather3A_1296 = tpu.memref_slice %arg9[%gather3A_1295] : memref<20480xf32, #tpu.memory_space<vmem>> -> memref<2560xf32, #tpu.memory_space<vmem>>
        %gather3A_1297 = tpu.vector_load_idx %gather3A_1296[%add3A_1292] : memref<2560xf32, #tpu.memory_space<vmem>>[vector<16xi32>], vector<16xf32>,
        %gather3A_1298 = arith.constant 0 : i32
        %gather3A_1299 = tpu.memref_slice %arg9[%gather3A_1298] : memref<20480xf32, #tpu.memory_space<vmem>> -> memref<2560xf32, #tpu.memory_space<vmem>>
        %gather3A_1300 = tpu.vector_load_idx %gather3A_1299[%add3A_1294] : memref<2560xf32, #tpu.memory_space<vmem>>[vector<16xi32>], vector<16xf32>,
        %gather3A_1301 = arith.constant 0 : i32
        %gather3A_1302 = tpu.memref_slice %arg11[%gather3A_1301] : memref<20480xf32, #tpu.memory_space<vmem>> -> memref<2560xf32, #tpu.memory_space<vmem>>
        %gather3A_1303 = tpu.vector_load_idx %gather3A_1302[%add3A_1292] : memref<2560xf32, #tpu.memory_space<vmem>>[vector<16xi32>], vector<16xf32>,
        %gather3A_1304 = arith.constant 0 : i32
        %gather3A_1305 = tpu.memref_slice %arg11[%gather3A_1304] : memref<20480xf32, #tpu.memory_space<vmem>> -> memref<2560xf32, #tpu.memory_space<vmem>>
        %gather3A_1306 = tpu.vector_load_idx %gather3A_1305[%add3A_1294] : memref<2560xf32, #tpu.memory_space<vmem>>[vector<16xi32>], vector<16xf32>,
        %add3A_1307 = arith.addf %gather3A_1297, %gather3A_1303 : vector<16xf32>
        %add3A_1308 = arith.addf %gather3A_1300, %gather3A_1306 : vector<16xf32>
        %pack3A_1309 = tpu.pack_subelements %add3A_1307, %add3A_1308 {pack_format = #tpu.pack_format<interleaved>, positions = array<i32: 0, 1>} : vector<16xf32>, vector<16xf32> -> vector<32xbf16>
        %add3A_1310 = arith.constant 0 : i32
        %add3A_1311 = arith.addi %add3A_1310, %mul3A_1290 : i32
        %swap3A_1312 = arith.index_cast %add3A_1311 : i32 to index
        %swap3A_1313 = tpu.vector_load %arg13[%swap3A_1312] {strides = array<i32>} : memref<20480xbf16, #tpu.memory_space<vmem>>, vector<32xbf16>,
        tpu.vector_store %arg13[%swap3A_1312], %pack3A_1309 {strides = array<i32>} : memref<20480xbf16, #tpu.memory_space<vmem>>, vector<32xbf16>,
        %gather3A_1314 = arith.constant 2560 : i32
        %gather3A_1315 = tpu.memref_slice %arg9[%gather3A_1314] : memref<20480xf32, #tpu.memory_space<vmem>> -> memref<2560xf32, #tpu.memory_space<vmem>>
        %gather3A_1316 = tpu.vector_load_idx %gather3A_1315[%add3A_1292] : memref<2560xf32, #tpu.memory_space<vmem>>[vector<16xi32>], vector<16xf32>,
        %gather3A_1317 = arith.constant 2560 : i32
        %gather3A_1318 = tpu.memref_slice %arg9[%gather3A_1317] : memref<20480xf32, #tpu.memory_space<vmem>> -> memref<2560xf32, #tpu.memory_space<vmem>>
        %gather3A_1319 = tpu.vector_load_idx %gather3A_1318[%add3A_1294] : memref<2560xf32, #tpu.memory_space<vmem>>[vector<16xi32>], vector<16xf32>,
        %gather3A_1320 = arith.constant 2560 : i32
        %gather3A_1321 = tpu.memref_slice %arg11[%gather3A_1320] : memref<20480xf32, #tpu.memory_space<vmem>> -> memref<2560xf32, #tpu.memory_space<vmem>>
        %gather3A_1322 = tpu.vector_load_idx %gather3A_1321[%add3A_1292] : memref<2560xf32, #tpu.memory_space<vmem>>[vector<16xi32>], vector<16xf32>,
        %gather3A_1323 = arith.constant 2560 : i32
        %gather3A_1324 = tpu.memref_slice %arg11[%gather3A_1323] : memref<20480xf32, #tpu.memory_space<vmem>> -> memref<2560xf32, #tpu.memory_space<vmem>>
        %gather3A_1325 = tpu.vector_load_idx %gather3A_1324[%add3A_1294] : memref<2560xf32, #tpu.memory_space<vmem>>[vector<16xi32>], vector<16xf32>,
        %add3A_1326 = arith.addf %gather3A_1316, %gather3A_1322 : vector<16xf32>
        %add3A_1327 = arith.addf %gather3A_1319, %gather3A_1325 : vector<16xf32>
        %pack3A_1328 = tpu.pack_subelements %add3A_1326, %add3A_1327 {pack_format = #tpu.pack_format<interleaved>, positions = array<i32: 0, 1>} : vector<16xf32>, vector<16xf32> -> vector<32xbf16>
        %add3A_1329 = arith.constant 2560 : i32
        %add3A_1330 = arith.addi %add3A_1329, %mul3A_1290 : i32
        %swap3A_1331 = arith.index_cast %add3A_1330 : i32 to index
        %swap3A_1332 = tpu.vector_load %arg13[%swap3A_1331] {strides = array<i32>} : memref<20480xbf16, #tpu.memory_space<vmem>>, vector<32xbf16>,
        tpu.vector_store %arg13[%swap3A_1331], %pack3A_1328 {strides = array<i32>} : memref<20480xbf16, #tpu.memory_space<vmem>>, vector<32xbf16>,
        %gather3A_1333 = arith.constant 5120 : i32
        %gather3A_1334 = tpu.memref_slice %arg9[%gather3A_1333] : memref<20480xf32, #tpu.memory_space<vmem>> -> memref<2560xf32, #tpu.memory_space<vmem>>
        %gather3A_1335 = tpu.vector_load_idx %gather3A_1334[%add3A_1292] : memref<2560xf32, #tpu.memory_space<vmem>>[vector<16xi32>], vector<16xf32>,
        %gather3A_1336 = arith.constant 5120 : i32
        %gather3A_1337 = tpu.memref_slice %arg9[%gather3A_1336] : memref<20480xf32, #tpu.memory_space<vmem>> -> memref<2560xf32, #tpu.memory_space<vmem>>
        %gather3A_1338 = tpu.vector_load_idx %gather3A_1337[%add3A_1294] : memref<2560xf32, #tpu.memory_space<vmem>>[vector<16xi32>], vector<16xf32>,
        %gather3A_1339 = arith.constant 5120 : i32
        %gather3A_1340 = tpu.memref_slice %arg11[%gather3A_1339] : memref<20480xf32, #tpu.memory_space<vmem>> -> memref<2560xf32, #tpu.memory_space<vmem>>
        %gather3A_1341 = tpu.vector_load_idx %gather3A_1340[%add3A_1292] : memref<2560xf32, #tpu.memory_space<vmem>>[vector<16xi32>], vector<16xf32>,
        %gather3A_1342 = arith.constant 5120 : i32
        %gather3A_1343 = tpu.memref_slice %arg11[%gather3A_1342] : memref<20480xf32, #tpu.memory_space<vmem>> -> memref<2560xf32, #tpu.memory_space<vmem>>
        %gather3A_1344 = tpu.vector_load_idx %gather3A_1343[%add3A_1294] : memref<2560xf32, #tpu.memory_space<vmem>>[vector<16xi32>], vector<16xf32>,
        %add3A_1345 = arith.addf %gather3A_1335, %gather3A_1341 : vector<16xf32>
        %add3A_1346 = arith.addf %gather3A_1338, %gather3A_1344 : vector<16xf32>
        %pack3A_1347 = tpu.pack_subelements %add3A_1345, %add3A_1346 {pack_format = #tpu.pack_format<interleaved>, positions = array<i32: 0, 1>} : vector<16xf32>, vector<16xf32> -> vector<32xbf16>
        %add3A_1348 = arith.constant 5120 : i32
        %add3A_1349 = arith.addi %add3A_1348, %mul3A_1290 : i32
        %swap3A_1350 = arith.index_cast %add3A_1349 : i32 to index
        %swap3A_1351 = tpu.vector_load %arg13[%swap3A_1350] {strides = array<i32>} : memref<20480xbf16, #tpu.memory_space<vmem>>, vector<32xbf16>,
        tpu.vector_store %arg13[%swap3A_1350], %pack3A_1347 {strides = array<i32>} : memref<20480xbf16, #tpu.memory_space<vmem>>, vector<32xbf16>,
        %gather3A_1352 = arith.constant 7680 : i32
        %gather3A_1353 = tpu.memref_slice %arg9[%gather3A_1352] : memref<20480xf32, #tpu.memory_space<vmem>> -> memref<2560xf32, #tpu.memory_space<vmem>>
        %gather3A_1354 = tpu.vector_load_idx %gather3A_1353[%add3A_1292] : memref<2560xf32, #tpu.memory_space<vmem>>[vector<16xi32>], vector<16xf32>,
        %gather3A_1355 = arith.constant 7680 : i32
        %gather3A_1356 = tpu.memref_slice %arg9[%gather3A_1355] : memref<20480xf32, #tpu.memory_space<vmem>> -> memref<2560xf32, #tpu.memory_space<vmem>>
        %gather3A_1357 = tpu.vector_load_idx %gather3A_1356[%add3A_1294] : memref<2560xf32, #tpu.memory_space<vmem>>[vector<16xi32>], vector<16xf32>,
        %gather3A_1358 = arith.constant 7680 : i32
        %gather3A_1359 = tpu.memref_slice %arg11[%gather3A_1358] : memref<20480xf32, #tpu.memory_space<vmem>> -> memref<2560xf32, #tpu.memory_space<vmem>>
        %gather3A_1360 = tpu.vector_load_idx %gather3A_1359[%add3A_1292] : memref<2560xf32, #tpu.memory_space<vmem>>[vector<16xi32>], vector<16xf32>,
        %gather3A_1361 = arith.constant 7680 : i32
        %gather3A_1362 = tpu.memref_slice %arg11[%gather3A_1361] : memref<20480xf32, #tpu.memory_space<vmem>> -> memref<2560xf32, #tpu.memory_space<vmem>>
        %gather3A_1363 = tpu.vector_load_idx %gather3A_1362[%add3A_1294] : memref<2560xf32, #tpu.memory_space<vmem>>[vector<16xi32>], vector<16xf32>,
        %add3A_1364 = arith.addf %gather3A_1354, %gather3A_1360 : vector<16xf32>
        %add3A_1365 = arith.addf %gather3A_1357, %gather3A_1363 : vector<16xf32>
        %pack3A_1366 = tpu.pack_subelements %add3A_1364, %add3A_1365 {pack_format = #tpu.pack_format<interleaved>, positions = array<i32: 0, 1>} : vector<16xf32>, vector<16xf32> -> vector<32xbf16>
        %add3A_1367 = arith.constant 7680 : i32
        %add3A_1368 = arith.addi %add3A_1367, %mul3A_1290 : i32
        %swap3A_1369 = arith.index_cast %add3A_1368 : i32 to index
        %swap3A_1370 = tpu.vector_load %arg13[%swap3A_1369] {strides = array<i32>} : memref<20480xbf16, #tpu.memory_space<vmem>>, vector<32xbf16>,
        tpu.vector_store %arg13[%swap3A_1369], %pack3A_1366 {strides = array<i32>} : memref<20480xbf16, #tpu.memory_space<vmem>>, vector<32xbf16>,
        %gather3A_1371 = arith.constant 10240 : i32
        %gather3A_1372 = tpu.memref_slice %arg9[%gather3A_1371] : memref<20480xf32, #tpu.memory_space<vmem>> -> memref<2560xf32, #tpu.memory_space<vmem>>
        %gather3A_1373 = tpu.vector_load_idx %gather3A_1372[%add3A_1292] : memref<2560xf32, #tpu.memory_space<vmem>>[vector<16xi32>], vector<16xf32>,
        %gather3A_1374 = arith.constant 10240 : i32
        %gather3A_1375 = tpu.memref_slice %arg9[%gather3A_1374] : memref<20480xf32, #tpu.memory_space<vmem>> -> memref<2560xf32, #tpu.memory_space<vmem>>
        %gather3A_1376 = tpu.vector_load_idx %gather3A_1375[%add3A_1294] : memref<2560xf32, #tpu.memory_space<vmem>>[vector<16xi32>], vector<16xf32>,
        %gather3A_1377 = arith.constant 10240 : i32
        %gather3A_1378 = tpu.memref_slice %arg11[%gather3A_1377] : memref<20480xf32, #tpu.memory_space<vmem>> -> memref<2560xf32, #tpu.memory_space<vmem>>
        %gather3A_1379 = tpu.vector_load_idx %gather3A_1378[%add3A_1292] : memref<2560xf32, #tpu.memory_space<vmem>>[vector<16xi32>], vector<16xf32>,
        %gather3A_1380 = arith.constant 10240 : i32
        %gather3A_1381 = tpu.memref_slice %arg11[%gather3A_1380] : memref<20480xf32, #tpu.memory_space<vmem>> -> memref<2560xf32, #tpu.memory_space<vmem>>
        %gather3A_1382 = tpu.vector_load_idx %gather3A_1381[%add3A_1294] : memref<2560xf32, #tpu.memory_space<vmem>>[vector<16xi32>], vector<16xf32>,
        %add3A_1383 = arith.addf %gather3A_1373, %gather3A_1379 : vector<16xf32>
        %add3A_1384 = arith.addf %gather3A_1376, %gather3A_1382 : vector<16xf32>
        %pack3A_1385 = tpu.pack_subelements %add3A_1383, %add3A_1384 {pack_format = #tpu.pack_format<interleaved>, positions = array<i32: 0, 1>} : vector<16xf32>, vector<16xf32> -> vector<32xbf16>
        %add3A_1386 = arith.constant 10240 : i32
        %add3A_1387 = arith.addi %add3A_1386, %mul3A_1290 : i32
        %swap3A_1388 = arith.index_cast %add3A_1387 : i32 to index
        %swap3A_1389 = tpu.vector_load %arg13[%swap3A_1388] {strides = array<i32>} : memref<20480xbf16, #tpu.memory_space<vmem>>, vector<32xbf16>,
        tpu.vector_store %arg13[%swap3A_1388], %pack3A_1385 {strides = array<i32>} : memref<20480xbf16, #tpu.memory_space<vmem>>, vector<32xbf16>,
        %gather3A_1390 = arith.constant 12800 : i32
        %gather3A_1391 = tpu.memref_slice %arg9[%gather3A_1390] : memref<20480xf32, #tpu.memory_space<vmem>> -> memref<2560xf32, #tpu.memory_space<vmem>>
        %gather3A_1392 = tpu.vector_load_idx %gather3A_1391[%add3A_1292] : memref<2560xf32, #tpu.memory_space<vmem>>[vector<16xi32>], vector<16xf32>,
        %gather3A_1393 = arith.constant 12800 : i32
        %gather3A_1394 = tpu.memref_slice %arg9[%gather3A_1393] : memref<20480xf32, #tpu.memory_space<vmem>> -> memref<2560xf32, #tpu.memory_space<vmem>>
        %gather3A_1395 = tpu.vector_load_idx %gather3A_1394[%add3A_1294] : memref<2560xf32, #tpu.memory_space<vmem>>[vector<16xi32>], vector<16xf32>,
        %gather3A_1396 = arith.constant 12800 : i32
        %gather3A_1397 = tpu.memref_slice %arg11[%gather3A_1396] : memref<20480xf32, #tpu.memory_space<vmem>> -> memref<2560xf32, #tpu.memory_space<vmem>>
        %gather3A_1398 = tpu.vector_load_idx %gather3A_1397[%add3A_1292] : memref<2560xf32, #tpu.memory_space<vmem>>[vector<16xi32>], vector<16xf32>,
        %gather3A_1399 = arith.constant 12800 : i32
        %gather3A_1400 = tpu.memref_slice %arg11[%gather3A_1399] : memref<20480xf32, #tpu.memory_space<vmem>> -> memref<2560xf32, #tpu.memory_space<vmem>>
        %gather3A_1401 = tpu.vector_load_idx %gather3A_1400[%add3A_1294] : memref<2560xf32, #tpu.memory_space<vmem>>[vector<16xi32>], vector<16xf32>,
        %add3A_1402 = arith.addf %gather3A_1392, %gather3A_1398 : vector<16xf32>
        %add3A_1403 = arith.addf %gather3A_1395, %gather3A_1401 : vector<16xf32>
        %pack3A_1404 = tpu.pack_subelements %add3A_1402, %add3A_1403 {pack_format = #tpu.pack_format<interleaved>, positions = array<i32: 0, 1>} : vector<16xf32>, vector<16xf32> -> vector<32xbf16>
        %add3A_1405 = arith.constant 12800 : i32
        %add3A_1406 = arith.addi %add3A_1405, %mul3A_1290 : i32
        %swap3A_1407 = arith.index_cast %add3A_1406 : i32 to index
        %swap3A_1408 = tpu.vector_load %arg13[%swap3A_1407] {strides = array<i32>} : memref<20480xbf16, #tpu.memory_space<vmem>>, vector<32xbf16>,
        tpu.vector_store %arg13[%swap3A_1407], %pack3A_1404 {strides = array<i32>} : memref<20480xbf16, #tpu.memory_space<vmem>>, vector<32xbf16>,
        %gather3A_1409 = arith.constant 15360 : i32
        %gather3A_1410 = tpu.memref_slice %arg9[%gather3A_1409] : memref<20480xf32, #tpu.memory_space<vmem>> -> memref<2560xf32, #tpu.memory_space<vmem>>
        %gather3A_1411 = tpu.vector_load_idx %gather3A_1410[%add3A_1292] : memref<2560xf32, #tpu.memory_space<vmem>>[vector<16xi32>], vector<16xf32>,
        %gather3A_1412 = arith.constant 15360 : i32
        %gather3A_1413 = tpu.memref_slice %arg9[%gather3A_1412] : memref<20480xf32, #tpu.memory_space<vmem>> -> memref<2560xf32, #tpu.memory_space<vmem>>
        %gather3A_1414 = tpu.vector_load_idx %gather3A_1413[%add3A_1294] : memref<2560xf32, #tpu.memory_space<vmem>>[vector<16xi32>], vector<16xf32>,
        %gather3A_1415 = arith.constant 15360 : i32
        %gather3A_1416 = tpu.memref_slice %arg11[%gather3A_1415] : memref<20480xf32, #tpu.memory_space<vmem>> -> memref<2560xf32, #tpu.memory_space<vmem>>
        %gather3A_1417 = tpu.vector_load_idx %gather3A_1416[%add3A_1292] : memref<2560xf32, #tpu.memory_space<vmem>>[vector<16xi32>], vector<16xf32>,
        %gather3A_1418 = arith.constant 15360 : i32
        %gather3A_1419 = tpu.memref_slice %arg11[%gather3A_1418] : memref<20480xf32, #tpu.memory_space<vmem>> -> memref<2560xf32, #tpu.memory_space<vmem>>
        %gather3A_1420 = tpu.vector_load_idx %gather3A_1419[%add3A_1294] : memref<2560xf32, #tpu.memory_space<vmem>>[vector<16xi32>], vector<16xf32>,
        %add3A_1421 = arith.addf %gather3A_1411, %gather3A_1417 : vector<16xf32>
        %add3A_1422 = arith.addf %gather3A_1414, %gather3A_1420 : vector<16xf32>
        %pack3A_1423 = tpu.pack_subelements %add3A_1421, %add3A_1422 {pack_format = #tpu.pack_format<interleaved>, positions = array<i32: 0, 1>} : vector<16xf32>, vector<16xf32> -> vector<32xbf16>
        %add3A_1424 = arith.constant 15360 : i32
        %add3A_1425 = arith.addi %add3A_1424, %mul3A_1290 : i32
        %swap3A_1426 = arith.index_cast %add3A_1425 : i32 to index
        %swap3A_1427 = tpu.vector_load %arg13[%swap3A_1426] {strides = array<i32>} : memref<20480xbf16, #tpu.memory_space<vmem>>, vector<32xbf16>,
        tpu.vector_store %arg13[%swap3A_1426], %pack3A_1423 {strides = array<i32>} : memref<20480xbf16, #tpu.memory_space<vmem>>, vector<32xbf16>,
        %gather3A_1428 = arith.constant 17920 : i32
        %gather3A_1429 = tpu.memref_slice %arg9[%gather3A_1428] : memref<20480xf32, #tpu.memory_space<vmem>> -> memref<2560xf32, #tpu.memory_space<vmem>>
        %gather3A_1430 = tpu.vector_load_idx %gather3A_1429[%add3A_1292] : memref<2560xf32, #tpu.memory_space<vmem>>[vector<16xi32>], vector<16xf32>,
        %gather3A_1431 = arith.constant 17920 : i32
        %gather3A_1432 = tpu.memref_slice %arg9[%gather3A_1431] : memref<20480xf32, #tpu.memory_space<vmem>> -> memref<2560xf32, #tpu.memory_space<vmem>>
        %gather3A_1433 = tpu.vector_load_idx %gather3A_1432[%add3A_1294] : memref<2560xf32, #tpu.memory_space<vmem>>[vector<16xi32>], vector<16xf32>,
        %gather3A_1434 = arith.constant 17920 : i32
        %gather3A_1435 = tpu.memref_slice %arg11[%gather3A_1434] : memref<20480xf32, #tpu.memory_space<vmem>> -> memref<2560xf32, #tpu.memory_space<vmem>>
        %gather3A_1436 = tpu.vector_load_idx %gather3A_1435[%add3A_1292] : memref<2560xf32, #tpu.memory_space<vmem>>[vector<16xi32>], vector<16xf32>,
        %gather3A_1437 = arith.constant 17920 : i32
        %gather3A_1438 = tpu.memref_slice %arg11[%gather3A_1437] : memref<20480xf32, #tpu.memory_space<vmem>> -> memref<2560xf32, #tpu.memory_space<vmem>>
        %gather3A_1439 = tpu.vector_load_idx %gather3A_1438[%add3A_1294] : memref<2560xf32, #tpu.memory_space<vmem>>[vector<16xi32>], vector<16xf32>,
        %add3A_1440 = arith.addf %gather3A_1430, %gather3A_1436 : vector<16xf32>
        %add3A_1441 = arith.addf %gather3A_1433, %gather3A_1439 : vector<16xf32>
        %pack3A_1442 = tpu.pack_subelements %add3A_1440, %add3A_1441 {pack_format = #tpu.pack_format<interleaved>, positions = array<i32: 0, 1>} : vector<16xf32>, vector<16xf32> -> vector<32xbf16>
        %add3A_1443 = arith.constant 17920 : i32
        %add3A_1444 = arith.addi %add3A_1443, %mul3A_1290 : i32
        %swap3A_1445 = arith.index_cast %add3A_1444 : i32 to index
        %swap3A_1446 = tpu.vector_load %arg13[%swap3A_1445] {strides = array<i32>} : memref<20480xbf16, #tpu.memory_space<vmem>>, vector<32xbf16>,
        tpu.vector_store %arg13[%swap3A_1445], %pack3A_1442 {strides = array<i32>} : memref<20480xbf16, #tpu.memory_space<vmem>>, vector<32xbf16>,
        %scan3A_1447 = arith.constant 4 : i32
        %scan3A_1448 = arith.addi %scan3A_811, %scan3A_1447 : i32
        %mul3A_1449 = arith.constant 32 : i32
        %mul3A_1450 = arith.muli %scan3A_1448, %mul3A_1449 : i32
        %add3A_1451 = vector.broadcast %mul3A_1450 : i32 to vector<16xi32>
        %add3A_1452 = arith.addi %add3A_1451, %mul3A_5 : vector<16xi32>
        %add3A_1453 = vector.broadcast %mul3A_1450 : i32 to vector<16xi32>
        %add3A_1454 = arith.addi %add3A_1453, %add3A_8 : vector<16xi32>
        %gather3A_1455 = arith.constant 0 : i32
        %gather3A_1456 = tpu.memref_slice %arg9[%gather3A_1455] : memref<20480xf32, #tpu.memory_space<vmem>> -> memref<2560xf32, #tpu.memory_space<vmem>>
        %gather3A_1457 = tpu.vector_load_idx %gather3A_1456[%add3A_1452] : memref<2560xf32, #tpu.memory_space<vmem>>[vector<16xi32>], vector<16xf32>,
        %gather3A_1458 = arith.constant 0 : i32
        %gather3A_1459 = tpu.memref_slice %arg9[%gather3A_1458] : memref<20480xf32, #tpu.memory_space<vmem>> -> memref<2560xf32, #tpu.memory_space<vmem>>
        %gather3A_1460 = tpu.vector_load_idx %gather3A_1459[%add3A_1454] : memref<2560xf32, #tpu.memory_space<vmem>>[vector<16xi32>], vector<16xf32>,
        %gather3A_1461 = arith.constant 0 : i32
        %gather3A_1462 = tpu.memref_slice %arg11[%gather3A_1461] : memref<20480xf32, #tpu.memory_space<vmem>> -> memref<2560xf32, #tpu.memory_space<vmem>>
        %gather3A_1463 = tpu.vector_load_idx %gather3A_1462[%add3A_1452] : memref<2560xf32, #tpu.memory_space<vmem>>[vector<16xi32>], vector<16xf32>,
        %gather3A_1464 = arith.constant 0 : i32
        %gather3A_1465 = tpu.memref_slice %arg11[%gather3A_1464] : memref<20480xf32, #tpu.memory_space<vmem>> -> memref<2560xf32, #tpu.memory_space<vmem>>
        %gather3A_1466 = tpu.vector_load_idx %gather3A_1465[%add3A_1454] : memref<2560xf32, #tpu.memory_space<vmem>>[vector<16xi32>], vector<16xf32>,
        %add3A_1467 = arith.addf %gather3A_1457, %gather3A_1463 : vector<16xf32>
        %add3A_1468 = arith.addf %gather3A_1460, %gather3A_1466 : vector<16xf32>
        %pack3A_1469 = tpu.pack_subelements %add3A_1467, %add3A_1468 {pack_format = #tpu.pack_format<interleaved>, positions = array<i32: 0, 1>} : vector<16xf32>, vector<16xf32> -> vector<32xbf16>
        %add3A_1470 = arith.constant 0 : i32
        %add3A_1471 = arith.addi %add3A_1470, %mul3A_1450 : i32
        %swap3A_1472 = arith.index_cast %add3A_1471 : i32 to index
        %swap3A_1473 = tpu.vector_load %arg13[%swap3A_1472] {strides = array<i32>} : memref<20480xbf16, #tpu.memory_space<vmem>>, vector<32xbf16>,
        tpu.vector_store %arg13[%swap3A_1472], %pack3A_1469 {strides = array<i32>} : memref<20480xbf16, #tpu.memory_space<vmem>>, vector<32xbf16>,
        %gather3A_1474 = arith.constant 2560 : i32
        %gather3A_1475 = tpu.memref_slice %arg9[%gather3A_1474] : memref<20480xf32, #tpu.memory_space<vmem>> -> memref<2560xf32, #tpu.memory_space<vmem>>
        %gather3A_1476 = tpu.vector_load_idx %gather3A_1475[%add3A_1452] : memref<2560xf32, #tpu.memory_space<vmem>>[vector<16xi32>], vector<16xf32>,
        %gather3A_1477 = arith.constant 2560 : i32
        %gather3A_1478 = tpu.memref_slice %arg9[%gather3A_1477] : memref<20480xf32, #tpu.memory_space<vmem>> -> memref<2560xf32, #tpu.memory_space<vmem>>
        %gather3A_1479 = tpu.vector_load_idx %gather3A_1478[%add3A_1454] : memref<2560xf32, #tpu.memory_space<vmem>>[vector<16xi32>], vector<16xf32>,
        %gather3A_1480 = arith.constant 2560 : i32
        %gather3A_1481 = tpu.memref_slice %arg11[%gather3A_1480] : memref<20480xf32, #tpu.memory_space<vmem>> -> memref<2560xf32, #tpu.memory_space<vmem>>
        %gather3A_1482 = tpu.vector_load_idx %gather3A_1481[%add3A_1452] : memref<2560xf32, #tpu.memory_space<vmem>>[vector<16xi32>], vector<16xf32>,
        %gather3A_1483 = arith.constant 2560 : i32
        %gather3A_1484 = tpu.memref_slice %arg11[%gather3A_1483] : memref<20480xf32, #tpu.memory_space<vmem>> -> memref<2560xf32, #tpu.memory_space<vmem>>
        %gather3A_1485 = tpu.vector_load_idx %gather3A_1484[%add3A_1454] : memref<2560xf32, #tpu.memory_space<vmem>>[vector<16xi32>], vector<16xf32>,
        %add3A_1486 = arith.addf %gather3A_1476, %gather3A_1482 : vector<16xf32>
        %add3A_1487 = arith.addf %gather3A_1479, %gather3A_1485 : vector<16xf32>
        %pack3A_1488 = tpu.pack_subelements %add3A_1486, %add3A_1487 {pack_format = #tpu.pack_format<interleaved>, positions = array<i32: 0, 1>} : vector<16xf32>, vector<16xf32> -> vector<32xbf16>
        %add3A_1489 = arith.constant 2560 : i32
        %add3A_1490 = arith.addi %add3A_1489, %mul3A_1450 : i32
        %swap3A_1491 = arith.index_cast %add3A_1490 : i32 to index
        %swap3A_1492 = tpu.vector_load %arg13[%swap3A_1491] {strides = array<i32>} : memref<20480xbf16, #tpu.memory_space<vmem>>, vector<32xbf16>,
        tpu.vector_store %arg13[%swap3A_1491], %pack3A_1488 {strides = array<i32>} : memref<20480xbf16, #tpu.memory_space<vmem>>, vector<32xbf16>,
        %gather3A_1493 = arith.constant 5120 : i32
        %gather3A_1494 = tpu.memref_slice %arg9[%gather3A_1493] : memref<20480xf32, #tpu.memory_space<vmem>> -> memref<2560xf32, #tpu.memory_space<vmem>>
        %gather3A_1495 = tpu.vector_load_idx %gather3A_1494[%add3A_1452] : memref<2560xf32, #tpu.memory_space<vmem>>[vector<16xi32>], vector<16xf32>,
        %gather3A_1496 = arith.constant 5120 : i32
        %gather3A_1497 = tpu.memref_slice %arg9[%gather3A_1496] : memref<20480xf32, #tpu.memory_space<vmem>> -> memref<2560xf32, #tpu.memory_space<vmem>>
        %gather3A_1498 = tpu.vector_load_idx %gather3A_1497[%add3A_1454] : memref<2560xf32, #tpu.memory_space<vmem>>[vector<16xi32>], vector<16xf32>,
        %gather3A_1499 = arith.constant 5120 : i32
        %gather3A_1500 = tpu.memref_slice %arg11[%gather3A_1499] : memref<20480xf32, #tpu.memory_space<vmem>> -> memref<2560xf32, #tpu.memory_space<vmem>>
        %gather3A_1501 = tpu.vector_load_idx %gather3A_1500[%add3A_1452] : memref<2560xf32, #tpu.memory_space<vmem>>[vector<16xi32>], vector<16xf32>,
        %gather3A_1502 = arith.constant 5120 : i32
        %gather3A_1503 = tpu.memref_slice %arg11[%gather3A_1502] : memref<20480xf32, #tpu.memory_space<vmem>> -> memref<2560xf32, #tpu.memory_space<vmem>>
        %gather3A_1504 = tpu.vector_load_idx %gather3A_1503[%add3A_1454] : memref<2560xf32, #tpu.memory_space<vmem>>[vector<16xi32>], vector<16xf32>,
        %add3A_1505 = arith.addf %gather3A_1495, %gather3A_1501 : vector<16xf32>
        %add3A_1506 = arith.addf %gather3A_1498, %gather3A_1504 : vector<16xf32>
        %pack3A_1507 = tpu.pack_subelements %add3A_1505, %add3A_1506 {pack_format = #tpu.pack_format<interleaved>, positions = array<i32: 0, 1>} : vector<16xf32>, vector<16xf32> -> vector<32xbf16>
        %add3A_1508 = arith.constant 5120 : i32
        %add3A_1509 = arith.addi %add3A_1508, %mul3A_1450 : i32
        %swap3A_1510 = arith.index_cast %add3A_1509 : i32 to index
        %swap3A_1511 = tpu.vector_load %arg13[%swap3A_1510] {strides = array<i32>} : memref<20480xbf16, #tpu.memory_space<vmem>>, vector<32xbf16>,
        tpu.vector_store %arg13[%swap3A_1510], %pack3A_1507 {strides = array<i32>} : memref<20480xbf16, #tpu.memory_space<vmem>>, vector<32xbf16>,
        %gather3A_1512 = arith.constant 7680 : i32
        %gather3A_1513 = tpu.memref_slice %arg9[%gather3A_1512] : memref<20480xf32, #tpu.memory_space<vmem>> -> memref<2560xf32, #tpu.memory_space<vmem>>
        %gather3A_1514 = tpu.vector_load_idx %gather3A_1513[%add3A_1452] : memref<2560xf32, #tpu.memory_space<vmem>>[vector<16xi32>], vector<16xf32>,
        %gather3A_1515 = arith.constant 7680 : i32
        %gather3A_1516 = tpu.memref_slice %arg9[%gather3A_1515] : memref<20480xf32, #tpu.memory_space<vmem>> -> memref<2560xf32, #tpu.memory_space<vmem>>
        %gather3A_1517 = tpu.vector_load_idx %gather3A_1516[%add3A_1454] : memref<2560xf32, #tpu.memory_space<vmem>>[vector<16xi32>], vector<16xf32>,
        %gather3A_1518 = arith.constant 7680 : i32
        %gather3A_1519 = tpu.memref_slice %arg11[%gather3A_1518] : memref<20480xf32, #tpu.memory_space<vmem>> -> memref<2560xf32, #tpu.memory_space<vmem>>
        %gather3A_1520 = tpu.vector_load_idx %gather3A_1519[%add3A_1452] : memref<2560xf32, #tpu.memory_space<vmem>>[vector<16xi32>], vector<16xf32>,
        %gather3A_1521 = arith.constant 7680 : i32
        %gather3A_1522 = tpu.memref_slice %arg11[%gather3A_1521] : memref<20480xf32, #tpu.memory_space<vmem>> -> memref<2560xf32, #tpu.memory_space<vmem>>
        %gather3A_1523 = tpu.vector_load_idx %gather3A_1522[%add3A_1454] : memref<2560xf32, #tpu.memory_space<vmem>>[vector<16xi32>], vector<16xf32>,
        %add3A_1524 = arith.addf %gather3A_1514, %gather3A_1520 : vector<16xf32>
        %add3A_1525 = arith.addf %gather3A_1517, %gather3A_1523 : vector<16xf32>
        %pack3A_1526 = tpu.pack_subelements %add3A_1524, %add3A_1525 {pack_format = #tpu.pack_format<interleaved>, positions = array<i32: 0, 1>} : vector<16xf32>, vector<16xf32> -> vector<32xbf16>
        %add3A_1527 = arith.constant 7680 : i32
        %add3A_1528 = arith.addi %add3A_1527, %mul3A_1450 : i32
        %swap3A_1529 = arith.index_cast %add3A_1528 : i32 to index
        %swap3A_1530 = tpu.vector_load %arg13[%swap3A_1529] {strides = array<i32>} : memref<20480xbf16, #tpu.memory_space<vmem>>, vector<32xbf16>,
        tpu.vector_store %arg13[%swap3A_1529], %pack3A_1526 {strides = array<i32>} : memref<20480xbf16, #tpu.memory_space<vmem>>, vector<32xbf16>,
        %gather3A_1531 = arith.constant 10240 : i32
        %gather3A_1532 = tpu.memref_slice %arg9[%gather3A_1531] : memref<20480xf32, #tpu.memory_space<vmem>> -> memref<2560xf32, #tpu.memory_space<vmem>>
        %gather3A_1533 = tpu.vector_load_idx %gather3A_1532[%add3A_1452] : memref<2560xf32, #tpu.memory_space<vmem>>[vector<16xi32>], vector<16xf32>,
        %gather3A_1534 = arith.constant 10240 : i32
        %gather3A_1535 = tpu.memref_slice %arg9[%gather3A_1534] : memref<20480xf32, #tpu.memory_space<vmem>> -> memref<2560xf32, #tpu.memory_space<vmem>>
        %gather3A_1536 = tpu.vector_load_idx %gather3A_1535[%add3A_1454] : memref<2560xf32, #tpu.memory_space<vmem>>[vector<16xi32>], vector<16xf32>,
        %gather3A_1537 = arith.constant 10240 : i32
        %gather3A_1538 = tpu.memref_slice %arg11[%gather3A_1537] : memref<20480xf32, #tpu.memory_space<vmem>> -> memref<2560xf32, #tpu.memory_space<vmem>>
        %gather3A_1539 = tpu.vector_load_idx %gather3A_1538[%add3A_1452] : memref<2560xf32, #tpu.memory_space<vmem>>[vector<16xi32>], vector<16xf32>,
        %gather3A_1540 = arith.constant 10240 : i32
        %gather3A_1541 = tpu.memref_slice %arg11[%gather3A_1540] : memref<20480xf32, #tpu.memory_space<vmem>> -> memref<2560xf32, #tpu.memory_space<vmem>>
        %gather3A_1542 = tpu.vector_load_idx %gather3A_1541[%add3A_1454] : memref<2560xf32, #tpu.memory_space<vmem>>[vector<16xi32>], vector<16xf32>,
        %add3A_1543 = arith.addf %gather3A_1533, %gather3A_1539 : vector<16xf32>
        %add3A_1544 = arith.addf %gather3A_1536, %gather3A_1542 : vector<16xf32>
        %pack3A_1545 = tpu.pack_subelements %add3A_1543, %add3A_1544 {pack_format = #tpu.pack_format<interleaved>, positions = array<i32: 0, 1>} : vector<16xf32>, vector<16xf32> -> vector<32xbf16>
        %add3A_1546 = arith.constant 10240 : i32
        %add3A_1547 = arith.addi %add3A_1546, %mul3A_1450 : i32
        %swap3A_1548 = arith.index_cast %add3A_1547 : i32 to index
        %swap3A_1549 = tpu.vector_load %arg13[%swap3A_1548] {strides = array<i32>} : memref<20480xbf16, #tpu.memory_space<vmem>>, vector<32xbf16>,
        tpu.vector_store %arg13[%swap3A_1548], %pack3A_1545 {strides = array<i32>} : memref<20480xbf16, #tpu.memory_space<vmem>>, vector<32xbf16>,
        %gather3A_1550 = arith.constant 12800 : i32
        %gather3A_1551 = tpu.memref_slice %arg9[%gather3A_1550] : memref<20480xf32, #tpu.memory_space<vmem>> -> memref<2560xf32, #tpu.memory_space<vmem>>
        %gather3A_1552 = tpu.vector_load_idx %gather3A_1551[%add3A_1452] : memref<2560xf32, #tpu.memory_space<vmem>>[vector<16xi32>], vector<16xf32>,
        %gather3A_1553 = arith.constant 12800 : i32
        %gather3A_1554 = tpu.memref_slice %arg9[%gather3A_1553] : memref<20480xf32, #tpu.memory_space<vmem>> -> memref<2560xf32, #tpu.memory_space<vmem>>
        %gather3A_1555 = tpu.vector_load_idx %gather3A_1554[%add3A_1454] : memref<2560xf32, #tpu.memory_space<vmem>>[vector<16xi32>], vector<16xf32>,
        %gather3A_1556 = arith.constant 12800 : i32
        %gather3A_1557 = tpu.memref_slice %arg11[%gather3A_1556] : memref<20480xf32, #tpu.memory_space<vmem>> -> memref<2560xf32, #tpu.memory_space<vmem>>
        %gather3A_1558 = tpu.vector_load_idx %gather3A_1557[%add3A_1452] : memref<2560xf32, #tpu.memory_space<vmem>>[vector<16xi32>], vector<16xf32>,
        %gather3A_1559 = arith.constant 12800 : i32
        %gather3A_1560 = tpu.memref_slice %arg11[%gather3A_1559] : memref<20480xf32, #tpu.memory_space<vmem>> -> memref<2560xf32, #tpu.memory_space<vmem>>
        %gather3A_1561 = tpu.vector_load_idx %gather3A_1560[%add3A_1454] : memref<2560xf32, #tpu.memory_space<vmem>>[vector<16xi32>], vector<16xf32>,
        %add3A_1562 = arith.addf %gather3A_1552, %gather3A_1558 : vector<16xf32>
        %add3A_1563 = arith.addf %gather3A_1555, %gather3A_1561 : vector<16xf32>
        %pack3A_1564 = tpu.pack_subelements %add3A_1562, %add3A_1563 {pack_format = #tpu.pack_format<interleaved>, positions = array<i32: 0, 1>} : vector<16xf32>, vector<16xf32> -> vector<32xbf16>
        %add3A_1565 = arith.constant 12800 : i32
        %add3A_1566 = arith.addi %add3A_1565, %mul3A_1450 : i32
        %swap3A_1567 = arith.index_cast %add3A_1566 : i32 to index
        %swap3A_1568 = tpu.vector_load %arg13[%swap3A_1567] {strides = array<i32>} : memref<20480xbf16, #tpu.memory_space<vmem>>, vector<32xbf16>,
        tpu.vector_store %arg13[%swap3A_1567], %pack3A_1564 {strides = array<i32>} : memref<20480xbf16, #tpu.memory_space<vmem>>, vector<32xbf16>,
        %gather3A_1569 = arith.constant 15360 : i32
        %gather3A_1570 = tpu.memref_slice %arg9[%gather3A_1569] : memref<20480xf32, #tpu.memory_space<vmem>> -> memref<2560xf32, #tpu.memory_space<vmem>>
        %gather3A_1571 = tpu.vector_load_idx %gather3A_1570[%add3A_1452] : memref<2560xf32, #tpu.memory_space<vmem>>[vector<16xi32>], vector<16xf32>,
        %gather3A_1572 = arith.constant 15360 : i32
        %gather3A_1573 = tpu.memref_slice %arg9[%gather3A_1572] : memref<20480xf32, #tpu.memory_space<vmem>> -> memref<2560xf32, #tpu.memory_space<vmem>>
        %gather3A_1574 = tpu.vector_load_idx %gather3A_1573[%add3A_1454] : memref<2560xf32, #tpu.memory_space<vmem>>[vector<16xi32>], vector<16xf32>,
        %gather3A_1575 = arith.constant 15360 : i32
        %gather3A_1576 = tpu.memref_slice %arg11[%gather3A_1575] : memref<20480xf32, #tpu.memory_space<vmem>> -> memref<2560xf32, #tpu.memory_space<vmem>>
        %gather3A_1577 = tpu.vector_load_idx %gather3A_1576[%add3A_1452] : memref<2560xf32, #tpu.memory_space<vmem>>[vector<16xi32>], vector<16xf32>,
        %gather3A_1578 = arith.constant 15360 : i32
        %gather3A_1579 = tpu.memref_slice %arg11[%gather3A_1578] : memref<20480xf32, #tpu.memory_space<vmem>> -> memref<2560xf32, #tpu.memory_space<vmem>>
        %gather3A_1580 = tpu.vector_load_idx %gather3A_1579[%add3A_1454] : memref<2560xf32, #tpu.memory_space<vmem>>[vector<16xi32>], vector<16xf32>,
        %add3A_1581 = arith.addf %gather3A_1571, %gather3A_1577 : vector<16xf32>
        %add3A_1582 = arith.addf %gather3A_1574, %gather3A_1580 : vector<16xf32>
        %pack3A_1583 = tpu.pack_subelements %add3A_1581, %add3A_1582 {pack_format = #tpu.pack_format<interleaved>, positions = array<i32: 0, 1>} : vector<16xf32>, vector<16xf32> -> vector<32xbf16>
        %add3A_1584 = arith.constant 15360 : i32
        %add3A_1585 = arith.addi %add3A_1584, %mul3A_1450 : i32
        %swap3A_1586 = arith.index_cast %add3A_1585 : i32 to index
        %swap3A_1587 = tpu.vector_load %arg13[%swap3A_1586] {strides = array<i32>} : memref<20480xbf16, #tpu.memory_space<vmem>>, vector<32xbf16>,
        tpu.vector_store %arg13[%swap3A_1586], %pack3A_1583 {strides = array<i32>} : memref<20480xbf16, #tpu.memory_space<vmem>>, vector<32xbf16>,
        %gather3A_1588 = arith.constant 17920 : i32
        %gather3A_1589 = tpu.memref_slice %arg9[%gather3A_1588] : memref<20480xf32, #tpu.memory_space<vmem>> -> memref<2560xf32, #tpu.memory_space<vmem>>
        %gather3A_1590 = tpu.vector_load_idx %gather3A_1589[%add3A_1452] : memref<2560xf32, #tpu.memory_space<vmem>>[vector<16xi32>], vector<16xf32>,
        %gather3A_1591 = arith.constant 17920 : i32
        %gather3A_1592 = tpu.memref_slice %arg9[%gather3A_1591] : memref<20480xf32, #tpu.memory_space<vmem>> -> memref<2560xf32, #tpu.memory_space<vmem>>
        %gather3A_1593 = tpu.vector_load_idx %gather3A_1592[%add3A_1454] : memref<2560xf32, #tpu.memory_space<vmem>>[vector<16xi32>], vector<16xf32>,
        %gather3A_1594 = arith.constant 17920 : i32
        %gather3A_1595 = tpu.memref_slice %arg11[%gather3A_1594] : memref<20480xf32, #tpu.memory_space<vmem>> -> memref<2560xf32, #tpu.memory_space<vmem>>
        %gather3A_1596 = tpu.vector_load_idx %gather3A_1595[%add3A_1452] : memref<2560xf32, #tpu.memory_space<vmem>>[vector<16xi32>], vector<16xf32>,
        %gather3A_1597 = arith.constant 17920 : i32
        %gather3A_1598 = tpu.memref_slice %arg11[%gather3A_1597] : memref<20480xf32, #tpu.memory_space<vmem>> -> memref<2560xf32, #tpu.memory_space<vmem>>
        %gather3A_1599 = tpu.vector_load_idx %gather3A_1598[%add3A_1454] : memref<2560xf32, #tpu.memory_space<vmem>>[vector<16xi32>], vector<16xf32>,
        %add3A_1600 = arith.addf %gather3A_1590, %gather3A_1596 : vector<16xf32>
        %add3A_1601 = arith.addf %gather3A_1593, %gather3A_1599 : vector<16xf32>
        %pack3A_1602 = tpu.pack_subelements %add3A_1600, %add3A_1601 {pack_format = #tpu.pack_format<interleaved>, positions = array<i32: 0, 1>} : vector<16xf32>, vector<16xf32> -> vector<32xbf16>
        %add3A_1603 = arith.constant 17920 : i32
        %add3A_1604 = arith.addi %add3A_1603, %mul3A_1450 : i32
        %swap3A_1605 = arith.index_cast %add3A_1604 : i32 to index
        %swap3A_1606 = tpu.vector_load %arg13[%swap3A_1605] {strides = array<i32>} : memref<20480xbf16, #tpu.memory_space<vmem>>, vector<32xbf16>,
        tpu.vector_store %arg13[%swap3A_1605], %pack3A_1602 {strides = array<i32>} : memref<20480xbf16, #tpu.memory_space<vmem>>, vector<32xbf16>,
      }
      %scan3A_601 = arith.constant 80 : i32
      %mul3A_602 = arith.constant 8 : i32
      %mul3A_603 = arith.muli %mul3A_415, %mul3A_602 : i32
      %add3A_604 = arith.addi %mul3A_2, %mul3A_603 : i32
      %mul3A_605 = arith.constant 2560 : i32
      %mul3A_606 = arith.muli %add3A_604, %mul3A_605 : i32
      %dma_start3A_607 = tpu.memref_slice %arg6[%mul3A_606] : memref<41943040xbf16, #tpu.memory_space<hbm>> -> memref<20480xbf16, #tpu.memory_space<hbm>>
      %dma_start3A_608 = tpu.memref_slice %arg6[%mul3A_606] : memref<41943040xbf16, #tpu.memory_space<hbm>> -> memref<20480xbf16, #tpu.memory_space<hbm>>
      tpu.enqueue_dma source(%arg13 : memref<20480xbf16, #tpu.memory_space<vmem>>) target(%dma_start3A_608 : memref<20480xbf16, #tpu.memory_space<hbm>>) target_semaphore(%arg19 : memref<!tpu.dma_semaphore, #tpu.memory_space<semaphore_mem>>)
      %add3A_609 = arith.constant 2 : i32
      %add3A_610 = arith.addi %mul3A_415, %add3A_609 : i32
      %lt3A = arith.constant 64 : i32
      %lt3A_611 = arith.cmpi slt, %add3A_610, %lt3A : i32
      %convert_element_type3A_612 = arith.extui %lt3A_611 : i1 to i32
      %cond3A_613 = arith.constant 0 : i32
      %cond3A_614 = arith.cmpi ne, %convert_element_type3A_612, %cond3A_613 : i32
      scf.if %cond3A_614 {
        %add3A_811 = arith.constant 2 : i32
        %add3A_812 = arith.addi %mul3A_415, %add3A_811 : i32
        %mul3A_813 = arith.constant 8 : i32
        %mul3A_814 = arith.muli %add3A_812, %mul3A_813 : i32
        %get3A_815 = arith.index_cast %mul3A_814 : i32 to index
        %get3A_816 = tpu.vector_load %arg7[%get3A_815] {strides = array<i32>} : memref<528xi32, #tpu.memory_space<vmem>>, vector<16xi32>,
        %mul3A_817 = arith.constant 8 : i32
        %mul3A_818 = arith.muli %add3A_812, %mul3A_817 : i32
        %get3A_819 = arith.index_cast %mul3A_818 : i32 to index
        %get3A_820 = tpu.vector_load %arg8[%get3A_819] {strides = array<i32>} : memref<528xi32, #tpu.memory_space<vmem>>, vector<16xi32>,
        %slice3A_821 = vector.extract_strided_slice %get3A_816 {offsets = [0], sizes = [1], strides = [1]} : vector<16xi32> to vector<1xi32>
        %squeeze3A_822 = vector.extract %slice3A_821[0] : i32 from vector<1xi32>
        %dma_start3A_823 = arith.constant 0 : i32
        %dma_start3A_824 = tpu.memref_slice %arg9[%dma_start3A_823] : memref<20480xf32, #tpu.memory_space<vmem>> -> memref<2560xf32, #tpu.memory_space<vmem>>
        %dma_start3A_825 = arith.constant 0 : i32
        %dma_start3A_826 = tpu.memref_slice %arg4[%squeeze3A_822, %dma_start3A_825] : memref<50257x2560xf32, #tpu.memory_space<hbm>> -> memref<1x2560xf32, #tpu.memory_space<hbm>>
        %dma_start3A_827 = tpu.memref_squeeze %dma_start3A_826 : memref<1x2560xf32, #tpu.memory_space<hbm>> -> memref<2560xf32, #tpu.memory_space<hbm>>
        %dma_start3A_828 = arith.constant 0 : i32
        %dma_start3A_829 = tpu.memref_slice %arg9[%dma_start3A_828] : memref<20480xf32, #tpu.memory_space<vmem>> -> memref<2560xf32, #tpu.memory_space<vmem>>
        %dma_start3A_830 = arith.constant 0 : i32
        %dma_start3A_831 = tpu.memref_slice %arg4[%squeeze3A_822, %dma_start3A_830] : memref<50257x2560xf32, #tpu.memory_space<hbm>> -> memref<1x2560xf32, #tpu.memory_space<hbm>>
        %dma_start3A_832 = tpu.memref_squeeze %dma_start3A_831 : memref<1x2560xf32, #tpu.memory_space<hbm>> -> memref<2560xf32, #tpu.memory_space<hbm>>
        tpu.enqueue_dma source(%dma_start3A_832 : memref<2560xf32, #tpu.memory_space<hbm>>) target(%dma_start3A_829 : memref<2560xf32, #tpu.memory_space<vmem>>) target_semaphore(%arg15 : memref<!tpu.dma_semaphore, #tpu.memory_space<semaphore_mem>>)
        %slice3A_833 = vector.extract_strided_slice %get3A_820 {offsets = [0], sizes = [1], strides = [1]} : vector<16xi32> to vector<1xi32>
        %squeeze3A_834 = vector.extract %slice3A_833[0] : i32 from vector<1xi32>
        %dma_start3A_835 = arith.constant 0 : i32
        %dma_start3A_836 = tpu.memref_slice %arg11[%dma_start3A_835] : memref<20480xf32, #tpu.memory_space<vmem>> -> memref<2560xf32, #tpu.memory_space<vmem>>
        %dma_start3A_837 = arith.constant 0 : i32
        %dma_start3A_838 = tpu.memref_slice %arg5[%squeeze3A_834, %dma_start3A_837] : memref<8192x2560xf32, #tpu.memory_space<hbm>> -> memref<1x2560xf32, #tpu.memory_space<hbm>>
        %dma_start3A_839 = tpu.memref_squeeze %dma_start3A_838 : memref<1x2560xf32, #tpu.memory_space<hbm>> -> memref<2560xf32, #tpu.memory_space<hbm>>
        %dma_start3A_840 = arith.constant 0 : i32
        %dma_start3A_841 = tpu.memref_slice %arg11[%dma_start3A_840] : memref<20480xf32, #tpu.memory_space<vmem>> -> memref<2560xf32, #tpu.memory_space<vmem>>
        %dma_start3A_842 = arith.constant 0 : i32
        %dma_start3A_843 = tpu.memref_slice %arg5[%squeeze3A_834, %dma_start3A_842] : memref<8192x2560xf32, #tpu.memory_space<hbm>> -> memref<1x2560xf32, #tpu.memory_space<hbm>>
        %dma_start3A_844 = tpu.memref_squeeze %dma_start3A_843 : memref<1x2560xf32, #tpu.memory_space<hbm>> -> memref<2560xf32, #tpu.memory_space<hbm>>
        tpu.enqueue_dma source(%dma_start3A_844 : memref<2560xf32, #tpu.memory_space<hbm>>) target(%dma_start3A_841 : memref<2560xf32, #tpu.memory_space<vmem>>) target_semaphore(%arg17 : memref<!tpu.dma_semaphore, #tpu.memory_space<semaphore_mem>>)
        %slice3A_845 = vector.extract_strided_slice %get3A_816 {offsets = [1], sizes = [1], strides = [1]} : vector<16xi32> to vector<1xi32>
        %squeeze3A_846 = vector.extract %slice3A_845[0] : i32 from vector<1xi32>
        %dma_start3A_847 = arith.constant 2560 : i32
        %dma_start3A_848 = tpu.memref_slice %arg9[%dma_start3A_847] : memref<20480xf32, #tpu.memory_space<vmem>> -> memref<2560xf32, #tpu.memory_space<vmem>>
        %dma_start3A_849 = arith.constant 0 : i32
        %dma_start3A_850 = tpu.memref_slice %arg4[%squeeze3A_846, %dma_start3A_849] : memref<50257x2560xf32, #tpu.memory_space<hbm>> -> memref<1x2560xf32, #tpu.memory_space<hbm>>
        %dma_start3A_851 = tpu.memref_squeeze %dma_start3A_850 : memref<1x2560xf32, #tpu.memory_space<hbm>> -> memref<2560xf32, #tpu.memory_space<hbm>>
        %dma_start3A_852 = arith.constant 2560 : i32
        %dma_start3A_853 = tpu.memref_slice %arg9[%dma_start3A_852] : memref<20480xf32, #tpu.memory_space<vmem>> -> memref<2560xf32, #tpu.memory_space<vmem>>
        %dma_start3A_854 = arith.constant 0 : i32
        %dma_start3A_855 = tpu.memref_slice %arg4[%squeeze3A_846, %dma_start3A_854] : memref<50257x2560xf32, #tpu.memory_space<hbm>> -> memref<1x2560xf32, #tpu.memory_space<hbm>>
        %dma_start3A_856 = tpu.memref_squeeze %dma_start3A_855 : memref<1x2560xf32, #tpu.memory_space<hbm>> -> memref<2560xf32, #tpu.memory_space<hbm>>
        tpu.enqueue_dma source(%dma_start3A_856 : memref<2560xf32, #tpu.memory_space<hbm>>) target(%dma_start3A_853 : memref<2560xf32, #tpu.memory_space<vmem>>) target_semaphore(%arg15 : memref<!tpu.dma_semaphore, #tpu.memory_space<semaphore_mem>>)
        %slice3A_857 = vector.extract_strided_slice %get3A_820 {offsets = [1], sizes = [1], strides = [1]} : vector<16xi32> to vector<1xi32>
        %squeeze3A_858 = vector.extract %slice3A_857[0] : i32 from vector<1xi32>
        %dma_start3A_859 = arith.constant 2560 : i32
        %dma_start3A_860 = tpu.memref_slice %arg11[%dma_start3A_859] : memref<20480xf32, #tpu.memory_space<vmem>> -> memref<2560xf32, #tpu.memory_space<vmem>>
        %dma_start3A_861 = arith.constant 0 : i32
        %dma_start3A_862 = tpu.memref_slice %arg5[%squeeze3A_858, %dma_start3A_861] : memref<8192x2560xf32, #tpu.memory_space<hbm>> -> memref<1x2560xf32, #tpu.memory_space<hbm>>
        %dma_start3A_863 = tpu.memref_squeeze %dma_start3A_862 : memref<1x2560xf32, #tpu.memory_space<hbm>> -> memref<2560xf32, #tpu.memory_space<hbm>>
        %dma_start3A_864 = arith.constant 2560 : i32
        %dma_start3A_865 = tpu.memref_slice %arg11[%dma_start3A_864] : memref<20480xf32, #tpu.memory_space<vmem>> -> memref<2560xf32, #tpu.memory_space<vmem>>
        %dma_start3A_866 = arith.constant 0 : i32
        %dma_start3A_867 = tpu.memref_slice %arg5[%squeeze3A_858, %dma_start3A_866] : memref<8192x2560xf32, #tpu.memory_space<hbm>> -> memref<1x2560xf32, #tpu.memory_space<hbm>>
        %dma_start3A_868 = tpu.memref_squeeze %dma_start3A_867 : memref<1x2560xf32, #tpu.memory_space<hbm>> -> memref<2560xf32, #tpu.memory_space<hbm>>
        tpu.enqueue_dma source(%dma_start3A_868 : memref<2560xf32, #tpu.memory_space<hbm>>) target(%dma_start3A_865 : memref<2560xf32, #tpu.memory_space<vmem>>) target_semaphore(%arg17 : memref<!tpu.dma_semaphore, #tpu.memory_space<semaphore_mem>>)
        %slice3A_869 = vector.extract_strided_slice %get3A_816 {offsets = [2], sizes = [1], strides = [1]} : vector<16xi32> to vector<1xi32>
        %squeeze3A_870 = vector.extract %slice3A_869[0] : i32 from vector<1xi32>
        %dma_start3A_871 = arith.constant 5120 : i32
        %dma_start3A_872 = tpu.memref_slice %arg9[%dma_start3A_871] : memref<20480xf32, #tpu.memory_space<vmem>> -> memref<2560xf32, #tpu.memory_space<vmem>>
        %dma_start3A_873 = arith.constant 0 : i32
        %dma_start3A_874 = tpu.memref_slice %arg4[%squeeze3A_870, %dma_start3A_873] : memref<50257x2560xf32, #tpu.memory_space<hbm>> -> memref<1x2560xf32, #tpu.memory_space<hbm>>
        %dma_start3A_875 = tpu.memref_squeeze %dma_start3A_874 : memref<1x2560xf32, #tpu.memory_space<hbm>> -> memref<2560xf32, #tpu.memory_space<hbm>>
        %dma_start3A_876 = arith.constant 5120 : i32
        %dma_start3A_877 = tpu.memref_slice %arg9[%dma_start3A_876] : memref<20480xf32, #tpu.memory_space<vmem>> -> memref<2560xf32, #tpu.memory_space<vmem>>
        %dma_start3A_878 = arith.constant 0 : i32
        %dma_start3A_879 = tpu.memref_slice %arg4[%squeeze3A_870, %dma_start3A_878] : memref<50257x2560xf32, #tpu.memory_space<hbm>> -> memref<1x2560xf32, #tpu.memory_space<hbm>>
        %dma_start3A_880 = tpu.memref_squeeze %dma_start3A_879 : memref<1x2560xf32, #tpu.memory_space<hbm>> -> memref<2560xf32, #tpu.memory_space<hbm>>
        tpu.enqueue_dma source(%dma_start3A_880 : memref<2560xf32, #tpu.memory_space<hbm>>) target(%dma_start3A_877 : memref<2560xf32, #tpu.memory_space<vmem>>) target_semaphore(%arg15 : memref<!tpu.dma_semaphore, #tpu.memory_space<semaphore_mem>>)
        %slice3A_881 = vector.extract_strided_slice %get3A_820 {offsets = [2], sizes = [1], strides = [1]} : vector<16xi32> to vector<1xi32>
        %squeeze3A_882 = vector.extract %slice3A_881[0] : i32 from vector<1xi32>
        %dma_start3A_883 = arith.constant 5120 : i32
        %dma_start3A_884 = tpu.memref_slice %arg11[%dma_start3A_883] : memref<20480xf32, #tpu.memory_space<vmem>> -> memref<2560xf32, #tpu.memory_space<vmem>>
        %dma_start3A_885 = arith.constant 0 : i32
        %dma_start3A_886 = tpu.memref_slice %arg5[%squeeze3A_882, %dma_start3A_885] : memref<8192x2560xf32, #tpu.memory_space<hbm>> -> memref<1x2560xf32, #tpu.memory_space<hbm>>
        %dma_start3A_887 = tpu.memref_squeeze %dma_start3A_886 : memref<1x2560xf32, #tpu.memory_space<hbm>> -> memref<2560xf32, #tpu.memory_space<hbm>>
        %dma_start3A_888 = arith.constant 5120 : i32
        %dma_start3A_889 = tpu.memref_slice %arg11[%dma_start3A_888] : memref<20480xf32, #tpu.memory_space<vmem>> -> memref<2560xf32, #tpu.memory_space<vmem>>
        %dma_start3A_890 = arith.constant 0 : i32
        %dma_start3A_891 = tpu.memref_slice %arg5[%squeeze3A_882, %dma_start3A_890] : memref<8192x2560xf32, #tpu.memory_space<hbm>> -> memref<1x2560xf32, #tpu.memory_space<hbm>>
        %dma_start3A_892 = tpu.memref_squeeze %dma_start3A_891 : memref<1x2560xf32, #tpu.memory_space<hbm>> -> memref<2560xf32, #tpu.memory_space<hbm>>
        tpu.enqueue_dma source(%dma_start3A_892 : memref<2560xf32, #tpu.memory_space<hbm>>) target(%dma_start3A_889 : memref<2560xf32, #tpu.memory_space<vmem>>) target_semaphore(%arg17 : memref<!tpu.dma_semaphore, #tpu.memory_space<semaphore_mem>>)
        %slice3A_893 = vector.extract_strided_slice %get3A_816 {offsets = [3], sizes = [1], strides = [1]} : vector<16xi32> to vector<1xi32>
        %squeeze3A_894 = vector.extract %slice3A_893[0] : i32 from vector<1xi32>
        %dma_start3A_895 = arith.constant 7680 : i32
        %dma_start3A_896 = tpu.memref_slice %arg9[%dma_start3A_895] : memref<20480xf32, #tpu.memory_space<vmem>> -> memref<2560xf32, #tpu.memory_space<vmem>>
        %dma_start3A_897 = arith.constant 0 : i32
        %dma_start3A_898 = tpu.memref_slice %arg4[%squeeze3A_894, %dma_start3A_897] : memref<50257x2560xf32, #tpu.memory_space<hbm>> -> memref<1x2560xf32, #tpu.memory_space<hbm>>
        %dma_start3A_899 = tpu.memref_squeeze %dma_start3A_898 : memref<1x2560xf32, #tpu.memory_space<hbm>> -> memref<2560xf32, #tpu.memory_space<hbm>>
        %dma_start3A_900 = arith.constant 7680 : i32
        %dma_start3A_901 = tpu.memref_slice %arg9[%dma_start3A_900] : memref<20480xf32, #tpu.memory_space<vmem>> -> memref<2560xf32, #tpu.memory_space<vmem>>
        %dma_start3A_902 = arith.constant 0 : i32
        %dma_start3A_903 = tpu.memref_slice %arg4[%squeeze3A_894, %dma_start3A_902] : memref<50257x2560xf32, #tpu.memory_space<hbm>> -> memref<1x2560xf32, #tpu.memory_space<hbm>>
        %dma_start3A_904 = tpu.memref_squeeze %dma_start3A_903 : memref<1x2560xf32, #tpu.memory_space<hbm>> -> memref<2560xf32, #tpu.memory_space<hbm>>
        tpu.enqueue_dma source(%dma_start3A_904 : memref<2560xf32, #tpu.memory_space<hbm>>) target(%dma_start3A_901 : memref<2560xf32, #tpu.memory_space<vmem>>) target_semaphore(%arg15 : memref<!tpu.dma_semaphore, #tpu.memory_space<semaphore_mem>>)
        %slice3A_905 = vector.extract_strided_slice %get3A_820 {offsets = [3], sizes = [1], strides = [1]} : vector<16xi32> to vector<1xi32>
        %squeeze3A_906 = vector.extract %slice3A_905[0] : i32 from vector<1xi32>
        %dma_start3A_907 = arith.constant 7680 : i32
        %dma_start3A_908 = tpu.memref_slice %arg11[%dma_start3A_907] : memref<20480xf32, #tpu.memory_space<vmem>> -> memref<2560xf32, #tpu.memory_space<vmem>>
        %dma_start3A_909 = arith.constant 0 : i32
        %dma_start3A_910 = tpu.memref_slice %arg5[%squeeze3A_906, %dma_start3A_909] : memref<8192x2560xf32, #tpu.memory_space<hbm>> -> memref<1x2560xf32, #tpu.memory_space<hbm>>
        %dma_start3A_911 = tpu.memref_squeeze %dma_start3A_910 : memref<1x2560xf32, #tpu.memory_space<hbm>> -> memref<2560xf32, #tpu.memory_space<hbm>>
        %dma_start3A_912 = arith.constant 7680 : i32
        %dma_start3A_913 = tpu.memref_slice %arg11[%dma_start3A_912] : memref<20480xf32, #tpu.memory_space<vmem>> -> memref<2560xf32, #tpu.memory_space<vmem>>
        %dma_start3A_914 = arith.constant 0 : i32
        %dma_start3A_915 = tpu.memref_slice %arg5[%squeeze3A_906, %dma_start3A_914] : memref<8192x2560xf32, #tpu.memory_space<hbm>> -> memref<1x2560xf32, #tpu.memory_space<hbm>>
        %dma_start3A_916 = tpu.memref_squeeze %dma_start3A_915 : memref<1x2560xf32, #tpu.memory_space<hbm>> -> memref<2560xf32, #tpu.memory_space<hbm>>
        tpu.enqueue_dma source(%dma_start3A_916 : memref<2560xf32, #tpu.memory_space<hbm>>) target(%dma_start3A_913 : memref<2560xf32, #tpu.memory_space<vmem>>) target_semaphore(%arg17 : memref<!tpu.dma_semaphore, #tpu.memory_space<semaphore_mem>>)
        %slice3A_917 = vector.extract_strided_slice %get3A_816 {offsets = [4], sizes = [1], strides = [1]} : vector<16xi32> to vector<1xi32>
        %squeeze3A_918 = vector.extract %slice3A_917[0] : i32 from vector<1xi32>
        %dma_start3A_919 = arith.constant 10240 : i32
        %dma_start3A_920 = tpu.memref_slice %arg9[%dma_start3A_919] : memref<20480xf32, #tpu.memory_space<vmem>> -> memref<2560xf32, #tpu.memory_space<vmem>>
        %dma_start3A_921 = arith.constant 0 : i32
        %dma_start3A_922 = tpu.memref_slice %arg4[%squeeze3A_918, %dma_start3A_921] : memref<50257x2560xf32, #tpu.memory_space<hbm>> -> memref<1x2560xf32, #tpu.memory_space<hbm>>
        %dma_start3A_923 = tpu.memref_squeeze %dma_start3A_922 : memref<1x2560xf32, #tpu.memory_space<hbm>> -> memref<2560xf32, #tpu.memory_space<hbm>>
        %dma_start3A_924 = arith.constant 10240 : i32
        %dma_start3A_925 = tpu.memref_slice %arg9[%dma_start3A_924] : memref<20480xf32, #tpu.memory_space<vmem>> -> memref<2560xf32, #tpu.memory_space<vmem>>
        %dma_start3A_926 = arith.constant 0 : i32
        %dma_start3A_927 = tpu.memref_slice %arg4[%squeeze3A_918, %dma_start3A_926] : memref<50257x2560xf32, #tpu.memory_space<hbm>> -> memref<1x2560xf32, #tpu.memory_space<hbm>>
        %dma_start3A_928 = tpu.memref_squeeze %dma_start3A_927 : memref<1x2560xf32, #tpu.memory_space<hbm>> -> memref<2560xf32, #tpu.memory_space<hbm>>
        tpu.enqueue_dma source(%dma_start3A_928 : memref<2560xf32, #tpu.memory_space<hbm>>) target(%dma_start3A_925 : memref<2560xf32, #tpu.memory_space<vmem>>) target_semaphore(%arg15 : memref<!tpu.dma_semaphore, #tpu.memory_space<semaphore_mem>>)
        %slice3A_929 = vector.extract_strided_slice %get3A_820 {offsets = [4], sizes = [1], strides = [1]} : vector<16xi32> to vector<1xi32>
        %squeeze3A_930 = vector.extract %slice3A_929[0] : i32 from vector<1xi32>
        %dma_start3A_931 = arith.constant 10240 : i32
        %dma_start3A_932 = tpu.memref_slice %arg11[%dma_start3A_931] : memref<20480xf32, #tpu.memory_space<vmem>> -> memref<2560xf32, #tpu.memory_space<vmem>>
        %dma_start3A_933 = arith.constant 0 : i32
        %dma_start3A_934 = tpu.memref_slice %arg5[%squeeze3A_930, %dma_start3A_933] : memref<8192x2560xf32, #tpu.memory_space<hbm>> -> memref<1x2560xf32, #tpu.memory_space<hbm>>
        %dma_start3A_935 = tpu.memref_squeeze %dma_start3A_934 : memref<1x2560xf32, #tpu.memory_space<hbm>> -> memref<2560xf32, #tpu.memory_space<hbm>>
        %dma_start3A_936 = arith.constant 10240 : i32
        %dma_start3A_937 = tpu.memref_slice %arg11[%dma_start3A_936] : memref<20480xf32, #tpu.memory_space<vmem>> -> memref<2560xf32, #tpu.memory_space<vmem>>
        %dma_start3A_938 = arith.constant 0 : i32
        %dma_start3A_939 = tpu.memref_slice %arg5[%squeeze3A_930, %dma_start3A_938] : memref<8192x2560xf32, #tpu.memory_space<hbm>> -> memref<1x2560xf32, #tpu.memory_space<hbm>>
        %dma_start3A_940 = tpu.memref_squeeze %dma_start3A_939 : memref<1x2560xf32, #tpu.memory_space<hbm>> -> memref<2560xf32, #tpu.memory_space<hbm>>
        tpu.enqueue_dma source(%dma_start3A_940 : memref<2560xf32, #tpu.memory_space<hbm>>) target(%dma_start3A_937 : memref<2560xf32, #tpu.memory_space<vmem>>) target_semaphore(%arg17 : memref<!tpu.dma_semaphore, #tpu.memory_space<semaphore_mem>>)
        %slice3A_941 = vector.extract_strided_slice %get3A_816 {offsets = [5], sizes = [1], strides = [1]} : vector<16xi32> to vector<1xi32>
        %squeeze3A_942 = vector.extract %slice3A_941[0] : i32 from vector<1xi32>
        %dma_start3A_943 = arith.constant 12800 : i32
        %dma_start3A_944 = tpu.memref_slice %arg9[%dma_start3A_943] : memref<20480xf32, #tpu.memory_space<vmem>> -> memref<2560xf32, #tpu.memory_space<vmem>>
        %dma_start3A_945 = arith.constant 0 : i32
        %dma_start3A_946 = tpu.memref_slice %arg4[%squeeze3A_942, %dma_start3A_945] : memref<50257x2560xf32, #tpu.memory_space<hbm>> -> memref<1x2560xf32, #tpu.memory_space<hbm>>
        %dma_start3A_947 = tpu.memref_squeeze %dma_start3A_946 : memref<1x2560xf32, #tpu.memory_space<hbm>> -> memref<2560xf32, #tpu.memory_space<hbm>>
        %dma_start3A_948 = arith.constant 12800 : i32
        %dma_start3A_949 = tpu.memref_slice %arg9[%dma_start3A_948] : memref<20480xf32, #tpu.memory_space<vmem>> -> memref<2560xf32, #tpu.memory_space<vmem>>
        %dma_start3A_950 = arith.constant 0 : i32
        %dma_start3A_951 = tpu.memref_slice %arg4[%squeeze3A_942, %dma_start3A_950] : memref<50257x2560xf32, #tpu.memory_space<hbm>> -> memref<1x2560xf32, #tpu.memory_space<hbm>>
        %dma_start3A_952 = tpu.memref_squeeze %dma_start3A_951 : memref<1x2560xf32, #tpu.memory_space<hbm>> -> memref<2560xf32, #tpu.memory_space<hbm>>
        tpu.enqueue_dma source(%dma_start3A_952 : memref<2560xf32, #tpu.memory_space<hbm>>) target(%dma_start3A_949 : memref<2560xf32, #tpu.memory_space<vmem>>) target_semaphore(%arg15 : memref<!tpu.dma_semaphore, #tpu.memory_space<semaphore_mem>>)
        %slice3A_953 = vector.extract_strided_slice %get3A_820 {offsets = [5], sizes = [1], strides = [1]} : vector<16xi32> to vector<1xi32>
        %squeeze3A_954 = vector.extract %slice3A_953[0] : i32 from vector<1xi32>
        %dma_start3A_955 = arith.constant 12800 : i32
        %dma_start3A_956 = tpu.memref_slice %arg11[%dma_start3A_955] : memref<20480xf32, #tpu.memory_space<vmem>> -> memref<2560xf32, #tpu.memory_space<vmem>>
        %dma_start3A_957 = arith.constant 0 : i32
        %dma_start3A_958 = tpu.memref_slice %arg5[%squeeze3A_954, %dma_start3A_957] : memref<8192x2560xf32, #tpu.memory_space<hbm>> -> memref<1x2560xf32, #tpu.memory_space<hbm>>
        %dma_start3A_959 = tpu.memref_squeeze %dma_start3A_958 : memref<1x2560xf32, #tpu.memory_space<hbm>> -> memref<2560xf32, #tpu.memory_space<hbm>>
        %dma_start3A_960 = arith.constant 12800 : i32
        %dma_start3A_961 = tpu.memref_slice %arg11[%dma_start3A_960] : memref<20480xf32, #tpu.memory_space<vmem>> -> memref<2560xf32, #tpu.memory_space<vmem>>
        %dma_start3A_962 = arith.constant 0 : i32
        %dma_start3A_963 = tpu.memref_slice %arg5[%squeeze3A_954, %dma_start3A_962] : memref<8192x2560xf32, #tpu.memory_space<hbm>> -> memref<1x2560xf32, #tpu.memory_space<hbm>>
        %dma_start3A_964 = tpu.memref_squeeze %dma_start3A_963 : memref<1x2560xf32, #tpu.memory_space<hbm>> -> memref<2560xf32, #tpu.memory_space<hbm>>
        tpu.enqueue_dma source(%dma_start3A_964 : memref<2560xf32, #tpu.memory_space<hbm>>) target(%dma_start3A_961 : memref<2560xf32, #tpu.memory_space<vmem>>) target_semaphore(%arg17 : memref<!tpu.dma_semaphore, #tpu.memory_space<semaphore_mem>>)
        %slice3A_965 = vector.extract_strided_slice %get3A_816 {offsets = [6], sizes = [1], strides = [1]} : vector<16xi32> to vector<1xi32>
        %squeeze3A_966 = vector.extract %slice3A_965[0] : i32 from vector<1xi32>
        %dma_start3A_967 = arith.constant 15360 : i32
        %dma_start3A_968 = tpu.memref_slice %arg9[%dma_start3A_967] : memref<20480xf32, #tpu.memory_space<vmem>> -> memref<2560xf32, #tpu.memory_space<vmem>>
        %dma_start3A_969 = arith.constant 0 : i32
        %dma_start3A_970 = tpu.memref_slice %arg4[%squeeze3A_966, %dma_start3A_969] : memref<50257x2560xf32, #tpu.memory_space<hbm>> -> memref<1x2560xf32, #tpu.memory_space<hbm>>
        %dma_start3A_971 = tpu.memref_squeeze %dma_start3A_970 : memref<1x2560xf32, #tpu.memory_space<hbm>> -> memref<2560xf32, #tpu.memory_space<hbm>>
        %dma_start3A_972 = arith.constant 15360 : i32
        %dma_start3A_973 = tpu.memref_slice %arg9[%dma_start3A_972] : memref<20480xf32, #tpu.memory_space<vmem>> -> memref<2560xf32, #tpu.memory_space<vmem>>
        %dma_start3A_974 = arith.constant 0 : i32
        %dma_start3A_975 = tpu.memref_slice %arg4[%squeeze3A_966, %dma_start3A_974] : memref<50257x2560xf32, #tpu.memory_space<hbm>> -> memref<1x2560xf32, #tpu.memory_space<hbm>>
        %dma_start3A_976 = tpu.memref_squeeze %dma_start3A_975 : memref<1x2560xf32, #tpu.memory_space<hbm>> -> memref<2560xf32, #tpu.memory_space<hbm>>
        tpu.enqueue_dma source(%dma_start3A_976 : memref<2560xf32, #tpu.memory_space<hbm>>) target(%dma_start3A_973 : memref<2560xf32, #tpu.memory_space<vmem>>) target_semaphore(%arg15 : memref<!tpu.dma_semaphore, #tpu.memory_space<semaphore_mem>>)
        %slice3A_977 = vector.extract_strided_slice %get3A_820 {offsets = [6], sizes = [1], strides = [1]} : vector<16xi32> to vector<1xi32>
        %squeeze3A_978 = vector.extract %slice3A_977[0] : i32 from vector<1xi32>
        %dma_start3A_979 = arith.constant 15360 : i32
        %dma_start3A_980 = tpu.memref_slice %arg11[%dma_start3A_979] : memref<20480xf32, #tpu.memory_space<vmem>> -> memref<2560xf32, #tpu.memory_space<vmem>>
        %dma_start3A_981 = arith.constant 0 : i32
        %dma_start3A_982 = tpu.memref_slice %arg5[%squeeze3A_978, %dma_start3A_981] : memref<8192x2560xf32, #tpu.memory_space<hbm>> -> memref<1x2560xf32, #tpu.memory_space<hbm>>
        %dma_start3A_983 = tpu.memref_squeeze %dma_start3A_982 : memref<1x2560xf32, #tpu.memory_space<hbm>> -> memref<2560xf32, #tpu.memory_space<hbm>>
        %dma_start3A_984 = arith.constant 15360 : i32
        %dma_start3A_985 = tpu.memref_slice %arg11[%dma_start3A_984] : memref<20480xf32, #tpu.memory_space<vmem>> -> memref<2560xf32, #tpu.memory_space<vmem>>
        %dma_start3A_986 = arith.constant 0 : i32
        %dma_start3A_987 = tpu.memref_slice %arg5[%squeeze3A_978, %dma_start3A_986] : memref<8192x2560xf32, #tpu.memory_space<hbm>> -> memref<1x2560xf32, #tpu.memory_space<hbm>>
        %dma_start3A_988 = tpu.memref_squeeze %dma_start3A_987 : memref<1x2560xf32, #tpu.memory_space<hbm>> -> memref<2560xf32, #tpu.memory_space<hbm>>
        tpu.enqueue_dma source(%dma_start3A_988 : memref<2560xf32, #tpu.memory_space<hbm>>) target(%dma_start3A_985 : memref<2560xf32, #tpu.memory_space<vmem>>) target_semaphore(%arg17 : memref<!tpu.dma_semaphore, #tpu.memory_space<semaphore_mem>>)
        %slice3A_989 = vector.extract_strided_slice %get3A_816 {offsets = [7], sizes = [1], strides = [1]} : vector<16xi32> to vector<1xi32>
        %squeeze3A_990 = vector.extract %slice3A_989[0] : i32 from vector<1xi32>
        %dma_start3A_991 = arith.constant 17920 : i32
        %dma_start3A_992 = tpu.memref_slice %arg9[%dma_start3A_991] : memref<20480xf32, #tpu.memory_space<vmem>> -> memref<2560xf32, #tpu.memory_space<vmem>>
        %dma_start3A_993 = arith.constant 0 : i32
        %dma_start3A_994 = tpu.memref_slice %arg4[%squeeze3A_990, %dma_start3A_993] : memref<50257x2560xf32, #tpu.memory_space<hbm>> -> memref<1x2560xf32, #tpu.memory_space<hbm>>
        %dma_start3A_995 = tpu.memref_squeeze %dma_start3A_994 : memref<1x2560xf32, #tpu.memory_space<hbm>> -> memref<2560xf32, #tpu.memory_space<hbm>>
        %dma_start3A_996 = arith.constant 17920 : i32
        %dma_start3A_997 = tpu.memref_slice %arg9[%dma_start3A_996] : memref<20480xf32, #tpu.memory_space<vmem>> -> memref<2560xf32, #tpu.memory_space<vmem>>
        %dma_start3A_998 = arith.constant 0 : i32
        %dma_start3A_999 = tpu.memref_slice %arg4[%squeeze3A_990, %dma_start3A_998] : memref<50257x2560xf32, #tpu.memory_space<hbm>> -> memref<1x2560xf32, #tpu.memory_space<hbm>>
        %dma_start3A_1000 = tpu.memref_squeeze %dma_start3A_999 : memref<1x2560xf32, #tpu.memory_space<hbm>> -> memref<2560xf32, #tpu.memory_space<hbm>>
        tpu.enqueue_dma source(%dma_start3A_1000 : memref<2560xf32, #tpu.memory_space<hbm>>) target(%dma_start3A_997 : memref<2560xf32, #tpu.memory_space<vmem>>) target_semaphore(%arg15 : memref<!tpu.dma_semaphore, #tpu.memory_space<semaphore_mem>>)
        %slice3A_1001 = vector.extract_strided_slice %get3A_820 {offsets = [7], sizes = [1], strides = [1]} : vector<16xi32> to vector<1xi32>
        %squeeze3A_1002 = vector.extract %slice3A_1001[0] : i32 from vector<1xi32>
        %dma_start3A_1003 = arith.constant 17920 : i32
        %dma_start3A_1004 = tpu.memref_slice %arg11[%dma_start3A_1003] : memref<20480xf32, #tpu.memory_space<vmem>> -> memref<2560xf32, #tpu.memory_space<vmem>>
        %dma_start3A_1005 = arith.constant 0 : i32
        %dma_start3A_1006 = tpu.memref_slice %arg5[%squeeze3A_1002, %dma_start3A_1005] : memref<8192x2560xf32, #tpu.memory_space<hbm>> -> memref<1x2560xf32, #tpu.memory_space<hbm>>
        %dma_start3A_1007 = tpu.memref_squeeze %dma_start3A_1006 : memref<1x2560xf32, #tpu.memory_space<hbm>> -> memref<2560xf32, #tpu.memory_space<hbm>>
        %dma_start3A_1008 = arith.constant 17920 : i32
        %dma_start3A_1009 = tpu.memref_slice %arg11[%dma_start3A_1008] : memref<20480xf32, #tpu.memory_space<vmem>> -> memref<2560xf32, #tpu.memory_space<vmem>>
        %dma_start3A_1010 = arith.constant 0 : i32
        %dma_start3A_1011 = tpu.memref_slice %arg5[%squeeze3A_1002, %dma_start3A_1010] : memref<8192x2560xf32, #tpu.memory_space<hbm>> -> memref<1x2560xf32, #tpu.memory_space<hbm>>
        %dma_start3A_1012 = tpu.memref_squeeze %dma_start3A_1011 : memref<1x2560xf32, #tpu.memory_space<hbm>> -> memref<2560xf32, #tpu.memory_space<hbm>>
        tpu.enqueue_dma source(%dma_start3A_1012 : memref<2560xf32, #tpu.memory_space<hbm>>) target(%dma_start3A_1009 : memref<2560xf32, #tpu.memory_space<vmem>>) target_semaphore(%arg17 : memref<!tpu.dma_semaphore, #tpu.memory_space<semaphore_mem>>)
      } else {
      }
      %dma_wait3A_615 = arith.constant 0 : i32
      %dma_wait3A_616 = arith.constant 0 : i32
      %dma_wait3A_617 = tpu.memref_slice %arg10[%dma_wait3A_616] : memref<20480xf32, #tpu.memory_space<vmem>> -> memref<2560xf32, #tpu.memory_space<vmem>>
      %dma_wait3A_618 = arith.constant 0 : i32
      %dma_wait3A_619 = tpu.memref_slice %arg4[%dma_wait3A_615, %dma_wait3A_618] : memref<50257x2560xf32, #tpu.memory_space<hbm>> -> memref<1x2560xf32, #tpu.memory_space<hbm>>
      %dma_wait3A_620 = tpu.memref_squeeze %dma_wait3A_619 : memref<1x2560xf32, #tpu.memory_space<hbm>> -> memref<2560xf32, #tpu.memory_space<hbm>>
      %dma_wait3A_621 = arith.constant 0 : i32
      %dma_wait3A_622 = tpu.memref_slice %arg10[%dma_wait3A_621] : memref<20480xf32, #tpu.memory_space<vmem>> -> memref<2560xf32, #tpu.memory_space<vmem>>
      %dma_wait3A_623 = arith.constant 0 : i32
      %dma_wait3A_624 = tpu.memref_slice %arg4[%dma_wait3A_615, %dma_wait3A_623] : memref<50257x2560xf32, #tpu.memory_space<hbm>> -> memref<1x2560xf32, #tpu.memory_space<hbm>>
      %dma_wait3A_625 = tpu.memref_squeeze %dma_wait3A_624 : memref<1x2560xf32, #tpu.memory_space<hbm>> -> memref<2560xf32, #tpu.memory_space<hbm>>
      tpu.wait_dma2 semaphore(%arg16 : memref<!tpu.dma_semaphore, #tpu.memory_space<semaphore_mem>>) src(%dma_wait3A_625 : memref<2560xf32, #tpu.memory_space<hbm>>) dst(%dma_wait3A_622 : memref<2560xf32, #tpu.memory_space<vmem>>)
      %dma_wait3A_626 = arith.constant 0 : i32
      %dma_wait3A_627 = arith.constant 0 : i32
      %dma_wait3A_628 = tpu.memref_slice %arg12[%dma_wait3A_627] : memref<20480xf32, #tpu.memory_space<vmem>> -> memref<2560xf32, #tpu.memory_space<vmem>>
      %dma_wait3A_629 = arith.constant 0 : i32
      %dma_wait3A_630 = tpu.memref_slice %arg5[%dma_wait3A_626, %dma_wait3A_629] : memref<8192x2560xf32, #tpu.memory_space<hbm>> -> memref<1x2560xf32, #tpu.memory_space<hbm>>
      %dma_wait3A_631 = tpu.memref_squeeze %dma_wait3A_630 : memref<1x2560xf32, #tpu.memory_space<hbm>> -> memref<2560xf32, #tpu.memory_space<hbm>>
      %dma_wait3A_632 = arith.constant 0 : i32
      %dma_wait3A_633 = tpu.memref_slice %arg12[%dma_wait3A_632] : memref<20480xf32, #tpu.memory_space<vmem>> -> memref<2560xf32, #tpu.memory_space<vmem>>
      %dma_wait3A_634 = arith.constant 0 : i32
      %dma_wait3A_635 = tpu.memref_slice %arg5[%dma_wait3A_626, %dma_wait3A_634] : memref<8192x2560xf32, #tpu.memory_space<hbm>> -> memref<1x2560xf32, #tpu.memory_space<hbm>>
      %dma_wait3A_636 = tpu.memref_squeeze %dma_wait3A_635 : memref<1x2560xf32, #tpu.memory_space<hbm>> -> memref<2560xf32, #tpu.memory_space<hbm>>
      tpu.wait_dma2 semaphore(%arg18 : memref<!tpu.dma_semaphore, #tpu.memory_space<semaphore_mem>>) src(%dma_wait3A_636 : memref<2560xf32, #tpu.memory_space<hbm>>) dst(%dma_wait3A_633 : memref<2560xf32, #tpu.memory_space<vmem>>)
      %dma_wait3A_637 = arith.constant 0 : i32
      %dma_wait3A_638 = arith.constant 2560 : i32
      %dma_wait3A_639 = tpu.memref_slice %arg10[%dma_wait3A_638] : memref<20480xf32, #tpu.memory_space<vmem>> -> memref<2560xf32, #tpu.memory_space<vmem>>
      %dma_wait3A_640 = arith.constant 0 : i32
      %dma_wait3A_641 = tpu.memref_slice %arg4[%dma_wait3A_637, %dma_wait3A_640] : memref<50257x2560xf32, #tpu.memory_space<hbm>> -> memref<1x2560xf32, #tpu.memory_space<hbm>>
      %dma_wait3A_642 = tpu.memref_squeeze %dma_wait3A_641 : memref<1x2560xf32, #tpu.memory_space<hbm>> -> memref<2560xf32, #tpu.memory_space<hbm>>
      %dma_wait3A_643 = arith.constant 2560 : i32
      %dma_wait3A_644 = tpu.memref_slice %arg10[%dma_wait3A_643] : memref<20480xf32, #tpu.memory_space<vmem>> -> memref<2560xf32, #tpu.memory_space<vmem>>
      %dma_wait3A_645 = arith.constant 0 : i32
      %dma_wait3A_646 = tpu.memref_slice %arg4[%dma_wait3A_637, %dma_wait3A_645] : memref<50257x2560xf32, #tpu.memory_space<hbm>> -> memref<1x2560xf32, #tpu.memory_space<hbm>>
      %dma_wait3A_647 = tpu.memref_squeeze %dma_wait3A_646 : memref<1x2560xf32, #tpu.memory_space<hbm>> -> memref<2560xf32, #tpu.memory_space<hbm>>
      tpu.wait_dma2 semaphore(%arg16 : memref<!tpu.dma_semaphore, #tpu.memory_space<semaphore_mem>>) src(%dma_wait3A_647 : memref<2560xf32, #tpu.memory_space<hbm>>) dst(%dma_wait3A_644 : memref<2560xf32, #tpu.memory_space<vmem>>)
      %dma_wait3A_648 = arith.constant 0 : i32
      %dma_wait3A_649 = arith.constant 2560 : i32
      %dma_wait3A_650 = tpu.memref_slice %arg12[%dma_wait3A_649] : memref<20480xf32, #tpu.memory_space<vmem>> -> memref<2560xf32, #tpu.memory_space<vmem>>
      %dma_wait3A_651 = arith.constant 0 : i32
      %dma_wait3A_652 = tpu.memref_slice %arg5[%dma_wait3A_648, %dma_wait3A_651] : memref<8192x2560xf32, #tpu.memory_space<hbm>> -> memref<1x2560xf32, #tpu.memory_space<hbm>>
      %dma_wait3A_653 = tpu.memref_squeeze %dma_wait3A_652 : memref<1x2560xf32, #tpu.memory_space<hbm>> -> memref<2560xf32, #tpu.memory_space<hbm>>
      %dma_wait3A_654 = arith.constant 2560 : i32
      %dma_wait3A_655 = tpu.memref_slice %arg12[%dma_wait3A_654] : memref<20480xf32, #tpu.memory_space<vmem>> -> memref<2560xf32, #tpu.memory_space<vmem>>
      %dma_wait3A_656 = arith.constant 0 : i32
      %dma_wait3A_657 = tpu.memref_slice %arg5[%dma_wait3A_648, %dma_wait3A_656] : memref<8192x2560xf32, #tpu.memory_space<hbm>> -> memref<1x2560xf32, #tpu.memory_space<hbm>>
      %dma_wait3A_658 = tpu.memref_squeeze %dma_wait3A_657 : memref<1x2560xf32, #tpu.memory_space<hbm>> -> memref<2560xf32, #tpu.memory_space<hbm>>
      tpu.wait_dma2 semaphore(%arg18 : memref<!tpu.dma_semaphore, #tpu.memory_space<semaphore_mem>>) src(%dma_wait3A_658 : memref<2560xf32, #tpu.memory_space<hbm>>) dst(%dma_wait3A_655 : memref<2560xf32, #tpu.memory_space<vmem>>)
      %dma_wait3A_659 = arith.constant 0 : i32
      %dma_wait3A_660 = arith.constant 5120 : i32
      %dma_wait3A_661 = tpu.memref_slice %arg10[%dma_wait3A_660] : memref<20480xf32, #tpu.memory_space<vmem>> -> memref<2560xf32, #tpu.memory_space<vmem>>
      %dma_wait3A_662 = arith.constant 0 : i32
      %dma_wait3A_663 = tpu.memref_slice %arg4[%dma_wait3A_659, %dma_wait3A_662] : memref<50257x2560xf32, #tpu.memory_space<hbm>> -> memref<1x2560xf32, #tpu.memory_space<hbm>>
      %dma_wait3A_664 = tpu.memref_squeeze %dma_wait3A_663 : memref<1x2560xf32, #tpu.memory_space<hbm>> -> memref<2560xf32, #tpu.memory_space<hbm>>
      %dma_wait3A_665 = arith.constant 5120 : i32
      %dma_wait3A_666 = tpu.memref_slice %arg10[%dma_wait3A_665] : memref<20480xf32, #tpu.memory_space<vmem>> -> memref<2560xf32, #tpu.memory_space<vmem>>
      %dma_wait3A_667 = arith.constant 0 : i32
      %dma_wait3A_668 = tpu.memref_slice %arg4[%dma_wait3A_659, %dma_wait3A_667] : memref<50257x2560xf32, #tpu.memory_space<hbm>> -> memref<1x2560xf32, #tpu.memory_space<hbm>>
      %dma_wait3A_669 = tpu.memref_squeeze %dma_wait3A_668 : memref<1x2560xf32, #tpu.memory_space<hbm>> -> memref<2560xf32, #tpu.memory_space<hbm>>
      tpu.wait_dma2 semaphore(%arg16 : memref<!tpu.dma_semaphore, #tpu.memory_space<semaphore_mem>>) src(%dma_wait3A_669 : memref<2560xf32, #tpu.memory_space<hbm>>) dst(%dma_wait3A_666 : memref<2560xf32, #tpu.memory_space<vmem>>)
      %dma_wait3A_670 = arith.constant 0 : i32
      %dma_wait3A_671 = arith.constant 5120 : i32
      %dma_wait3A_672 = tpu.memref_slice %arg12[%dma_wait3A_671] : memref<20480xf32, #tpu.memory_space<vmem>> -> memref<2560xf32, #tpu.memory_space<vmem>>
      %dma_wait3A_673 = arith.constant 0 : i32
      %dma_wait3A_674 = tpu.memref_slice %arg5[%dma_wait3A_670, %dma_wait3A_673] : memref<8192x2560xf32, #tpu.memory_space<hbm>> -> memref<1x2560xf32, #tpu.memory_space<hbm>>
      %dma_wait3A_675 = tpu.memref_squeeze %dma_wait3A_674 : memref<1x2560xf32, #tpu.memory_space<hbm>> -> memref<2560xf32, #tpu.memory_space<hbm>>
      %dma_wait3A_676 = arith.constant 5120 : i32
      %dma_wait3A_677 = tpu.memref_slice %arg12[%dma_wait3A_676] : memref<20480xf32, #tpu.memory_space<vmem>> -> memref<2560xf32, #tpu.memory_space<vmem>>
      %dma_wait3A_678 = arith.constant 0 : i32
      %dma_wait3A_679 = tpu.memref_slice %arg5[%dma_wait3A_670, %dma_wait3A_678] : memref<8192x2560xf32, #tpu.memory_space<hbm>> -> memref<1x2560xf32, #tpu.memory_space<hbm>>
      %dma_wait3A_680 = tpu.memref_squeeze %dma_wait3A_679 : memref<1x2560xf32, #tpu.memory_space<hbm>> -> memref<2560xf32, #tpu.memory_space<hbm>>
      tpu.wait_dma2 semaphore(%arg18 : memref<!tpu.dma_semaphore, #tpu.memory_space<semaphore_mem>>) src(%dma_wait3A_680 : memref<2560xf32, #tpu.memory_space<hbm>>) dst(%dma_wait3A_677 : memref<2560xf32, #tpu.memory_space<vmem>>)
      %dma_wait3A_681 = arith.constant 0 : i32
      %dma_wait3A_682 = arith.constant 7680 : i32
      %dma_wait3A_683 = tpu.memref_slice %arg10[%dma_wait3A_682] : memref<20480xf32, #tpu.memory_space<vmem>> -> memref<2560xf32, #tpu.memory_space<vmem>>
      %dma_wait3A_684 = arith.constant 0 : i32
      %dma_wait3A_685 = tpu.memref_slice %arg4[%dma_wait3A_681, %dma_wait3A_684] : memref<50257x2560xf32, #tpu.memory_space<hbm>> -> memref<1x2560xf32, #tpu.memory_space<hbm>>
      %dma_wait3A_686 = tpu.memref_squeeze %dma_wait3A_685 : memref<1x2560xf32, #tpu.memory_space<hbm>> -> memref<2560xf32, #tpu.memory_space<hbm>>
      %dma_wait3A_687 = arith.constant 7680 : i32
      %dma_wait3A_688 = tpu.memref_slice %arg10[%dma_wait3A_687] : memref<20480xf32, #tpu.memory_space<vmem>> -> memref<2560xf32, #tpu.memory_space<vmem>>
      %dma_wait3A_689 = arith.constant 0 : i32
      %dma_wait3A_690 = tpu.memref_slice %arg4[%dma_wait3A_681, %dma_wait3A_689] : memref<50257x2560xf32, #tpu.memory_space<hbm>> -> memref<1x2560xf32, #tpu.memory_space<hbm>>
      %dma_wait3A_691 = tpu.memref_squeeze %dma_wait3A_690 : memref<1x2560xf32, #tpu.memory_space<hbm>> -> memref<2560xf32, #tpu.memory_space<hbm>>
      tpu.wait_dma2 semaphore(%arg16 : memref<!tpu.dma_semaphore, #tpu.memory_space<semaphore_mem>>) src(%dma_wait3A_691 : memref<2560xf32, #tpu.memory_space<hbm>>) dst(%dma_wait3A_688 : memref<2560xf32, #tpu.memory_space<vmem>>)
      %dma_wait3A_692 = arith.constant 0 : i32
      %dma_wait3A_693 = arith.constant 7680 : i32
      %dma_wait3A_694 = tpu.memref_slice %arg12[%dma_wait3A_693] : memref<20480xf32, #tpu.memory_space<vmem>> -> memref<2560xf32, #tpu.memory_space<vmem>>
      %dma_wait3A_695 = arith.constant 0 : i32
      %dma_wait3A_696 = tpu.memref_slice %arg5[%dma_wait3A_692, %dma_wait3A_695] : memref<8192x2560xf32, #tpu.memory_space<hbm>> -> memref<1x2560xf32, #tpu.memory_space<hbm>>
      %dma_wait3A_697 = tpu.memref_squeeze %dma_wait3A_696 : memref<1x2560xf32, #tpu.memory_space<hbm>> -> memref<2560xf32, #tpu.memory_space<hbm>>
      %dma_wait3A_698 = arith.constant 7680 : i32
      %dma_wait3A_699 = tpu.memref_slice %arg12[%dma_wait3A_698] : memref<20480xf32, #tpu.memory_space<vmem>> -> memref<2560xf32, #tpu.memory_space<vmem>>
      %dma_wait3A_700 = arith.constant 0 : i32
      %dma_wait3A_701 = tpu.memref_slice %arg5[%dma_wait3A_692, %dma_wait3A_700] : memref<8192x2560xf32, #tpu.memory_space<hbm>> -> memref<1x2560xf32, #tpu.memory_space<hbm>>
      %dma_wait3A_702 = tpu.memref_squeeze %dma_wait3A_701 : memref<1x2560xf32, #tpu.memory_space<hbm>> -> memref<2560xf32, #tpu.memory_space<hbm>>
      tpu.wait_dma2 semaphore(%arg18 : memref<!tpu.dma_semaphore, #tpu.memory_space<semaphore_mem>>) src(%dma_wait3A_702 : memref<2560xf32, #tpu.memory_space<hbm>>) dst(%dma_wait3A_699 : memref<2560xf32, #tpu.memory_space<vmem>>)
      %dma_wait3A_703 = arith.constant 0 : i32
      %dma_wait3A_704 = arith.constant 10240 : i32
      %dma_wait3A_705 = tpu.memref_slice %arg10[%dma_wait3A_704] : memref<20480xf32, #tpu.memory_space<vmem>> -> memref<2560xf32, #tpu.memory_space<vmem>>
      %dma_wait3A_706 = arith.constant 0 : i32
      %dma_wait3A_707 = tpu.memref_slice %arg4[%dma_wait3A_703, %dma_wait3A_706] : memref<50257x2560xf32, #tpu.memory_space<hbm>> -> memref<1x2560xf32, #tpu.memory_space<hbm>>
      %dma_wait3A_708 = tpu.memref_squeeze %dma_wait3A_707 : memref<1x2560xf32, #tpu.memory_space<hbm>> -> memref<2560xf32, #tpu.memory_space<hbm>>
      %dma_wait3A_709 = arith.constant 10240 : i32
      %dma_wait3A_710 = tpu.memref_slice %arg10[%dma_wait3A_709] : memref<20480xf32, #tpu.memory_space<vmem>> -> memref<2560xf32, #tpu.memory_space<vmem>>
      %dma_wait3A_711 = arith.constant 0 : i32
      %dma_wait3A_712 = tpu.memref_slice %arg4[%dma_wait3A_703, %dma_wait3A_711] : memref<50257x2560xf32, #tpu.memory_space<hbm>> -> memref<1x2560xf32, #tpu.memory_space<hbm>>
      %dma_wait3A_713 = tpu.memref_squeeze %dma_wait3A_712 : memref<1x2560xf32, #tpu.memory_space<hbm>> -> memref<2560xf32, #tpu.memory_space<hbm>>
      tpu.wait_dma2 semaphore(%arg16 : memref<!tpu.dma_semaphore, #tpu.memory_space<semaphore_mem>>) src(%dma_wait3A_713 : memref<2560xf32, #tpu.memory_space<hbm>>) dst(%dma_wait3A_710 : memref<2560xf32, #tpu.memory_space<vmem>>)
      %dma_wait3A_714 = arith.constant 0 : i32
      %dma_wait3A_715 = arith.constant 10240 : i32
      %dma_wait3A_716 = tpu.memref_slice %arg12[%dma_wait3A_715] : memref<20480xf32, #tpu.memory_space<vmem>> -> memref<2560xf32, #tpu.memory_space<vmem>>
      %dma_wait3A_717 = arith.constant 0 : i32
      %dma_wait3A_718 = tpu.memref_slice %arg5[%dma_wait3A_714, %dma_wait3A_717] : memref<8192x2560xf32, #tpu.memory_space<hbm>> -> memref<1x2560xf32, #tpu.memory_space<hbm>>
      %dma_wait3A_719 = tpu.memref_squeeze %dma_wait3A_718 : memref<1x2560xf32, #tpu.memory_space<hbm>> -> memref<2560xf32, #tpu.memory_space<hbm>>
      %dma_wait3A_720 = arith.constant 10240 : i32
      %dma_wait3A_721 = tpu.memref_slice %arg12[%dma_wait3A_720] : memref<20480xf32, #tpu.memory_space<vmem>> -> memref<2560xf32, #tpu.memory_space<vmem>>
      %dma_wait3A_722 = arith.constant 0 : i32
      %dma_wait3A_723 = tpu.memref_slice %arg5[%dma_wait3A_714, %dma_wait3A_722] : memref<8192x2560xf32, #tpu.memory_space<hbm>> -> memref<1x2560xf32, #tpu.memory_space<hbm>>
      %dma_wait3A_724 = tpu.memref_squeeze %dma_wait3A_723 : memref<1x2560xf32, #tpu.memory_space<hbm>> -> memref<2560xf32, #tpu.memory_space<hbm>>
      tpu.wait_dma2 semaphore(%arg18 : memref<!tpu.dma_semaphore, #tpu.memory_space<semaphore_mem>>) src(%dma_wait3A_724 : memref<2560xf32, #tpu.memory_space<hbm>>) dst(%dma_wait3A_721 : memref<2560xf32, #tpu.memory_space<vmem>>)
      %dma_wait3A_725 = arith.constant 0 : i32
      %dma_wait3A_726 = arith.constant 12800 : i32
      %dma_wait3A_727 = tpu.memref_slice %arg10[%dma_wait3A_726] : memref<20480xf32, #tpu.memory_space<vmem>> -> memref<2560xf32, #tpu.memory_space<vmem>>
      %dma_wait3A_728 = arith.constant 0 : i32
      %dma_wait3A_729 = tpu.memref_slice %arg4[%dma_wait3A_725, %dma_wait3A_728] : memref<50257x2560xf32, #tpu.memory_space<hbm>> -> memref<1x2560xf32, #tpu.memory_space<hbm>>
      %dma_wait3A_730 = tpu.memref_squeeze %dma_wait3A_729 : memref<1x2560xf32, #tpu.memory_space<hbm>> -> memref<2560xf32, #tpu.memory_space<hbm>>
      %dma_wait3A_731 = arith.constant 12800 : i32
      %dma_wait3A_732 = tpu.memref_slice %arg10[%dma_wait3A_731] : memref<20480xf32, #tpu.memory_space<vmem>> -> memref<2560xf32, #tpu.memory_space<vmem>>
      %dma_wait3A_733 = arith.constant 0 : i32
      %dma_wait3A_734 = tpu.memref_slice %arg4[%dma_wait3A_725, %dma_wait3A_733] : memref<50257x2560xf32, #tpu.memory_space<hbm>> -> memref<1x2560xf32, #tpu.memory_space<hbm>>
      %dma_wait3A_735 = tpu.memref_squeeze %dma_wait3A_734 : memref<1x2560xf32, #tpu.memory_space<hbm>> -> memref<2560xf32, #tpu.memory_space<hbm>>
      tpu.wait_dma2 semaphore(%arg16 : memref<!tpu.dma_semaphore, #tpu.memory_space<semaphore_mem>>) src(%dma_wait3A_735 : memref<2560xf32, #tpu.memory_space<hbm>>) dst(%dma_wait3A_732 : memref<2560xf32, #tpu.memory_space<vmem>>)
      %dma_wait3A_736 = arith.constant 0 : i32
      %dma_wait3A_737 = arith.constant 12800 : i32
      %dma_wait3A_738 = tpu.memref_slice %arg12[%dma_wait3A_737] : memref<20480xf32, #tpu.memory_space<vmem>> -> memref<2560xf32, #tpu.memory_space<vmem>>
      %dma_wait3A_739 = arith.constant 0 : i32
      %dma_wait3A_740 = tpu.memref_slice %arg5[%dma_wait3A_736, %dma_wait3A_739] : memref<8192x2560xf32, #tpu.memory_space<hbm>> -> memref<1x2560xf32, #tpu.memory_space<hbm>>
      %dma_wait3A_741 = tpu.memref_squeeze %dma_wait3A_740 : memref<1x2560xf32, #tpu.memory_space<hbm>> -> memref<2560xf32, #tpu.memory_space<hbm>>
      %dma_wait3A_742 = arith.constant 12800 : i32
      %dma_wait3A_743 = tpu.memref_slice %arg12[%dma_wait3A_742] : memref<20480xf32, #tpu.memory_space<vmem>> -> memref<2560xf32, #tpu.memory_space<vmem>>
      %dma_wait3A_744 = arith.constant 0 : i32
      %dma_wait3A_745 = tpu.memref_slice %arg5[%dma_wait3A_736, %dma_wait3A_744] : memref<8192x2560xf32, #tpu.memory_space<hbm>> -> memref<1x2560xf32, #tpu.memory_space<hbm>>
      %dma_wait3A_746 = tpu.memref_squeeze %dma_wait3A_745 : memref<1x2560xf32, #tpu.memory_space<hbm>> -> memref<2560xf32, #tpu.memory_space<hbm>>
      tpu.wait_dma2 semaphore(%arg18 : memref<!tpu.dma_semaphore, #tpu.memory_space<semaphore_mem>>) src(%dma_wait3A_746 : memref<2560xf32, #tpu.memory_space<hbm>>) dst(%dma_wait3A_743 : memref<2560xf32, #tpu.memory_space<vmem>>)
      %dma_wait3A_747 = arith.constant 0 : i32
      %dma_wait3A_748 = arith.constant 15360 : i32
      %dma_wait3A_749 = tpu.memref_slice %arg10[%dma_wait3A_748] : memref<20480xf32, #tpu.memory_space<vmem>> -> memref<2560xf32, #tpu.memory_space<vmem>>
      %dma_wait3A_750 = arith.constant 0 : i32
      %dma_wait3A_751 = tpu.memref_slice %arg4[%dma_wait3A_747, %dma_wait3A_750] : memref<50257x2560xf32, #tpu.memory_space<hbm>> -> memref<1x2560xf32, #tpu.memory_space<hbm>>
      %dma_wait3A_752 = tpu.memref_squeeze %dma_wait3A_751 : memref<1x2560xf32, #tpu.memory_space<hbm>> -> memref<2560xf32, #tpu.memory_space<hbm>>
      %dma_wait3A_753 = arith.constant 15360 : i32
      %dma_wait3A_754 = tpu.memref_slice %arg10[%dma_wait3A_753] : memref<20480xf32, #tpu.memory_space<vmem>> -> memref<2560xf32, #tpu.memory_space<vmem>>
      %dma_wait3A_755 = arith.constant 0 : i32
      %dma_wait3A_756 = tpu.memref_slice %arg4[%dma_wait3A_747, %dma_wait3A_755] : memref<50257x2560xf32, #tpu.memory_space<hbm>> -> memref<1x2560xf32, #tpu.memory_space<hbm>>
      %dma_wait3A_757 = tpu.memref_squeeze %dma_wait3A_756 : memref<1x2560xf32, #tpu.memory_space<hbm>> -> memref<2560xf32, #tpu.memory_space<hbm>>
      tpu.wait_dma2 semaphore(%arg16 : memref<!tpu.dma_semaphore, #tpu.memory_space<semaphore_mem>>) src(%dma_wait3A_757 : memref<2560xf32, #tpu.memory_space<hbm>>) dst(%dma_wait3A_754 : memref<2560xf32, #tpu.memory_space<vmem>>)
      %dma_wait3A_758 = arith.constant 0 : i32
      %dma_wait3A_759 = arith.constant 15360 : i32
      %dma_wait3A_760 = tpu.memref_slice %arg12[%dma_wait3A_759] : memref<20480xf32, #tpu.memory_space<vmem>> -> memref<2560xf32, #tpu.memory_space<vmem>>
      %dma_wait3A_761 = arith.constant 0 : i32
      %dma_wait3A_762 = tpu.memref_slice %arg5[%dma_wait3A_758, %dma_wait3A_761] : memref<8192x2560xf32, #tpu.memory_space<hbm>> -> memref<1x2560xf32, #tpu.memory_space<hbm>>
      %dma_wait3A_763 = tpu.memref_squeeze %dma_wait3A_762 : memref<1x2560xf32, #tpu.memory_space<hbm>> -> memref<2560xf32, #tpu.memory_space<hbm>>
      %dma_wait3A_764 = arith.constant 15360 : i32
      %dma_wait3A_765 = tpu.memref_slice %arg12[%dma_wait3A_764] : memref<20480xf32, #tpu.memory_space<vmem>> -> memref<2560xf32, #tpu.memory_space<vmem>>
      %dma_wait3A_766 = arith.constant 0 : i32
      %dma_wait3A_767 = tpu.memref_slice %arg5[%dma_wait3A_758, %dma_wait3A_766] : memref<8192x2560xf32, #tpu.memory_space<hbm>> -> memref<1x2560xf32, #tpu.memory_space<hbm>>
      %dma_wait3A_768 = tpu.memref_squeeze %dma_wait3A_767 : memref<1x2560xf32, #tpu.memory_space<hbm>> -> memref<2560xf32, #tpu.memory_space<hbm>>
      tpu.wait_dma2 semaphore(%arg18 : memref<!tpu.dma_semaphore, #tpu.memory_space<semaphore_mem>>) src(%dma_wait3A_768 : memref<2560xf32, #tpu.memory_space<hbm>>) dst(%dma_wait3A_765 : memref<2560xf32, #tpu.memory_space<vmem>>)
      %dma_wait3A_769 = arith.constant 0 : i32
      %dma_wait3A_770 = arith.constant 17920 : i32
      %dma_wait3A_771 = tpu.memref_slice %arg10[%dma_wait3A_770] : memref<20480xf32, #tpu.memory_space<vmem>> -> memref<2560xf32, #tpu.memory_space<vmem>>
      %dma_wait3A_772 = arith.constant 0 : i32
      %dma_wait3A_773 = tpu.memref_slice %arg4[%dma_wait3A_769, %dma_wait3A_772] : memref<50257x2560xf32, #tpu.memory_space<hbm>> -> memref<1x2560xf32, #tpu.memory_space<hbm>>
      %dma_wait3A_774 = tpu.memref_squeeze %dma_wait3A_773 : memref<1x2560xf32, #tpu.memory_space<hbm>> -> memref<2560xf32, #tpu.memory_space<hbm>>
      %dma_wait3A_775 = arith.constant 17920 : i32
      %dma_wait3A_776 = tpu.memref_slice %arg10[%dma_wait3A_775] : memref<20480xf32, #tpu.memory_space<vmem>> -> memref<2560xf32, #tpu.memory_space<vmem>>
      %dma_wait3A_777 = arith.constant 0 : i32
      %dma_wait3A_778 = tpu.memref_slice %arg4[%dma_wait3A_769, %dma_wait3A_777] : memref<50257x2560xf32, #tpu.memory_space<hbm>> -> memref<1x2560xf32, #tpu.memory_space<hbm>>
      %dma_wait3A_779 = tpu.memref_squeeze %dma_wait3A_778 : memref<1x2560xf32, #tpu.memory_space<hbm>> -> memref<2560xf32, #tpu.memory_space<hbm>>
      tpu.wait_dma2 semaphore(%arg16 : memref<!tpu.dma_semaphore, #tpu.memory_space<semaphore_mem>>) src(%dma_wait3A_779 : memref<2560xf32, #tpu.memory_space<hbm>>) dst(%dma_wait3A_776 : memref<2560xf32, #tpu.memory_space<vmem>>)
      %dma_wait3A_780 = arith.constant 0 : i32
      %dma_wait3A_781 = arith.constant 17920 : i32
      %dma_wait3A_782 = tpu.memref_slice %arg12[%dma_wait3A_781] : memref<20480xf32, #tpu.memory_space<vmem>> -> memref<2560xf32, #tpu.memory_space<vmem>>
      %dma_wait3A_783 = arith.constant 0 : i32
      %dma_wait3A_784 = tpu.memref_slice %arg5[%dma_wait3A_780, %dma_wait3A_783] : memref<8192x2560xf32, #tpu.memory_space<hbm>> -> memref<1x2560xf32, #tpu.memory_space<hbm>>
      %dma_wait3A_785 = tpu.memref_squeeze %dma_wait3A_784 : memref<1x2560xf32, #tpu.memory_space<hbm>> -> memref<2560xf32, #tpu.memory_space<hbm>>
      %dma_wait3A_786 = arith.constant 17920 : i32
      %dma_wait3A_787 = tpu.memref_slice %arg12[%dma_wait3A_786] : memref<20480xf32, #tpu.memory_space<vmem>> -> memref<2560xf32, #tpu.memory_space<vmem>>
      %dma_wait3A_788 = arith.constant 0 : i32
      %dma_wait3A_789 = tpu.memref_slice %arg5[%dma_wait3A_780, %dma_wait3A_788] : memref<8192x2560xf32, #tpu.memory_space<hbm>> -> memref<1x2560xf32, #tpu.memory_space<hbm>>
      %dma_wait3A_790 = tpu.memref_squeeze %dma_wait3A_789 : memref<1x2560xf32, #tpu.memory_space<hbm>> -> memref<2560xf32, #tpu.memory_space<hbm>>
      tpu.wait_dma2 semaphore(%arg18 : memref<!tpu.dma_semaphore, #tpu.memory_space<semaphore_mem>>) src(%dma_wait3A_790 : memref<2560xf32, #tpu.memory_space<hbm>>) dst(%dma_wait3A_787 : memref<2560xf32, #tpu.memory_space<vmem>>)
      %scan3A_791 = arith.constant 0 : i32
      %scan3A_792 = arith.constant 0 : i32
      %scan3A_793 = arith.constant 80 : i32
      %scan3A_794 = arith.addi %scan3A_792, %scan3A_793 : i32
      %scan3A_795 = arith.constant 5 : i32
      scf.for %scan3A_811 = %scan3A_792 to %scan3A_794 step %scan3A_795  : i32 {
        %mul3A_812 = arith.constant 32 : i32
        %mul3A_813 = arith.muli %scan3A_811, %mul3A_812 : i32
        %add3A_814 = vector.broadcast %mul3A_813 : i32 to vector<16xi32>
        %add3A_815 = arith.addi %add3A_814, %mul3A_5 : vector<16xi32>
        %add3A_816 = vector.broadcast %mul3A_813 : i32 to vector<16xi32>
        %add3A_817 = arith.addi %add3A_816, %add3A_8 : vector<16xi32>
        %gather3A = arith.constant 0 : i32
        %gather3A_818 = tpu.memref_slice %arg10[%gather3A] : memref<20480xf32, #tpu.memory_space<vmem>> -> memref<2560xf32, #tpu.memory_space<vmem>>
        %gather3A_819 = tpu.vector_load_idx %gather3A_818[%add3A_815] : memref<2560xf32, #tpu.memory_space<vmem>>[vector<16xi32>], vector<16xf32>,
        %gather3A_820 = arith.constant 0 : i32
        %gather3A_821 = tpu.memref_slice %arg10[%gather3A_820] : memref<20480xf32, #tpu.memory_space<vmem>> -> memref<2560xf32, #tpu.memory_space<vmem>>
        %gather3A_822 = tpu.vector_load_idx %gather3A_821[%add3A_817] : memref<2560xf32, #tpu.memory_space<vmem>>[vector<16xi32>], vector<16xf32>,
        %gather3A_823 = arith.constant 0 : i32
        %gather3A_824 = tpu.memref_slice %arg12[%gather3A_823] : memref<20480xf32, #tpu.memory_space<vmem>> -> memref<2560xf32, #tpu.memory_space<vmem>>
        %gather3A_825 = tpu.vector_load_idx %gather3A_824[%add3A_815] : memref<2560xf32, #tpu.memory_space<vmem>>[vector<16xi32>], vector<16xf32>,
        %gather3A_826 = arith.constant 0 : i32
        %gather3A_827 = tpu.memref_slice %arg12[%gather3A_826] : memref<20480xf32, #tpu.memory_space<vmem>> -> memref<2560xf32, #tpu.memory_space<vmem>>
        %gather3A_828 = tpu.vector_load_idx %gather3A_827[%add3A_817] : memref<2560xf32, #tpu.memory_space<vmem>>[vector<16xi32>], vector<16xf32>,
        %add3A_829 = arith.addf %gather3A_819, %gather3A_825 : vector<16xf32>
        %add3A_830 = arith.addf %gather3A_822, %gather3A_828 : vector<16xf32>
        %pack3A = tpu.pack_subelements %add3A_829, %add3A_830 {pack_format = #tpu.pack_format<interleaved>, positions = array<i32: 0, 1>} : vector<16xf32>, vector<16xf32> -> vector<32xbf16>
        %add3A_831 = arith.constant 0 : i32
        %add3A_832 = arith.addi %add3A_831, %mul3A_813 : i32
        %swap3A = arith.index_cast %add3A_832 : i32 to index
        %swap3A_833 = tpu.vector_load %arg14[%swap3A] {strides = array<i32>} : memref<20480xbf16, #tpu.memory_space<vmem>>, vector<32xbf16>,
        tpu.vector_store %arg14[%swap3A], %pack3A {strides = array<i32>} : memref<20480xbf16, #tpu.memory_space<vmem>>, vector<32xbf16>,
        %gather3A_834 = arith.constant 2560 : i32
        %gather3A_835 = tpu.memref_slice %arg10[%gather3A_834] : memref<20480xf32, #tpu.memory_space<vmem>> -> memref<2560xf32, #tpu.memory_space<vmem>>
        %gather3A_836 = tpu.vector_load_idx %gather3A_835[%add3A_815] : memref<2560xf32, #tpu.memory_space<vmem>>[vector<16xi32>], vector<16xf32>,
        %gather3A_837 = arith.constant 2560 : i32
        %gather3A_838 = tpu.memref_slice %arg10[%gather3A_837] : memref<20480xf32, #tpu.memory_space<vmem>> -> memref<2560xf32, #tpu.memory_space<vmem>>
        %gather3A_839 = tpu.vector_load_idx %gather3A_838[%add3A_817] : memref<2560xf32, #tpu.memory_space<vmem>>[vector<16xi32>], vector<16xf32>,
        %gather3A_840 = arith.constant 2560 : i32
        %gather3A_841 = tpu.memref_slice %arg12[%gather3A_840] : memref<20480xf32, #tpu.memory_space<vmem>> -> memref<2560xf32, #tpu.memory_space<vmem>>
        %gather3A_842 = tpu.vector_load_idx %gather3A_841[%add3A_815] : memref<2560xf32, #tpu.memory_space<vmem>>[vector<16xi32>], vector<16xf32>,
        %gather3A_843 = arith.constant 2560 : i32
        %gather3A_844 = tpu.memref_slice %arg12[%gather3A_843] : memref<20480xf32, #tpu.memory_space<vmem>> -> memref<2560xf32, #tpu.memory_space<vmem>>
        %gather3A_845 = tpu.vector_load_idx %gather3A_844[%add3A_817] : memref<2560xf32, #tpu.memory_space<vmem>>[vector<16xi32>], vector<16xf32>,
        %add3A_846 = arith.addf %gather3A_836, %gather3A_842 : vector<16xf32>
        %add3A_847 = arith.addf %gather3A_839, %gather3A_845 : vector<16xf32>
        %pack3A_848 = tpu.pack_subelements %add3A_846, %add3A_847 {pack_format = #tpu.pack_format<interleaved>, positions = array<i32: 0, 1>} : vector<16xf32>, vector<16xf32> -> vector<32xbf16>
        %add3A_849 = arith.constant 2560 : i32
        %add3A_850 = arith.addi %add3A_849, %mul3A_813 : i32
        %swap3A_851 = arith.index_cast %add3A_850 : i32 to index
        %swap3A_852 = tpu.vector_load %arg14[%swap3A_851] {strides = array<i32>} : memref<20480xbf16, #tpu.memory_space<vmem>>, vector<32xbf16>,
        tpu.vector_store %arg14[%swap3A_851], %pack3A_848 {strides = array<i32>} : memref<20480xbf16, #tpu.memory_space<vmem>>, vector<32xbf16>,
        %gather3A_853 = arith.constant 5120 : i32
        %gather3A_854 = tpu.memref_slice %arg10[%gather3A_853] : memref<20480xf32, #tpu.memory_space<vmem>> -> memref<2560xf32, #tpu.memory_space<vmem>>
        %gather3A_855 = tpu.vector_load_idx %gather3A_854[%add3A_815] : memref<2560xf32, #tpu.memory_space<vmem>>[vector<16xi32>], vector<16xf32>,
        %gather3A_856 = arith.constant 5120 : i32
        %gather3A_857 = tpu.memref_slice %arg10[%gather3A_856] : memref<20480xf32, #tpu.memory_space<vmem>> -> memref<2560xf32, #tpu.memory_space<vmem>>
        %gather3A_858 = tpu.vector_load_idx %gather3A_857[%add3A_817] : memref<2560xf32, #tpu.memory_space<vmem>>[vector<16xi32>], vector<16xf32>,
        %gather3A_859 = arith.constant 5120 : i32
        %gather3A_860 = tpu.memref_slice %arg12[%gather3A_859] : memref<20480xf32, #tpu.memory_space<vmem>> -> memref<2560xf32, #tpu.memory_space<vmem>>
        %gather3A_861 = tpu.vector_load_idx %gather3A_860[%add3A_815] : memref<2560xf32, #tpu.memory_space<vmem>>[vector<16xi32>], vector<16xf32>,
        %gather3A_862 = arith.constant 5120 : i32
        %gather3A_863 = tpu.memref_slice %arg12[%gather3A_862] : memref<20480xf32, #tpu.memory_space<vmem>> -> memref<2560xf32, #tpu.memory_space<vmem>>
        %gather3A_864 = tpu.vector_load_idx %gather3A_863[%add3A_817] : memref<2560xf32, #tpu.memory_space<vmem>>[vector<16xi32>], vector<16xf32>,
        %add3A_865 = arith.addf %gather3A_855, %gather3A_861 : vector<16xf32>
        %add3A_866 = arith.addf %gather3A_858, %gather3A_864 : vector<16xf32>
        %pack3A_867 = tpu.pack_subelements %add3A_865, %add3A_866 {pack_format = #tpu.pack_format<interleaved>, positions = array<i32: 0, 1>} : vector<16xf32>, vector<16xf32> -> vector<32xbf16>
        %add3A_868 = arith.constant 5120 : i32
        %add3A_869 = arith.addi %add3A_868, %mul3A_813 : i32
        %swap3A_870 = arith.index_cast %add3A_869 : i32 to index
        %swap3A_871 = tpu.vector_load %arg14[%swap3A_870] {strides = array<i32>} : memref<20480xbf16, #tpu.memory_space<vmem>>, vector<32xbf16>,
        tpu.vector_store %arg14[%swap3A_870], %pack3A_867 {strides = array<i32>} : memref<20480xbf16, #tpu.memory_space<vmem>>, vector<32xbf16>,
        %gather3A_872 = arith.constant 7680 : i32
        %gather3A_873 = tpu.memref_slice %arg10[%gather3A_872] : memref<20480xf32, #tpu.memory_space<vmem>> -> memref<2560xf32, #tpu.memory_space<vmem>>
        %gather3A_874 = tpu.vector_load_idx %gather3A_873[%add3A_815] : memref<2560xf32, #tpu.memory_space<vmem>>[vector<16xi32>], vector<16xf32>,
        %gather3A_875 = arith.constant 7680 : i32
        %gather3A_876 = tpu.memref_slice %arg10[%gather3A_875] : memref<20480xf32, #tpu.memory_space<vmem>> -> memref<2560xf32, #tpu.memory_space<vmem>>
        %gather3A_877 = tpu.vector_load_idx %gather3A_876[%add3A_817] : memref<2560xf32, #tpu.memory_space<vmem>>[vector<16xi32>], vector<16xf32>,
        %gather3A_878 = arith.constant 7680 : i32
        %gather3A_879 = tpu.memref_slice %arg12[%gather3A_878] : memref<20480xf32, #tpu.memory_space<vmem>> -> memref<2560xf32, #tpu.memory_space<vmem>>
        %gather3A_880 = tpu.vector_load_idx %gather3A_879[%add3A_815] : memref<2560xf32, #tpu.memory_space<vmem>>[vector<16xi32>], vector<16xf32>,
        %gather3A_881 = arith.constant 7680 : i32
        %gather3A_882 = tpu.memref_slice %arg12[%gather3A_881] : memref<20480xf32, #tpu.memory_space<vmem>> -> memref<2560xf32, #tpu.memory_space<vmem>>
        %gather3A_883 = tpu.vector_load_idx %gather3A_882[%add3A_817] : memref<2560xf32, #tpu.memory_space<vmem>>[vector<16xi32>], vector<16xf32>,
        %add3A_884 = arith.addf %gather3A_874, %gather3A_880 : vector<16xf32>
        %add3A_885 = arith.addf %gather3A_877, %gather3A_883 : vector<16xf32>
        %pack3A_886 = tpu.pack_subelements %add3A_884, %add3A_885 {pack_format = #tpu.pack_format<interleaved>, positions = array<i32: 0, 1>} : vector<16xf32>, vector<16xf32> -> vector<32xbf16>
        %add3A_887 = arith.constant 7680 : i32
        %add3A_888 = arith.addi %add3A_887, %mul3A_813 : i32
        %swap3A_889 = arith.index_cast %add3A_888 : i32 to index
        %swap3A_890 = tpu.vector_load %arg14[%swap3A_889] {strides = array<i32>} : memref<20480xbf16, #tpu.memory_space<vmem>>, vector<32xbf16>,
        tpu.vector_store %arg14[%swap3A_889], %pack3A_886 {strides = array<i32>} : memref<20480xbf16, #tpu.memory_space<vmem>>, vector<32xbf16>,
        %gather3A_891 = arith.constant 10240 : i32
        %gather3A_892 = tpu.memref_slice %arg10[%gather3A_891] : memref<20480xf32, #tpu.memory_space<vmem>> -> memref<2560xf32, #tpu.memory_space<vmem>>
        %gather3A_893 = tpu.vector_load_idx %gather3A_892[%add3A_815] : memref<2560xf32, #tpu.memory_space<vmem>>[vector<16xi32>], vector<16xf32>,
        %gather3A_894 = arith.constant 10240 : i32
        %gather3A_895 = tpu.memref_slice %arg10[%gather3A_894] : memref<20480xf32, #tpu.memory_space<vmem>> -> memref<2560xf32, #tpu.memory_space<vmem>>
        %gather3A_896 = tpu.vector_load_idx %gather3A_895[%add3A_817] : memref<2560xf32, #tpu.memory_space<vmem>>[vector<16xi32>], vector<16xf32>,
        %gather3A_897 = arith.constant 10240 : i32
        %gather3A_898 = tpu.memref_slice %arg12[%gather3A_897] : memref<20480xf32, #tpu.memory_space<vmem>> -> memref<2560xf32, #tpu.memory_space<vmem>>
        %gather3A_899 = tpu.vector_load_idx %gather3A_898[%add3A_815] : memref<2560xf32, #tpu.memory_space<vmem>>[vector<16xi32>], vector<16xf32>,
        %gather3A_900 = arith.constant 10240 : i32
        %gather3A_901 = tpu.memref_slice %arg12[%gather3A_900] : memref<20480xf32, #tpu.memory_space<vmem>> -> memref<2560xf32, #tpu.memory_space<vmem>>
        %gather3A_902 = tpu.vector_load_idx %gather3A_901[%add3A_817] : memref<2560xf32, #tpu.memory_space<vmem>>[vector<16xi32>], vector<16xf32>,
        %add3A_903 = arith.addf %gather3A_893, %gather3A_899 : vector<16xf32>
        %add3A_904 = arith.addf %gather3A_896, %gather3A_902 : vector<16xf32>
        %pack3A_905 = tpu.pack_subelements %add3A_903, %add3A_904 {pack_format = #tpu.pack_format<interleaved>, positions = array<i32: 0, 1>} : vector<16xf32>, vector<16xf32> -> vector<32xbf16>
        %add3A_906 = arith.constant 10240 : i32
        %add3A_907 = arith.addi %add3A_906, %mul3A_813 : i32
        %swap3A_908 = arith.index_cast %add3A_907 : i32 to index
        %swap3A_909 = tpu.vector_load %arg14[%swap3A_908] {strides = array<i32>} : memref<20480xbf16, #tpu.memory_space<vmem>>, vector<32xbf16>,
        tpu.vector_store %arg14[%swap3A_908], %pack3A_905 {strides = array<i32>} : memref<20480xbf16, #tpu.memory_space<vmem>>, vector<32xbf16>,
        %gather3A_910 = arith.constant 12800 : i32
        %gather3A_911 = tpu.memref_slice %arg10[%gather3A_910] : memref<20480xf32, #tpu.memory_space<vmem>> -> memref<2560xf32, #tpu.memory_space<vmem>>
        %gather3A_912 = tpu.vector_load_idx %gather3A_911[%add3A_815] : memref<2560xf32, #tpu.memory_space<vmem>>[vector<16xi32>], vector<16xf32>,
        %gather3A_913 = arith.constant 12800 : i32
        %gather3A_914 = tpu.memref_slice %arg10[%gather3A_913] : memref<20480xf32, #tpu.memory_space<vmem>> -> memref<2560xf32, #tpu.memory_space<vmem>>
        %gather3A_915 = tpu.vector_load_idx %gather3A_914[%add3A_817] : memref<2560xf32, #tpu.memory_space<vmem>>[vector<16xi32>], vector<16xf32>,
        %gather3A_916 = arith.constant 12800 : i32
        %gather3A_917 = tpu.memref_slice %arg12[%gather3A_916] : memref<20480xf32, #tpu.memory_space<vmem>> -> memref<2560xf32, #tpu.memory_space<vmem>>
        %gather3A_918 = tpu.vector_load_idx %gather3A_917[%add3A_815] : memref<2560xf32, #tpu.memory_space<vmem>>[vector<16xi32>], vector<16xf32>,
        %gather3A_919 = arith.constant 12800 : i32
        %gather3A_920 = tpu.memref_slice %arg12[%gather3A_919] : memref<20480xf32, #tpu.memory_space<vmem>> -> memref<2560xf32, #tpu.memory_space<vmem>>
        %gather3A_921 = tpu.vector_load_idx %gather3A_920[%add3A_817] : memref<2560xf32, #tpu.memory_space<vmem>>[vector<16xi32>], vector<16xf32>,
        %add3A_922 = arith.addf %gather3A_912, %gather3A_918 : vector<16xf32>
        %add3A_923 = arith.addf %gather3A_915, %gather3A_921 : vector<16xf32>
        %pack3A_924 = tpu.pack_subelements %add3A_922, %add3A_923 {pack_format = #tpu.pack_format<interleaved>, positions = array<i32: 0, 1>} : vector<16xf32>, vector<16xf32> -> vector<32xbf16>
        %add3A_925 = arith.constant 12800 : i32
        %add3A_926 = arith.addi %add3A_925, %mul3A_813 : i32
        %swap3A_927 = arith.index_cast %add3A_926 : i32 to index
        %swap3A_928 = tpu.vector_load %arg14[%swap3A_927] {strides = array<i32>} : memref<20480xbf16, #tpu.memory_space<vmem>>, vector<32xbf16>,
        tpu.vector_store %arg14[%swap3A_927], %pack3A_924 {strides = array<i32>} : memref<20480xbf16, #tpu.memory_space<vmem>>, vector<32xbf16>,
        %gather3A_929 = arith.constant 15360 : i32
        %gather3A_930 = tpu.memref_slice %arg10[%gather3A_929] : memref<20480xf32, #tpu.memory_space<vmem>> -> memref<2560xf32, #tpu.memory_space<vmem>>
        %gather3A_931 = tpu.vector_load_idx %gather3A_930[%add3A_815] : memref<2560xf32, #tpu.memory_space<vmem>>[vector<16xi32>], vector<16xf32>,
        %gather3A_932 = arith.constant 15360 : i32
        %gather3A_933 = tpu.memref_slice %arg10[%gather3A_932] : memref<20480xf32, #tpu.memory_space<vmem>> -> memref<2560xf32, #tpu.memory_space<vmem>>
        %gather3A_934 = tpu.vector_load_idx %gather3A_933[%add3A_817] : memref<2560xf32, #tpu.memory_space<vmem>>[vector<16xi32>], vector<16xf32>,
        %gather3A_935 = arith.constant 15360 : i32
        %gather3A_936 = tpu.memref_slice %arg12[%gather3A_935] : memref<20480xf32, #tpu.memory_space<vmem>> -> memref<2560xf32, #tpu.memory_space<vmem>>
        %gather3A_937 = tpu.vector_load_idx %gather3A_936[%add3A_815] : memref<2560xf32, #tpu.memory_space<vmem>>[vector<16xi32>], vector<16xf32>,
        %gather3A_938 = arith.constant 15360 : i32
        %gather3A_939 = tpu.memref_slice %arg12[%gather3A_938] : memref<20480xf32, #tpu.memory_space<vmem>> -> memref<2560xf32, #tpu.memory_space<vmem>>
        %gather3A_940 = tpu.vector_load_idx %gather3A_939[%add3A_817] : memref<2560xf32, #tpu.memory_space<vmem>>[vector<16xi32>], vector<16xf32>,
        %add3A_941 = arith.addf %gather3A_931, %gather3A_937 : vector<16xf32>
        %add3A_942 = arith.addf %gather3A_934, %gather3A_940 : vector<16xf32>
        %pack3A_943 = tpu.pack_subelements %add3A_941, %add3A_942 {pack_format = #tpu.pack_format<interleaved>, positions = array<i32: 0, 1>} : vector<16xf32>, vector<16xf32> -> vector<32xbf16>
        %add3A_944 = arith.constant 15360 : i32
        %add3A_945 = arith.addi %add3A_944, %mul3A_813 : i32
        %swap3A_946 = arith.index_cast %add3A_945 : i32 to index
        %swap3A_947 = tpu.vector_load %arg14[%swap3A_946] {strides = array<i32>} : memref<20480xbf16, #tpu.memory_space<vmem>>, vector<32xbf16>,
        tpu.vector_store %arg14[%swap3A_946], %pack3A_943 {strides = array<i32>} : memref<20480xbf16, #tpu.memory_space<vmem>>, vector<32xbf16>,
        %gather3A_948 = arith.constant 17920 : i32
        %gather3A_949 = tpu.memref_slice %arg10[%gather3A_948] : memref<20480xf32, #tpu.memory_space<vmem>> -> memref<2560xf32, #tpu.memory_space<vmem>>
        %gather3A_950 = tpu.vector_load_idx %gather3A_949[%add3A_815] : memref<2560xf32, #tpu.memory_space<vmem>>[vector<16xi32>], vector<16xf32>,
        %gather3A_951 = arith.constant 17920 : i32
        %gather3A_952 = tpu.memref_slice %arg10[%gather3A_951] : memref<20480xf32, #tpu.memory_space<vmem>> -> memref<2560xf32, #tpu.memory_space<vmem>>
        %gather3A_953 = tpu.vector_load_idx %gather3A_952[%add3A_817] : memref<2560xf32, #tpu.memory_space<vmem>>[vector<16xi32>], vector<16xf32>,
        %gather3A_954 = arith.constant 17920 : i32
        %gather3A_955 = tpu.memref_slice %arg12[%gather3A_954] : memref<20480xf32, #tpu.memory_space<vmem>> -> memref<2560xf32, #tpu.memory_space<vmem>>
        %gather3A_956 = tpu.vector_load_idx %gather3A_955[%add3A_815] : memref<2560xf32, #tpu.memory_space<vmem>>[vector<16xi32>], vector<16xf32>,
        %gather3A_957 = arith.constant 17920 : i32
        %gather3A_958 = tpu.memref_slice %arg12[%gather3A_957] : memref<20480xf32, #tpu.memory_space<vmem>> -> memref<2560xf32, #tpu.memory_space<vmem>>
        %gather3A_959 = tpu.vector_load_idx %gather3A_958[%add3A_817] : memref<2560xf32, #tpu.memory_space<vmem>>[vector<16xi32>], vector<16xf32>,
        %add3A_960 = arith.addf %gather3A_950, %gather3A_956 : vector<16xf32>
        %add3A_961 = arith.addf %gather3A_953, %gather3A_959 : vector<16xf32>
        %pack3A_962 = tpu.pack_subelements %add3A_960, %add3A_961 {pack_format = #tpu.pack_format<interleaved>, positions = array<i32: 0, 1>} : vector<16xf32>, vector<16xf32> -> vector<32xbf16>
        %add3A_963 = arith.constant 17920 : i32
        %add3A_964 = arith.addi %add3A_963, %mul3A_813 : i32
        %swap3A_965 = arith.index_cast %add3A_964 : i32 to index
        %swap3A_966 = tpu.vector_load %arg14[%swap3A_965] {strides = array<i32>} : memref<20480xbf16, #tpu.memory_space<vmem>>, vector<32xbf16>,
        tpu.vector_store %arg14[%swap3A_965], %pack3A_962 {strides = array<i32>} : memref<20480xbf16, #tpu.memory_space<vmem>>, vector<32xbf16>,
        %scan3A_967 = arith.constant 1 : i32
        %scan3A_968 = arith.addi %scan3A_811, %scan3A_967 : i32
        %mul3A_969 = arith.constant 32 : i32
        %mul3A_970 = arith.muli %scan3A_968, %mul3A_969 : i32
        %add3A_971 = vector.broadcast %mul3A_970 : i32 to vector<16xi32>
        %add3A_972 = arith.addi %add3A_971, %mul3A_5 : vector<16xi32>
        %add3A_973 = vector.broadcast %mul3A_970 : i32 to vector<16xi32>
        %add3A_974 = arith.addi %add3A_973, %add3A_8 : vector<16xi32>
        %gather3A_975 = arith.constant 0 : i32
        %gather3A_976 = tpu.memref_slice %arg10[%gather3A_975] : memref<20480xf32, #tpu.memory_space<vmem>> -> memref<2560xf32, #tpu.memory_space<vmem>>
        %gather3A_977 = tpu.vector_load_idx %gather3A_976[%add3A_972] : memref<2560xf32, #tpu.memory_space<vmem>>[vector<16xi32>], vector<16xf32>,
        %gather3A_978 = arith.constant 0 : i32
        %gather3A_979 = tpu.memref_slice %arg10[%gather3A_978] : memref<20480xf32, #tpu.memory_space<vmem>> -> memref<2560xf32, #tpu.memory_space<vmem>>
        %gather3A_980 = tpu.vector_load_idx %gather3A_979[%add3A_974] : memref<2560xf32, #tpu.memory_space<vmem>>[vector<16xi32>], vector<16xf32>,
        %gather3A_981 = arith.constant 0 : i32
        %gather3A_982 = tpu.memref_slice %arg12[%gather3A_981] : memref<20480xf32, #tpu.memory_space<vmem>> -> memref<2560xf32, #tpu.memory_space<vmem>>
        %gather3A_983 = tpu.vector_load_idx %gather3A_982[%add3A_972] : memref<2560xf32, #tpu.memory_space<vmem>>[vector<16xi32>], vector<16xf32>,
        %gather3A_984 = arith.constant 0 : i32
        %gather3A_985 = tpu.memref_slice %arg12[%gather3A_984] : memref<20480xf32, #tpu.memory_space<vmem>> -> memref<2560xf32, #tpu.memory_space<vmem>>
        %gather3A_986 = tpu.vector_load_idx %gather3A_985[%add3A_974] : memref<2560xf32, #tpu.memory_space<vmem>>[vector<16xi32>], vector<16xf32>,
        %add3A_987 = arith.addf %gather3A_977, %gather3A_983 : vector<16xf32>
        %add3A_988 = arith.addf %gather3A_980, %gather3A_986 : vector<16xf32>
        %pack3A_989 = tpu.pack_subelements %add3A_987, %add3A_988 {pack_format = #tpu.pack_format<interleaved>, positions = array<i32: 0, 1>} : vector<16xf32>, vector<16xf32> -> vector<32xbf16>
        %add3A_990 = arith.constant 0 : i32
        %add3A_991 = arith.addi %add3A_990, %mul3A_970 : i32
        %swap3A_992 = arith.index_cast %add3A_991 : i32 to index
        %swap3A_993 = tpu.vector_load %arg14[%swap3A_992] {strides = array<i32>} : memref<20480xbf16, #tpu.memory_space<vmem>>, vector<32xbf16>,
        tpu.vector_store %arg14[%swap3A_992], %pack3A_989 {strides = array<i32>} : memref<20480xbf16, #tpu.memory_space<vmem>>, vector<32xbf16>,
        %gather3A_994 = arith.constant 2560 : i32
        %gather3A_995 = tpu.memref_slice %arg10[%gather3A_994] : memref<20480xf32, #tpu.memory_space<vmem>> -> memref<2560xf32, #tpu.memory_space<vmem>>
        %gather3A_996 = tpu.vector_load_idx %gather3A_995[%add3A_972] : memref<2560xf32, #tpu.memory_space<vmem>>[vector<16xi32>], vector<16xf32>,
        %gather3A_997 = arith.constant 2560 : i32
        %gather3A_998 = tpu.memref_slice %arg10[%gather3A_997] : memref<20480xf32, #tpu.memory_space<vmem>> -> memref<2560xf32, #tpu.memory_space<vmem>>
        %gather3A_999 = tpu.vector_load_idx %gather3A_998[%add3A_974] : memref<2560xf32, #tpu.memory_space<vmem>>[vector<16xi32>], vector<16xf32>,
        %gather3A_1000 = arith.constant 2560 : i32
        %gather3A_1001 = tpu.memref_slice %arg12[%gather3A_1000] : memref<20480xf32, #tpu.memory_space<vmem>> -> memref<2560xf32, #tpu.memory_space<vmem>>
        %gather3A_1002 = tpu.vector_load_idx %gather3A_1001[%add3A_972] : memref<2560xf32, #tpu.memory_space<vmem>>[vector<16xi32>], vector<16xf32>,
        %gather3A_1003 = arith.constant 2560 : i32
        %gather3A_1004 = tpu.memref_slice %arg12[%gather3A_1003] : memref<20480xf32, #tpu.memory_space<vmem>> -> memref<2560xf32, #tpu.memory_space<vmem>>
        %gather3A_1005 = tpu.vector_load_idx %gather3A_1004[%add3A_974] : memref<2560xf32, #tpu.memory_space<vmem>>[vector<16xi32>], vector<16xf32>,
        %add3A_1006 = arith.addf %gather3A_996, %gather3A_1002 : vector<16xf32>
        %add3A_1007 = arith.addf %gather3A_999, %gather3A_1005 : vector<16xf32>
        %pack3A_1008 = tpu.pack_subelements %add3A_1006, %add3A_1007 {pack_format = #tpu.pack_format<interleaved>, positions = array<i32: 0, 1>} : vector<16xf32>, vector<16xf32> -> vector<32xbf16>
        %add3A_1009 = arith.constant 2560 : i32
        %add3A_1010 = arith.addi %add3A_1009, %mul3A_970 : i32
        %swap3A_1011 = arith.index_cast %add3A_1010 : i32 to index
        %swap3A_1012 = tpu.vector_load %arg14[%swap3A_1011] {strides = array<i32>} : memref<20480xbf16, #tpu.memory_space<vmem>>, vector<32xbf16>,
        tpu.vector_store %arg14[%swap3A_1011], %pack3A_1008 {strides = array<i32>} : memref<20480xbf16, #tpu.memory_space<vmem>>, vector<32xbf16>,
        %gather3A_1013 = arith.constant 5120 : i32
        %gather3A_1014 = tpu.memref_slice %arg10[%gather3A_1013] : memref<20480xf32, #tpu.memory_space<vmem>> -> memref<2560xf32, #tpu.memory_space<vmem>>
        %gather3A_1015 = tpu.vector_load_idx %gather3A_1014[%add3A_972] : memref<2560xf32, #tpu.memory_space<vmem>>[vector<16xi32>], vector<16xf32>,
        %gather3A_1016 = arith.constant 5120 : i32
        %gather3A_1017 = tpu.memref_slice %arg10[%gather3A_1016] : memref<20480xf32, #tpu.memory_space<vmem>> -> memref<2560xf32, #tpu.memory_space<vmem>>
        %gather3A_1018 = tpu.vector_load_idx %gather3A_1017[%add3A_974] : memref<2560xf32, #tpu.memory_space<vmem>>[vector<16xi32>], vector<16xf32>,
        %gather3A_1019 = arith.constant 5120 : i32
        %gather3A_1020 = tpu.memref_slice %arg12[%gather3A_1019] : memref<20480xf32, #tpu.memory_space<vmem>> -> memref<2560xf32, #tpu.memory_space<vmem>>
        %gather3A_1021 = tpu.vector_load_idx %gather3A_1020[%add3A_972] : memref<2560xf32, #tpu.memory_space<vmem>>[vector<16xi32>], vector<16xf32>,
        %gather3A_1022 = arith.constant 5120 : i32
        %gather3A_1023 = tpu.memref_slice %arg12[%gather3A_1022] : memref<20480xf32, #tpu.memory_space<vmem>> -> memref<2560xf32, #tpu.memory_space<vmem>>
        %gather3A_1024 = tpu.vector_load_idx %gather3A_1023[%add3A_974] : memref<2560xf32, #tpu.memory_space<vmem>>[vector<16xi32>], vector<16xf32>,
        %add3A_1025 = arith.addf %gather3A_1015, %gather3A_1021 : vector<16xf32>
        %add3A_1026 = arith.addf %gather3A_1018, %gather3A_1024 : vector<16xf32>
        %pack3A_1027 = tpu.pack_subelements %add3A_1025, %add3A_1026 {pack_format = #tpu.pack_format<interleaved>, positions = array<i32: 0, 1>} : vector<16xf32>, vector<16xf32> -> vector<32xbf16>
        %add3A_1028 = arith.constant 5120 : i32
        %add3A_1029 = arith.addi %add3A_1028, %mul3A_970 : i32
        %swap3A_1030 = arith.index_cast %add3A_1029 : i32 to index
        %swap3A_1031 = tpu.vector_load %arg14[%swap3A_1030] {strides = array<i32>} : memref<20480xbf16, #tpu.memory_space<vmem>>, vector<32xbf16>,
        tpu.vector_store %arg14[%swap3A_1030], %pack3A_1027 {strides = array<i32>} : memref<20480xbf16, #tpu.memory_space<vmem>>, vector<32xbf16>,
        %gather3A_1032 = arith.constant 7680 : i32
        %gather3A_1033 = tpu.memref_slice %arg10[%gather3A_1032] : memref<20480xf32, #tpu.memory_space<vmem>> -> memref<2560xf32, #tpu.memory_space<vmem>>
        %gather3A_1034 = tpu.vector_load_idx %gather3A_1033[%add3A_972] : memref<2560xf32, #tpu.memory_space<vmem>>[vector<16xi32>], vector<16xf32>,
        %gather3A_1035 = arith.constant 7680 : i32
        %gather3A_1036 = tpu.memref_slice %arg10[%gather3A_1035] : memref<20480xf32, #tpu.memory_space<vmem>> -> memref<2560xf32, #tpu.memory_space<vmem>>
        %gather3A_1037 = tpu.vector_load_idx %gather3A_1036[%add3A_974] : memref<2560xf32, #tpu.memory_space<vmem>>[vector<16xi32>], vector<16xf32>,
        %gather3A_1038 = arith.constant 7680 : i32
        %gather3A_1039 = tpu.memref_slice %arg12[%gather3A_1038] : memref<20480xf32, #tpu.memory_space<vmem>> -> memref<2560xf32, #tpu.memory_space<vmem>>
        %gather3A_1040 = tpu.vector_load_idx %gather3A_1039[%add3A_972] : memref<2560xf32, #tpu.memory_space<vmem>>[vector<16xi32>], vector<16xf32>,
        %gather3A_1041 = arith.constant 7680 : i32
        %gather3A_1042 = tpu.memref_slice %arg12[%gather3A_1041] : memref<20480xf32, #tpu.memory_space<vmem>> -> memref<2560xf32, #tpu.memory_space<vmem>>
        %gather3A_1043 = tpu.vector_load_idx %gather3A_1042[%add3A_974] : memref<2560xf32, #tpu.memory_space<vmem>>[vector<16xi32>], vector<16xf32>,
        %add3A_1044 = arith.addf %gather3A_1034, %gather3A_1040 : vector<16xf32>
        %add3A_1045 = arith.addf %gather3A_1037, %gather3A_1043 : vector<16xf32>
        %pack3A_1046 = tpu.pack_subelements %add3A_1044, %add3A_1045 {pack_format = #tpu.pack_format<interleaved>, positions = array<i32: 0, 1>} : vector<16xf32>, vector<16xf32> -> vector<32xbf16>
        %add3A_1047 = arith.constant 7680 : i32
        %add3A_1048 = arith.addi %add3A_1047, %mul3A_970 : i32
        %swap3A_1049 = arith.index_cast %add3A_1048 : i32 to index
        %swap3A_1050 = tpu.vector_load %arg14[%swap3A_1049] {strides = array<i32>} : memref<20480xbf16, #tpu.memory_space<vmem>>, vector<32xbf16>,
        tpu.vector_store %arg14[%swap3A_1049], %pack3A_1046 {strides = array<i32>} : memref<20480xbf16, #tpu.memory_space<vmem>>, vector<32xbf16>,
        %gather3A_1051 = arith.constant 10240 : i32
        %gather3A_1052 = tpu.memref_slice %arg10[%gather3A_1051] : memref<20480xf32, #tpu.memory_space<vmem>> -> memref<2560xf32, #tpu.memory_space<vmem>>
        %gather3A_1053 = tpu.vector_load_idx %gather3A_1052[%add3A_972] : memref<2560xf32, #tpu.memory_space<vmem>>[vector<16xi32>], vector<16xf32>,
        %gather3A_1054 = arith.constant 10240 : i32
        %gather3A_1055 = tpu.memref_slice %arg10[%gather3A_1054] : memref<20480xf32, #tpu.memory_space<vmem>> -> memref<2560xf32, #tpu.memory_space<vmem>>
        %gather3A_1056 = tpu.vector_load_idx %gather3A_1055[%add3A_974] : memref<2560xf32, #tpu.memory_space<vmem>>[vector<16xi32>], vector<16xf32>,
        %gather3A_1057 = arith.constant 10240 : i32
        %gather3A_1058 = tpu.memref_slice %arg12[%gather3A_1057] : memref<20480xf32, #tpu.memory_space<vmem>> -> memref<2560xf32, #tpu.memory_space<vmem>>
        %gather3A_1059 = tpu.vector_load_idx %gather3A_1058[%add3A_972] : memref<2560xf32, #tpu.memory_space<vmem>>[vector<16xi32>], vector<16xf32>,
        %gather3A_1060 = arith.constant 10240 : i32
        %gather3A_1061 = tpu.memref_slice %arg12[%gather3A_1060] : memref<20480xf32, #tpu.memory_space<vmem>> -> memref<2560xf32, #tpu.memory_space<vmem>>
        %gather3A_1062 = tpu.vector_load_idx %gather3A_1061[%add3A_974] : memref<2560xf32, #tpu.memory_space<vmem>>[vector<16xi32>], vector<16xf32>,
        %add3A_1063 = arith.addf %gather3A_1053, %gather3A_1059 : vector<16xf32>
        %add3A_1064 = arith.addf %gather3A_1056, %gather3A_1062 : vector<16xf32>
        %pack3A_1065 = tpu.pack_subelements %add3A_1063, %add3A_1064 {pack_format = #tpu.pack_format<interleaved>, positions = array<i32: 0, 1>} : vector<16xf32>, vector<16xf32> -> vector<32xbf16>
        %add3A_1066 = arith.constant 10240 : i32
        %add3A_1067 = arith.addi %add3A_1066, %mul3A_970 : i32
        %swap3A_1068 = arith.index_cast %add3A_1067 : i32 to index
        %swap3A_1069 = tpu.vector_load %arg14[%swap3A_1068] {strides = array<i32>} : memref<20480xbf16, #tpu.memory_space<vmem>>, vector<32xbf16>,
        tpu.vector_store %arg14[%swap3A_1068], %pack3A_1065 {strides = array<i32>} : memref<20480xbf16, #tpu.memory_space<vmem>>, vector<32xbf16>,
        %gather3A_1070 = arith.constant 12800 : i32
        %gather3A_1071 = tpu.memref_slice %arg10[%gather3A_1070] : memref<20480xf32, #tpu.memory_space<vmem>> -> memref<2560xf32, #tpu.memory_space<vmem>>
        %gather3A_1072 = tpu.vector_load_idx %gather3A_1071[%add3A_972] : memref<2560xf32, #tpu.memory_space<vmem>>[vector<16xi32>], vector<16xf32>,
        %gather3A_1073 = arith.constant 12800 : i32
        %gather3A_1074 = tpu.memref_slice %arg10[%gather3A_1073] : memref<20480xf32, #tpu.memory_space<vmem>> -> memref<2560xf32, #tpu.memory_space<vmem>>
        %gather3A_1075 = tpu.vector_load_idx %gather3A_1074[%add3A_974] : memref<2560xf32, #tpu.memory_space<vmem>>[vector<16xi32>], vector<16xf32>,
        %gather3A_1076 = arith.constant 12800 : i32
        %gather3A_1077 = tpu.memref_slice %arg12[%gather3A_1076] : memref<20480xf32, #tpu.memory_space<vmem>> -> memref<2560xf32, #tpu.memory_space<vmem>>
        %gather3A_1078 = tpu.vector_load_idx %gather3A_1077[%add3A_972] : memref<2560xf32, #tpu.memory_space<vmem>>[vector<16xi32>], vector<16xf32>,
        %gather3A_1079 = arith.constant 12800 : i32
        %gather3A_1080 = tpu.memref_slice %arg12[%gather3A_1079] : memref<20480xf32, #tpu.memory_space<vmem>> -> memref<2560xf32, #tpu.memory_space<vmem>>
        %gather3A_1081 = tpu.vector_load_idx %gather3A_1080[%add3A_974] : memref<2560xf32, #tpu.memory_space<vmem>>[vector<16xi32>], vector<16xf32>,
        %add3A_1082 = arith.addf %gather3A_1072, %gather3A_1078 : vector<16xf32>
        %add3A_1083 = arith.addf %gather3A_1075, %gather3A_1081 : vector<16xf32>
        %pack3A_1084 = tpu.pack_subelements %add3A_1082, %add3A_1083 {pack_format = #tpu.pack_format<interleaved>, positions = array<i32: 0, 1>} : vector<16xf32>, vector<16xf32> -> vector<32xbf16>
        %add3A_1085 = arith.constant 12800 : i32
        %add3A_1086 = arith.addi %add3A_1085, %mul3A_970 : i32
        %swap3A_1087 = arith.index_cast %add3A_1086 : i32 to index
        %swap3A_1088 = tpu.vector_load %arg14[%swap3A_1087] {strides = array<i32>} : memref<20480xbf16, #tpu.memory_space<vmem>>, vector<32xbf16>,
        tpu.vector_store %arg14[%swap3A_1087], %pack3A_1084 {strides = array<i32>} : memref<20480xbf16, #tpu.memory_space<vmem>>, vector<32xbf16>,
        %gather3A_1089 = arith.constant 15360 : i32
        %gather3A_1090 = tpu.memref_slice %arg10[%gather3A_1089] : memref<20480xf32, #tpu.memory_space<vmem>> -> memref<2560xf32, #tpu.memory_space<vmem>>
        %gather3A_1091 = tpu.vector_load_idx %gather3A_1090[%add3A_972] : memref<2560xf32, #tpu.memory_space<vmem>>[vector<16xi32>], vector<16xf32>,
        %gather3A_1092 = arith.constant 15360 : i32
        %gather3A_1093 = tpu.memref_slice %arg10[%gather3A_1092] : memref<20480xf32, #tpu.memory_space<vmem>> -> memref<2560xf32, #tpu.memory_space<vmem>>
        %gather3A_1094 = tpu.vector_load_idx %gather3A_1093[%add3A_974] : memref<2560xf32, #tpu.memory_space<vmem>>[vector<16xi32>], vector<16xf32>,
        %gather3A_1095 = arith.constant 15360 : i32
        %gather3A_1096 = tpu.memref_slice %arg12[%gather3A_1095] : memref<20480xf32, #tpu.memory_space<vmem>> -> memref<2560xf32, #tpu.memory_space<vmem>>
        %gather3A_1097 = tpu.vector_load_idx %gather3A_1096[%add3A_972] : memref<2560xf32, #tpu.memory_space<vmem>>[vector<16xi32>], vector<16xf32>,
        %gather3A_1098 = arith.constant 15360 : i32
        %gather3A_1099 = tpu.memref_slice %arg12[%gather3A_1098] : memref<20480xf32, #tpu.memory_space<vmem>> -> memref<2560xf32, #tpu.memory_space<vmem>>
        %gather3A_1100 = tpu.vector_load_idx %gather3A_1099[%add3A_974] : memref<2560xf32, #tpu.memory_space<vmem>>[vector<16xi32>], vector<16xf32>,
        %add3A_1101 = arith.addf %gather3A_1091, %gather3A_1097 : vector<16xf32>
        %add3A_1102 = arith.addf %gather3A_1094, %gather3A_1100 : vector<16xf32>
        %pack3A_1103 = tpu.pack_subelements %add3A_1101, %add3A_1102 {pack_format = #tpu.pack_format<interleaved>, positions = array<i32: 0, 1>} : vector<16xf32>, vector<16xf32> -> vector<32xbf16>
        %add3A_1104 = arith.constant 15360 : i32
        %add3A_1105 = arith.addi %add3A_1104, %mul3A_970 : i32
        %swap3A_1106 = arith.index_cast %add3A_1105 : i32 to index
        %swap3A_1107 = tpu.vector_load %arg14[%swap3A_1106] {strides = array<i32>} : memref<20480xbf16, #tpu.memory_space<vmem>>, vector<32xbf16>,
        tpu.vector_store %arg14[%swap3A_1106], %pack3A_1103 {strides = array<i32>} : memref<20480xbf16, #tpu.memory_space<vmem>>, vector<32xbf16>,
        %gather3A_1108 = arith.constant 17920 : i32
        %gather3A_1109 = tpu.memref_slice %arg10[%gather3A_1108] : memref<20480xf32, #tpu.memory_space<vmem>> -> memref<2560xf32, #tpu.memory_space<vmem>>
        %gather3A_1110 = tpu.vector_load_idx %gather3A_1109[%add3A_972] : memref<2560xf32, #tpu.memory_space<vmem>>[vector<16xi32>], vector<16xf32>,
        %gather3A_1111 = arith.constant 17920 : i32
        %gather3A_1112 = tpu.memref_slice %arg10[%gather3A_1111] : memref<20480xf32, #tpu.memory_space<vmem>> -> memref<2560xf32, #tpu.memory_space<vmem>>
        %gather3A_1113 = tpu.vector_load_idx %gather3A_1112[%add3A_974] : memref<2560xf32, #tpu.memory_space<vmem>>[vector<16xi32>], vector<16xf32>,
        %gather3A_1114 = arith.constant 17920 : i32
        %gather3A_1115 = tpu.memref_slice %arg12[%gather3A_1114] : memref<20480xf32, #tpu.memory_space<vmem>> -> memref<2560xf32, #tpu.memory_space<vmem>>
        %gather3A_1116 = tpu.vector_load_idx %gather3A_1115[%add3A_972] : memref<2560xf32, #tpu.memory_space<vmem>>[vector<16xi32>], vector<16xf32>,
        %gather3A_1117 = arith.constant 17920 : i32
        %gather3A_1118 = tpu.memref_slice %arg12[%gather3A_1117] : memref<20480xf32, #tpu.memory_space<vmem>> -> memref<2560xf32, #tpu.memory_space<vmem>>
        %gather3A_1119 = tpu.vector_load_idx %gather3A_1118[%add3A_974] : memref<2560xf32, #tpu.memory_space<vmem>>[vector<16xi32>], vector<16xf32>,
        %add3A_1120 = arith.addf %gather3A_1110, %gather3A_1116 : vector<16xf32>
        %add3A_1121 = arith.addf %gather3A_1113, %gather3A_1119 : vector<16xf32>
        %pack3A_1122 = tpu.pack_subelements %add3A_1120, %add3A_1121 {pack_format = #tpu.pack_format<interleaved>, positions = array<i32: 0, 1>} : vector<16xf32>, vector<16xf32> -> vector<32xbf16>
        %add3A_1123 = arith.constant 17920 : i32
        %add3A_1124 = arith.addi %add3A_1123, %mul3A_970 : i32
        %swap3A_1125 = arith.index_cast %add3A_1124 : i32 to index
        %swap3A_1126 = tpu.vector_load %arg14[%swap3A_1125] {strides = array<i32>} : memref<20480xbf16, #tpu.memory_space<vmem>>, vector<32xbf16>,
        tpu.vector_store %arg14[%swap3A_1125], %pack3A_1122 {strides = array<i32>} : memref<20480xbf16, #tpu.memory_space<vmem>>, vector<32xbf16>,
        %scan3A_1127 = arith.constant 2 : i32
        %scan3A_1128 = arith.addi %scan3A_811, %scan3A_1127 : i32
        %mul3A_1129 = arith.constant 32 : i32
        %mul3A_1130 = arith.muli %scan3A_1128, %mul3A_1129 : i32
        %add3A_1131 = vector.broadcast %mul3A_1130 : i32 to vector<16xi32>
        %add3A_1132 = arith.addi %add3A_1131, %mul3A_5 : vector<16xi32>
        %add3A_1133 = vector.broadcast %mul3A_1130 : i32 to vector<16xi32>
        %add3A_1134 = arith.addi %add3A_1133, %add3A_8 : vector<16xi32>
        %gather3A_1135 = arith.constant 0 : i32
        %gather3A_1136 = tpu.memref_slice %arg10[%gather3A_1135] : memref<20480xf32, #tpu.memory_space<vmem>> -> memref<2560xf32, #tpu.memory_space<vmem>>
        %gather3A_1137 = tpu.vector_load_idx %gather3A_1136[%add3A_1132] : memref<2560xf32, #tpu.memory_space<vmem>>[vector<16xi32>], vector<16xf32>,
        %gather3A_1138 = arith.constant 0 : i32
        %gather3A_1139 = tpu.memref_slice %arg10[%gather3A_1138] : memref<20480xf32, #tpu.memory_space<vmem>> -> memref<2560xf32, #tpu.memory_space<vmem>>
        %gather3A_1140 = tpu.vector_load_idx %gather3A_1139[%add3A_1134] : memref<2560xf32, #tpu.memory_space<vmem>>[vector<16xi32>], vector<16xf32>,
        %gather3A_1141 = arith.constant 0 : i32
        %gather3A_1142 = tpu.memref_slice %arg12[%gather3A_1141] : memref<20480xf32, #tpu.memory_space<vmem>> -> memref<2560xf32, #tpu.memory_space<vmem>>
        %gather3A_1143 = tpu.vector_load_idx %gather3A_1142[%add3A_1132] : memref<2560xf32, #tpu.memory_space<vmem>>[vector<16xi32>], vector<16xf32>,
        %gather3A_1144 = arith.constant 0 : i32
        %gather3A_1145 = tpu.memref_slice %arg12[%gather3A_1144] : memref<20480xf32, #tpu.memory_space<vmem>> -> memref<2560xf32, #tpu.memory_space<vmem>>
        %gather3A_1146 = tpu.vector_load_idx %gather3A_1145[%add3A_1134] : memref<2560xf32, #tpu.memory_space<vmem>>[vector<16xi32>], vector<16xf32>,
        %add3A_1147 = arith.addf %gather3A_1137, %gather3A_1143 : vector<16xf32>
        %add3A_1148 = arith.addf %gather3A_1140, %gather3A_1146 : vector<16xf32>
        %pack3A_1149 = tpu.pack_subelements %add3A_1147, %add3A_1148 {pack_format = #tpu.pack_format<interleaved>, positions = array<i32: 0, 1>} : vector<16xf32>, vector<16xf32> -> vector<32xbf16>
        %add3A_1150 = arith.constant 0 : i32
        %add3A_1151 = arith.addi %add3A_1150, %mul3A_1130 : i32
        %swap3A_1152 = arith.index_cast %add3A_1151 : i32 to index
        %swap3A_1153 = tpu.vector_load %arg14[%swap3A_1152] {strides = array<i32>} : memref<20480xbf16, #tpu.memory_space<vmem>>, vector<32xbf16>,
        tpu.vector_store %arg14[%swap3A_1152], %pack3A_1149 {strides = array<i32>} : memref<20480xbf16, #tpu.memory_space<vmem>>, vector<32xbf16>,
        %gather3A_1154 = arith.constant 2560 : i32
        %gather3A_1155 = tpu.memref_slice %arg10[%gather3A_1154] : memref<20480xf32, #tpu.memory_space<vmem>> -> memref<2560xf32, #tpu.memory_space<vmem>>
        %gather3A_1156 = tpu.vector_load_idx %gather3A_1155[%add3A_1132] : memref<2560xf32, #tpu.memory_space<vmem>>[vector<16xi32>], vector<16xf32>,
        %gather3A_1157 = arith.constant 2560 : i32
        %gather3A_1158 = tpu.memref_slice %arg10[%gather3A_1157] : memref<20480xf32, #tpu.memory_space<vmem>> -> memref<2560xf32, #tpu.memory_space<vmem>>
        %gather3A_1159 = tpu.vector_load_idx %gather3A_1158[%add3A_1134] : memref<2560xf32, #tpu.memory_space<vmem>>[vector<16xi32>], vector<16xf32>,
        %gather3A_1160 = arith.constant 2560 : i32
        %gather3A_1161 = tpu.memref_slice %arg12[%gather3A_1160] : memref<20480xf32, #tpu.memory_space<vmem>> -> memref<2560xf32, #tpu.memory_space<vmem>>
        %gather3A_1162 = tpu.vector_load_idx %gather3A_1161[%add3A_1132] : memref<2560xf32, #tpu.memory_space<vmem>>[vector<16xi32>], vector<16xf32>,
        %gather3A_1163 = arith.constant 2560 : i32
        %gather3A_1164 = tpu.memref_slice %arg12[%gather3A_1163] : memref<20480xf32, #tpu.memory_space<vmem>> -> memref<2560xf32, #tpu.memory_space<vmem>>
        %gather3A_1165 = tpu.vector_load_idx %gather3A_1164[%add3A_1134] : memref<2560xf32, #tpu.memory_space<vmem>>[vector<16xi32>], vector<16xf32>,
        %add3A_1166 = arith.addf %gather3A_1156, %gather3A_1162 : vector<16xf32>
        %add3A_1167 = arith.addf %gather3A_1159, %gather3A_1165 : vector<16xf32>
        %pack3A_1168 = tpu.pack_subelements %add3A_1166, %add3A_1167 {pack_format = #tpu.pack_format<interleaved>, positions = array<i32: 0, 1>} : vector<16xf32>, vector<16xf32> -> vector<32xbf16>
        %add3A_1169 = arith.constant 2560 : i32
        %add3A_1170 = arith.addi %add3A_1169, %mul3A_1130 : i32
        %swap3A_1171 = arith.index_cast %add3A_1170 : i32 to index
        %swap3A_1172 = tpu.vector_load %arg14[%swap3A_1171] {strides = array<i32>} : memref<20480xbf16, #tpu.memory_space<vmem>>, vector<32xbf16>,
        tpu.vector_store %arg14[%swap3A_1171], %pack3A_1168 {strides = array<i32>} : memref<20480xbf16, #tpu.memory_space<vmem>>, vector<32xbf16>,
        %gather3A_1173 = arith.constant 5120 : i32
        %gather3A_1174 = tpu.memref_slice %arg10[%gather3A_1173] : memref<20480xf32, #tpu.memory_space<vmem>> -> memref<2560xf32, #tpu.memory_space<vmem>>
        %gather3A_1175 = tpu.vector_load_idx %gather3A_1174[%add3A_1132] : memref<2560xf32, #tpu.memory_space<vmem>>[vector<16xi32>], vector<16xf32>,
        %gather3A_1176 = arith.constant 5120 : i32
        %gather3A_1177 = tpu.memref_slice %arg10[%gather3A_1176] : memref<20480xf32, #tpu.memory_space<vmem>> -> memref<2560xf32, #tpu.memory_space<vmem>>
        %gather3A_1178 = tpu.vector_load_idx %gather3A_1177[%add3A_1134] : memref<2560xf32, #tpu.memory_space<vmem>>[vector<16xi32>], vector<16xf32>,
        %gather3A_1179 = arith.constant 5120 : i32
        %gather3A_1180 = tpu.memref_slice %arg12[%gather3A_1179] : memref<20480xf32, #tpu.memory_space<vmem>> -> memref<2560xf32, #tpu.memory_space<vmem>>
        %gather3A_1181 = tpu.vector_load_idx %gather3A_1180[%add3A_1132] : memref<2560xf32, #tpu.memory_space<vmem>>[vector<16xi32>], vector<16xf32>,
        %gather3A_1182 = arith.constant 5120 : i32
        %gather3A_1183 = tpu.memref_slice %arg12[%gather3A_1182] : memref<20480xf32, #tpu.memory_space<vmem>> -> memref<2560xf32, #tpu.memory_space<vmem>>
        %gather3A_1184 = tpu.vector_load_idx %gather3A_1183[%add3A_1134] : memref<2560xf32, #tpu.memory_space<vmem>>[vector<16xi32>], vector<16xf32>,
        %add3A_1185 = arith.addf %gather3A_1175, %gather3A_1181 : vector<16xf32>
        %add3A_1186 = arith.addf %gather3A_1178, %gather3A_1184 : vector<16xf32>
        %pack3A_1187 = tpu.pack_subelements %add3A_1185, %add3A_1186 {pack_format = #tpu.pack_format<interleaved>, positions = array<i32: 0, 1>} : vector<16xf32>, vector<16xf32> -> vector<32xbf16>
        %add3A_1188 = arith.constant 5120 : i32
        %add3A_1189 = arith.addi %add3A_1188, %mul3A_1130 : i32
        %swap3A_1190 = arith.index_cast %add3A_1189 : i32 to index
        %swap3A_1191 = tpu.vector_load %arg14[%swap3A_1190] {strides = array<i32>} : memref<20480xbf16, #tpu.memory_space<vmem>>, vector<32xbf16>,
        tpu.vector_store %arg14[%swap3A_1190], %pack3A_1187 {strides = array<i32>} : memref<20480xbf16, #tpu.memory_space<vmem>>, vector<32xbf16>,
        %gather3A_1192 = arith.constant 7680 : i32
        %gather3A_1193 = tpu.memref_slice %arg10[%gather3A_1192] : memref<20480xf32, #tpu.memory_space<vmem>> -> memref<2560xf32, #tpu.memory_space<vmem>>
        %gather3A_1194 = tpu.vector_load_idx %gather3A_1193[%add3A_1132] : memref<2560xf32, #tpu.memory_space<vmem>>[vector<16xi32>], vector<16xf32>,
        %gather3A_1195 = arith.constant 7680 : i32
        %gather3A_1196 = tpu.memref_slice %arg10[%gather3A_1195] : memref<20480xf32, #tpu.memory_space<vmem>> -> memref<2560xf32, #tpu.memory_space<vmem>>
        %gather3A_1197 = tpu.vector_load_idx %gather3A_1196[%add3A_1134] : memref<2560xf32, #tpu.memory_space<vmem>>[vector<16xi32>], vector<16xf32>,
        %gather3A_1198 = arith.constant 7680 : i32
        %gather3A_1199 = tpu.memref_slice %arg12[%gather3A_1198] : memref<20480xf32, #tpu.memory_space<vmem>> -> memref<2560xf32, #tpu.memory_space<vmem>>
        %gather3A_1200 = tpu.vector_load_idx %gather3A_1199[%add3A_1132] : memref<2560xf32, #tpu.memory_space<vmem>>[vector<16xi32>], vector<16xf32>,
        %gather3A_1201 = arith.constant 7680 : i32
        %gather3A_1202 = tpu.memref_slice %arg12[%gather3A_1201] : memref<20480xf32, #tpu.memory_space<vmem>> -> memref<2560xf32, #tpu.memory_space<vmem>>
        %gather3A_1203 = tpu.vector_load_idx %gather3A_1202[%add3A_1134] : memref<2560xf32, #tpu.memory_space<vmem>>[vector<16xi32>], vector<16xf32>,
        %add3A_1204 = arith.addf %gather3A_1194, %gather3A_1200 : vector<16xf32>
        %add3A_1205 = arith.addf %gather3A_1197, %gather3A_1203 : vector<16xf32>
        %pack3A_1206 = tpu.pack_subelements %add3A_1204, %add3A_1205 {pack_format = #tpu.pack_format<interleaved>, positions = array<i32: 0, 1>} : vector<16xf32>, vector<16xf32> -> vector<32xbf16>
        %add3A_1207 = arith.constant 7680 : i32
        %add3A_1208 = arith.addi %add3A_1207, %mul3A_1130 : i32
        %swap3A_1209 = arith.index_cast %add3A_1208 : i32 to index
        %swap3A_1210 = tpu.vector_load %arg14[%swap3A_1209] {strides = array<i32>} : memref<20480xbf16, #tpu.memory_space<vmem>>, vector<32xbf16>,
        tpu.vector_store %arg14[%swap3A_1209], %pack3A_1206 {strides = array<i32>} : memref<20480xbf16, #tpu.memory_space<vmem>>, vector<32xbf16>,
        %gather3A_1211 = arith.constant 10240 : i32
        %gather3A_1212 = tpu.memref_slice %arg10[%gather3A_1211] : memref<20480xf32, #tpu.memory_space<vmem>> -> memref<2560xf32, #tpu.memory_space<vmem>>
        %gather3A_1213 = tpu.vector_load_idx %gather3A_1212[%add3A_1132] : memref<2560xf32, #tpu.memory_space<vmem>>[vector<16xi32>], vector<16xf32>,
        %gather3A_1214 = arith.constant 10240 : i32
        %gather3A_1215 = tpu.memref_slice %arg10[%gather3A_1214] : memref<20480xf32, #tpu.memory_space<vmem>> -> memref<2560xf32, #tpu.memory_space<vmem>>
        %gather3A_1216 = tpu.vector_load_idx %gather3A_1215[%add3A_1134] : memref<2560xf32, #tpu.memory_space<vmem>>[vector<16xi32>], vector<16xf32>,
        %gather3A_1217 = arith.constant 10240 : i32
        %gather3A_1218 = tpu.memref_slice %arg12[%gather3A_1217] : memref<20480xf32, #tpu.memory_space<vmem>> -> memref<2560xf32, #tpu.memory_space<vmem>>
        %gather3A_1219 = tpu.vector_load_idx %gather3A_1218[%add3A_1132] : memref<2560xf32, #tpu.memory_space<vmem>>[vector<16xi32>], vector<16xf32>,
        %gather3A_1220 = arith.constant 10240 : i32
        %gather3A_1221 = tpu.memref_slice %arg12[%gather3A_1220] : memref<20480xf32, #tpu.memory_space<vmem>> -> memref<2560xf32, #tpu.memory_space<vmem>>
        %gather3A_1222 = tpu.vector_load_idx %gather3A_1221[%add3A_1134] : memref<2560xf32, #tpu.memory_space<vmem>>[vector<16xi32>], vector<16xf32>,
        %add3A_1223 = arith.addf %gather3A_1213, %gather3A_1219 : vector<16xf32>
        %add3A_1224 = arith.addf %gather3A_1216, %gather3A_1222 : vector<16xf32>
        %pack3A_1225 = tpu.pack_subelements %add3A_1223, %add3A_1224 {pack_format = #tpu.pack_format<interleaved>, positions = array<i32: 0, 1>} : vector<16xf32>, vector<16xf32> -> vector<32xbf16>
        %add3A_1226 = arith.constant 10240 : i32
        %add3A_1227 = arith.addi %add3A_1226, %mul3A_1130 : i32
        %swap3A_1228 = arith.index_cast %add3A_1227 : i32 to index
        %swap3A_1229 = tpu.vector_load %arg14[%swap3A_1228] {strides = array<i32>} : memref<20480xbf16, #tpu.memory_space<vmem>>, vector<32xbf16>,
        tpu.vector_store %arg14[%swap3A_1228], %pack3A_1225 {strides = array<i32>} : memref<20480xbf16, #tpu.memory_space<vmem>>, vector<32xbf16>,
        %gather3A_1230 = arith.constant 12800 : i32
        %gather3A_1231 = tpu.memref_slice %arg10[%gather3A_1230] : memref<20480xf32, #tpu.memory_space<vmem>> -> memref<2560xf32, #tpu.memory_space<vmem>>
        %gather3A_1232 = tpu.vector_load_idx %gather3A_1231[%add3A_1132] : memref<2560xf32, #tpu.memory_space<vmem>>[vector<16xi32>], vector<16xf32>,
        %gather3A_1233 = arith.constant 12800 : i32
        %gather3A_1234 = tpu.memref_slice %arg10[%gather3A_1233] : memref<20480xf32, #tpu.memory_space<vmem>> -> memref<2560xf32, #tpu.memory_space<vmem>>
        %gather3A_1235 = tpu.vector_load_idx %gather3A_1234[%add3A_1134] : memref<2560xf32, #tpu.memory_space<vmem>>[vector<16xi32>], vector<16xf32>,
        %gather3A_1236 = arith.constant 12800 : i32
        %gather3A_1237 = tpu.memref_slice %arg12[%gather3A_1236] : memref<20480xf32, #tpu.memory_space<vmem>> -> memref<2560xf32, #tpu.memory_space<vmem>>
        %gather3A_1238 = tpu.vector_load_idx %gather3A_1237[%add3A_1132] : memref<2560xf32, #tpu.memory_space<vmem>>[vector<16xi32>], vector<16xf32>,
        %gather3A_1239 = arith.constant 12800 : i32
        %gather3A_1240 = tpu.memref_slice %arg12[%gather3A_1239] : memref<20480xf32, #tpu.memory_space<vmem>> -> memref<2560xf32, #tpu.memory_space<vmem>>
        %gather3A_1241 = tpu.vector_load_idx %gather3A_1240[%add3A_1134] : memref<2560xf32, #tpu.memory_space<vmem>>[vector<16xi32>], vector<16xf32>,
        %add3A_1242 = arith.addf %gather3A_1232, %gather3A_1238 : vector<16xf32>
        %add3A_1243 = arith.addf %gather3A_1235, %gather3A_1241 : vector<16xf32>
        %pack3A_1244 = tpu.pack_subelements %add3A_1242, %add3A_1243 {pack_format = #tpu.pack_format<interleaved>, positions = array<i32: 0, 1>} : vector<16xf32>, vector<16xf32> -> vector<32xbf16>
        %add3A_1245 = arith.constant 12800 : i32
        %add3A_1246 = arith.addi %add3A_1245, %mul3A_1130 : i32
        %swap3A_1247 = arith.index_cast %add3A_1246 : i32 to index
        %swap3A_1248 = tpu.vector_load %arg14[%swap3A_1247] {strides = array<i32>} : memref<20480xbf16, #tpu.memory_space<vmem>>, vector<32xbf16>,
        tpu.vector_store %arg14[%swap3A_1247], %pack3A_1244 {strides = array<i32>} : memref<20480xbf16, #tpu.memory_space<vmem>>, vector<32xbf16>,
        %gather3A_1249 = arith.constant 15360 : i32
        %gather3A_1250 = tpu.memref_slice %arg10[%gather3A_1249] : memref<20480xf32, #tpu.memory_space<vmem>> -> memref<2560xf32, #tpu.memory_space<vmem>>
        %gather3A_1251 = tpu.vector_load_idx %gather3A_1250[%add3A_1132] : memref<2560xf32, #tpu.memory_space<vmem>>[vector<16xi32>], vector<16xf32>,
        %gather3A_1252 = arith.constant 15360 : i32
        %gather3A_1253 = tpu.memref_slice %arg10[%gather3A_1252] : memref<20480xf32, #tpu.memory_space<vmem>> -> memref<2560xf32, #tpu.memory_space<vmem>>
        %gather3A_1254 = tpu.vector_load_idx %gather3A_1253[%add3A_1134] : memref<2560xf32, #tpu.memory_space<vmem>>[vector<16xi32>], vector<16xf32>,
        %gather3A_1255 = arith.constant 15360 : i32
        %gather3A_1256 = tpu.memref_slice %arg12[%gather3A_1255] : memref<20480xf32, #tpu.memory_space<vmem>> -> memref<2560xf32, #tpu.memory_space<vmem>>
        %gather3A_1257 = tpu.vector_load_idx %gather3A_1256[%add3A_1132] : memref<2560xf32, #tpu.memory_space<vmem>>[vector<16xi32>], vector<16xf32>,
        %gather3A_1258 = arith.constant 15360 : i32
        %gather3A_1259 = tpu.memref_slice %arg12[%gather3A_1258] : memref<20480xf32, #tpu.memory_space<vmem>> -> memref<2560xf32, #tpu.memory_space<vmem>>
        %gather3A_1260 = tpu.vector_load_idx %gather3A_1259[%add3A_1134] : memref<2560xf32, #tpu.memory_space<vmem>>[vector<16xi32>], vector<16xf32>,
        %add3A_1261 = arith.addf %gather3A_1251, %gather3A_1257 : vector<16xf32>
        %add3A_1262 = arith.addf %gather3A_1254, %gather3A_1260 : vector<16xf32>
        %pack3A_1263 = tpu.pack_subelements %add3A_1261, %add3A_1262 {pack_format = #tpu.pack_format<interleaved>, positions = array<i32: 0, 1>} : vector<16xf32>, vector<16xf32> -> vector<32xbf16>
        %add3A_1264 = arith.constant 15360 : i32
        %add3A_1265 = arith.addi %add3A_1264, %mul3A_1130 : i32
        %swap3A_1266 = arith.index_cast %add3A_1265 : i32 to index
        %swap3A_1267 = tpu.vector_load %arg14[%swap3A_1266] {strides = array<i32>} : memref<20480xbf16, #tpu.memory_space<vmem>>, vector<32xbf16>,
        tpu.vector_store %arg14[%swap3A_1266], %pack3A_1263 {strides = array<i32>} : memref<20480xbf16, #tpu.memory_space<vmem>>, vector<32xbf16>,
        %gather3A_1268 = arith.constant 17920 : i32
        %gather3A_1269 = tpu.memref_slice %arg10[%gather3A_1268] : memref<20480xf32, #tpu.memory_space<vmem>> -> memref<2560xf32, #tpu.memory_space<vmem>>
        %gather3A_1270 = tpu.vector_load_idx %gather3A_1269[%add3A_1132] : memref<2560xf32, #tpu.memory_space<vmem>>[vector<16xi32>], vector<16xf32>,
        %gather3A_1271 = arith.constant 17920 : i32
        %gather3A_1272 = tpu.memref_slice %arg10[%gather3A_1271] : memref<20480xf32, #tpu.memory_space<vmem>> -> memref<2560xf32, #tpu.memory_space<vmem>>
        %gather3A_1273 = tpu.vector_load_idx %gather3A_1272[%add3A_1134] : memref<2560xf32, #tpu.memory_space<vmem>>[vector<16xi32>], vector<16xf32>,
        %gather3A_1274 = arith.constant 17920 : i32
        %gather3A_1275 = tpu.memref_slice %arg12[%gather3A_1274] : memref<20480xf32, #tpu.memory_space<vmem>> -> memref<2560xf32, #tpu.memory_space<vmem>>
        %gather3A_1276 = tpu.vector_load_idx %gather3A_1275[%add3A_1132] : memref<2560xf32, #tpu.memory_space<vmem>>[vector<16xi32>], vector<16xf32>,
        %gather3A_1277 = arith.constant 17920 : i32
        %gather3A_1278 = tpu.memref_slice %arg12[%gather3A_1277] : memref<20480xf32, #tpu.memory_space<vmem>> -> memref<2560xf32, #tpu.memory_space<vmem>>
        %gather3A_1279 = tpu.vector_load_idx %gather3A_1278[%add3A_1134] : memref<2560xf32, #tpu.memory_space<vmem>>[vector<16xi32>], vector<16xf32>,
        %add3A_1280 = arith.addf %gather3A_1270, %gather3A_1276 : vector<16xf32>
        %add3A_1281 = arith.addf %gather3A_1273, %gather3A_1279 : vector<16xf32>
        %pack3A_1282 = tpu.pack_subelements %add3A_1280, %add3A_1281 {pack_format = #tpu.pack_format<interleaved>, positions = array<i32: 0, 1>} : vector<16xf32>, vector<16xf32> -> vector<32xbf16>
        %add3A_1283 = arith.constant 17920 : i32
        %add3A_1284 = arith.addi %add3A_1283, %mul3A_1130 : i32
        %swap3A_1285 = arith.index_cast %add3A_1284 : i32 to index
        %swap3A_1286 = tpu.vector_load %arg14[%swap3A_1285] {strides = array<i32>} : memref<20480xbf16, #tpu.memory_space<vmem>>, vector<32xbf16>,
        tpu.vector_store %arg14[%swap3A_1285], %pack3A_1282 {strides = array<i32>} : memref<20480xbf16, #tpu.memory_space<vmem>>, vector<32xbf16>,
        %scan3A_1287 = arith.constant 3 : i32
        %scan3A_1288 = arith.addi %scan3A_811, %scan3A_1287 : i32
        %mul3A_1289 = arith.constant 32 : i32
        %mul3A_1290 = arith.muli %scan3A_1288, %mul3A_1289 : i32
        %add3A_1291 = vector.broadcast %mul3A_1290 : i32 to vector<16xi32>
        %add3A_1292 = arith.addi %add3A_1291, %mul3A_5 : vector<16xi32>
        %add3A_1293 = vector.broadcast %mul3A_1290 : i32 to vector<16xi32>
        %add3A_1294 = arith.addi %add3A_1293, %add3A_8 : vector<16xi32>
        %gather3A_1295 = arith.constant 0 : i32
        %gather3A_1296 = tpu.memref_slice %arg10[%gather3A_1295] : memref<20480xf32, #tpu.memory_space<vmem>> -> memref<2560xf32, #tpu.memory_space<vmem>>
        %gather3A_1297 = tpu.vector_load_idx %gather3A_1296[%add3A_1292] : memref<2560xf32, #tpu.memory_space<vmem>>[vector<16xi32>], vector<16xf32>,
        %gather3A_1298 = arith.constant 0 : i32
        %gather3A_1299 = tpu.memref_slice %arg10[%gather3A_1298] : memref<20480xf32, #tpu.memory_space<vmem>> -> memref<2560xf32, #tpu.memory_space<vmem>>
        %gather3A_1300 = tpu.vector_load_idx %gather3A_1299[%add3A_1294] : memref<2560xf32, #tpu.memory_space<vmem>>[vector<16xi32>], vector<16xf32>,
        %gather3A_1301 = arith.constant 0 : i32
        %gather3A_1302 = tpu.memref_slice %arg12[%gather3A_1301] : memref<20480xf32, #tpu.memory_space<vmem>> -> memref<2560xf32, #tpu.memory_space<vmem>>
        %gather3A_1303 = tpu.vector_load_idx %gather3A_1302[%add3A_1292] : memref<2560xf32, #tpu.memory_space<vmem>>[vector<16xi32>], vector<16xf32>,
        %gather3A_1304 = arith.constant 0 : i32
        %gather3A_1305 = tpu.memref_slice %arg12[%gather3A_1304] : memref<20480xf32, #tpu.memory_space<vmem>> -> memref<2560xf32, #tpu.memory_space<vmem>>
        %gather3A_1306 = tpu.vector_load_idx %gather3A_1305[%add3A_1294] : memref<2560xf32, #tpu.memory_space<vmem>>[vector<16xi32>], vector<16xf32>,
        %add3A_1307 = arith.addf %gather3A_1297, %gather3A_1303 : vector<16xf32>
        %add3A_1308 = arith.addf %gather3A_1300, %gather3A_1306 : vector<16xf32>
        %pack3A_1309 = tpu.pack_subelements %add3A_1307, %add3A_1308 {pack_format = #tpu.pack_format<interleaved>, positions = array<i32: 0, 1>} : vector<16xf32>, vector<16xf32> -> vector<32xbf16>
        %add3A_1310 = arith.constant 0 : i32
        %add3A_1311 = arith.addi %add3A_1310, %mul3A_1290 : i32
        %swap3A_1312 = arith.index_cast %add3A_1311 : i32 to index
        %swap3A_1313 = tpu.vector_load %arg14[%swap3A_1312] {strides = array<i32>} : memref<20480xbf16, #tpu.memory_space<vmem>>, vector<32xbf16>,
        tpu.vector_store %arg14[%swap3A_1312], %pack3A_1309 {strides = array<i32>} : memref<20480xbf16, #tpu.memory_space<vmem>>, vector<32xbf16>,
        %gather3A_1314 = arith.constant 2560 : i32
        %gather3A_1315 = tpu.memref_slice %arg10[%gather3A_1314] : memref<20480xf32, #tpu.memory_space<vmem>> -> memref<2560xf32, #tpu.memory_space<vmem>>
        %gather3A_1316 = tpu.vector_load_idx %gather3A_1315[%add3A_1292] : memref<2560xf32, #tpu.memory_space<vmem>>[vector<16xi32>], vector<16xf32>,
        %gather3A_1317 = arith.constant 2560 : i32
        %gather3A_1318 = tpu.memref_slice %arg10[%gather3A_1317] : memref<20480xf32, #tpu.memory_space<vmem>> -> memref<2560xf32, #tpu.memory_space<vmem>>
        %gather3A_1319 = tpu.vector_load_idx %gather3A_1318[%add3A_1294] : memref<2560xf32, #tpu.memory_space<vmem>>[vector<16xi32>], vector<16xf32>,
        %gather3A_1320 = arith.constant 2560 : i32
        %gather3A_1321 = tpu.memref_slice %arg12[%gather3A_1320] : memref<20480xf32, #tpu.memory_space<vmem>> -> memref<2560xf32, #tpu.memory_space<vmem>>
        %gather3A_1322 = tpu.vector_load_idx %gather3A_1321[%add3A_1292] : memref<2560xf32, #tpu.memory_space<vmem>>[vector<16xi32>], vector<16xf32>,
        %gather3A_1323 = arith.constant 2560 : i32
        %gather3A_1324 = tpu.memref_slice %arg12[%gather3A_1323] : memref<20480xf32, #tpu.memory_space<vmem>> -> memref<2560xf32, #tpu.memory_space<vmem>>
        %gather3A_1325 = tpu.vector_load_idx %gather3A_1324[%add3A_1294] : memref<2560xf32, #tpu.memory_space<vmem>>[vector<16xi32>], vector<16xf32>,
        %add3A_1326 = arith.addf %gather3A_1316, %gather3A_1322 : vector<16xf32>
        %add3A_1327 = arith.addf %gather3A_1319, %gather3A_1325 : vector<16xf32>
        %pack3A_1328 = tpu.pack_subelements %add3A_1326, %add3A_1327 {pack_format = #tpu.pack_format<interleaved>, positions = array<i32: 0, 1>} : vector<16xf32>, vector<16xf32> -> vector<32xbf16>
        %add3A_1329 = arith.constant 2560 : i32
        %add3A_1330 = arith.addi %add3A_1329, %mul3A_1290 : i32
        %swap3A_1331 = arith.index_cast %add3A_1330 : i32 to index
        %swap3A_1332 = tpu.vector_load %arg14[%swap3A_1331] {strides = array<i32>} : memref<20480xbf16, #tpu.memory_space<vmem>>, vector<32xbf16>,
        tpu.vector_store %arg14[%swap3A_1331], %pack3A_1328 {strides = array<i32>} : memref<20480xbf16, #tpu.memory_space<vmem>>, vector<32xbf16>,
        %gather3A_1333 = arith.constant 5120 : i32
        %gather3A_1334 = tpu.memref_slice %arg10[%gather3A_1333] : memref<20480xf32, #tpu.memory_space<vmem>> -> memref<2560xf32, #tpu.memory_space<vmem>>
        %gather3A_1335 = tpu.vector_load_idx %gather3A_1334[%add3A_1292] : memref<2560xf32, #tpu.memory_space<vmem>>[vector<16xi32>], vector<16xf32>,
        %gather3A_1336 = arith.constant 5120 : i32
        %gather3A_1337 = tpu.memref_slice %arg10[%gather3A_1336] : memref<20480xf32, #tpu.memory_space<vmem>> -> memref<2560xf32, #tpu.memory_space<vmem>>
        %gather3A_1338 = tpu.vector_load_idx %gather3A_1337[%add3A_1294] : memref<2560xf32, #tpu.memory_space<vmem>>[vector<16xi32>], vector<16xf32>,
        %gather3A_1339 = arith.constant 5120 : i32
        %gather3A_1340 = tpu.memref_slice %arg12[%gather3A_1339] : memref<20480xf32, #tpu.memory_space<vmem>> -> memref<2560xf32, #tpu.memory_space<vmem>>
        %gather3A_1341 = tpu.vector_load_idx %gather3A_1340[%add3A_1292] : memref<2560xf32, #tpu.memory_space<vmem>>[vector<16xi32>], vector<16xf32>,
        %gather3A_1342 = arith.constant 5120 : i32
        %gather3A_1343 = tpu.memref_slice %arg12[%gather3A_1342] : memref<20480xf32, #tpu.memory_space<vmem>> -> memref<2560xf32, #tpu.memory_space<vmem>>
        %gather3A_1344 = tpu.vector_load_idx %gather3A_1343[%add3A_1294] : memref<2560xf32, #tpu.memory_space<vmem>>[vector<16xi32>], vector<16xf32>,
        %add3A_1345 = arith.addf %gather3A_1335, %gather3A_1341 : vector<16xf32>
        %add3A_1346 = arith.addf %gather3A_1338, %gather3A_1344 : vector<16xf32>
        %pack3A_1347 = tpu.pack_subelements %add3A_1345, %add3A_1346 {pack_format = #tpu.pack_format<interleaved>, positions = array<i32: 0, 1>} : vector<16xf32>, vector<16xf32> -> vector<32xbf16>
        %add3A_1348 = arith.constant 5120 : i32
        %add3A_1349 = arith.addi %add3A_1348, %mul3A_1290 : i32
        %swap3A_1350 = arith.index_cast %add3A_1349 : i32 to index
        %swap3A_1351 = tpu.vector_load %arg14[%swap3A_1350] {strides = array<i32>} : memref<20480xbf16, #tpu.memory_space<vmem>>, vector<32xbf16>,
        tpu.vector_store %arg14[%swap3A_1350], %pack3A_1347 {strides = array<i32>} : memref<20480xbf16, #tpu.memory_space<vmem>>, vector<32xbf16>,
        %gather3A_1352 = arith.constant 7680 : i32
        %gather3A_1353 = tpu.memref_slice %arg10[%gather3A_1352] : memref<20480xf32, #tpu.memory_space<vmem>> -> memref<2560xf32, #tpu.memory_space<vmem>>
        %gather3A_1354 = tpu.vector_load_idx %gather3A_1353[%add3A_1292] : memref<2560xf32, #tpu.memory_space<vmem>>[vector<16xi32>], vector<16xf32>,
        %gather3A_1355 = arith.constant 7680 : i32
        %gather3A_1356 = tpu.memref_slice %arg10[%gather3A_1355] : memref<20480xf32, #tpu.memory_space<vmem>> -> memref<2560xf32, #tpu.memory_space<vmem>>
        %gather3A_1357 = tpu.vector_load_idx %gather3A_1356[%add3A_1294] : memref<2560xf32, #tpu.memory_space<vmem>>[vector<16xi32>], vector<16xf32>,
        %gather3A_1358 = arith.constant 7680 : i32
        %gather3A_1359 = tpu.memref_slice %arg12[%gather3A_1358] : memref<20480xf32, #tpu.memory_space<vmem>> -> memref<2560xf32, #tpu.memory_space<vmem>>
        %gather3A_1360 = tpu.vector_load_idx %gather3A_1359[%add3A_1292] : memref<2560xf32, #tpu.memory_space<vmem>>[vector<16xi32>], vector<16xf32>,
        %gather3A_1361 = arith.constant 7680 : i32
        %gather3A_1362 = tpu.memref_slice %arg12[%gather3A_1361] : memref<20480xf32, #tpu.memory_space<vmem>> -> memref<2560xf32, #tpu.memory_space<vmem>>
        %gather3A_1363 = tpu.vector_load_idx %gather3A_1362[%add3A_1294] : memref<2560xf32, #tpu.memory_space<vmem>>[vector<16xi32>], vector<16xf32>,
        %add3A_1364 = arith.addf %gather3A_1354, %gather3A_1360 : vector<16xf32>
        %add3A_1365 = arith.addf %gather3A_1357, %gather3A_1363 : vector<16xf32>
        %pack3A_1366 = tpu.pack_subelements %add3A_1364, %add3A_1365 {pack_format = #tpu.pack_format<interleaved>, positions = array<i32: 0, 1>} : vector<16xf32>, vector<16xf32> -> vector<32xbf16>
        %add3A_1367 = arith.constant 7680 : i32
        %add3A_1368 = arith.addi %add3A_1367, %mul3A_1290 : i32
        %swap3A_1369 = arith.index_cast %add3A_1368 : i32 to index
        %swap3A_1370 = tpu.vector_load %arg14[%swap3A_1369] {strides = array<i32>} : memref<20480xbf16, #tpu.memory_space<vmem>>, vector<32xbf16>,
        tpu.vector_store %arg14[%swap3A_1369], %pack3A_1366 {strides = array<i32>} : memref<20480xbf16, #tpu.memory_space<vmem>>, vector<32xbf16>,
        %gather3A_1371 = arith.constant 10240 : i32
        %gather3A_1372 = tpu.memref_slice %arg10[%gather3A_1371] : memref<20480xf32, #tpu.memory_space<vmem>> -> memref<2560xf32, #tpu.memory_space<vmem>>
        %gather3A_1373 = tpu.vector_load_idx %gather3A_1372[%add3A_1292] : memref<2560xf32, #tpu.memory_space<vmem>>[vector<16xi32>], vector<16xf32>,
        %gather3A_1374 = arith.constant 10240 : i32
        %gather3A_1375 = tpu.memref_slice %arg10[%gather3A_1374] : memref<20480xf32, #tpu.memory_space<vmem>> -> memref<2560xf32, #tpu.memory_space<vmem>>
        %gather3A_1376 = tpu.vector_load_idx %gather3A_1375[%add3A_1294] : memref<2560xf32, #tpu.memory_space<vmem>>[vector<16xi32>], vector<16xf32>,
        %gather3A_1377 = arith.constant 10240 : i32
        %gather3A_1378 = tpu.memref_slice %arg12[%gather3A_1377] : memref<20480xf32, #tpu.memory_space<vmem>> -> memref<2560xf32, #tpu.memory_space<vmem>>
        %gather3A_1379 = tpu.vector_load_idx %gather3A_1378[%add3A_1292] : memref<2560xf32, #tpu.memory_space<vmem>>[vector<16xi32>], vector<16xf32>,
        %gather3A_1380 = arith.constant 10240 : i32
        %gather3A_1381 = tpu.memref_slice %arg12[%gather3A_1380] : memref<20480xf32, #tpu.memory_space<vmem>> -> memref<2560xf32, #tpu.memory_space<vmem>>
        %gather3A_1382 = tpu.vector_load_idx %gather3A_1381[%add3A_1294] : memref<2560xf32, #tpu.memory_space<vmem>>[vector<16xi32>], vector<16xf32>,
        %add3A_1383 = arith.addf %gather3A_1373, %gather3A_1379 : vector<16xf32>
        %add3A_1384 = arith.addf %gather3A_1376, %gather3A_1382 : vector<16xf32>
        %pack3A_1385 = tpu.pack_subelements %add3A_1383, %add3A_1384 {pack_format = #tpu.pack_format<interleaved>, positions = array<i32: 0, 1>} : vector<16xf32>, vector<16xf32> -> vector<32xbf16>
        %add3A_1386 = arith.constant 10240 : i32
        %add3A_1387 = arith.addi %add3A_1386, %mul3A_1290 : i32
        %swap3A_1388 = arith.index_cast %add3A_1387 : i32 to index
        %swap3A_1389 = tpu.vector_load %arg14[%swap3A_1388] {strides = array<i32>} : memref<20480xbf16, #tpu.memory_space<vmem>>, vector<32xbf16>,
        tpu.vector_store %arg14[%swap3A_1388], %pack3A_1385 {strides = array<i32>} : memref<20480xbf16, #tpu.memory_space<vmem>>, vector<32xbf16>,
        %gather3A_1390 = arith.constant 12800 : i32
        %gather3A_1391 = tpu.memref_slice %arg10[%gather3A_1390] : memref<20480xf32, #tpu.memory_space<vmem>> -> memref<2560xf32, #tpu.memory_space<vmem>>
        %gather3A_1392 = tpu.vector_load_idx %gather3A_1391[%add3A_1292] : memref<2560xf32, #tpu.memory_space<vmem>>[vector<16xi32>], vector<16xf32>,
        %gather3A_1393 = arith.constant 12800 : i32
        %gather3A_1394 = tpu.memref_slice %arg10[%gather3A_1393] : memref<20480xf32, #tpu.memory_space<vmem>> -> memref<2560xf32, #tpu.memory_space<vmem>>
        %gather3A_1395 = tpu.vector_load_idx %gather3A_1394[%add3A_1294] : memref<2560xf32, #tpu.memory_space<vmem>>[vector<16xi32>], vector<16xf32>,
        %gather3A_1396 = arith.constant 12800 : i32
        %gather3A_1397 = tpu.memref_slice %arg12[%gather3A_1396] : memref<20480xf32, #tpu.memory_space<vmem>> -> memref<2560xf32, #tpu.memory_space<vmem>>
        %gather3A_1398 = tpu.vector_load_idx %gather3A_1397[%add3A_1292] : memref<2560xf32, #tpu.memory_space<vmem>>[vector<16xi32>], vector<16xf32>,
        %gather3A_1399 = arith.constant 12800 : i32
        %gather3A_1400 = tpu.memref_slice %arg12[%gather3A_1399] : memref<20480xf32, #tpu.memory_space<vmem>> -> memref<2560xf32, #tpu.memory_space<vmem>>
        %gather3A_1401 = tpu.vector_load_idx %gather3A_1400[%add3A_1294] : memref<2560xf32, #tpu.memory_space<vmem>>[vector<16xi32>], vector<16xf32>,
        %add3A_1402 = arith.addf %gather3A_1392, %gather3A_1398 : vector<16xf32>
        %add3A_1403 = arith.addf %gather3A_1395, %gather3A_1401 : vector<16xf32>
        %pack3A_1404 = tpu.pack_subelements %add3A_1402, %add3A_1403 {pack_format = #tpu.pack_format<interleaved>, positions = array<i32: 0, 1>} : vector<16xf32>, vector<16xf32> -> vector<32xbf16>
        %add3A_1405 = arith.constant 12800 : i32
        %add3A_1406 = arith.addi %add3A_1405, %mul3A_1290 : i32
        %swap3A_1407 = arith.index_cast %add3A_1406 : i32 to index
        %swap3A_1408 = tpu.vector_load %arg14[%swap3A_1407] {strides = array<i32>} : memref<20480xbf16, #tpu.memory_space<vmem>>, vector<32xbf16>,
        tpu.vector_store %arg14[%swap3A_1407], %pack3A_1404 {strides = array<i32>} : memref<20480xbf16, #tpu.memory_space<vmem>>, vector<32xbf16>,
        %gather3A_1409 = arith.constant 15360 : i32
        %gather3A_1410 = tpu.memref_slice %arg10[%gather3A_1409] : memref<20480xf32, #tpu.memory_space<vmem>> -> memref<2560xf32, #tpu.memory_space<vmem>>
        %gather3A_1411 = tpu.vector_load_idx %gather3A_1410[%add3A_1292] : memref<2560xf32, #tpu.memory_space<vmem>>[vector<16xi32>], vector<16xf32>,
        %gather3A_1412 = arith.constant 15360 : i32
        %gather3A_1413 = tpu.memref_slice %arg10[%gather3A_1412] : memref<20480xf32, #tpu.memory_space<vmem>> -> memref<2560xf32, #tpu.memory_space<vmem>>
        %gather3A_1414 = tpu.vector_load_idx %gather3A_1413[%add3A_1294] : memref<2560xf32, #tpu.memory_space<vmem>>[vector<16xi32>], vector<16xf32>,
        %gather3A_1415 = arith.constant 15360 : i32
        %gather3A_1416 = tpu.memref_slice %arg12[%gather3A_1415] : memref<20480xf32, #tpu.memory_space<vmem>> -> memref<2560xf32, #tpu.memory_space<vmem>>
        %gather3A_1417 = tpu.vector_load_idx %gather3A_1416[%add3A_1292] : memref<2560xf32, #tpu.memory_space<vmem>>[vector<16xi32>], vector<16xf32>,
        %gather3A_1418 = arith.constant 15360 : i32
        %gather3A_1419 = tpu.memref_slice %arg12[%gather3A_1418] : memref<20480xf32, #tpu.memory_space<vmem>> -> memref<2560xf32, #tpu.memory_space<vmem>>
        %gather3A_1420 = tpu.vector_load_idx %gather3A_1419[%add3A_1294] : memref<2560xf32, #tpu.memory_space<vmem>>[vector<16xi32>], vector<16xf32>,
        %add3A_1421 = arith.addf %gather3A_1411, %gather3A_1417 : vector<16xf32>
        %add3A_1422 = arith.addf %gather3A_1414, %gather3A_1420 : vector<16xf32>
        %pack3A_1423 = tpu.pack_subelements %add3A_1421, %add3A_1422 {pack_format = #tpu.pack_format<interleaved>, positions = array<i32: 0, 1>} : vector<16xf32>, vector<16xf32> -> vector<32xbf16>
        %add3A_1424 = arith.constant 15360 : i32
        %add3A_1425 = arith.addi %add3A_1424, %mul3A_1290 : i32
        %swap3A_1426 = arith.index_cast %add3A_1425 : i32 to index
        %swap3A_1427 = tpu.vector_load %arg14[%swap3A_1426] {strides = array<i32>} : memref<20480xbf16, #tpu.memory_space<vmem>>, vector<32xbf16>,
        tpu.vector_store %arg14[%swap3A_1426], %pack3A_1423 {strides = array<i32>} : memref<20480xbf16, #tpu.memory_space<vmem>>, vector<32xbf16>,
        %gather3A_1428 = arith.constant 17920 : i32
        %gather3A_1429 = tpu.memref_slice %arg10[%gather3A_1428] : memref<20480xf32, #tpu.memory_space<vmem>> -> memref<2560xf32, #tpu.memory_space<vmem>>
        %gather3A_1430 = tpu.vector_load_idx %gather3A_1429[%add3A_1292] : memref<2560xf32, #tpu.memory_space<vmem>>[vector<16xi32>], vector<16xf32>,
        %gather3A_1431 = arith.constant 17920 : i32
        %gather3A_1432 = tpu.memref_slice %arg10[%gather3A_1431] : memref<20480xf32, #tpu.memory_space<vmem>> -> memref<2560xf32, #tpu.memory_space<vmem>>
        %gather3A_1433 = tpu.vector_load_idx %gather3A_1432[%add3A_1294] : memref<2560xf32, #tpu.memory_space<vmem>>[vector<16xi32>], vector<16xf32>,
        %gather3A_1434 = arith.constant 17920 : i32
        %gather3A_1435 = tpu.memref_slice %arg12[%gather3A_1434] : memref<20480xf32, #tpu.memory_space<vmem>> -> memref<2560xf32, #tpu.memory_space<vmem>>
        %gather3A_1436 = tpu.vector_load_idx %gather3A_1435[%add3A_1292] : memref<2560xf32, #tpu.memory_space<vmem>>[vector<16xi32>], vector<16xf32>,
        %gather3A_1437 = arith.constant 17920 : i32
        %gather3A_1438 = tpu.memref_slice %arg12[%gather3A_1437] : memref<20480xf32, #tpu.memory_space<vmem>> -> memref<2560xf32, #tpu.memory_space<vmem>>
        %gather3A_1439 = tpu.vector_load_idx %gather3A_1438[%add3A_1294] : memref<2560xf32, #tpu.memory_space<vmem>>[vector<16xi32>], vector<16xf32>,
        %add3A_1440 = arith.addf %gather3A_1430, %gather3A_1436 : vector<16xf32>
        %add3A_1441 = arith.addf %gather3A_1433, %gather3A_1439 : vector<16xf32>
        %pack3A_1442 = tpu.pack_subelements %add3A_1440, %add3A_1441 {pack_format = #tpu.pack_format<interleaved>, positions = array<i32: 0, 1>} : vector<16xf32>, vector<16xf32> -> vector<32xbf16>
        %add3A_1443 = arith.constant 17920 : i32
        %add3A_1444 = arith.addi %add3A_1443, %mul3A_1290 : i32
        %swap3A_1445 = arith.index_cast %add3A_1444 : i32 to index
        %swap3A_1446 = tpu.vector_load %arg14[%swap3A_1445] {strides = array<i32>} : memref<20480xbf16, #tpu.memory_space<vmem>>, vector<32xbf16>,
        tpu.vector_store %arg14[%swap3A_1445], %pack3A_1442 {strides = array<i32>} : memref<20480xbf16, #tpu.memory_space<vmem>>, vector<32xbf16>,
        %scan3A_1447 = arith.constant 4 : i32
        %scan3A_1448 = arith.addi %scan3A_811, %scan3A_1447 : i32
        %mul3A_1449 = arith.constant 32 : i32
        %mul3A_1450 = arith.muli %scan3A_1448, %mul3A_1449 : i32
        %add3A_1451 = vector.broadcast %mul3A_1450 : i32 to vector<16xi32>
        %add3A_1452 = arith.addi %add3A_1451, %mul3A_5 : vector<16xi32>
        %add3A_1453 = vector.broadcast %mul3A_1450 : i32 to vector<16xi32>
        %add3A_1454 = arith.addi %add3A_1453, %add3A_8 : vector<16xi32>
        %gather3A_1455 = arith.constant 0 : i32
        %gather3A_1456 = tpu.memref_slice %arg10[%gather3A_1455] : memref<20480xf32, #tpu.memory_space<vmem>> -> memref<2560xf32, #tpu.memory_space<vmem>>
        %gather3A_1457 = tpu.vector_load_idx %gather3A_1456[%add3A_1452] : memref<2560xf32, #tpu.memory_space<vmem>>[vector<16xi32>], vector<16xf32>,
        %gather3A_1458 = arith.constant 0 : i32
        %gather3A_1459 = tpu.memref_slice %arg10[%gather3A_1458] : memref<20480xf32, #tpu.memory_space<vmem>> -> memref<2560xf32, #tpu.memory_space<vmem>>
        %gather3A_1460 = tpu.vector_load_idx %gather3A_1459[%add3A_1454] : memref<2560xf32, #tpu.memory_space<vmem>>[vector<16xi32>], vector<16xf32>,
        %gather3A_1461 = arith.constant 0 : i32
        %gather3A_1462 = tpu.memref_slice %arg12[%gather3A_1461] : memref<20480xf32, #tpu.memory_space<vmem>> -> memref<2560xf32, #tpu.memory_space<vmem>>
        %gather3A_1463 = tpu.vector_load_idx %gather3A_1462[%add3A_1452] : memref<2560xf32, #tpu.memory_space<vmem>>[vector<16xi32>], vector<16xf32>,
        %gather3A_1464 = arith.constant 0 : i32
        %gather3A_1465 = tpu.memref_slice %arg12[%gather3A_1464] : memref<20480xf32, #tpu.memory_space<vmem>> -> memref<2560xf32, #tpu.memory_space<vmem>>
        %gather3A_1466 = tpu.vector_load_idx %gather3A_1465[%add3A_1454] : memref<2560xf32, #tpu.memory_space<vmem>>[vector<16xi32>], vector<16xf32>,
        %add3A_1467 = arith.addf %gather3A_1457, %gather3A_1463 : vector<16xf32>
        %add3A_1468 = arith.addf %gather3A_1460, %gather3A_1466 : vector<16xf32>
        %pack3A_1469 = tpu.pack_subelements %add3A_1467, %add3A_1468 {pack_format = #tpu.pack_format<interleaved>, positions = array<i32: 0, 1>} : vector<16xf32>, vector<16xf32> -> vector<32xbf16>
        %add3A_1470 = arith.constant 0 : i32
        %add3A_1471 = arith.addi %add3A_1470, %mul3A_1450 : i32
        %swap3A_1472 = arith.index_cast %add3A_1471 : i32 to index
        %swap3A_1473 = tpu.vector_load %arg14[%swap3A_1472] {strides = array<i32>} : memref<20480xbf16, #tpu.memory_space<vmem>>, vector<32xbf16>,
        tpu.vector_store %arg14[%swap3A_1472], %pack3A_1469 {strides = array<i32>} : memref<20480xbf16, #tpu.memory_space<vmem>>, vector<32xbf16>,
        %gather3A_1474 = arith.constant 2560 : i32
        %gather3A_1475 = tpu.memref_slice %arg10[%gather3A_1474] : memref<20480xf32, #tpu.memory_space<vmem>> -> memref<2560xf32, #tpu.memory_space<vmem>>
        %gather3A_1476 = tpu.vector_load_idx %gather3A_1475[%add3A_1452] : memref<2560xf32, #tpu.memory_space<vmem>>[vector<16xi32>], vector<16xf32>,
        %gather3A_1477 = arith.constant 2560 : i32
        %gather3A_1478 = tpu.memref_slice %arg10[%gather3A_1477] : memref<20480xf32, #tpu.memory_space<vmem>> -> memref<2560xf32, #tpu.memory_space<vmem>>
        %gather3A_1479 = tpu.vector_load_idx %gather3A_1478[%add3A_1454] : memref<2560xf32, #tpu.memory_space<vmem>>[vector<16xi32>], vector<16xf32>,
        %gather3A_1480 = arith.constant 2560 : i32
        %gather3A_1481 = tpu.memref_slice %arg12[%gather3A_1480] : memref<20480xf32, #tpu.memory_space<vmem>> -> memref<2560xf32, #tpu.memory_space<vmem>>
        %gather3A_1482 = tpu.vector_load_idx %gather3A_1481[%add3A_1452] : memref<2560xf32, #tpu.memory_space<vmem>>[vector<16xi32>], vector<16xf32>,
        %gather3A_1483 = arith.constant 2560 : i32
        %gather3A_1484 = tpu.memref_slice %arg12[%gather3A_1483] : memref<20480xf32, #tpu.memory_space<vmem>> -> memref<2560xf32, #tpu.memory_space<vmem>>
        %gather3A_1485 = tpu.vector_load_idx %gather3A_1484[%add3A_1454] : memref<2560xf32, #tpu.memory_space<vmem>>[vector<16xi32>], vector<16xf32>,
        %add3A_1486 = arith.addf %gather3A_1476, %gather3A_1482 : vector<16xf32>
        %add3A_1487 = arith.addf %gather3A_1479, %gather3A_1485 : vector<16xf32>
        %pack3A_1488 = tpu.pack_subelements %add3A_1486, %add3A_1487 {pack_format = #tpu.pack_format<interleaved>, positions = array<i32: 0, 1>} : vector<16xf32>, vector<16xf32> -> vector<32xbf16>
        %add3A_1489 = arith.constant 2560 : i32
        %add3A_1490 = arith.addi %add3A_1489, %mul3A_1450 : i32
        %swap3A_1491 = arith.index_cast %add3A_1490 : i32 to index
        %swap3A_1492 = tpu.vector_load %arg14[%swap3A_1491] {strides = array<i32>} : memref<20480xbf16, #tpu.memory_space<vmem>>, vector<32xbf16>,
        tpu.vector_store %arg14[%swap3A_1491], %pack3A_1488 {strides = array<i32>} : memref<20480xbf16, #tpu.memory_space<vmem>>, vector<32xbf16>,
        %gather3A_1493 = arith.constant 5120 : i32
        %gather3A_1494 = tpu.memref_slice %arg10[%gather3A_1493] : memref<20480xf32, #tpu.memory_space<vmem>> -> memref<2560xf32, #tpu.memory_space<vmem>>
        %gather3A_1495 = tpu.vector_load_idx %gather3A_1494[%add3A_1452] : memref<2560xf32, #tpu.memory_space<vmem>>[vector<16xi32>], vector<16xf32>,
        %gather3A_1496 = arith.constant 5120 : i32
        %gather3A_1497 = tpu.memref_slice %arg10[%gather3A_1496] : memref<20480xf32, #tpu.memory_space<vmem>> -> memref<2560xf32, #tpu.memory_space<vmem>>
        %gather3A_1498 = tpu.vector_load_idx %gather3A_1497[%add3A_1454] : memref<2560xf32, #tpu.memory_space<vmem>>[vector<16xi32>], vector<16xf32>,
        %gather3A_1499 = arith.constant 5120 : i32
        %gather3A_1500 = tpu.memref_slice %arg12[%gather3A_1499] : memref<20480xf32, #tpu.memory_space<vmem>> -> memref<2560xf32, #tpu.memory_space<vmem>>
        %gather3A_1501 = tpu.vector_load_idx %gather3A_1500[%add3A_1452] : memref<2560xf32, #tpu.memory_space<vmem>>[vector<16xi32>], vector<16xf32>,
        %gather3A_1502 = arith.constant 5120 : i32
        %gather3A_1503 = tpu.memref_slice %arg12[%gather3A_1502] : memref<20480xf32, #tpu.memory_space<vmem>> -> memref<2560xf32, #tpu.memory_space<vmem>>
        %gather3A_1504 = tpu.vector_load_idx %gather3A_1503[%add3A_1454] : memref<2560xf32, #tpu.memory_space<vmem>>[vector<16xi32>], vector<16xf32>,
        %add3A_1505 = arith.addf %gather3A_1495, %gather3A_1501 : vector<16xf32>
        %add3A_1506 = arith.addf %gather3A_1498, %gather3A_1504 : vector<16xf32>
        %pack3A_1507 = tpu.pack_subelements %add3A_1505, %add3A_1506 {pack_format = #tpu.pack_format<interleaved>, positions = array<i32: 0, 1>} : vector<16xf32>, vector<16xf32> -> vector<32xbf16>
        %add3A_1508 = arith.constant 5120 : i32
        %add3A_1509 = arith.addi %add3A_1508, %mul3A_1450 : i32
        %swap3A_1510 = arith.index_cast %add3A_1509 : i32 to index
        %swap3A_1511 = tpu.vector_load %arg14[%swap3A_1510] {strides = array<i32>} : memref<20480xbf16, #tpu.memory_space<vmem>>, vector<32xbf16>,
        tpu.vector_store %arg14[%swap3A_1510], %pack3A_1507 {strides = array<i32>} : memref<20480xbf16, #tpu.memory_space<vmem>>, vector<32xbf16>,
        %gather3A_1512 = arith.constant 7680 : i32
        %gather3A_1513 = tpu.memref_slice %arg10[%gather3A_1512] : memref<20480xf32, #tpu.memory_space<vmem>> -> memref<2560xf32, #tpu.memory_space<vmem>>
        %gather3A_1514 = tpu.vector_load_idx %gather3A_1513[%add3A_1452] : memref<2560xf32, #tpu.memory_space<vmem>>[vector<16xi32>], vector<16xf32>,
        %gather3A_1515 = arith.constant 7680 : i32
        %gather3A_1516 = tpu.memref_slice %arg10[%gather3A_1515] : memref<20480xf32, #tpu.memory_space<vmem>> -> memref<2560xf32, #tpu.memory_space<vmem>>
        %gather3A_1517 = tpu.vector_load_idx %gather3A_1516[%add3A_1454] : memref<2560xf32, #tpu.memory_space<vmem>>[vector<16xi32>], vector<16xf32>,
        %gather3A_1518 = arith.constant 7680 : i32
        %gather3A_1519 = tpu.memref_slice %arg12[%gather3A_1518] : memref<20480xf32, #tpu.memory_space<vmem>> -> memref<2560xf32, #tpu.memory_space<vmem>>
        %gather3A_1520 = tpu.vector_load_idx %gather3A_1519[%add3A_1452] : memref<2560xf32, #tpu.memory_space<vmem>>[vector<16xi32>], vector<16xf32>,
        %gather3A_1521 = arith.constant 7680 : i32
        %gather3A_1522 = tpu.memref_slice %arg12[%gather3A_1521] : memref<20480xf32, #tpu.memory_space<vmem>> -> memref<2560xf32, #tpu.memory_space<vmem>>
        %gather3A_1523 = tpu.vector_load_idx %gather3A_1522[%add3A_1454] : memref<2560xf32, #tpu.memory_space<vmem>>[vector<16xi32>], vector<16xf32>,
        %add3A_1524 = arith.addf %gather3A_1514, %gather3A_1520 : vector<16xf32>
        %add3A_1525 = arith.addf %gather3A_1517, %gather3A_1523 : vector<16xf32>
        %pack3A_1526 = tpu.pack_subelements %add3A_1524, %add3A_1525 {pack_format = #tpu.pack_format<interleaved>, positions = array<i32: 0, 1>} : vector<16xf32>, vector<16xf32> -> vector<32xbf16>
        %add3A_1527 = arith.constant 7680 : i32
        %add3A_1528 = arith.addi %add3A_1527, %mul3A_1450 : i32
        %swap3A_1529 = arith.index_cast %add3A_1528 : i32 to index
        %swap3A_1530 = tpu.vector_load %arg14[%swap3A_1529] {strides = array<i32>} : memref<20480xbf16, #tpu.memory_space<vmem>>, vector<32xbf16>,
        tpu.vector_store %arg14[%swap3A_1529], %pack3A_1526 {strides = array<i32>} : memref<20480xbf16, #tpu.memory_space<vmem>>, vector<32xbf16>,
        %gather3A_1531 = arith.constant 10240 : i32
        %gather3A_1532 = tpu.memref_slice %arg10[%gather3A_1531] : memref<20480xf32, #tpu.memory_space<vmem>> -> memref<2560xf32, #tpu.memory_space<vmem>>
        %gather3A_1533 = tpu.vector_load_idx %gather3A_1532[%add3A_1452] : memref<2560xf32, #tpu.memory_space<vmem>>[vector<16xi32>], vector<16xf32>,
        %gather3A_1534 = arith.constant 10240 : i32
        %gather3A_1535 = tpu.memref_slice %arg10[%gather3A_1534] : memref<20480xf32, #tpu.memory_space<vmem>> -> memref<2560xf32, #tpu.memory_space<vmem>>
        %gather3A_1536 = tpu.vector_load_idx %gather3A_1535[%add3A_1454] : memref<2560xf32, #tpu.memory_space<vmem>>[vector<16xi32>], vector<16xf32>,
        %gather3A_1537 = arith.constant 10240 : i32
        %gather3A_1538 = tpu.memref_slice %arg12[%gather3A_1537] : memref<20480xf32, #tpu.memory_space<vmem>> -> memref<2560xf32, #tpu.memory_space<vmem>>
        %gather3A_1539 = tpu.vector_load_idx %gather3A_1538[%add3A_1452] : memref<2560xf32, #tpu.memory_space<vmem>>[vector<16xi32>], vector<16xf32>,
        %gather3A_1540 = arith.constant 10240 : i32
        %gather3A_1541 = tpu.memref_slice %arg12[%gather3A_1540] : memref<20480xf32, #tpu.memory_space<vmem>> -> memref<2560xf32, #tpu.memory_space<vmem>>
        %gather3A_1542 = tpu.vector_load_idx %gather3A_1541[%add3A_1454] : memref<2560xf32, #tpu.memory_space<vmem>>[vector<16xi32>], vector<16xf32>,
        %add3A_1543 = arith.addf %gather3A_1533, %gather3A_1539 : vector<16xf32>
        %add3A_1544 = arith.addf %gather3A_1536, %gather3A_1542 : vector<16xf32>
        %pack3A_1545 = tpu.pack_subelements %add3A_1543, %add3A_1544 {pack_format = #tpu.pack_format<interleaved>, positions = array<i32: 0, 1>} : vector<16xf32>, vector<16xf32> -> vector<32xbf16>
        %add3A_1546 = arith.constant 10240 : i32
        %add3A_1547 = arith.addi %add3A_1546, %mul3A_1450 : i32
        %swap3A_1548 = arith.index_cast %add3A_1547 : i32 to index
        %swap3A_1549 = tpu.vector_load %arg14[%swap3A_1548] {strides = array<i32>} : memref<20480xbf16, #tpu.memory_space<vmem>>, vector<32xbf16>,
        tpu.vector_store %arg14[%swap3A_1548], %pack3A_1545 {strides = array<i32>} : memref<20480xbf16, #tpu.memory_space<vmem>>, vector<32xbf16>,
        %gather3A_1550 = arith.constant 12800 : i32
        %gather3A_1551 = tpu.memref_slice %arg10[%gather3A_1550] : memref<20480xf32, #tpu.memory_space<vmem>> -> memref<2560xf32, #tpu.memory_space<vmem>>
        %gather3A_1552 = tpu.vector_load_idx %gather3A_1551[%add3A_1452] : memref<2560xf32, #tpu.memory_space<vmem>>[vector<16xi32>], vector<16xf32>,
        %gather3A_1553 = arith.constant 12800 : i32
        %gather3A_1554 = tpu.memref_slice %arg10[%gather3A_1553] : memref<20480xf32, #tpu.memory_space<vmem>> -> memref<2560xf32, #tpu.memory_space<vmem>>
        %gather3A_1555 = tpu.vector_load_idx %gather3A_1554[%add3A_1454] : memref<2560xf32, #tpu.memory_space<vmem>>[vector<16xi32>], vector<16xf32>,
        %gather3A_1556 = arith.constant 12800 : i32
        %gather3A_1557 = tpu.memref_slice %arg12[%gather3A_1556] : memref<20480xf32, #tpu.memory_space<vmem>> -> memref<2560xf32, #tpu.memory_space<vmem>>
        %gather3A_1558 = tpu.vector_load_idx %gather3A_1557[%add3A_1452] : memref<2560xf32, #tpu.memory_space<vmem>>[vector<16xi32>], vector<16xf32>,
        %gather3A_1559 = arith.constant 12800 : i32
        %gather3A_1560 = tpu.memref_slice %arg12[%gather3A_1559] : memref<20480xf32, #tpu.memory_space<vmem>> -> memref<2560xf32, #tpu.memory_space<vmem>>
        %gather3A_1561 = tpu.vector_load_idx %gather3A_1560[%add3A_1454] : memref<2560xf32, #tpu.memory_space<vmem>>[vector<16xi32>], vector<16xf32>,
        %add3A_1562 = arith.addf %gather3A_1552, %gather3A_1558 : vector<16xf32>
        %add3A_1563 = arith.addf %gather3A_1555, %gather3A_1561 : vector<16xf32>
        %pack3A_1564 = tpu.pack_subelements %add3A_1562, %add3A_1563 {pack_format = #tpu.pack_format<interleaved>, positions = array<i32: 0, 1>} : vector<16xf32>, vector<16xf32> -> vector<32xbf16>
        %add3A_1565 = arith.constant 12800 : i32
        %add3A_1566 = arith.addi %add3A_1565, %mul3A_1450 : i32
        %swap3A_1567 = arith.index_cast %add3A_1566 : i32 to index
        %swap3A_1568 = tpu.vector_load %arg14[%swap3A_1567] {strides = array<i32>} : memref<20480xbf16, #tpu.memory_space<vmem>>, vector<32xbf16>,
        tpu.vector_store %arg14[%swap3A_1567], %pack3A_1564 {strides = array<i32>} : memref<20480xbf16, #tpu.memory_space<vmem>>, vector<32xbf16>,
        %gather3A_1569 = arith.constant 15360 : i32
        %gather3A_1570 = tpu.memref_slice %arg10[%gather3A_1569] : memref<20480xf32, #tpu.memory_space<vmem>> -> memref<2560xf32, #tpu.memory_space<vmem>>
        %gather3A_1571 = tpu.vector_load_idx %gather3A_1570[%add3A_1452] : memref<2560xf32, #tpu.memory_space<vmem>>[vector<16xi32>], vector<16xf32>,
        %gather3A_1572 = arith.constant 15360 : i32
        %gather3A_1573 = tpu.memref_slice %arg10[%gather3A_1572] : memref<20480xf32, #tpu.memory_space<vmem>> -> memref<2560xf32, #tpu.memory_space<vmem>>
        %gather3A_1574 = tpu.vector_load_idx %gather3A_1573[%add3A_1454] : memref<2560xf32, #tpu.memory_space<vmem>>[vector<16xi32>], vector<16xf32>,
        %gather3A_1575 = arith.constant 15360 : i32
        %gather3A_1576 = tpu.memref_slice %arg12[%gather3A_1575] : memref<20480xf32, #tpu.memory_space<vmem>> -> memref<2560xf32, #tpu.memory_space<vmem>>
        %gather3A_1577 = tpu.vector_load_idx %gather3A_1576[%add3A_1452] : memref<2560xf32, #tpu.memory_space<vmem>>[vector<16xi32>], vector<16xf32>,
        %gather3A_1578 = arith.constant 15360 : i32
        %gather3A_1579 = tpu.memref_slice %arg12[%gather3A_1578] : memref<20480xf32, #tpu.memory_space<vmem>> -> memref<2560xf32, #tpu.memory_space<vmem>>
        %gather3A_1580 = tpu.vector_load_idx %gather3A_1579[%add3A_1454] : memref<2560xf32, #tpu.memory_space<vmem>>[vector<16xi32>], vector<16xf32>,
        %add3A_1581 = arith.addf %gather3A_1571, %gather3A_1577 : vector<16xf32>
        %add3A_1582 = arith.addf %gather3A_1574, %gather3A_1580 : vector<16xf32>
        %pack3A_1583 = tpu.pack_subelements %add3A_1581, %add3A_1582 {pack_format = #tpu.pack_format<interleaved>, positions = array<i32: 0, 1>} : vector<16xf32>, vector<16xf32> -> vector<32xbf16>
        %add3A_1584 = arith.constant 15360 : i32
        %add3A_1585 = arith.addi %add3A_1584, %mul3A_1450 : i32
        %swap3A_1586 = arith.index_cast %add3A_1585 : i32 to index
        %swap3A_1587 = tpu.vector_load %arg14[%swap3A_1586] {strides = array<i32>} : memref<20480xbf16, #tpu.memory_space<vmem>>, vector<32xbf16>,
        tpu.vector_store %arg14[%swap3A_1586], %pack3A_1583 {strides = array<i32>} : memref<20480xbf16, #tpu.memory_space<vmem>>, vector<32xbf16>,
        %gather3A_1588 = arith.constant 17920 : i32
        %gather3A_1589 = tpu.memref_slice %arg10[%gather3A_1588] : memref<20480xf32, #tpu.memory_space<vmem>> -> memref<2560xf32, #tpu.memory_space<vmem>>
        %gather3A_1590 = tpu.vector_load_idx %gather3A_1589[%add3A_1452] : memref<2560xf32, #tpu.memory_space<vmem>>[vector<16xi32>], vector<16xf32>,
        %gather3A_1591 = arith.constant 17920 : i32
        %gather3A_1592 = tpu.memref_slice %arg10[%gather3A_1591] : memref<20480xf32, #tpu.memory_space<vmem>> -> memref<2560xf32, #tpu.memory_space<vmem>>
        %gather3A_1593 = tpu.vector_load_idx %gather3A_1592[%add3A_1454] : memref<2560xf32, #tpu.memory_space<vmem>>[vector<16xi32>], vector<16xf32>,
        %gather3A_1594 = arith.constant 17920 : i32
        %gather3A_1595 = tpu.memref_slice %arg12[%gather3A_1594] : memref<20480xf32, #tpu.memory_space<vmem>> -> memref<2560xf32, #tpu.memory_space<vmem>>
        %gather3A_1596 = tpu.vector_load_idx %gather3A_1595[%add3A_1452] : memref<2560xf32, #tpu.memory_space<vmem>>[vector<16xi32>], vector<16xf32>,
        %gather3A_1597 = arith.constant 17920 : i32
        %gather3A_1598 = tpu.memref_slice %arg12[%gather3A_1597] : memref<20480xf32, #tpu.memory_space<vmem>> -> memref<2560xf32, #tpu.memory_space<vmem>>
        %gather3A_1599 = tpu.vector_load_idx %gather3A_1598[%add3A_1454] : memref<2560xf32, #tpu.memory_space<vmem>>[vector<16xi32>], vector<16xf32>,
        %add3A_1600 = arith.addf %gather3A_1590, %gather3A_1596 : vector<16xf32>
        %add3A_1601 = arith.addf %gather3A_1593, %gather3A_1599 : vector<16xf32>
        %pack3A_1602 = tpu.pack_subelements %add3A_1600, %add3A_1601 {pack_format = #tpu.pack_format<interleaved>, positions = array<i32: 0, 1>} : vector<16xf32>, vector<16xf32> -> vector<32xbf16>
        %add3A_1603 = arith.constant 17920 : i32
        %add3A_1604 = arith.addi %add3A_1603, %mul3A_1450 : i32
        %swap3A_1605 = arith.index_cast %add3A_1604 : i32 to index
        %swap3A_1606 = tpu.vector_load %arg14[%swap3A_1605] {strides = array<i32>} : memref<20480xbf16, #tpu.memory_space<vmem>>, vector<32xbf16>,
        tpu.vector_store %arg14[%swap3A_1605], %pack3A_1602 {strides = array<i32>} : memref<20480xbf16, #tpu.memory_space<vmem>>, vector<32xbf16>,
      }
      %scan3A_796 = arith.constant 80 : i32
      %mul3A_797 = arith.constant 8 : i32
      %mul3A_798 = arith.muli %add3A_417, %mul3A_797 : i32
      %add3A_799 = arith.addi %mul3A_2, %mul3A_798 : i32
      %mul3A_800 = arith.constant 2560 : i32
      %mul3A_801 = arith.muli %add3A_799, %mul3A_800 : i32
      %dma_start3A_802 = tpu.memref_slice %arg6[%mul3A_801] : memref<41943040xbf16, #tpu.memory_space<hbm>> -> memref<20480xbf16, #tpu.memory_space<hbm>>
      %dma_start3A_803 = tpu.memref_slice %arg6[%mul3A_801] : memref<41943040xbf16, #tpu.memory_space<hbm>> -> memref<20480xbf16, #tpu.memory_space<hbm>>
      tpu.enqueue_dma source(%arg14 : memref<20480xbf16, #tpu.memory_space<vmem>>) target(%dma_start3A_803 : memref<20480xbf16, #tpu.memory_space<hbm>>) target_semaphore(%arg20 : memref<!tpu.dma_semaphore, #tpu.memory_space<semaphore_mem>>)
      %add3A_804 = arith.constant 2 : i32
      %add3A_805 = arith.addi %add3A_417, %add3A_804 : i32
      %lt3A_806 = arith.constant 64 : i32
      %lt3A_807 = arith.cmpi slt, %add3A_805, %lt3A_806 : i32
      %convert_element_type3A_808 = arith.extui %lt3A_807 : i1 to i32
      %cond3A_809 = arith.constant 0 : i32
      %cond3A_810 = arith.cmpi ne, %convert_element_type3A_808, %cond3A_809 : i32
      scf.if %cond3A_810 {
        %add3A_811 = arith.constant 2 : i32
        %add3A_812 = arith.addi %add3A_417, %add3A_811 : i32
        %mul3A_813 = arith.constant 8 : i32
        %mul3A_814 = arith.muli %add3A_812, %mul3A_813 : i32
        %get3A_815 = arith.index_cast %mul3A_814 : i32 to index
        %get3A_816 = tpu.vector_load %arg7[%get3A_815] {strides = array<i32>} : memref<528xi32, #tpu.memory_space<vmem>>, vector<16xi32>,
        %mul3A_817 = arith.constant 8 : i32
        %mul3A_818 = arith.muli %add3A_812, %mul3A_817 : i32
        %get3A_819 = arith.index_cast %mul3A_818 : i32 to index
        %get3A_820 = tpu.vector_load %arg8[%get3A_819] {strides = array<i32>} : memref<528xi32, #tpu.memory_space<vmem>>, vector<16xi32>,
        %slice3A_821 = vector.extract_strided_slice %get3A_816 {offsets = [0], sizes = [1], strides = [1]} : vector<16xi32> to vector<1xi32>
        %squeeze3A_822 = vector.extract %slice3A_821[0] : i32 from vector<1xi32>
        %dma_start3A_823 = arith.constant 0 : i32
        %dma_start3A_824 = tpu.memref_slice %arg10[%dma_start3A_823] : memref<20480xf32, #tpu.memory_space<vmem>> -> memref<2560xf32, #tpu.memory_space<vmem>>
        %dma_start3A_825 = arith.constant 0 : i32
        %dma_start3A_826 = tpu.memref_slice %arg4[%squeeze3A_822, %dma_start3A_825] : memref<50257x2560xf32, #tpu.memory_space<hbm>> -> memref<1x2560xf32, #tpu.memory_space<hbm>>
        %dma_start3A_827 = tpu.memref_squeeze %dma_start3A_826 : memref<1x2560xf32, #tpu.memory_space<hbm>> -> memref<2560xf32, #tpu.memory_space<hbm>>
        %dma_start3A_828 = arith.constant 0 : i32
        %dma_start3A_829 = tpu.memref_slice %arg10[%dma_start3A_828] : memref<20480xf32, #tpu.memory_space<vmem>> -> memref<2560xf32, #tpu.memory_space<vmem>>
        %dma_start3A_830 = arith.constant 0 : i32
        %dma_start3A_831 = tpu.memref_slice %arg4[%squeeze3A_822, %dma_start3A_830] : memref<50257x2560xf32, #tpu.memory_space<hbm>> -> memref<1x2560xf32, #tpu.memory_space<hbm>>
        %dma_start3A_832 = tpu.memref_squeeze %dma_start3A_831 : memref<1x2560xf32, #tpu.memory_space<hbm>> -> memref<2560xf32, #tpu.memory_space<hbm>>
        tpu.enqueue_dma source(%dma_start3A_832 : memref<2560xf32, #tpu.memory_space<hbm>>) target(%dma_start3A_829 : memref<2560xf32, #tpu.memory_space<vmem>>) target_semaphore(%arg16 : memref<!tpu.dma_semaphore, #tpu.memory_space<semaphore_mem>>)
        %slice3A_833 = vector.extract_strided_slice %get3A_820 {offsets = [0], sizes = [1], strides = [1]} : vector<16xi32> to vector<1xi32>
        %squeeze3A_834 = vector.extract %slice3A_833[0] : i32 from vector<1xi32>
        %dma_start3A_835 = arith.constant 0 : i32
        %dma_start3A_836 = tpu.memref_slice %arg12[%dma_start3A_835] : memref<20480xf32, #tpu.memory_space<vmem>> -> memref<2560xf32, #tpu.memory_space<vmem>>
        %dma_start3A_837 = arith.constant 0 : i32
        %dma_start3A_838 = tpu.memref_slice %arg5[%squeeze3A_834, %dma_start3A_837] : memref<8192x2560xf32, #tpu.memory_space<hbm>> -> memref<1x2560xf32, #tpu.memory_space<hbm>>
        %dma_start3A_839 = tpu.memref_squeeze %dma_start3A_838 : memref<1x2560xf32, #tpu.memory_space<hbm>> -> memref<2560xf32, #tpu.memory_space<hbm>>
        %dma_start3A_840 = arith.constant 0 : i32
        %dma_start3A_841 = tpu.memref_slice %arg12[%dma_start3A_840] : memref<20480xf32, #tpu.memory_space<vmem>> -> memref<2560xf32, #tpu.memory_space<vmem>>
        %dma_start3A_842 = arith.constant 0 : i32
        %dma_start3A_843 = tpu.memref_slice %arg5[%squeeze3A_834, %dma_start3A_842] : memref<8192x2560xf32, #tpu.memory_space<hbm>> -> memref<1x2560xf32, #tpu.memory_space<hbm>>
        %dma_start3A_844 = tpu.memref_squeeze %dma_start3A_843 : memref<1x2560xf32, #tpu.memory_space<hbm>> -> memref<2560xf32, #tpu.memory_space<hbm>>
        tpu.enqueue_dma source(%dma_start3A_844 : memref<2560xf32, #tpu.memory_space<hbm>>) target(%dma_start3A_841 : memref<2560xf32, #tpu.memory_space<vmem>>) target_semaphore(%arg18 : memref<!tpu.dma_semaphore, #tpu.memory_space<semaphore_mem>>)
        %slice3A_845 = vector.extract_strided_slice %get3A_816 {offsets = [1], sizes = [1], strides = [1]} : vector<16xi32> to vector<1xi32>
        %squeeze3A_846 = vector.extract %slice3A_845[0] : i32 from vector<1xi32>
        %dma_start3A_847 = arith.constant 2560 : i32
        %dma_start3A_848 = tpu.memref_slice %arg10[%dma_start3A_847] : memref<20480xf32, #tpu.memory_space<vmem>> -> memref<2560xf32, #tpu.memory_space<vmem>>
        %dma_start3A_849 = arith.constant 0 : i32
        %dma_start3A_850 = tpu.memref_slice %arg4[%squeeze3A_846, %dma_start3A_849] : memref<50257x2560xf32, #tpu.memory_space<hbm>> -> memref<1x2560xf32, #tpu.memory_space<hbm>>
        %dma_start3A_851 = tpu.memref_squeeze %dma_start3A_850 : memref<1x2560xf32, #tpu.memory_space<hbm>> -> memref<2560xf32, #tpu.memory_space<hbm>>
        %dma_start3A_852 = arith.constant 2560 : i32
        %dma_start3A_853 = tpu.memref_slice %arg10[%dma_start3A_852] : memref<20480xf32, #tpu.memory_space<vmem>> -> memref<2560xf32, #tpu.memory_space<vmem>>
        %dma_start3A_854 = arith.constant 0 : i32
        %dma_start3A_855 = tpu.memref_slice %arg4[%squeeze3A_846, %dma_start3A_854] : memref<50257x2560xf32, #tpu.memory_space<hbm>> -> memref<1x2560xf32, #tpu.memory_space<hbm>>
        %dma_start3A_856 = tpu.memref_squeeze %dma_start3A_855 : memref<1x2560xf32, #tpu.memory_space<hbm>> -> memref<2560xf32, #tpu.memory_space<hbm>>
        tpu.enqueue_dma source(%dma_start3A_856 : memref<2560xf32, #tpu.memory_space<hbm>>) target(%dma_start3A_853 : memref<2560xf32, #tpu.memory_space<vmem>>) target_semaphore(%arg16 : memref<!tpu.dma_semaphore, #tpu.memory_space<semaphore_mem>>)
        %slice3A_857 = vector.extract_strided_slice %get3A_820 {offsets = [1], sizes = [1], strides = [1]} : vector<16xi32> to vector<1xi32>
        %squeeze3A_858 = vector.extract %slice3A_857[0] : i32 from vector<1xi32>
        %dma_start3A_859 = arith.constant 2560 : i32
        %dma_start3A_860 = tpu.memref_slice %arg12[%dma_start3A_859] : memref<20480xf32, #tpu.memory_space<vmem>> -> memref<2560xf32, #tpu.memory_space<vmem>>
        %dma_start3A_861 = arith.constant 0 : i32
        %dma_start3A_862 = tpu.memref_slice %arg5[%squeeze3A_858, %dma_start3A_861] : memref<8192x2560xf32, #tpu.memory_space<hbm>> -> memref<1x2560xf32, #tpu.memory_space<hbm>>
        %dma_start3A_863 = tpu.memref_squeeze %dma_start3A_862 : memref<1x2560xf32, #tpu.memory_space<hbm>> -> memref<2560xf32, #tpu.memory_space<hbm>>
        %dma_start3A_864 = arith.constant 2560 : i32
        %dma_start3A_865 = tpu.memref_slice %arg12[%dma_start3A_864] : memref<20480xf32, #tpu.memory_space<vmem>> -> memref<2560xf32, #tpu.memory_space<vmem>>
        %dma_start3A_866 = arith.constant 0 : i32
        %dma_start3A_867 = tpu.memref_slice %arg5[%squeeze3A_858, %dma_start3A_866] : memref<8192x2560xf32, #tpu.memory_space<hbm>> -> memref<1x2560xf32, #tpu.memory_space<hbm>>
        %dma_start3A_868 = tpu.memref_squeeze %dma_start3A_867 : memref<1x2560xf32, #tpu.memory_space<hbm>> -> memref<2560xf32, #tpu.memory_space<hbm>>
        tpu.enqueue_dma source(%dma_start3A_868 : memref<2560xf32, #tpu.memory_space<hbm>>) target(%dma_start3A_865 : memref<2560xf32, #tpu.memory_space<vmem>>) target_semaphore(%arg18 : memref<!tpu.dma_semaphore, #tpu.memory_space<semaphore_mem>>)
        %slice3A_869 = vector.extract_strided_slice %get3A_816 {offsets = [2], sizes = [1], strides = [1]} : vector<16xi32> to vector<1xi32>
        %squeeze3A_870 = vector.extract %slice3A_869[0] : i32 from vector<1xi32>
        %dma_start3A_871 = arith.constant 5120 : i32
        %dma_start3A_872 = tpu.memref_slice %arg10[%dma_start3A_871] : memref<20480xf32, #tpu.memory_space<vmem>> -> memref<2560xf32, #tpu.memory_space<vmem>>
        %dma_start3A_873 = arith.constant 0 : i32
        %dma_start3A_874 = tpu.memref_slice %arg4[%squeeze3A_870, %dma_start3A_873] : memref<50257x2560xf32, #tpu.memory_space<hbm>> -> memref<1x2560xf32, #tpu.memory_space<hbm>>
        %dma_start3A_875 = tpu.memref_squeeze %dma_start3A_874 : memref<1x2560xf32, #tpu.memory_space<hbm>> -> memref<2560xf32, #tpu.memory_space<hbm>>
        %dma_start3A_876 = arith.constant 5120 : i32
        %dma_start3A_877 = tpu.memref_slice %arg10[%dma_start3A_876] : memref<20480xf32, #tpu.memory_space<vmem>> -> memref<2560xf32, #tpu.memory_space<vmem>>
        %dma_start3A_878 = arith.constant 0 : i32
        %dma_start3A_879 = tpu.memref_slice %arg4[%squeeze3A_870, %dma_start3A_878] : memref<50257x2560xf32, #tpu.memory_space<hbm>> -> memref<1x2560xf32, #tpu.memory_space<hbm>>
        %dma_start3A_880 = tpu.memref_squeeze %dma_start3A_879 : memref<1x2560xf32, #tpu.memory_space<hbm>> -> memref<2560xf32, #tpu.memory_space<hbm>>
        tpu.enqueue_dma source(%dma_start3A_880 : memref<2560xf32, #tpu.memory_space<hbm>>) target(%dma_start3A_877 : memref<2560xf32, #tpu.memory_space<vmem>>) target_semaphore(%arg16 : memref<!tpu.dma_semaphore, #tpu.memory_space<semaphore_mem>>)
        %slice3A_881 = vector.extract_strided_slice %get3A_820 {offsets = [2], sizes = [1], strides = [1]} : vector<16xi32> to vector<1xi32>
        %squeeze3A_882 = vector.extract %slice3A_881[0] : i32 from vector<1xi32>
        %dma_start3A_883 = arith.constant 5120 : i32
        %dma_start3A_884 = tpu.memref_slice %arg12[%dma_start3A_883] : memref<20480xf32, #tpu.memory_space<vmem>> -> memref<2560xf32, #tpu.memory_space<vmem>>
        %dma_start3A_885 = arith.constant 0 : i32
        %dma_start3A_886 = tpu.memref_slice %arg5[%squeeze3A_882, %dma_start3A_885] : memref<8192x2560xf32, #tpu.memory_space<hbm>> -> memref<1x2560xf32, #tpu.memory_space<hbm>>
        %dma_start3A_887 = tpu.memref_squeeze %dma_start3A_886 : memref<1x2560xf32, #tpu.memory_space<hbm>> -> memref<2560xf32, #tpu.memory_space<hbm>>
        %dma_start3A_888 = arith.constant 5120 : i32
        %dma_start3A_889 = tpu.memref_slice %arg12[%dma_start3A_888] : memref<20480xf32, #tpu.memory_space<vmem>> -> memref<2560xf32, #tpu.memory_space<vmem>>
        %dma_start3A_890 = arith.constant 0 : i32
        %dma_start3A_891 = tpu.memref_slice %arg5[%squeeze3A_882, %dma_start3A_890] : memref<8192x2560xf32, #tpu.memory_space<hbm>> -> memref<1x2560xf32, #tpu.memory_space<hbm>>
        %dma_start3A_892 = tpu.memref_squeeze %dma_start3A_891 : memref<1x2560xf32, #tpu.memory_space<hbm>> -> memref<2560xf32, #tpu.memory_space<hbm>>
        tpu.enqueue_dma source(%dma_start3A_892 : memref<2560xf32, #tpu.memory_space<hbm>>) target(%dma_start3A_889 : memref<2560xf32, #tpu.memory_space<vmem>>) target_semaphore(%arg18 : memref<!tpu.dma_semaphore, #tpu.memory_space<semaphore_mem>>)
        %slice3A_893 = vector.extract_strided_slice %get3A_816 {offsets = [3], sizes = [1], strides = [1]} : vector<16xi32> to vector<1xi32>
        %squeeze3A_894 = vector.extract %slice3A_893[0] : i32 from vector<1xi32>
        %dma_start3A_895 = arith.constant 7680 : i32
        %dma_start3A_896 = tpu.memref_slice %arg10[%dma_start3A_895] : memref<20480xf32, #tpu.memory_space<vmem>> -> memref<2560xf32, #tpu.memory_space<vmem>>
        %dma_start3A_897 = arith.constant 0 : i32
        %dma_start3A_898 = tpu.memref_slice %arg4[%squeeze3A_894, %dma_start3A_897] : memref<50257x2560xf32, #tpu.memory_space<hbm>> -> memref<1x2560xf32, #tpu.memory_space<hbm>>
        %dma_start3A_899 = tpu.memref_squeeze %dma_start3A_898 : memref<1x2560xf32, #tpu.memory_space<hbm>> -> memref<2560xf32, #tpu.memory_space<hbm>>
        %dma_start3A_900 = arith.constant 7680 : i32
        %dma_start3A_901 = tpu.memref_slice %arg10[%dma_start3A_900] : memref<20480xf32, #tpu.memory_space<vmem>> -> memref<2560xf32, #tpu.memory_space<vmem>>
        %dma_start3A_902 = arith.constant 0 : i32
        %dma_start3A_903 = tpu.memref_slice %arg4[%squeeze3A_894, %dma_start3A_902] : memref<50257x2560xf32, #tpu.memory_space<hbm>> -> memref<1x2560xf32, #tpu.memory_space<hbm>>
        %dma_start3A_904 = tpu.memref_squeeze %dma_start3A_903 : memref<1x2560xf32, #tpu.memory_space<hbm>> -> memref<2560xf32, #tpu.memory_space<hbm>>
        tpu.enqueue_dma source(%dma_start3A_904 : memref<2560xf32, #tpu.memory_space<hbm>>) target(%dma_start3A_901 : memref<2560xf32, #tpu.memory_space<vmem>>) target_semaphore(%arg16 : memref<!tpu.dma_semaphore, #tpu.memory_space<semaphore_mem>>)
        %slice3A_905 = vector.extract_strided_slice %get3A_820 {offsets = [3], sizes = [1], strides = [1]} : vector<16xi32> to vector<1xi32>
        %squeeze3A_906 = vector.extract %slice3A_905[0] : i32 from vector<1xi32>
        %dma_start3A_907 = arith.constant 7680 : i32
        %dma_start3A_908 = tpu.memref_slice %arg12[%dma_start3A_907] : memref<20480xf32, #tpu.memory_space<vmem>> -> memref<2560xf32, #tpu.memory_space<vmem>>
        %dma_start3A_909 = arith.constant 0 : i32
        %dma_start3A_910 = tpu.memref_slice %arg5[%squeeze3A_906, %dma_start3A_909] : memref<8192x2560xf32, #tpu.memory_space<hbm>> -> memref<1x2560xf32, #tpu.memory_space<hbm>>
        %dma_start3A_911 = tpu.memref_squeeze %dma_start3A_910 : memref<1x2560xf32, #tpu.memory_space<hbm>> -> memref<2560xf32, #tpu.memory_space<hbm>>
        %dma_start3A_912 = arith.constant 7680 : i32
        %dma_start3A_913 = tpu.memref_slice %arg12[%dma_start3A_912] : memref<20480xf32, #tpu.memory_space<vmem>> -> memref<2560xf32, #tpu.memory_space<vmem>>
        %dma_start3A_914 = arith.constant 0 : i32
        %dma_start3A_915 = tpu.memref_slice %arg5[%squeeze3A_906, %dma_start3A_914] : memref<8192x2560xf32, #tpu.memory_space<hbm>> -> memref<1x2560xf32, #tpu.memory_space<hbm>>
        %dma_start3A_916 = tpu.memref_squeeze %dma_start3A_915 : memref<1x2560xf32, #tpu.memory_space<hbm>> -> memref<2560xf32, #tpu.memory_space<hbm>>
        tpu.enqueue_dma source(%dma_start3A_916 : memref<2560xf32, #tpu.memory_space<hbm>>) target(%dma_start3A_913 : memref<2560xf32, #tpu.memory_space<vmem>>) target_semaphore(%arg18 : memref<!tpu.dma_semaphore, #tpu.memory_space<semaphore_mem>>)
        %slice3A_917 = vector.extract_strided_slice %get3A_816 {offsets = [4], sizes = [1], strides = [1]} : vector<16xi32> to vector<1xi32>
        %squeeze3A_918 = vector.extract %slice3A_917[0] : i32 from vector<1xi32>
        %dma_start3A_919 = arith.constant 10240 : i32
        %dma_start3A_920 = tpu.memref_slice %arg10[%dma_start3A_919] : memref<20480xf32, #tpu.memory_space<vmem>> -> memref<2560xf32, #tpu.memory_space<vmem>>
        %dma_start3A_921 = arith.constant 0 : i32
        %dma_start3A_922 = tpu.memref_slice %arg4[%squeeze3A_918, %dma_start3A_921] : memref<50257x2560xf32, #tpu.memory_space<hbm>> -> memref<1x2560xf32, #tpu.memory_space<hbm>>
        %dma_start3A_923 = tpu.memref_squeeze %dma_start3A_922 : memref<1x2560xf32, #tpu.memory_space<hbm>> -> memref<2560xf32, #tpu.memory_space<hbm>>
        %dma_start3A_924 = arith.constant 10240 : i32
        %dma_start3A_925 = tpu.memref_slice %arg10[%dma_start3A_924] : memref<20480xf32, #tpu.memory_space<vmem>> -> memref<2560xf32, #tpu.memory_space<vmem>>
        %dma_start3A_926 = arith.constant 0 : i32
        %dma_start3A_927 = tpu.memref_slice %arg4[%squeeze3A_918, %dma_start3A_926] : memref<50257x2560xf32, #tpu.memory_space<hbm>> -> memref<1x2560xf32, #tpu.memory_space<hbm>>
        %dma_start3A_928 = tpu.memref_squeeze %dma_start3A_927 : memref<1x2560xf32, #tpu.memory_space<hbm>> -> memref<2560xf32, #tpu.memory_space<hbm>>
        tpu.enqueue_dma source(%dma_start3A_928 : memref<2560xf32, #tpu.memory_space<hbm>>) target(%dma_start3A_925 : memref<2560xf32, #tpu.memory_space<vmem>>) target_semaphore(%arg16 : memref<!tpu.dma_semaphore, #tpu.memory_space<semaphore_mem>>)
        %slice3A_929 = vector.extract_strided_slice %get3A_820 {offsets = [4], sizes = [1], strides = [1]} : vector<16xi32> to vector<1xi32>
        %squeeze3A_930 = vector.extract %slice3A_929[0] : i32 from vector<1xi32>
        %dma_start3A_931 = arith.constant 10240 : i32
        %dma_start3A_932 = tpu.memref_slice %arg12[%dma_start3A_931] : memref<20480xf32, #tpu.memory_space<vmem>> -> memref<2560xf32, #tpu.memory_space<vmem>>
        %dma_start3A_933 = arith.constant 0 : i32
        %dma_start3A_934 = tpu.memref_slice %arg5[%squeeze3A_930, %dma_start3A_933] : memref<8192x2560xf32, #tpu.memory_space<hbm>> -> memref<1x2560xf32, #tpu.memory_space<hbm>>
        %dma_start3A_935 = tpu.memref_squeeze %dma_start3A_934 : memref<1x2560xf32, #tpu.memory_space<hbm>> -> memref<2560xf32, #tpu.memory_space<hbm>>
        %dma_start3A_936 = arith.constant 10240 : i32
        %dma_start3A_937 = tpu.memref_slice %arg12[%dma_start3A_936] : memref<20480xf32, #tpu.memory_space<vmem>> -> memref<2560xf32, #tpu.memory_space<vmem>>
        %dma_start3A_938 = arith.constant 0 : i32
        %dma_start3A_939 = tpu.memref_slice %arg5[%squeeze3A_930, %dma_start3A_938] : memref<8192x2560xf32, #tpu.memory_space<hbm>> -> memref<1x2560xf32, #tpu.memory_space<hbm>>
        %dma_start3A_940 = tpu.memref_squeeze %dma_start3A_939 : memref<1x2560xf32, #tpu.memory_space<hbm>> -> memref<2560xf32, #tpu.memory_space<hbm>>
        tpu.enqueue_dma source(%dma_start3A_940 : memref<2560xf32, #tpu.memory_space<hbm>>) target(%dma_start3A_937 : memref<2560xf32, #tpu.memory_space<vmem>>) target_semaphore(%arg18 : memref<!tpu.dma_semaphore, #tpu.memory_space<semaphore_mem>>)
        %slice3A_941 = vector.extract_strided_slice %get3A_816 {offsets = [5], sizes = [1], strides = [1]} : vector<16xi32> to vector<1xi32>
        %squeeze3A_942 = vector.extract %slice3A_941[0] : i32 from vector<1xi32>
        %dma_start3A_943 = arith.constant 12800 : i32
        %dma_start3A_944 = tpu.memref_slice %arg10[%dma_start3A_943] : memref<20480xf32, #tpu.memory_space<vmem>> -> memref<2560xf32, #tpu.memory_space<vmem>>
        %dma_start3A_945 = arith.constant 0 : i32
        %dma_start3A_946 = tpu.memref_slice %arg4[%squeeze3A_942, %dma_start3A_945] : memref<50257x2560xf32, #tpu.memory_space<hbm>> -> memref<1x2560xf32, #tpu.memory_space<hbm>>
        %dma_start3A_947 = tpu.memref_squeeze %dma_start3A_946 : memref<1x2560xf32, #tpu.memory_space<hbm>> -> memref<2560xf32, #tpu.memory_space<hbm>>
        %dma_start3A_948 = arith.constant 12800 : i32
        %dma_start3A_949 = tpu.memref_slice %arg10[%dma_start3A_948] : memref<20480xf32, #tpu.memory_space<vmem>> -> memref<2560xf32, #tpu.memory_space<vmem>>
        %dma_start3A_950 = arith.constant 0 : i32
        %dma_start3A_951 = tpu.memref_slice %arg4[%squeeze3A_942, %dma_start3A_950] : memref<50257x2560xf32, #tpu.memory_space<hbm>> -> memref<1x2560xf32, #tpu.memory_space<hbm>>
        %dma_start3A_952 = tpu.memref_squeeze %dma_start3A_951 : memref<1x2560xf32, #tpu.memory_space<hbm>> -> memref<2560xf32, #tpu.memory_space<hbm>>
        tpu.enqueue_dma source(%dma_start3A_952 : memref<2560xf32, #tpu.memory_space<hbm>>) target(%dma_start3A_949 : memref<2560xf32, #tpu.memory_space<vmem>>) target_semaphore(%arg16 : memref<!tpu.dma_semaphore, #tpu.memory_space<semaphore_mem>>)
        %slice3A_953 = vector.extract_strided_slice %get3A_820 {offsets = [5], sizes = [1], strides = [1]} : vector<16xi32> to vector<1xi32>
        %squeeze3A_954 = vector.extract %slice3A_953[0] : i32 from vector<1xi32>
        %dma_start3A_955 = arith.constant 12800 : i32
        %dma_start3A_956 = tpu.memref_slice %arg12[%dma_start3A_955] : memref<20480xf32, #tpu.memory_space<vmem>> -> memref<2560xf32, #tpu.memory_space<vmem>>
        %dma_start3A_957 = arith.constant 0 : i32
        %dma_start3A_958 = tpu.memref_slice %arg5[%squeeze3A_954, %dma_start3A_957] : memref<8192x2560xf32, #tpu.memory_space<hbm>> -> memref<1x2560xf32, #tpu.memory_space<hbm>>
        %dma_start3A_959 = tpu.memref_squeeze %dma_start3A_958 : memref<1x2560xf32, #tpu.memory_space<hbm>> -> memref<2560xf32, #tpu.memory_space<hbm>>
        %dma_start3A_960 = arith.constant 12800 : i32
        %dma_start3A_961 = tpu.memref_slice %arg12[%dma_start3A_960] : memref<20480xf32, #tpu.memory_space<vmem>> -> memref<2560xf32, #tpu.memory_space<vmem>>
        %dma_start3A_962 = arith.constant 0 : i32
        %dma_start3A_963 = tpu.memref_slice %arg5[%squeeze3A_954, %dma_start3A_962] : memref<8192x2560xf32, #tpu.memory_space<hbm>> -> memref<1x2560xf32, #tpu.memory_space<hbm>>
        %dma_start3A_964 = tpu.memref_squeeze %dma_start3A_963 : memref<1x2560xf32, #tpu.memory_space<hbm>> -> memref<2560xf32, #tpu.memory_space<hbm>>
        tpu.enqueue_dma source(%dma_start3A_964 : memref<2560xf32, #tpu.memory_space<hbm>>) target(%dma_start3A_961 : memref<2560xf32, #tpu.memory_space<vmem>>) target_semaphore(%arg18 : memref<!tpu.dma_semaphore, #tpu.memory_space<semaphore_mem>>)
        %slice3A_965 = vector.extract_strided_slice %get3A_816 {offsets = [6], sizes = [1], strides = [1]} : vector<16xi32> to vector<1xi32>
        %squeeze3A_966 = vector.extract %slice3A_965[0] : i32 from vector<1xi32>
        %dma_start3A_967 = arith.constant 15360 : i32
        %dma_start3A_968 = tpu.memref_slice %arg10[%dma_start3A_967] : memref<20480xf32, #tpu.memory_space<vmem>> -> memref<2560xf32, #tpu.memory_space<vmem>>
        %dma_start3A_969 = arith.constant 0 : i32
        %dma_start3A_970 = tpu.memref_slice %arg4[%squeeze3A_966, %dma_start3A_969] : memref<50257x2560xf32, #tpu.memory_space<hbm>> -> memref<1x2560xf32, #tpu.memory_space<hbm>>
        %dma_start3A_971 = tpu.memref_squeeze %dma_start3A_970 : memref<1x2560xf32, #tpu.memory_space<hbm>> -> memref<2560xf32, #tpu.memory_space<hbm>>
        %dma_start3A_972 = arith.constant 15360 : i32
        %dma_start3A_973 = tpu.memref_slice %arg10[%dma_start3A_972] : memref<20480xf32, #tpu.memory_space<vmem>> -> memref<2560xf32, #tpu.memory_space<vmem>>
        %dma_start3A_974 = arith.constant 0 : i32
        %dma_start3A_975 = tpu.memref_slice %arg4[%squeeze3A_966, %dma_start3A_974] : memref<50257x2560xf32, #tpu.memory_space<hbm>> -> memref<1x2560xf32, #tpu.memory_space<hbm>>
        %dma_start3A_976 = tpu.memref_squeeze %dma_start3A_975 : memref<1x2560xf32, #tpu.memory_space<hbm>> -> memref<2560xf32, #tpu.memory_space<hbm>>
        tpu.enqueue_dma source(%dma_start3A_976 : memref<2560xf32, #tpu.memory_space<hbm>>) target(%dma_start3A_973 : memref<2560xf32, #tpu.memory_space<vmem>>) target_semaphore(%arg16 : memref<!tpu.dma_semaphore, #tpu.memory_space<semaphore_mem>>)
        %slice3A_977 = vector.extract_strided_slice %get3A_820 {offsets = [6], sizes = [1], strides = [1]} : vector<16xi32> to vector<1xi32>
        %squeeze3A_978 = vector.extract %slice3A_977[0] : i32 from vector<1xi32>
        %dma_start3A_979 = arith.constant 15360 : i32
        %dma_start3A_980 = tpu.memref_slice %arg12[%dma_start3A_979] : memref<20480xf32, #tpu.memory_space<vmem>> -> memref<2560xf32, #tpu.memory_space<vmem>>
        %dma_start3A_981 = arith.constant 0 : i32
        %dma_start3A_982 = tpu.memref_slice %arg5[%squeeze3A_978, %dma_start3A_981] : memref<8192x2560xf32, #tpu.memory_space<hbm>> -> memref<1x2560xf32, #tpu.memory_space<hbm>>
        %dma_start3A_983 = tpu.memref_squeeze %dma_start3A_982 : memref<1x2560xf32, #tpu.memory_space<hbm>> -> memref<2560xf32, #tpu.memory_space<hbm>>
        %dma_start3A_984 = arith.constant 15360 : i32
        %dma_start3A_985 = tpu.memref_slice %arg12[%dma_start3A_984] : memref<20480xf32, #tpu.memory_space<vmem>> -> memref<2560xf32, #tpu.memory_space<vmem>>
        %dma_start3A_986 = arith.constant 0 : i32
        %dma_start3A_987 = tpu.memref_slice %arg5[%squeeze3A_978, %dma_start3A_986] : memref<8192x2560xf32, #tpu.memory_space<hbm>> -> memref<1x2560xf32, #tpu.memory_space<hbm>>
        %dma_start3A_988 = tpu.memref_squeeze %dma_start3A_987 : memref<1x2560xf32, #tpu.memory_space<hbm>> -> memref<2560xf32, #tpu.memory_space<hbm>>
        tpu.enqueue_dma source(%dma_start3A_988 : memref<2560xf32, #tpu.memory_space<hbm>>) target(%dma_start3A_985 : memref<2560xf32, #tpu.memory_space<vmem>>) target_semaphore(%arg18 : memref<!tpu.dma_semaphore, #tpu.memory_space<semaphore_mem>>)
        %slice3A_989 = vector.extract_strided_slice %get3A_816 {offsets = [7], sizes = [1], strides = [1]} : vector<16xi32> to vector<1xi32>
        %squeeze3A_990 = vector.extract %slice3A_989[0] : i32 from vector<1xi32>
        %dma_start3A_991 = arith.constant 17920 : i32
        %dma_start3A_992 = tpu.memref_slice %arg10[%dma_start3A_991] : memref<20480xf32, #tpu.memory_space<vmem>> -> memref<2560xf32, #tpu.memory_space<vmem>>
        %dma_start3A_993 = arith.constant 0 : i32
        %dma_start3A_994 = tpu.memref_slice %arg4[%squeeze3A_990, %dma_start3A_993] : memref<50257x2560xf32, #tpu.memory_space<hbm>> -> memref<1x2560xf32, #tpu.memory_space<hbm>>
        %dma_start3A_995 = tpu.memref_squeeze %dma_start3A_994 : memref<1x2560xf32, #tpu.memory_space<hbm>> -> memref<2560xf32, #tpu.memory_space<hbm>>
        %dma_start3A_996 = arith.constant 17920 : i32
        %dma_start3A_997 = tpu.memref_slice %arg10[%dma_start3A_996] : memref<20480xf32, #tpu.memory_space<vmem>> -> memref<2560xf32, #tpu.memory_space<vmem>>
        %dma_start3A_998 = arith.constant 0 : i32
        %dma_start3A_999 = tpu.memref_slice %arg4[%squeeze3A_990, %dma_start3A_998] : memref<50257x2560xf32, #tpu.memory_space<hbm>> -> memref<1x2560xf32, #tpu.memory_space<hbm>>
        %dma_start3A_1000 = tpu.memref_squeeze %dma_start3A_999 : memref<1x2560xf32, #tpu.memory_space<hbm>> -> memref<2560xf32, #tpu.memory_space<hbm>>
        tpu.enqueue_dma source(%dma_start3A_1000 : memref<2560xf32, #tpu.memory_space<hbm>>) target(%dma_start3A_997 : memref<2560xf32, #tpu.memory_space<vmem>>) target_semaphore(%arg16 : memref<!tpu.dma_semaphore, #tpu.memory_space<semaphore_mem>>)
        %slice3A_1001 = vector.extract_strided_slice %get3A_820 {offsets = [7], sizes = [1], strides = [1]} : vector<16xi32> to vector<1xi32>
        %squeeze3A_1002 = vector.extract %slice3A_1001[0] : i32 from vector<1xi32>
        %dma_start3A_1003 = arith.constant 17920 : i32
        %dma_start3A_1004 = tpu.memref_slice %arg12[%dma_start3A_1003] : memref<20480xf32, #tpu.memory_space<vmem>> -> memref<2560xf32, #tpu.memory_space<vmem>>
        %dma_start3A_1005 = arith.constant 0 : i32
        %dma_start3A_1006 = tpu.memref_slice %arg5[%squeeze3A_1002, %dma_start3A_1005] : memref<8192x2560xf32, #tpu.memory_space<hbm>> -> memref<1x2560xf32, #tpu.memory_space<hbm>>
        %dma_start3A_1007 = tpu.memref_squeeze %dma_start3A_1006 : memref<1x2560xf32, #tpu.memory_space<hbm>> -> memref<2560xf32, #tpu.memory_space<hbm>>
        %dma_start3A_1008 = arith.constant 17920 : i32
        %dma_start3A_1009 = tpu.memref_slice %arg12[%dma_start3A_1008] : memref<20480xf32, #tpu.memory_space<vmem>> -> memref<2560xf32, #tpu.memory_space<vmem>>
        %dma_start3A_1010 = arith.constant 0 : i32
        %dma_start3A_1011 = tpu.memref_slice %arg5[%squeeze3A_1002, %dma_start3A_1010] : memref<8192x2560xf32, #tpu.memory_space<hbm>> -> memref<1x2560xf32, #tpu.memory_space<hbm>>
        %dma_start3A_1012 = tpu.memref_squeeze %dma_start3A_1011 : memref<1x2560xf32, #tpu.memory_space<hbm>> -> memref<2560xf32, #tpu.memory_space<hbm>>
        tpu.enqueue_dma source(%dma_start3A_1012 : memref<2560xf32, #tpu.memory_space<hbm>>) target(%dma_start3A_1009 : memref<2560xf32, #tpu.memory_space<vmem>>) target_semaphore(%arg18 : memref<!tpu.dma_semaphore, #tpu.memory_space<semaphore_mem>>)
      } else {
      }
    }
    %scan3A_401 = arith.constant 32 : i32
    %add3A_402 = arith.constant 0 : i32
    %add3A_403 = arith.addi %mul3A_2, %add3A_402 : i32
    %mul3A_404 = arith.constant 2560 : i32
    %mul3A_405 = arith.muli %add3A_403, %mul3A_404 : i32
    %dma_wait3A = tpu.memref_slice %arg6[%mul3A_405] : memref<41943040xbf16, #tpu.memory_space<hbm>> -> memref<20480xbf16, #tpu.memory_space<hbm>>
    %dma_wait3A_406 = tpu.memref_slice %arg6[%mul3A_405] : memref<41943040xbf16, #tpu.memory_space<hbm>> -> memref<20480xbf16, #tpu.memory_space<hbm>>
    tpu.wait_dma2 semaphore(%arg19 : memref<!tpu.dma_semaphore, #tpu.memory_space<semaphore_mem>>) src(%arg13 : memref<20480xbf16, #tpu.memory_space<vmem>>) dst(%dma_wait3A_406 : memref<20480xbf16, #tpu.memory_space<hbm>>)
    %add3A_407 = arith.constant 0 : i32
    %add3A_408 = arith.addi %mul3A_2, %add3A_407 : i32
    %mul3A_409 = arith.constant 2560 : i32
    %mul3A_410 = arith.muli %add3A_408, %mul3A_409 : i32
    %dma_wait3A_411 = tpu.memref_slice %arg6[%mul3A_410] : memref<41943040xbf16, #tpu.memory_space<hbm>> -> memref<20480xbf16, #tpu.memory_space<hbm>>
    %dma_wait3A_412 = tpu.memref_slice %arg6[%mul3A_410] : memref<41943040xbf16, #tpu.memory_space<hbm>> -> memref<20480xbf16, #tpu.memory_space<hbm>>
    tpu.wait_dma2 semaphore(%arg20 : memref<!tpu.dma_semaphore, #tpu.memory_space<semaphore_mem>>) src(%arg14 : memref<20480xbf16, #tpu.memory_space<vmem>>) dst(%dma_wait3A_412 : memref<20480xbf16, #tpu.memory_space<hbm>>)
    return
  }
}

</mosaic_0001>

<sc_bundles>
// kernel: kernel.3.cloned.1.call-start
scs
__scs_entry_jumppad:
0x0: {  	(pc) =	sbr.rel $0x88, $3  }
0x1: {  	(tag) =	ssettag $0x0;
	lr =	simm.s32 $0x1  }
0x2: {  	[smem:$0x3F9D] =	sst lr;
	_ =	strace $0xD0000000  }
0x3: {  	_ = 	snop  }
0x4: {  	_ = 	snop  }
0x5: {  	_ = 	snop  }
0x6: {  	_ = 	snop  }
0x7: {  	_ = 	snop  }
__scs_overlays_trampoline_lowered:
0x8: {  	[smem:$0x3FAC] =	sst s0  }
0x9: {  	[smem:$0x3FAD] =	sst s1  }
0xa: {  	[smem:$0x3FAE] =	sst s2  }
0xb: {  	[smem:$0x3FAF] =	sst s3  }
0xc: {  	[smem:$0x3FB0] =	sst s4  }
0xd: {  	[smem:$0x3FB1] =	sst s5  }
0xe: {  	[smem:$0x3FB2] =	sst s6  }
0xf: {  	[smem:$0x3FB3] =	sst s7  }
0x10: {  	[smem:$0x3FB4] =	sst s8  }
0x11: {  	[smem:$0x3FB5] =	sst s9;
	s0 =	simm.s32 @!p0 $0x0  }
0x12: {  	s1 =	sld [smem:$0x3F9B];
	s0 =	simm.s32 @p0 $0x1  }
0x13: {  	[smem:$0x3FB6] =	sst s0;
	s0 =	simm.s32 @!p1 $0x0  }
0x14: {  	s2 =	sld [smem:$0x3F9A];
	s0 =	simm.s32 @p1 $0x1  }
0x15: {  	[smem:$0x3FB7] =	sst s0;
	s0 =	simm.s32 @!p2 $0x0  }
0x16: {  	s3 =	sld [smem:$0x3FDB];
	s0 =	simm.s32 @p2 $0x1  }
0x17: {  	s4 =	simm.s32 $0x1BF5;
	[smem:$0x3FB9] =	sst s0  }
0x18: {  	s0 =	sld [smem:$0x3F9C];
	_ =	swait.ge [sflag:s4], $0x0  }
0x19: {  	s7 =	sld [smem:$0x3F9D]  }
0x1a: {  	s8 =	sadd.s32 $0xFFFFE003, lr  }
0x1b: {  	s9 =	sadd.s32 $0xFFFFFEF7, lr;
	s5 =	simm.s32 $0xFFFFFFFF;
	p2 =	slt.u32 s8, $0xFFFFF086  }
0x1c: {  	p1 =	slt.u32 s9, $0xF7A;
	s5 =	simm.s32 @!p2 $0x0  }
0x1d: {  	s5 =	simm.s32 @p1 $0x1;
	p0 =	seq.s32 s7, s2  }
0x1e: {  	s7 =	smul.u32 @!p0 $0xF7A, s2;
	p2 =	seq.s32 @!p0 s5, $0x0  }
0x1f: {  	s9 =	smul.u32 $0xF7A, s1;
	s8 =	simm.s32 @!p0 $0x1BF5;
	p2 =	por !p2, p0  }
0x20: {  	[sflag:s8] =	ssyncset.s32 @!p0 $0xFFFFF086;
	s6 =	sadd.s32 @!p0 s3, s7;
	s7 =	simm.s32 @!p0 $0x108  }
0x21: {  	s3 =	sadd.s32 s3, s9;
	s6 =	sadd.s32 @!p0 $0x88, s6;
	s7 =	simm.s32 @p2 $0x1082  }
0x22: {  	[simem:s7], [sflag:s8] =	dma.local @!p0 [hbm:s6], $0xF7A  }
0x23: {  	s9 =	sor.u32 $0xD0000000, s2;
	s6 =	simm.s32 $0x108;
	_ =	swait.ge @!p0 [sflag:s8], $0x0  }
0x24: {  	s3 =	sadd.s32 $0x88, s3;
	s6 =	simm.s32 @!p1 $0x1082;
	[sflag:s4] =	ssyncset.s32 $0xFFFFF086  }
0x25: {  	[simem:s6], [sflag:s4] =	dma.local [hbm:s3], $0xF7A  }
0x26: {  	[smem:$0x3F9D] =	sst s1;
	(tag) =	ssettag s2;
	_ =	strace s9  }
0x27: {  	s1 =	sld [smem:$0x3FAD]  }
0x28: {  	s2 =	sld [smem:$0x3FAE]  }
0x29: {  	s4 =	sld [smem:$0x3FB0]  }
0x2a: {  	p0 =	seq.s32 s5, $0x0;
	s5 =	sld [smem:$0x3FB1]  }
0x2b: {  	s6 =	sld [smem:$0x3FB2]  }
0x2c: {  	s7 =	sld [smem:$0x3FB3]  }
0x2d: {  	s3 =	simm.s32 $0x108;
	s8 =	sld [smem:$0x3FB4]  }
0x2e: {  	s3 =	simm.s32 @!p0 $0x1082;
	s9 =	sld [smem:$0x3FB5]  }
0x2f: {  	lr =	sadd.s32 s0, s3;
	s0 =	sld [smem:$0x3FAC]  }
0x30: {  	s3 =	sld [smem:$0x3FAF]  }
0x31: {  	[smem:$0x3FB8] =	sst s10  }
0x32: {  	s10 =	sld [smem:$0x3FB6];
	_ =	sdelay $0x3  }
0x33: {  	p0 =	seq.s32 s10, $0x1;
	s10 =	sld [smem:$0x3FB8];
	_ =	sdelay $0x3  }
0x34: {  	[smem:$0x3FB8] =	sst s10  }
0x35: {  	s10 =	sld [smem:$0x3FB7];
	_ =	sdelay $0x3  }
0x36: {  	p1 =	seq.s32 s10, $0x1;
	s10 =	sld [smem:$0x3FB8];
	_ =	sdelay $0x3  }
0x37: {  	[smem:$0x3FB8] =	sst s10  }
0x38: {  	s10 =	sld [smem:$0x3FB9]  }
0x39: {  	_ = 	snop;
	(pc) =	sbr.ind lr, $3  }
0x3a: {  	_ = 	snop  }
0x3b: {  	_ = 	snop  }
0x3c: {  	p2 =	seq.s32 s10, $0x1;
	s10 =	sld [smem:$0x3FB8]  }
0x3d: {  	_ =	shalt  }
0x3e: {  	_ =	shalt  }
0x3f: {  	_ =	shalt  }
0x40: {  	_ =	shalt  }
0x41: {  	_ =	shalt  }
0x42: {  	_ =	shalt  }
0x43: {  	_ =	shalt  }
0x44: {  	_ =	shalt  }
0x45: {  	_ =	shalt  }
0x46: {  	_ =	shalt  }
0x47: {  	_ =	shalt  }
0x48: {  	_ =	shalt  }
0x49: {  	_ =	shalt  }
0x4a: {  	_ =	shalt  }
0x4b: {  	_ =	shalt  }
0x4c: {  	_ =	shalt  }
0x4d: {  	_ =	shalt  }
0x4e: {  	_ =	shalt  }
0x4f: {  	_ =	shalt  }
0x50: {  	_ =	shalt  }
0x51: {  	_ =	shalt  }
0x52: {  	_ =	shalt  }
0x53: {  	_ =	shalt  }
0x54: {  	_ =	shalt  }
0x55: {  	_ =	shalt  }
0x56: {  	_ =	shalt  }
0x57: {  	_ =	shalt  }
0x58: {  	_ =	shalt  }
0x59: {  	_ =	shalt  }
0x5a: {  	_ =	shalt  }
0x5b: {  	_ =	shalt  }
0x5c: {  	_ =	shalt  }
0x5d: {  	_ =	shalt  }
0x5e: {  	_ =	shalt  }
0x5f: {  	_ =	shalt  }
0x60: {  	_ =	shalt  }
0x61: {  	_ =	shalt  }
0x62: {  	_ =	shalt  }
0x63: {  	_ =	shalt  }
0x64: {  	_ =	shalt  }
0x65: {  	_ =	shalt  }
0x66: {  	_ =	shalt  }
0x67: {  	_ =	shalt  }
0x68: {  	_ =	shalt  }
0x69: {  	_ =	shalt  }
0x6a: {  	_ =	shalt  }
0x6b: {  	_ =	shalt  }
0x6c: {  	_ =	shalt  }
0x6d: {  	_ =	shalt  }
0x6e: {  	_ =	shalt  }
0x6f: {  	_ =	shalt  }
0x70: {  	_ =	shalt  }
0x71: {  	_ =	shalt  }
0x72: {  	_ =	shalt  }
0x73: {  	_ =	shalt  }
0x74: {  	_ =	shalt  }
0x75: {  	_ =	shalt  }
0x76: {  	_ =	shalt  }
0x77: {  	_ =	shalt  }
0x78: {  	_ =	shalt  }
0x79: {  	_ =	shalt  }
0x7a: {  	_ =	shalt  }
0x7b: {  	_ =	shalt  }
0x7c: {  	_ =	shalt  }
0x7d: {  	_ =	shalt  }
0x7e: {  	_ =	shalt  }
0x7f: {  	_ =	shalt  }
0x80: {  	_ =	shalt  }
0x81: {  	_ =	shalt  }
0x82: {  	_ =	shalt  }
0x83: {  	_ =	shalt  }
0x84: {  	_ =	shalt  }
0x85: {  	_ =	shalt  }
0x86: {  	_ =	shalt  }
0x87: {  	_ =	shalt  }
.Lfunc_end0:
.L_simem_size_0:
called_computation_lowered:
.L_overlay_start_0:
0x88: {  	s2 =	sld [smem:$0x3FD9]  }
0x89: {  	s3 =	sld [smem:$0x3FFE];
	_ =	sdelay $0x1  }
0x8a: {  	s1 =	srdreg.scid  }
0x8b: {  	s0 =	sand.u32 $0x1, s1  }
0x8c: {  	s17 =	sshll.u32 s0, $0xA;
	s2 =	sadd.s32 s3, s2  }
0x8d: {  	s2 =	sadd.s32 s2, s17  }
0x8e: {  	[smem:$0x3FC4] =	sst s2  }
0x8f: {  	_ = 	snop  }
0x90: {  	s2 =	sld [smem:$0x3FC7]  }
0x91: {  	s18 =	sld [smem:$0x3FC6]  }
0x92: {  	s4 =	sld [smem:$0x3FD0];
	(tm) =	ssettm $0x1  }
0x93: {  	s5 =	sld [smem:$0x3FFB];
	_ =	sdelay $0x3  }
0x94: {  	_ =	strace s5  }
0x95: {  	s5 =	sld [smem:$0x3FFC];
	_ =	sdelay $0x3  }
0x96: {  	_ =	strace s5  }
0x97: {  	s5 =	sld [smem:$0x3FFD];
	_ =	sdelay $0x3  }
0x98: {  	_ =	strace s5  }
0x99: {  	_ =	strace $0x8FFFFFFF  }
0x9a: {  	s19 =	sld [smem:$0x3FDB];
	_ =	sdelay $0x1  }
0x9b: {  	s6 =	simm.s32 $_scs_section_size  }
0x9c: {  	s7 =	simm.s32 $_size__tile_overlayer_lowered;
	s8 =	simm.s32 $_tile_overlayer_lowered  }
0x9d: {  	s22 =	simm.s32 $0x1BFF;
	s21 =	sshll.u32 s8, $0x1;
	s5 =	sadd.s32 s6, s19  }
0x9e: {  	s9 =	simm.s32 $0x0;
	s20 =	sshll.u32 s7, $0x1;
	s7 =	sadd.s32 s21, s5  }
0x9f: {  	[timem:s9], [sflag:s22] =	dma.local [hbm:s7], s20  }
0xa0: {  	_ =	swait.ge [sflag:s22], s20  }
0xa1: {  	s6 =	ssub.s32 $0x0, s20;
	[sflag:s22] =	ssyncset.done $0x0  }
0xa2: {  	[sflag:s22] =	ssyncadd.s32 s6;
	_ =	sdelay $0x1  }
0xa3: {  	s23 =	simm.s32 $0x1B8B  }
0xa4: {  	_ =	swait.ge [sflag:s23], $0x1  }
0xa5: {  	[sflag:s23] =	ssyncset.done $0x0  }
0xa6: {  	s25 =	simm.s32 $0x1B8E;
	s24 =	sld [smem:$0x3FFE];
	[sflag:s23] =	ssyncadd.s32 $0xFFFFFFFF  }
0xa7: {  	s26 =	simm.s32 $execute0_lowered;
	[smem:$0x3FD2] =	sst s25  }
0xa8: {  	s7 =	sshll.u32 s26, $0x1;
	_ =	strace $0x80000046;
	[dreg:$0x1] =	wrdreg $0xFFFFFFFF  }
0xa9: {  	s28 =	simm.s32 $_size_execute0_lowered;
	s5 =	sadd.s32 s5, s7;
	[dreg:$0x0] =	wrdreg $0x0  }
0xaa: {  	s7 =	sshll.u32 s28, $0x1;
	[dreg:$0x2] =	wrdreg s5  }
0xab: {  	[dreg:$0x3] =	wrdreg s7  }
0xac: {  	[dreg:$0x4] =	wrdreg $0xC0  }
0xad: {  	_ =	task [dreg:s9], $0x5FFFF  }
0xae: {  	[dreg:$0x1] =	wrdreg $0xFFFFFFFF  }
0xaf: {  	[dreg:$0x0] =	wrdreg $0x60  }
0xb0: {  	[dreg:$0x2] =	wrdreg s4  }
0xb1: {  	[dreg:$0x3] =	wrdreg s24  }
0xb2: {  	[dreg:$0x4] =	wrdreg s2  }
0xb3: {  	[dreg:$0x5] =	wrdreg s18  }
0xb4: {  	[dreg:$0x6] =	wrdreg $0x9  }
0xb5: {  	_ =	task.clear_ibuf [dreg:s9], $0x7FFFF;
	_ =	strace $0x90000046  }
0xb6: {  	s29 =	simm.s32 $0x9;
	_ =	strace $0x80000048  }
0xb7: {  	_ =	swait.ge [sflag:s29], $0x1  }
0xb8: {  	[sflag:s29] =	ssyncadd.s32 $0xFFFFFFFF  }
0xb9: {  	_ =	strace $0x90000048  }
0xba: {  	_ =	sfence  }
0xbb: {  	s30 =	sld [smem:$0x0];
	_ =	sdelay $0x2  }
0xbc: {  	s31 =	sshll.u32 s1, $0xD;
	s1 =	sshrl.u32 s1, $0x2  }
0xbd: {  	s3 =	sand.u32 $0x4000, s31;
	s1 =	sadd.s32 s1, s30  }
0xbe: {  	s0 =	sor.u32 s3, s0;
	s1 =	sshll.u32 s1, $0x11  }
0xbf: {  	s0 =	sor.u32 s1, s0  }
0xc0: {  	s0 =	sadd.s32 $0x8F2B, s0  }
0xc1: {  	[sflag:s0] =	ssyncadd.remote.s32 $0x1  }
0xc2: {  	_ =	sfence.sel $0xFFFF  }
0xc3: {  	[dreg:$0x0] =	wrdreg $0xFFFFFFFF;
	(pc) =	sbr.abs _section_cstart, $3  }
0xc4: {  	[dreg:$0x1] =	wrdreg $0xFFFFFFFF  }
0xc5: {  	_ =	task.clear_ibuf [dreg:s9], $0x2FFFF;
	_ =	strace $0x9FFFFFFF  }
0xc6: {  	(tm) =	ssettm $0x7FFFFFFF  }
0xc7: {  	_ =	shalt  }
tec
execute0_lowered:
.L_overlay_start_1:
0x0: {  	(tag) =	ssettag $0x1  }
0x1: {  	s0 =	rddreg [dreg:$0x0]  }
0x2: {  	s1 =	rddreg [dreg:$0x1];
	s2 =	srdreg.scid  }
0x3: {  	s3 =	stileid.u32;
	s5 =	simm.s32 $0x0;
	s21 =	simm.s32 $0x500  }
0x4: {  	s28 =	simm.s32 $0xC300;
	s29 =	simm.s32 $0x2D00;
	s30 =	simm.s32 $0xCD00  }
0x5: {  	s9 =	simm.s32 $0x5500;
	s8 =	simm.s32 $0x5F00;
	s7 =	simm.s32 $0xFF00  }
0x6: {  	s11 =	simm.s32 $0x6900;
	s31 =	simm.s32 $0x7300;
	s10 =	simm.s32 $0x11300  }
0x7: {  	s6 =	simm.s32 $0x8700;
	s12 =	simm.s32 $0x13100;
	s13 =	simm.s32 $0x9B00  }
0x8: {  	s14 =	simm.s32 $0x13B00;
	s16 =	simm.s32 $0x0;
	s2 =	sand.u32 $0x1, s2  }
0x9: {  	s3 =	sshll.u32 s3, $0xA;
	[smem:$0x7FF] =	sst s5;
	s5 =	simm.s32 $0x11D00  }
0xa: {  	s4 =	sshll.u32 s2, $0x9;
	s2 =	ssub.s32 $0x2, s2;
	_ =	strace $0x80000047  }
0xb: {  	s3 =	sor.u32 s4, s3;
	s22 =	sshrl.u32 s2, $0x1;
	s4 =	simm.s32 $0x7D00  }
0xc: {  	[dreg:$0x5] =	wrdreg s3;
	s3 =	sshrl.u32 s3, $0x3;
	s24 =	ssub.s32 s2, s22  }
0xd: {  	s22 =	simm.s32 $0xA500;
	s2 =	simm.s32 $0x12700;
	s23 =	sadd.s32 s3, s1  }
.Ltmp0:
0xe: {  	s1 =	sadd.s32 $0xC00, s1;
	s0 =	sadd.s32 s0, s3;
	(pc) =	sbr.rel .LBB2_1-.Ltmp0, $4  }
0xf: {  	v0 =	vlaneseq.u32;
	s26 =	smax.u32 s24, $0x1;
	s24 =	simm.s32 $0x1900;
	[dreg:$0x6] =	wrdreg s1  }
0x10: {  	v0 =	vmul.u32 $0x2, v0;
	s3 =	simm.s32 $0x9100;
	[dreg:$0x7] =	wrdreg s0;
	s25 =	sadd.s32 $0x400, s23  }
0x11: {  	[dreg:$0x9] =	wrdreg s26;
	s23 =	simm.s32 $0xF00;
	s26 =	simm.s32 $0x2300  }
0x12: {  	v1 =	vor.u32 $0x1, v0;
	s1 =	simm.s32 $0x10900;
	[dreg:$0x8] =	wrdreg s25;
	s25 =	simm.s32 $0xB900  }
.LBB2_10:
0x13: {  	s0 =	simm.s32 $0x5  }
0x14: {  	_ =	swait.ge [sflag:s0], $0x2800  }
0x15: {  	[sflag:s0] =	ssyncset.done $0x0  }
0x16: {  	s21 =	simm.s32 $0x6;
	[sflag:s0] =	ssyncadd.s32 $0xFFFFD800  }
0x17: {  	_ =	swait.ge [sflag:s21], $0x2800  }
0x18: {  	s16 =	rddreg [dreg:$0xa]  }
0x19: {  	s15 =	rddreg [dreg:$0x9];
	s16 =	sadd.s32 $0x1, s16  }
0x1a: {  	p0 =	sne.s32 s16, s15  }
.Ltmp1:
0x1b: {  	_ = 	snop;
	(pc) =	sbr.rel @!p0 .LBB2_11-.Ltmp1, $3  }
0x1c: {  	_ =	sdelay $0x1  }
0x1d: {  	[sflag:s21] =	ssyncset.done $0x0  }
0x1e: {  	[sflag:s21] =	ssyncadd.s32 $0xFFFFD800;
	s21 =	simm.s32 $0x500  }
.LBB2_1:
0x1f: {  	[dreg:$0xa] =	wrdreg s16  }
0x20: {  	s15 =	simm.s32 $0x0;
	s20 =	rddreg [dreg:$0x7];
	s17 =	simm.s32 $0x7  }
0x21: {  	[tilespmem:s15], [sflag:$0x7] =	stream.linear.gather [hbm4b:s20+s15], $0x200, $0x38;
	[tilespmem:$0x19500] =	vst v63  }
0x22: {  	_ =	swait.ge [sflag:s17], $0x200  }
0x23: {  	[sflag:s17] =	ssyncset.done $0x0  }
0x24: {  	s18 =	simm.s32 $0x280;
	s0 =	rddreg [dreg:$0x8];
	[sflag:s17] =	ssyncadd.s32 $0xFFFFFE00  }
0x25: {  	[tilespmem:s18], [sflag:$0x7] =	stream.linear.gather [hbm4b:s0+s15], $0x200, $0x38;
	[tilespmem:$0x19500] =	vst v63  }
0x26: {  	_ =	swait.ge [sflag:s17], $0x200  }
0x27: {  	[sflag:s17] =	ssyncset.done $0x0  }
0x28: {  	[sflag:s17] =	ssyncadd.s32 $0xFFFFFE00  }
0x29: {  	v3 =	vld [tilespmem:$0x0];
	_ =	sdelay $0x4  }
0x2a: {  	(v2sf) =	vpush v3, $0x0  }
0x2b: {  	v2 =	vld [tilespmem:$0x280];
	_ =	sdelay $0x4  }
0x2c: {  	(v2sf) =	vpush v2, $0x0;
	_ =	sdelay $0x8  }
0x2d: {  	s19 =	spop (v2sf);
	(v2sf) =	vpush v3, $0x1;
	_ =	sdelay $0x1  }
0x2e: {  	s20 =	sshrl.u32 s19, $0x3  }
0x2f: {  	s15 =	sshll.u32 s19, $0x7;
	s16 =	smul.u32 $0x5000, s20  }
0x30: {  	s15 =	sand.u32 $0x380, s15  }
0x31: {  	s17 =	rddreg [dreg:$0x2];
	s15 =	sor.u32 s15, s16  }
0x32: {  	s19 =	simm.s32 $0x80;
	s0 =	spop (v2sf);
	s15 =	sshrl.u32 s15, $0x3  }
0x33: {  	s20 =	simm.s32 $0x400;
	s18 =	sshrl.u32 s0, $0x3;
	s15 =	sadd.s32 s17, s15  }
0x34: {  	(v2sf) =	vpush v2, $0x1;
	[tilespmem:s21], [sflag:$0x1] =	stream.strided.gather [hbm4b:s15+s19], $0xA00, s20, s19, $0x38;
	[tilespmem:$0x19500] =	vst v63  }
0x35: {  	s16 =	smul.u32 $0x5000, s18;
	s15 =	sshll.u32 s0, $0x7  }
0x36: {  	s15 =	sand.u32 $0x380, s15  }
0x37: {  	s15 =	sor.u32 s15, s16  }
0x38: {  	s18 =	rddreg [dreg:$0x3];
	s15 =	sshrl.u32 s15, $0x3  }
0x39: {  	s15 =	sadd.s32 s18, s15  }
0x3a: {  	[tilespmem:s22], [sflag:$0x3] =	stream.strided.gather [hbm4b:s15+s19], $0xA00, s20, s19, $0x38;
	[tilespmem:$0x19500] =	vst v63  }
0x3b: {  	s15 =	spop (v2sf)  }
0x3c: {  	(v2sf) =	vpush v3, $0x2;
	s0 =	sshrl.u32 s15, $0x3  }
0x3d: {  	s15 =	sshll.u32 s15, $0x7;
	s16 =	smul.u32 $0x5000, s0  }
0x3e: {  	s15 =	sand.u32 $0x380, s15  }
0x3f: {  	s15 =	sor.u32 s15, s16  }
0x40: {  	s15 =	sshrl.u32 s15, $0x3  }
0x41: {  	s15 =	sadd.s32 s17, s15  }
0x42: {  	[tilespmem:s23], [sflag:$0x1] =	stream.strided.gather [hbm4b:s15+s19], $0xA00, s20, s19, $0x38;
	[tilespmem:$0x19500] =	vst v63  }
0x43: {  	s15 =	spop (v2sf)  }
0x44: {  	(v2sf) =	vpush v2, $0x2;
	s0 =	sshrl.u32 s15, $0x3  }
0x45: {  	s15 =	sshll.u32 s15, $0x7;
	s16 =	smul.u32 $0x5000, s0  }
0x46: {  	s15 =	sand.u32 $0x380, s15  }
0x47: {  	s15 =	sor.u32 s15, s16  }
0x48: {  	s15 =	sshrl.u32 s15, $0x3  }
0x49: {  	s0 =	simm.s32 $0xAF00;
	s15 =	sadd.s32 s18, s15  }
0x4a: {  	[tilespmem:s0], [sflag:$0x3] =	stream.strided.gather [hbm4b:s15+s19], $0xA00, s20, s19, $0x38;
	[tilespmem:$0x19500] =	vst v63  }
0x4b: {  	s15 =	spop (v2sf)  }
0x4c: {  	(v2sf) =	vpush v3, $0x3;
	s0 =	sshrl.u32 s15, $0x3  }
0x4d: {  	s15 =	sshll.u32 s15, $0x7;
	s16 =	smul.u32 $0x5000, s0  }
0x4e: {  	s15 =	sand.u32 $0x380, s15  }
0x4f: {  	s15 =	sor.u32 s15, s16  }
0x50: {  	s15 =	sshrl.u32 s15, $0x3  }
0x51: {  	s15 =	sadd.s32 s17, s15  }
0x52: {  	[tilespmem:s24], [sflag:$0x1] =	stream.strided.gather [hbm4b:s15+s19], $0xA00, s20, s19, $0x38;
	[tilespmem:$0x19500] =	vst v63  }
0x53: {  	s0 =	spop (v2sf)  }
0x54: {  	(v2sf) =	vpush v2, $0x3;
	s24 =	sshrl.u32 s0, $0x3  }
0x55: {  	s15 =	sshll.u32 s0, $0x7;
	s16 =	smul.u32 $0x5000, s24  }
0x56: {  	s15 =	sand.u32 $0x380, s15  }
0x57: {  	s15 =	sor.u32 s15, s16  }
0x58: {  	s15 =	sshrl.u32 s15, $0x3  }
0x59: {  	s15 =	sadd.s32 s18, s15  }
0x5a: {  	[tilespmem:s25], [sflag:$0x3] =	stream.strided.gather [hbm4b:s15+s19], $0xA00, s20, s19, $0x38;
	[tilespmem:$0x19500] =	vst v63  }
0x5b: {  	s0 =	spop (v2sf)  }
0x5c: {  	(v2sf) =	vpush v3, $0x4;
	s24 =	sshrl.u32 s0, $0x3  }
0x5d: {  	s15 =	sshll.u32 s0, $0x7;
	s16 =	smul.u32 $0x5000, s24  }
0x5e: {  	s15 =	sand.u32 $0x380, s15  }
0x5f: {  	s15 =	sor.u32 s15, s16  }
0x60: {  	s15 =	sshrl.u32 s15, $0x3  }
0x61: {  	s15 =	sadd.s32 s17, s15  }
0x62: {  	[tilespmem:s26], [sflag:$0x1] =	stream.strided.gather [hbm4b:s15+s19], $0xA00, s20, s19, $0x38;
	[tilespmem:$0x19500] =	vst v63  }
0x63: {  	s25 =	spop (v2sf)  }
0x64: {  	(v2sf) =	vpush v2, $0x4;
	s26 =	sshrl.u32 s25, $0x3  }
0x65: {  	s15 =	sshll.u32 s25, $0x7;
	s16 =	smul.u32 $0x5000, s26  }
0x66: {  	s15 =	sand.u32 $0x380, s15  }
0x67: {  	s15 =	sor.u32 s15, s16  }
0x68: {  	s15 =	sshrl.u32 s15, $0x3  }
0x69: {  	s15 =	sadd.s32 s18, s15  }
0x6a: {  	[tilespmem:s28], [sflag:$0x3] =	stream.strided.gather [hbm4b:s15+s19], $0xA00, s20, s19, $0x38;
	[tilespmem:$0x19500] =	vst v63  }
0x6b: {  	s0 =	spop (v2sf)  }
0x6c: {  	(v2sf) =	vpush v3, $0x5;
	s24 =	sshrl.u32 s0, $0x3  }
0x6d: {  	s15 =	sshll.u32 s0, $0x7;
	s16 =	smul.u32 $0x5000, s24  }
0x6e: {  	s15 =	sand.u32 $0x380, s15  }
0x6f: {  	s15 =	sor.u32 s15, s16  }
0x70: {  	s15 =	sshrl.u32 s15, $0x3  }
0x71: {  	s15 =	sadd.s32 s17, s15  }
0x72: {  	[tilespmem:s29], [sflag:$0x1] =	stream.strided.gather [hbm4b:s15+s19], $0xA00, s20, s19, $0x38;
	[tilespmem:$0x19500] =	vst v63  }
0x73: {  	s25 =	spop (v2sf)  }
0x74: {  	(v2sf) =	vpush v2, $0x5;
	s26 =	sshrl.u32 s25, $0x3  }
0x75: {  	s15 =	sshll.u32 s25, $0x7;
	s16 =	smul.u32 $0x5000, s26  }
0x76: {  	s15 =	sand.u32 $0x380, s15  }
0x77: {  	s15 =	sor.u32 s15, s16  }
0x78: {  	s15 =	sshrl.u32 s15, $0x3  }
0x79: {  	s15 =	sadd.s32 s18, s15  }
0x7a: {  	[tilespmem:s30], [sflag:$0x3] =	stream.strided.gather [hbm4b:s15+s19], $0xA00, s20, s19, $0x38;
	[tilespmem:$0x19500] =	vst v63  }
0x7b: {  	s28 =	spop (v2sf)  }
0x7c: {  	(v2sf) =	vpush v3, $0x6;
	s29 =	sshrl.u32 s28, $0x3  }
0x7d: {  	s15 =	sshll.u32 s28, $0x7;
	s16 =	smul.u32 $0x5000, s29  }
0x7e: {  	s15 =	sand.u32 $0x380, s15  }
0x7f: {  	s15 =	sor.u32 s15, s16  }
0x80: {  	s15 =	sshrl.u32 s15, $0x3  }
0x81: {  	s0 =	simm.s32 $0x3700;
	s15 =	sadd.s32 s17, s15  }
0x82: {  	[tilespmem:s0], [sflag:$0x1] =	stream.strided.gather [hbm4b:s15+s19], $0xA00, s20, s19, $0x38;
	[tilespmem:$0x19500] =	vst v63  }
0x83: {  	s30 =	spop (v2sf)  }
0x84: {  	(v2sf) =	vpush v2, $0x6;
	s0 =	sshrl.u32 s30, $0x3  }
0x85: {  	s15 =	sshll.u32 s30, $0x7;
	s16 =	smul.u32 $0x5000, s0  }
0x86: {  	s15 =	sand.u32 $0x380, s15  }
0x87: {  	s15 =	sor.u32 s15, s16  }
0x88: {  	s15 =	sshrl.u32 s15, $0x3  }
0x89: {  	s16 =	simm.s32 $0xD700;
	s15 =	sadd.s32 s18, s15  }
0x8a: {  	[tilespmem:s16], [sflag:$0x3] =	stream.strided.gather [hbm4b:s15+s19], $0xA00, s20, s19, $0x38;
	[tilespmem:$0x19500] =	vst v63  }
0x8b: {  	s24 =	spop (v2sf)  }
0x8c: {  	(v2sf) =	vpush v3, $0x7;
	s25 =	sshrl.u32 s24, $0x3  }
0x8d: {  	s15 =	sshll.u32 s24, $0x7;
	s16 =	smul.u32 $0x5000, s25  }
0x8e: {  	s15 =	sand.u32 $0x380, s15  }
0x8f: {  	s15 =	sor.u32 s15, s16  }
0x90: {  	s15 =	sshrl.u32 s15, $0x3  }
0x91: {  	s26 =	simm.s32 $0x4100;
	s15 =	sadd.s32 s17, s15  }
0x92: {  	[tilespmem:s26], [sflag:$0x1] =	stream.strided.gather [hbm4b:s15+s19], $0xA00, s20, s19, $0x38;
	[tilespmem:$0x19500] =	vst v63  }
0x93: {  	s28 =	spop (v2sf)  }
0x94: {  	(v2sf) =	vpush v2, $0x7;
	s29 =	sshrl.u32 s28, $0x3  }
0x95: {  	s15 =	sshll.u32 s28, $0x7;
	s16 =	smul.u32 $0x5000, s29  }
0x96: {  	s15 =	sand.u32 $0x380, s15  }
0x97: {  	s15 =	sor.u32 s15, s16  }
0x98: {  	s15 =	sshrl.u32 s15, $0x3  }
0x99: {  	s30 =	simm.s32 $0xE100;
	s15 =	sadd.s32 s18, s15  }
0x9a: {  	[tilespmem:s30], [sflag:$0x3] =	stream.strided.gather [hbm4b:s15+s19], $0xA00, s20, s19, $0x38;
	[tilespmem:$0x19500] =	vst v63  }
0x9b: {  	s0 =	spop (v2sf)  }
0x9c: {  	s24 =	sshrl.u32 s0, $0x3  }
0x9d: {  	s15 =	sshll.u32 s0, $0x7;
	s16 =	smul.u32 $0x5000, s24  }
0x9e: {  	s15 =	sand.u32 $0x380, s15  }
0x9f: {  	s15 =	sor.u32 s15, s16  }
0xa0: {  	s15 =	sshrl.u32 s15, $0x3  }
0xa1: {  	s25 =	simm.s32 $0x4B00;
	s15 =	sadd.s32 s17, s15  }
0xa2: {  	[tilespmem:s25], [sflag:$0x1] =	stream.strided.gather [hbm4b:s15+s19], $0xA00, s20, s19, $0x38;
	[tilespmem:$0x19500] =	vst v63  }
0xa3: {  	s26 =	spop (v2sf)  }
0xa4: {  	s28 =	sshrl.u32 s26, $0x3  }
0xa5: {  	s15 =	sshll.u32 s26, $0x7;
	s16 =	smul.u32 $0x5000, s28  }
0xa6: {  	s15 =	sand.u32 $0x380, s15  }
0xa7: {  	s15 =	sor.u32 s15, s16  }
0xa8: {  	s15 =	sshrl.u32 s15, $0x3  }
0xa9: {  	s29 =	simm.s32 $0xEB00;
	s15 =	sadd.s32 s18, s15  }
0xaa: {  	[tilespmem:s29], [sflag:$0x3] =	stream.strided.gather [hbm4b:s15+s19], $0xA00, s20, s19, $0x38;
	[tilespmem:$0x19500] =	vst v63  }
0xab: {  	v3 =	vld [tilespmem:$0x8];
	_ =	sdelay $0x4  }
0xac: {  	(v2sf) =	vpush v3, $0x0;
	_ =	sdelay $0x2  }
0xad: {  	v2 =	vld [tilespmem:$0x288];
	_ =	sdelay $0x4  }
0xae: {  	(v2sf) =	vpush v2, $0x0;
	_ =	sdelay $0x4  }
0xaf: {  	(v2sf) =	vpush v3, $0x1;
	_ =	sdelay $0x1  }
0xb0: {  	s30 =	spop (v2sf)  }
0xb1: {  	s0 =	sshrl.u32 s30, $0x3  }
0xb2: {  	s15 =	sshll.u32 s30, $0x7;
	s16 =	smul.u32 $0x5000, s0  }
0xb3: {  	s15 =	sand.u32 $0x380, s15  }
0xb4: {  	(v2sf) =	vpush v2, $0x1;
	s15 =	sor.u32 s15, s16  }
0xb5: {  	s15 =	sshrl.u32 s15, $0x3  }
0xb6: {  	s15 =	sadd.s32 s17, s15  }
0xb7: {  	[tilespmem:s9], [sflag:$0x2] =	stream.strided.gather [hbm4b:s15+s19], $0xA00, s20, s19, $0x38;
	[tilespmem:$0x19500] =	vst v63  }
0xb8: {  	s9 =	spop (v2sf)  }
0xb9: {  	s24 =	sshrl.u32 s9, $0x3  }
0xba: {  	(v2sf) =	vpush v3, $0x2;
	s15 =	sshll.u32 s9, $0x7;
	s16 =	smul.u32 $0x5000, s24  }
0xbb: {  	s15 =	sand.u32 $0x380, s15  }
0xbc: {  	s15 =	sor.u32 s15, s16  }
0xbd: {  	s25 =	spop (v2sf);
	s15 =	sshrl.u32 s15, $0x3  }
0xbe: {  	s26 =	simm.s32 $0xF500;
	s28 =	sshrl.u32 s25, $0x3;
	s15 =	sadd.s32 s18, s15  }
0xbf: {  	[tilespmem:s26], [sflag:$0x4] =	stream.strided.gather [hbm4b:s15+s19], $0xA00, s20, s19, $0x38;
	[tilespmem:$0x19500] =	vst v63  }
0xc0: {  	s16 =	sshll.u32 s25, $0x7;
	s15 =	smul.u32 $0x5000, s28  }
0xc1: {  	s16 =	sand.u32 $0x380, s16  }
0xc2: {  	s15 =	sor.u32 s16, s15  }
0xc3: {  	s29 =	spop (v2sf);
	(v2sf) =	vpush v2, $0x2;
	s15 =	sshrl.u32 s15, $0x3  }
0xc4: {  	s30 =	sshrl.u32 s29, $0x3;
	s15 =	sadd.s32 s17, s15  }
0xc5: {  	[tilespmem:s8], [sflag:$0x2] =	stream.strided.gather [hbm4b:s15+s19], $0xA00, s20, s19, $0x38;
	[tilespmem:$0x19500] =	vst v63  }
0xc6: {  	s16 =	smul.u32 $0x5000, s30;
	s15 =	sshll.u32 s29, $0x7  }
0xc7: {  	s15 =	sand.u32 $0x380, s15  }
0xc8: {  	s15 =	sor.u32 s15, s16  }
0xc9: {  	s15 =	sshrl.u32 s15, $0x3;
	s0 =	spop (v2sf);
	(v2sf) =	vpush v3, $0x3  }
0xca: {  	s15 =	sadd.s32 s18, s15;
	s8 =	sshrl.u32 s0, $0x3  }
0xcb: {  	[tilespmem:s7], [sflag:$0x4] =	stream.strided.gather [hbm4b:s15+s19], $0xA00, s20, s19, $0x38;
	[tilespmem:$0x19500] =	vst v63  }
0xcc: {  	s16 =	sshll.u32 s0, $0x7;
	s15 =	smul.u32 $0x5000, s8  }
0xcd: {  	s16 =	sand.u32 $0x380, s16  }
0xce: {  	s15 =	sor.u32 s16, s15  }
0xcf: {  	s15 =	sshrl.u32 s15, $0x3  }
0xd0: {  	s15 =	sadd.s32 s17, s15  }
0xd1: {  	[tilespmem:s11], [sflag:$0x2] =	stream.strided.gather [hbm4b:s15+s19], $0xA00, s20, s19, $0x38;
	[tilespmem:$0x19500] =	vst v63  }
0xd2: {  	s9 =	spop (v2sf);
	(v2sf) =	vpush v2, $0x3  }
0xd3: {  	s11 =	sshrl.u32 s9, $0x3  }
0xd4: {  	s15 =	sshll.u32 s9, $0x7;
	s16 =	smul.u32 $0x5000, s11  }
0xd5: {  	s15 =	sand.u32 $0x380, s15  }
0xd6: {  	s15 =	sor.u32 s15, s16  }
0xd7: {  	s15 =	sshrl.u32 s15, $0x3  }
0xd8: {  	s15 =	sadd.s32 s18, s15;
	s24 =	spop (v2sf);
	(v2sf) =	vpush v3, $0x4  }
0xd9: {  	[tilespmem:s1], [sflag:$0x4] =	stream.strided.gather [hbm4b:s15+s19], $0xA00, s20, s19, $0x38;
	[tilespmem:$0x19500] =	vst v63  }
0xda: {  	s25 =	sshrl.u32 s24, $0x3  }
0xdb: {  	s16 =	sshll.u32 s24, $0x7;
	s15 =	smul.u32 $0x5000, s25  }
0xdc: {  	s16 =	sand.u32 $0x380, s16  }
0xdd: {  	s15 =	sor.u32 s16, s15  }
0xde: {  	s15 =	sshrl.u32 s15, $0x3  }
0xdf: {  	s15 =	sadd.s32 s17, s15  }
0xe0: {  	[tilespmem:s31], [sflag:$0x2] =	stream.strided.gather [hbm4b:s15+s19], $0xA00, s20, s19, $0x38;
	[tilespmem:$0x19500] =	vst v63  }
0xe1: {  	s26 =	spop (v2sf);
	(v2sf) =	vpush v2, $0x4  }
0xe2: {  	s28 =	sshrl.u32 s26, $0x3  }
0xe3: {  	s15 =	sshll.u32 s26, $0x7;
	s16 =	smul.u32 $0x5000, s28  }
0xe4: {  	s15 =	sand.u32 $0x380, s15  }
0xe5: {  	s15 =	sor.u32 s15, s16  }
0xe6: {  	s15 =	sshrl.u32 s15, $0x3  }
0xe7: {  	s15 =	sadd.s32 s18, s15;
	s29 =	spop (v2sf);
	(v2sf) =	vpush v3, $0x5  }
0xe8: {  	[tilespmem:s10], [sflag:$0x4] =	stream.strided.gather [hbm4b:s15+s19], $0xA00, s20, s19, $0x38;
	[tilespmem:$0x19500] =	vst v63  }
0xe9: {  	s30 =	sshrl.u32 s29, $0x3  }
0xea: {  	s16 =	sshll.u32 s29, $0x7;
	s15 =	smul.u32 $0x5000, s30  }
0xeb: {  	s16 =	sand.u32 $0x380, s16  }
0xec: {  	s15 =	sor.u32 s16, s15  }
0xed: {  	s15 =	sshrl.u32 s15, $0x3  }
0xee: {  	s15 =	sadd.s32 s17, s15  }
0xef: {  	[tilespmem:s4], [sflag:$0x2] =	stream.strided.gather [hbm4b:s15+s19], $0xA00, s20, s19, $0x38;
	[tilespmem:$0x19500] =	vst v63  }
0xf0: {  	s31 =	spop (v2sf);
	(v2sf) =	vpush v2, $0x5  }
0xf1: {  	s0 =	sshrl.u32 s31, $0x3  }
0xf2: {  	s15 =	sshll.u32 s31, $0x7;
	s16 =	smul.u32 $0x5000, s0  }
0xf3: {  	s15 =	sand.u32 $0x380, s15  }
0xf4: {  	s15 =	sor.u32 s15, s16  }
0xf5: {  	s15 =	sshrl.u32 s15, $0x3  }
0xf6: {  	s15 =	sadd.s32 s18, s15;
	s1 =	spop (v2sf);
	(v2sf) =	vpush v3, $0x6  }
0xf7: {  	[tilespmem:s5], [sflag:$0x4] =	stream.strided.gather [hbm4b:s15+s19], $0xA00, s20, s19, $0x38;
	[tilespmem:$0x19500] =	vst v63  }
0xf8: {  	s7 =	sshrl.u32 s1, $0x3  }
0xf9: {  	s16 =	sshll.u32 s1, $0x7;
	s15 =	smul.u32 $0x5000, s7  }
0xfa: {  	s16 =	sand.u32 $0x380, s16  }
0xfb: {  	s15 =	sor.u32 s16, s15  }
0xfc: {  	s15 =	sshrl.u32 s15, $0x3  }
0xfd: {  	s15 =	sadd.s32 s17, s15  }
0xfe: {  	[tilespmem:s6], [sflag:$0x2] =	stream.strided.gather [hbm4b:s15+s19], $0xA00, s20, s19, $0x38;
	[tilespmem:$0x19500] =	vst v63  }
0xff: {  	s8 =	spop (v2sf);
	(v2sf) =	vpush v2, $0x6  }
0x100: {  	s9 =	sshrl.u32 s8, $0x3  }
0x101: {  	s15 =	sshll.u32 s8, $0x7;
	s16 =	smul.u32 $0x5000, s9  }
0x102: {  	s15 =	sand.u32 $0x380, s15  }
0x103: {  	s15 =	sor.u32 s15, s16  }
0x104: {  	s15 =	sshrl.u32 s15, $0x3  }
0x105: {  	s15 =	sadd.s32 s18, s15;
	s11 =	spop (v2sf);
	(v2sf) =	vpush v3, $0x7  }
0x106: {  	[tilespmem:s2], [sflag:$0x4] =	stream.strided.gather [hbm4b:s15+s19], $0xA00, s20, s19, $0x38;
	[tilespmem:$0x19500] =	vst v63  }
0x107: {  	s24 =	sshrl.u32 s11, $0x3  }
0x108: {  	s16 =	sshll.u32 s11, $0x7;
	s15 =	smul.u32 $0x5000, s24  }
0x109: {  	s16 =	sand.u32 $0x380, s16  }
0x10a: {  	s15 =	sor.u32 s16, s15  }
0x10b: {  	s15 =	sshrl.u32 s15, $0x3  }
0x10c: {  	s15 =	sadd.s32 s17, s15  }
0x10d: {  	[tilespmem:s3], [sflag:$0x2] =	stream.strided.gather [hbm4b:s15+s19], $0xA00, s20, s19, $0x38;
	[tilespmem:$0x19500] =	vst v63  }
0x10e: {  	s25 =	spop (v2sf);
	(v2sf) =	vpush v2, $0x7  }
0x10f: {  	s26 =	sshrl.u32 s25, $0x3  }
0x110: {  	s15 =	sshll.u32 s25, $0x7;
	s16 =	smul.u32 $0x5000, s26  }
0x111: {  	s15 =	sand.u32 $0x380, s15  }
0x112: {  	s15 =	sor.u32 s15, s16  }
0x113: {  	s15 =	sshrl.u32 s15, $0x3  }
0x114: {  	s15 =	sadd.s32 s18, s15;
	s28 =	spop (v2sf)  }
0x115: {  	[tilespmem:s12], [sflag:$0x4] =	stream.strided.gather [hbm4b:s15+s19], $0xA00, s20, s19, $0x38;
	[tilespmem:$0x19500] =	vst v63  }
0x116: {  	s29 =	sshrl.u32 s28, $0x3  }
0x117: {  	s16 =	sshll.u32 s28, $0x7;
	s15 =	smul.u32 $0x5000, s29  }
0x118: {  	s16 =	sand.u32 $0x380, s16  }
0x119: {  	s15 =	sor.u32 s16, s15  }
0x11a: {  	s15 =	sshrl.u32 s15, $0x3  }
0x11b: {  	s15 =	sadd.s32 s17, s15  }
0x11c: {  	[tilespmem:s13], [sflag:$0x2] =	stream.strided.gather [hbm4b:s15+s19], $0xA00, s20, s19, $0x38;
	[tilespmem:$0x19500] =	vst v63  }
0x11d: {  	s30 =	spop (v2sf)  }
0x11e: {  	s31 =	sshrl.u32 s30, $0x3  }
0x11f: {  	s15 =	sshll.u32 s30, $0x7;
	s16 =	smul.u32 $0x5000, s31  }
0x120: {  	s15 =	sand.u32 $0x380, s15  }
0x121: {  	s15 =	sor.u32 s15, s16  }
0x122: {  	s15 =	sshrl.u32 s15, $0x3  }
0x123: {  	s7 =	simm.s32 $0x0;
	s15 =	sadd.s32 s18, s15  }
0x124: {  	[tilespmem:s14], [sflag:$0x4] =	stream.strided.gather [hbm4b:s15+s19], $0xA00, s20, s19, $0x38;
	[tilespmem:$0x19500] =	vst v63  }
.LBB2_2:
0x125: {  	p0 =	seq.s32 s7, $0x0  }
0x126: {  	s15 =	simm.s32 @!p0 $0x5  }
0x127: {  	_ =	swait.ge @!p0 [sflag:s15], $0x2800  }
0x128: {  	[sflag:s15] =	ssyncset.done @!p0 $0x0  }
0x129: {  	[sflag:s15] =	ssyncadd.s32 @!p0 $0xFFFFD800;
	s15 =	simm.s32 @!p0 $0x6  }
0x12a: {  	_ =	swait.ge @!p0 [sflag:s15], $0x2800  }
0x12b: {  	[sflag:s15] =	ssyncset.done @!p0 $0x0  }
0x12c: {  	s0 =	simm.s32 $0x1;
	[sflag:s15] =	ssyncadd.s32 @!p0 $0xFFFFD800  }
0x12d: {  	_ =	swait.ge [sflag:s0], $0xA00  }
0x12e: {  	[sflag:s0] =	ssyncset.done $0x0  }
0x12f: {  	s1 =	simm.s32 $0x3;
	[sflag:s0] =	ssyncadd.s32 $0xFFFFF600  }
0x130: {  	_ =	swait.ge [sflag:s1], $0xA00  }
0x131: {  	[sflag:s1] =	ssyncset.done $0x0  }
0x132: {  	[sflag:s1] =	ssyncadd.s32 $0xFFFFF600  }
0x133: {  	_ =	swait.ge [sflag:s0], $0xA00  }
0x134: {  	[sflag:s0] =	ssyncset.done $0x0  }
0x135: {  	[sflag:s0] =	ssyncadd.s32 $0xFFFFF600  }
0x136: {  	_ =	swait.ge [sflag:s1], $0xA00  }
0x137: {  	[sflag:s1] =	ssyncset.done $0x0  }
0x138: {  	[sflag:s1] =	ssyncadd.s32 $0xFFFFF600  }
0x139: {  	_ =	swait.ge [sflag:s0], $0xA00  }
0x13a: {  	[sflag:s0] =	ssyncset.done $0x0  }
0x13b: {  	[sflag:s0] =	ssyncadd.s32 $0xFFFFF600  }
0x13c: {  	_ =	swait.ge [sflag:s1], $0xA00  }
0x13d: {  	[sflag:s1] =	ssyncset.done $0x0  }
0x13e: {  	[sflag:s1] =	ssyncadd.s32 $0xFFFFF600  }
0x13f: {  	_ =	swait.ge [sflag:s0], $0xA00  }
0x140: {  	[sflag:s0] =	ssyncset.done $0x0  }
0x141: {  	[sflag:s0] =	ssyncadd.s32 $0xFFFFF600  }
0x142: {  	_ =	swait.ge [sflag:s1], $0xA00  }
0x143: {  	[sflag:s1] =	ssyncset.done $0x0  }
0x144: {  	[sflag:s1] =	ssyncadd.s32 $0xFFFFF600  }
0x145: {  	_ =	swait.ge [sflag:s0], $0xA00  }
0x146: {  	[sflag:s0] =	ssyncset.done $0x0  }
0x147: {  	[sflag:s0] =	ssyncadd.s32 $0xFFFFF600  }
0x148: {  	_ =	swait.ge [sflag:s1], $0xA00  }
0x149: {  	[sflag:s1] =	ssyncset.done $0x0  }
0x14a: {  	[sflag:s1] =	ssyncadd.s32 $0xFFFFF600  }
0x14b: {  	_ =	swait.ge [sflag:s0], $0xA00  }
0x14c: {  	[sflag:s0] =	ssyncset.done $0x0  }
0x14d: {  	[sflag:s0] =	ssyncadd.s32 $0xFFFFF600  }
0x14e: {  	_ =	swait.ge [sflag:s1], $0xA00  }
0x14f: {  	[sflag:s1] =	ssyncset.done $0x0  }
0x150: {  	[sflag:s1] =	ssyncadd.s32 $0xFFFFF600  }
0x151: {  	_ =	swait.ge [sflag:s0], $0xA00  }
0x152: {  	[sflag:s0] =	ssyncset.done $0x0  }
0x153: {  	s26 =	sshll.u32 s7, $0x4;
	[sflag:s0] =	ssyncadd.s32 $0xFFFFF600  }
0x154: {  	s16 =	simm.s32 $0x0;
	s17 =	simm.s32 $0x4680;
	_ =	swait.ge [sflag:s1], $0xA00  }
0x155: {  	s24 =	simm.s32 $0xAF00;
	s25 =	simm.s32 $0x1900;
	[sflag:s1] =	ssyncset.done $0x0  }
0x156: {  	s28 =	simm.s32 $0x2300;
	s29 =	simm.s32 $0xC300;
	[sflag:s1] =	ssyncadd.s32 $0xFFFFF600  }
0x157: {  	s30 =	simm.s32 $0x2D00;
	s31 =	simm.s32 $0xCD00;
	_ =	swait.ge [sflag:s0], $0xA00  }
0x158: {  	s11 =	simm.s32 $0x4100;
	s8 =	simm.s32 $0x4B00;
	[sflag:s0] =	ssyncset.done $0x0  }
0x159: {  	s9 =	simm.s32 $0xEB00;
	s15 =	simm.s32 $0xFFFFFFFB;
	[sflag:s0] =	ssyncadd.s32 $0xFFFFF600  }
0x15a: {  	s0 =	simm.s32 $0x3700;
	_ =	swait.ge [sflag:s1], $0xA00;
	[dreg:$0xb] =	wrdreg s7  }
0x15b: {  	[dreg:$0xc] =	wrdreg s26;
	s26 =	simm.s32 $0xB900;
	[sflag:s1] =	ssyncset.done $0x0  }
0x15c: {  	s7 =	simm.s32 $0xE100;
	[sflag:s1] =	ssyncadd.s32 $0xFFFFF600;
	s1 =	simm.s32 $0xD700  }
.LBB2_3:
0x15d: {  	s18 =	sadd.s32 $0xFFFFB980, s17  }
0x15e: {  	v2 =	vor.u32 s18, v0  }
0x15f: {  	v3 =	vor.u32 s18, v1;
	_ =	sdelay $0x3  }
0x160: {  	v4 =	vld.idx.msk [tilespmem:v2+s21+$0x0], $0xffff  }
0x161: {  	v5 =	vld.idx.msk [tilespmem:v3+s21+$0x0], $0xffff  }
0x162: {  	v6 =	vld.idx.msk [tilespmem:v2+s22+$0x0], $0xffff  }
0x163: {  	v7 =	vld.idx.msk [tilespmem:v3+s22+$0x0], $0xffff;
	_ =	sdelay $0x4  }
0x164: {  	s19 =	sshrl.u32 s16, $0x1;
	s18 =	sand.u32 $0xF00, s18;
	v4 =	vadd.f32 v6, v4;
	v5 =	vadd.f32 v7, v5  }
0x165: {  	s20 =	sshrl.u32 s18, $0x1;
	s18 =	sand.u32 $0x60, s19  }
0x166: {  	s19 =	sor.u32 s18, s20;
	v4 =	vpack.i.f32.bf16 v5, v4  }
0x167: {  	[tilespmem:s19+$0x14500] =	vst v4  }
0x168: {  	v4 =	vld.idx.msk [tilespmem:v2+s23+$0x0], $0xffff  }
0x169: {  	v32 =	vld.idx.msk [tilespmem:v3+s23+$0x0], $0xffff  }
0x16a: {  	v33 =	vld.idx.msk [tilespmem:v2+s24+$0x0], $0xffff  }
0x16b: {  	v34 =	vld.idx.msk [tilespmem:v3+s24+$0x0], $0xffff;
	_ =	sdelay $0x4  }
0x16c: {  	v4 =	vadd.f32 v33, v4;
	v5 =	vadd.f32 v34, v32;
	_ =	sdelay $0x1  }
0x16d: {  	v4 =	vpack.i.f32.bf16 v5, v4  }
0x16e: {  	[tilespmem:s19+$0x14A00] =	vst v4  }
0x16f: {  	v4 =	vld.idx.msk [tilespmem:v2+s25+$0x0], $0xffff  }
0x170: {  	v35 =	vld.idx.msk [tilespmem:v3+s25+$0x0], $0xffff  }
0x171: {  	v36 =	vld.idx.msk [tilespmem:v2+s26+$0x0], $0xffff  }
0x172: {  	v37 =	vld.idx.msk [tilespmem:v3+s26+$0x0], $0xffff;
	_ =	sdelay $0x4  }
0x173: {  	v4 =	vadd.f32 v36, v4;
	v5 =	vadd.f32 v37, v35;
	_ =	sdelay $0x1  }
0x174: {  	v4 =	vpack.i.f32.bf16 v5, v4  }
0x175: {  	[tilespmem:s19+$0x14F00] =	vst v4  }
0x176: {  	v4 =	vld.idx.msk [tilespmem:v2+s28+$0x0], $0xffff  }
0x177: {  	v38 =	vld.idx.msk [tilespmem:v3+s28+$0x0], $0xffff  }
0x178: {  	v39 =	vld.idx.msk [tilespmem:v2+s29+$0x0], $0xffff  }
0x179: {  	v40 =	vld.idx.msk [tilespmem:v3+s29+$0x0], $0xffff;
	_ =	sdelay $0x4  }
0x17a: {  	v4 =	vadd.f32 v39, v4;
	v5 =	vadd.f32 v40, v38;
	_ =	sdelay $0x1  }
0x17b: {  	v4 =	vpack.i.f32.bf16 v5, v4  }
0x17c: {  	[tilespmem:s19+$0x15400] =	vst v4  }
0x17d: {  	v4 =	vld.idx.msk [tilespmem:v2+s30+$0x0], $0xffff  }
0x17e: {  	v41 =	vld.idx.msk [tilespmem:v3+s30+$0x0], $0xffff  }
0x17f: {  	v42 =	vld.idx.msk [tilespmem:v2+s31+$0x0], $0xffff  }
0x180: {  	v43 =	vld.idx.msk [tilespmem:v3+s31+$0x0], $0xffff;
	_ =	sdelay $0x4  }
0x181: {  	v4 =	vadd.f32 v42, v4;
	v5 =	vadd.f32 v43, v41;
	_ =	sdelay $0x1  }
0x182: {  	v4 =	vpack.i.f32.bf16 v5, v4  }
0x183: {  	[tilespmem:s19+$0x15900] =	vst v4  }
0x184: {  	v4 =	vld.idx.msk [tilespmem:v2+s0+$0x0], $0xffff  }
0x185: {  	v44 =	vld.idx.msk [tilespmem:v3+s0+$0x0], $0xffff  }
0x186: {  	v45 =	vld.idx.msk [tilespmem:v2+s1+$0x0], $0xffff  }
0x187: {  	v46 =	vld.idx.msk [tilespmem:v3+s1+$0x0], $0xffff;
	_ =	sdelay $0x4  }
0x188: {  	v4 =	vadd.f32 v45, v4;
	v5 =	vadd.f32 v46, v44;
	_ =	sdelay $0x1  }
0x189: {  	v4 =	vpack.i.f32.bf16 v5, v4  }
0x18a: {  	[tilespmem:s19+$0x15E00] =	vst v4  }
0x18b: {  	v4 =	vld.idx.msk [tilespmem:v2+s11+$0x0], $0xffff  }
0x18c: {  	v47 =	vld.idx.msk [tilespmem:v3+s11+$0x0], $0xffff  }
0x18d: {  	v48 =	vld.idx.msk [tilespmem:v2+s7+$0x0], $0xffff  }
0x18e: {  	v49 =	vld.idx.msk [tilespmem:v3+s7+$0x0], $0xffff;
	_ =	sdelay $0x4  }
0x18f: {  	v4 =	vadd.f32 v48, v4;
	v5 =	vadd.f32 v49, v47;
	_ =	sdelay $0x1  }
0x190: {  	v4 =	vpack.i.f32.bf16 v5, v4  }
0x191: {  	[tilespmem:s19+$0x16300] =	vst v4  }
0x192: {  	v4 =	vld.idx.msk [tilespmem:v2+s8+$0x0], $0xffff  }
0x193: {  	v50 =	vld.idx.msk [tilespmem:v3+s8+$0x0], $0xffff  }
0x194: {  	v2 =	vld.idx.msk [tilespmem:v2+s9+$0x0], $0xffff  }
0x195: {  	v3 =	vld.idx.msk [tilespmem:v3+s9+$0x0], $0xffff;
	_ =	sdelay $0x2  }
0x196: {  	s20 =	sadd.s32 $0xFFFFB9A0, s17  }
0x197: {  	v51 =	vor.u32 s20, v0  }
0x198: {  	v52 =	vor.u32 s20, v1;
	v2 =	vadd.f32 v2, v4;
	v3 =	vadd.f32 v3, v50;
	_ =	sdelay $0x1  }
0x199: {  	v2 =	vpack.i.f32.bf16 v3, v2  }
0x19a: {  	[tilespmem:s19+$0x16800] =	vst v2  }
0x19b: {  	v2 =	vld.idx.msk [tilespmem:v51+s21+$0x0], $0xffff  }
0x19c: {  	v3 =	vld.idx.msk [tilespmem:v52+s21+$0x0], $0xffff  }
0x19d: {  	v53 =	vld.idx.msk [tilespmem:v51+s22+$0x0], $0xffff  }
0x19e: {  	v54 =	vld.idx.msk [tilespmem:v52+s22+$0x0], $0xffff;
	_ =	sdelay $0x3  }
0x19f: {  	s22 =	sadd.s32 $0x40, s16  }
0x1a0: {  	s20 =	sand.u32 $0x1F00, s20;
	s19 =	sand.u32 $0xC0, s22;
	v2 =	vadd.f32 v53, v2;
	v3 =	vadd.f32 v54, v3  }
0x1a1: {  	s19 =	sor.u32 s19, s20  }
0x1a2: {  	s19 =	sshrl.u32 s19, $0x1;
	v2 =	vpack.i.f32.bf16 v3, v2  }
0x1a3: {  	[tilespmem:s19+$0x14500] =	vst v2  }
0x1a4: {  	v2 =	vld.idx.msk [tilespmem:v51+s23+$0x0], $0xffff  }
0x1a5: {  	v3 =	vld.idx.msk [tilespmem:v52+s23+$0x0], $0xffff  }
0x1a6: {  	v55 =	vld.idx.msk [tilespmem:v51+s24+$0x0], $0xffff  }
0x1a7: {  	v56 =	vld.idx.msk [tilespmem:v52+s24+$0x0], $0xffff;
	_ =	sdelay $0x3  }
0x1a8: {  	s21 =	sadd.s32 $0x1440, s16;
	s20 =	sadd.s32 $0xFFFFC3A0, s17  }
0x1a9: {  	s19 =	sand.u32 $0x1F00, s20;
	s20 =	sand.u32 $0xC0, s21;
	v2 =	vadd.f32 v55, v2;
	v3 =	vadd.f32 v56, v3  }
0x1aa: {  	s19 =	sor.u32 s20, s19  }
0x1ab: {  	s19 =	sshrl.u32 s19, $0x1;
	v2 =	vpack.i.f32.bf16 v3, v2  }
0x1ac: {  	[tilespmem:s19+$0x14500] =	vst v2  }
0x1ad: {  	v2 =	vld.idx.msk [tilespmem:v51+s25+$0x0], $0xffff  }
0x1ae: {  	v3 =	vld.idx.msk [tilespmem:v52+s25+$0x0], $0xffff  }
0x1af: {  	v57 =	vld.idx.msk [tilespmem:v51+s26+$0x0], $0xffff  }
0x1b0: {  	v58 =	vld.idx.msk [tilespmem:v52+s26+$0x0], $0xffff;
	_ =	sdelay $0x3  }
0x1b1: {  	s22 =	sadd.s32 $0xFFFFCDA0, s17;
	s23 =	sadd.s32 $0x2840, s16  }
0x1b2: {  	s20 =	sand.u32 $0xC0, s23;
	s19 =	sand.u32 $0x3F00, s22;
	v2 =	vadd.f32 v57, v2;
	v3 =	vadd.f32 v58, v3  }
0x1b3: {  	s19 =	sor.u32 s20, s19  }
0x1b4: {  	s19 =	sshrl.u32 s19, $0x1;
	v2 =	vpack.i.f32.bf16 v3, v2  }
0x1b5: {  	[tilespmem:s19+$0x14500] =	vst v2  }
0x1b6: {  	v2 =	vld.idx.msk [tilespmem:v51+s28+$0x0], $0xffff  }
0x1b7: {  	v3 =	vld.idx.msk [tilespmem:v52+s28+$0x0], $0xffff  }
0x1b8: {  	v59 =	vld.idx.msk [tilespmem:v51+s29+$0x0], $0xffff  }
0x1b9: {  	v60 =	vld.idx.msk [tilespmem:v52+s29+$0x0], $0xffff;
	_ =	sdelay $0x3  }
0x1ba: {  	s21 =	sadd.s32 $0x3C40, s16;
	s20 =	sadd.s32 $0xFFFFD7A0, s17  }
0x1bb: {  	s19 =	sand.u32 $0x3F00, s20;
	s20 =	sand.u32 $0xC0, s21;
	v2 =	vadd.f32 v59, v2;
	v3 =	vadd.f32 v60, v3  }
0x1bc: {  	s19 =	sor.u32 s20, s19  }
0x1bd: {  	s19 =	sshrl.u32 s19, $0x1;
	v2 =	vpack.i.f32.bf16 v3, v2  }
0x1be: {  	[tilespmem:s19+$0x14500] =	vst v2  }
0x1bf: {  	v2 =	vld.idx.msk [tilespmem:v51+s30+$0x0], $0xffff  }
0x1c0: {  	v3 =	vld.idx.msk [tilespmem:v52+s30+$0x0], $0xffff  }
0x1c1: {  	v61 =	vld.idx.msk [tilespmem:v51+s31+$0x0], $0xffff  }
0x1c2: {  	v62 =	vld.idx.msk [tilespmem:v52+s31+$0x0], $0xffff;
	_ =	sdelay $0x3  }
0x1c3: {  	s23 =	sadd.s32 $0x5040, s16;
	s22 =	sadd.s32 $0xFFFFE1A0, s17  }
0x1c4: {  	s20 =	sand.u32 $0xC0, s23;
	s19 =	sand.u32 $0x3F00, s22;
	v2 =	vadd.f32 v61, v2;
	v3 =	vadd.f32 v62, v3  }
0x1c5: {  	s19 =	sor.u32 s20, s19  }
0x1c6: {  	s19 =	sshrl.u32 s19, $0x1;
	v2 =	vpack.i.f32.bf16 v3, v2  }
0x1c7: {  	[tilespmem:s19+$0x14500] =	vst v2  }
0x1c8: {  	v2 =	vld.idx.msk [tilespmem:v51+s0+$0x0], $0xffff  }
0x1c9: {  	v3 =	vld.idx.msk [tilespmem:v52+s0+$0x0], $0xffff  }
0x1ca: {  	v63 =	vld.idx.msk [tilespmem:v51+s1+$0x0], $0xffff  }
0x1cb: {  	v9 =	vld.idx.msk [tilespmem:v52+s1+$0x0], $0xffff;
	_ =	sdelay $0x3  }
0x1cc: {  	s21 =	sadd.s32 $0x6440, s16;
	s20 =	sadd.s32 $0xFFFFEBA0, s17  }
0x1cd: {  	s19 =	sand.u32 $0x7F00, s20;
	s20 =	sand.u32 $0xC0, s21;
	v2 =	vadd.f32 v63, v2;
	v3 =	vadd.f32 v9, v3  }
0x1ce: {  	s19 =	sor.u32 s20, s19  }
0x1cf: {  	s19 =	sshrl.u32 s19, $0x1;
	v2 =	vpack.i.f32.bf16 v3, v2  }
0x1d0: {  	[tilespmem:s19+$0x14500] =	vst v2  }
0x1d1: {  	v2 =	vld.idx.msk [tilespmem:v51+s11+$0x0], $0xffff  }
0x1d2: {  	v3 =	vld.idx.msk [tilespmem:v52+s11+$0x0], $0xffff  }
0x1d3: {  	v10 =	vld.idx.msk [tilespmem:v51+s7+$0x0], $0xffff  }
0x1d4: {  	v11 =	vld.idx.msk [tilespmem:v52+s7+$0x0], $0xffff;
	_ =	sdelay $0x3  }
0x1d5: {  	s23 =	sadd.s32 $0x7840, s16;
	s22 =	sadd.s32 $0xFFFFF5A0, s17  }
0x1d6: {  	s20 =	sand.u32 $0xC0, s23;
	s19 =	sand.u32 $0x7F00, s22;
	v2 =	vadd.f32 v10, v2;
	v3 =	vadd.f32 v11, v3  }
0x1d7: {  	s19 =	sor.u32 s20, s19  }
0x1d8: {  	s19 =	sshrl.u32 s19, $0x1;
	v2 =	vpack.i.f32.bf16 v3, v2  }
0x1d9: {  	[tilespmem:s19+$0x14500] =	vst v2  }
0x1da: {  	v2 =	vld.idx.msk [tilespmem:v51+s8+$0x0], $0xffff  }
0x1db: {  	v3 =	vld.idx.msk [tilespmem:v52+s8+$0x0], $0xffff  }
0x1dc: {  	v12 =	vld.idx.msk [tilespmem:v51+s9+$0x0], $0xffff  }
0x1dd: {  	v4 =	vld.idx.msk [tilespmem:v52+s9+$0x0], $0xffff;
	_ =	sdelay $0x2  }
0x1de: {  	s19 =	sadd.s32 $0xFFFFB9C0, s17  }
0x1df: {  	s21 =	sadd.s32 $0x8C40, s16;
	s20 =	sadd.s32 $0xFFFFFFA0, s17;
	v13 =	vor.u32 s19, v0  }
0x1e0: {  	s21 =	sand.u32 $0xC0, s21;
	s20 =	sand.u32 $0x5F00, s20;
	v14 =	vor.u32 s19, v1;
	v2 =	vadd.f32 v12, v2;
	v3 =	vadd.f32 v4, v3  }
0x1e1: {  	s20 =	sor.u32 s21, s20  }
0x1e2: {  	s20 =	sshrl.u32 s20, $0x1;
	v2 =	vpack.i.f32.bf16 v3, v2  }
0x1e3: {  	s22 =	simm.s32 $0x500;
	[tilespmem:s20+$0x14500] =	vst v2  }
0x1e4: {  	v2 =	vld.idx.msk [tilespmem:v13+s22+$0x0], $0xffff  }
0x1e5: {  	s23 =	simm.s32 $0xA500;
	v3 =	vld.idx.msk [tilespmem:v14+s22+$0x0], $0xffff  }
0x1e6: {  	v15 =	vld.idx.msk [tilespmem:v13+s23+$0x0], $0xffff  }
0x1e7: {  	v16 =	vld.idx.msk [tilespmem:v14+s23+$0x0], $0xffff;
	_ =	sdelay $0x3  }
0x1e8: {  	s21 =	sadd.s32 $0x80, s16  }
0x1e9: {  	s19 =	sand.u32 $0x1F00, s19;
	s20 =	sand.u32 $0xC0, s21;
	v2 =	vadd.f32 v15, v2;
	v3 =	vadd.f32 v16, v3  }
0x1ea: {  	s19 =	sor.u32 s20, s19  }
0x1eb: {  	s19 =	sshrl.u32 s19, $0x1;
	v2 =	vpack.i.f32.bf16 v3, v2  }
0x1ec: {  	s23 =	simm.s32 $0xF00;
	[tilespmem:s19+$0x14500] =	vst v2  }
0x1ed: {  	v2 =	vld.idx.msk [tilespmem:v13+s23+$0x0], $0xffff  }
0x1ee: {  	v3 =	vld.idx.msk [tilespmem:v14+s23+$0x0], $0xffff  }
0x1ef: {  	v17 =	vld.idx.msk [tilespmem:v13+s24+$0x0], $0xffff  }
0x1f0: {  	v18 =	vld.idx.msk [tilespmem:v14+s24+$0x0], $0xffff;
	_ =	sdelay $0x3  }
0x1f1: {  	s21 =	sadd.s32 $0x1480, s16;
	s20 =	sadd.s32 $0xFFFFC3C0, s17  }
0x1f2: {  	s19 =	sand.u32 $0x1F00, s20;
	s20 =	sand.u32 $0xC0, s21;
	v2 =	vadd.f32 v17, v2;
	v3 =	vadd.f32 v18, v3  }
0x1f3: {  	s19 =	sor.u32 s20, s19  }
0x1f4: {  	s19 =	sshrl.u32 s19, $0x1;
	v2 =	vpack.i.f32.bf16 v3, v2  }
0x1f5: {  	[tilespmem:s19+$0x14500] =	vst v2  }
0x1f6: {  	v2 =	vld.idx.msk [tilespmem:v13+s25+$0x0], $0xffff  }
0x1f7: {  	v3 =	vld.idx.msk [tilespmem:v14+s25+$0x0], $0xffff  }
0x1f8: {  	v19 =	vld.idx.msk [tilespmem:v13+s26+$0x0], $0xffff  }
0x1f9: {  	v20 =	vld.idx.msk [tilespmem:v14+s26+$0x0], $0xffff;
	_ =	sdelay $0x3  }
0x1fa: {  	s21 =	sadd.s32 $0x2880, s16;
	s20 =	sadd.s32 $0xFFFFCDC0, s17  }
0x1fb: {  	s19 =	sand.u32 $0x3F00, s20;
	s20 =	sand.u32 $0xC0, s21;
	v2 =	vadd.f32 v19, v2;
	v3 =	vadd.f32 v20, v3  }
0x1fc: {  	s19 =	sor.u32 s20, s19  }
0x1fd: {  	s19 =	sshrl.u32 s19, $0x1;
	v2 =	vpack.i.f32.bf16 v3, v2  }
0x1fe: {  	[tilespmem:s19+$0x14500] =	vst v2  }
0x1ff: {  	v2 =	vld.idx.msk [tilespmem:v13+s28+$0x0], $0xffff  }
0x200: {  	v3 =	vld.idx.msk [tilespmem:v14+s28+$0x0], $0xffff  }
0x201: {  	v21 =	vld.idx.msk [tilespmem:v13+s29+$0x0], $0xffff  }
0x202: {  	v22 =	vld.idx.msk [tilespmem:v14+s29+$0x0], $0xffff;
	_ =	sdelay $0x3  }
0x203: {  	s21 =	sadd.s32 $0x3C80, s16;
	s20 =	sadd.s32 $0xFFFFD7C0, s17  }
0x204: {  	s19 =	sand.u32 $0x3F00, s20;
	s20 =	sand.u32 $0xC0, s21;
	v2 =	vadd.f32 v21, v2;
	v3 =	vadd.f32 v22, v3  }
0x205: {  	s19 =	sor.u32 s20, s19  }
0x206: {  	s19 =	sshrl.u32 s19, $0x1;
	v2 =	vpack.i.f32.bf16 v3, v2  }
0x207: {  	[tilespmem:s19+$0x14500] =	vst v2  }
0x208: {  	v2 =	vld.idx.msk [tilespmem:v13+s30+$0x0], $0xffff  }
0x209: {  	v3 =	vld.idx.msk [tilespmem:v14+s30+$0x0], $0xffff  }
0x20a: {  	v23 =	vld.idx.msk [tilespmem:v13+s31+$0x0], $0xffff  }
0x20b: {  	v24 =	vld.idx.msk [tilespmem:v14+s31+$0x0], $0xffff;
	_ =	sdelay $0x3  }
0x20c: {  	s21 =	sadd.s32 $0x5080, s16;
	s20 =	sadd.s32 $0xFFFFE1C0, s17  }
0x20d: {  	s19 =	sand.u32 $0x3F00, s20;
	s20 =	sand.u32 $0xC0, s21;
	v2 =	vadd.f32 v23, v2;
	v3 =	vadd.f32 v24, v3  }
0x20e: {  	s19 =	sor.u32 s20, s19  }
0x20f: {  	s19 =	sshrl.u32 s19, $0x1;
	v2 =	vpack.i.f32.bf16 v3, v2  }
0x210: {  	[tilespmem:s19+$0x14500] =	vst v2  }
0x211: {  	v2 =	vld.idx.msk [tilespmem:v13+s0+$0x0], $0xffff  }
0x212: {  	v3 =	vld.idx.msk [tilespmem:v14+s0+$0x0], $0xffff  }
0x213: {  	v25 =	vld.idx.msk [tilespmem:v13+s1+$0x0], $0xffff  }
0x214: {  	v26 =	vld.idx.msk [tilespmem:v14+s1+$0x0], $0xffff;
	_ =	sdelay $0x3  }
0x215: {  	s21 =	sadd.s32 $0x6480, s16;
	s20 =	sadd.s32 $0xFFFFEBC0, s17  }
0x216: {  	s19 =	sand.u32 $0x7F00, s20;
	s20 =	sand.u32 $0xC0, s21;
	v2 =	vadd.f32 v25, v2;
	v3 =	vadd.f32 v26, v3  }
0x217: {  	s19 =	sor.u32 s20, s19  }
0x218: {  	s19 =	sshrl.u32 s19, $0x1;
	v2 =	vpack.i.f32.bf16 v3, v2  }
0x219: {  	[tilespmem:s19+$0x14500] =	vst v2  }
0x21a: {  	v2 =	vld.idx.msk [tilespmem:v13+s11+$0x0], $0xffff  }
0x21b: {  	v3 =	vld.idx.msk [tilespmem:v14+s11+$0x0], $0xffff  }
0x21c: {  	v27 =	vld.idx.msk [tilespmem:v13+s7+$0x0], $0xffff  }
0x21d: {  	v28 =	vld.idx.msk [tilespmem:v14+s7+$0x0], $0xffff;
	_ =	sdelay $0x3  }
0x21e: {  	s21 =	sadd.s32 $0x7880, s16;
	s20 =	sadd.s32 $0xFFFFF5C0, s17  }
0x21f: {  	s19 =	sand.u32 $0x7F00, s20;
	s20 =	sand.u32 $0xC0, s21;
	v2 =	vadd.f32 v27, v2;
	v3 =	vadd.f32 v28, v3  }
0x220: {  	s19 =	sor.u32 s20, s19  }
0x221: {  	s19 =	sshrl.u32 s19, $0x1;
	v2 =	vpack.i.f32.bf16 v3, v2  }
0x222: {  	[tilespmem:s19+$0x14500] =	vst v2  }
0x223: {  	v2 =	vld.idx.msk [tilespmem:v13+s8+$0x0], $0xffff  }
0x224: {  	v3 =	vld.idx.msk [tilespmem:v14+s8+$0x0], $0xffff  }
0x225: {  	v29 =	vld.idx.msk [tilespmem:v13+s9+$0x0], $0xffff  }
0x226: {  	v4 =	vld.idx.msk [tilespmem:v14+s9+$0x0], $0xffff;
	_ =	sdelay $0x2  }
0x227: {  	s19 =	sadd.s32 $0xFFFFB9E0, s17  }
0x228: {  	s21 =	sadd.s32 $0x8C80, s16;
	s20 =	sadd.s32 $0xFFFFFFC0, s17;
	v30 =	vor.u32 s19, v0  }
0x229: {  	s21 =	sand.u32 $0xC0, s21;
	s20 =	sand.u32 $0x5F00, s20;
	v31 =	vor.u32 s19, v1;
	v2 =	vadd.f32 v29, v2;
	v3 =	vadd.f32 v4, v3  }
0x22a: {  	s20 =	sor.u32 s21, s20  }
0x22b: {  	s20 =	sshrl.u32 s20, $0x1;
	v2 =	vpack.i.f32.bf16 v3, v2  }
0x22c: {  	[tilespmem:s20+$0x14500] =	vst v2  }
0x22d: {  	v2 =	vld.idx.msk [tilespmem:v30+s22+$0x0], $0xffff  }
0x22e: {  	v3 =	vld.idx.msk [tilespmem:v31+s22+$0x0], $0xffff;
	s22 =	simm.s32 $0xA500  }
0x22f: {  	v32 =	vld.idx.msk [tilespmem:v30+s22+$0x0], $0xffff  }
0x230: {  	v33 =	vld.idx.msk [tilespmem:v31+s22+$0x0], $0xffff;
	_ =	sdelay $0x3  }
0x231: {  	s21 =	sadd.s32 $0xC0, s16  }
0x232: {  	s19 =	sand.u32 $0x1F00, s19;
	s20 =	sand.u32 $0xC0, s21;
	v2 =	vadd.f32 v32, v2;
	v3 =	vadd.f32 v33, v3  }
0x233: {  	s19 =	sor.u32 s20, s19  }
0x234: {  	s19 =	sshrl.u32 s19, $0x1;
	v2 =	vpack.i.f32.bf16 v3, v2  }
0x235: {  	[tilespmem:s19+$0x14500] =	vst v2  }
0x236: {  	v2 =	vld.idx.msk [tilespmem:v30+s23+$0x0], $0xffff  }
0x237: {  	v3 =	vld.idx.msk [tilespmem:v31+s23+$0x0], $0xffff  }
0x238: {  	v34 =	vld.idx.msk [tilespmem:v30+s24+$0x0], $0xffff  }
0x239: {  	v35 =	vld.idx.msk [tilespmem:v31+s24+$0x0], $0xffff;
	_ =	sdelay $0x3  }
0x23a: {  	s21 =	sadd.s32 $0x14C0, s16;
	s20 =	sadd.s32 $0xFFFFC3E0, s17  }
0x23b: {  	s19 =	sand.u32 $0x1F00, s20;
	s20 =	sand.u32 $0xC0, s21;
	v2 =	vadd.f32 v34, v2;
	v3 =	vadd.f32 v35, v3  }
0x23c: {  	s19 =	sor.u32 s20, s19  }
0x23d: {  	s19 =	sshrl.u32 s19, $0x1;
	v2 =	vpack.i.f32.bf16 v3, v2  }
0x23e: {  	[tilespmem:s19+$0x14500] =	vst v2  }
0x23f: {  	v2 =	vld.idx.msk [tilespmem:v30+s25+$0x0], $0xffff  }
0x240: {  	v3 =	vld.idx.msk [tilespmem:v31+s25+$0x0], $0xffff  }
0x241: {  	v36 =	vld.idx.msk [tilespmem:v30+s26+$0x0], $0xffff  }
0x242: {  	v37 =	vld.idx.msk [tilespmem:v31+s26+$0x0], $0xffff;
	_ =	sdelay $0x3  }
0x243: {  	s21 =	sadd.s32 $0x28C0, s16;
	s20 =	sadd.s32 $0xFFFFCDE0, s17  }
0x244: {  	s19 =	sand.u32 $0x3F00, s20;
	s20 =	sand.u32 $0xC0, s21;
	v2 =	vadd.f32 v36, v2;
	v3 =	vadd.f32 v37, v3  }
0x245: {  	s19 =	sor.u32 s20, s19  }
0x246: {  	s19 =	sshrl.u32 s19, $0x1;
	v2 =	vpack.i.f32.bf16 v3, v2  }
0x247: {  	[tilespmem:s19+$0x14500] =	vst v2  }
0x248: {  	v2 =	vld.idx.msk [tilespmem:v30+s28+$0x0], $0xffff  }
0x249: {  	v3 =	vld.idx.msk [tilespmem:v31+s28+$0x0], $0xffff  }
0x24a: {  	v38 =	vld.idx.msk [tilespmem:v30+s29+$0x0], $0xffff  }
0x24b: {  	v39 =	vld.idx.msk [tilespmem:v31+s29+$0x0], $0xffff;
	_ =	sdelay $0x3  }
0x24c: {  	s21 =	sadd.s32 $0x3CC0, s16;
	s20 =	sadd.s32 $0xFFFFD7E0, s17  }
0x24d: {  	s19 =	sand.u32 $0x3F00, s20;
	s20 =	sand.u32 $0xC0, s21;
	v2 =	vadd.f32 v38, v2;
	v3 =	vadd.f32 v39, v3  }
0x24e: {  	s19 =	sor.u32 s20, s19  }
0x24f: {  	s19 =	sshrl.u32 s19, $0x1;
	v2 =	vpack.i.f32.bf16 v3, v2  }
0x250: {  	[tilespmem:s19+$0x14500] =	vst v2  }
0x251: {  	v2 =	vld.idx.msk [tilespmem:v30+s30+$0x0], $0xffff  }
0x252: {  	v3 =	vld.idx.msk [tilespmem:v31+s30+$0x0], $0xffff  }
0x253: {  	v40 =	vld.idx.msk [tilespmem:v30+s31+$0x0], $0xffff  }
0x254: {  	v41 =	vld.idx.msk [tilespmem:v31+s31+$0x0], $0xffff;
	_ =	sdelay $0x3  }
0x255: {  	s21 =	sadd.s32 $0x50C0, s16;
	s20 =	sadd.s32 $0xFFFFE1E0, s17  }
0x256: {  	s19 =	sand.u32 $0x3F00, s20;
	s20 =	sand.u32 $0xC0, s21;
	v2 =	vadd.f32 v40, v2;
	v3 =	vadd.f32 v41, v3  }
0x257: {  	s19 =	sor.u32 s20, s19  }
0x258: {  	s19 =	sshrl.u32 s19, $0x1;
	v2 =	vpack.i.f32.bf16 v3, v2  }
0x259: {  	[tilespmem:s19+$0x14500] =	vst v2  }
0x25a: {  	v2 =	vld.idx.msk [tilespmem:v30+s0+$0x0], $0xffff  }
0x25b: {  	v3 =	vld.idx.msk [tilespmem:v31+s0+$0x0], $0xffff  }
0x25c: {  	v42 =	vld.idx.msk [tilespmem:v30+s1+$0x0], $0xffff  }
0x25d: {  	v43 =	vld.idx.msk [tilespmem:v31+s1+$0x0], $0xffff;
	_ =	sdelay $0x3  }
0x25e: {  	s21 =	sadd.s32 $0x64C0, s16;
	s20 =	sadd.s32 $0xFFFFEBE0, s17  }
0x25f: {  	s19 =	sand.u32 $0x7F00, s20;
	s20 =	sand.u32 $0xC0, s21;
	v2 =	vadd.f32 v42, v2;
	v3 =	vadd.f32 v43, v3  }
0x260: {  	s19 =	sor.u32 s20, s19  }
0x261: {  	s19 =	sshrl.u32 s19, $0x1;
	v2 =	vpack.i.f32.bf16 v3, v2  }
0x262: {  	[tilespmem:s19+$0x14500] =	vst v2  }
0x263: {  	v2 =	vld.idx.msk [tilespmem:v30+s11+$0x0], $0xffff  }
0x264: {  	v3 =	vld.idx.msk [tilespmem:v31+s11+$0x0], $0xffff  }
0x265: {  	v44 =	vld.idx.msk [tilespmem:v30+s7+$0x0], $0xffff  }
0x266: {  	v45 =	vld.idx.msk [tilespmem:v31+s7+$0x0], $0xffff;
	_ =	sdelay $0x3  }
0x267: {  	s21 =	sadd.s32 $0x78C0, s16;
	s20 =	sadd.s32 $0xFFFFF5E0, s17  }
0x268: {  	s19 =	sand.u32 $0x7F00, s20;
	s20 =	sand.u32 $0xC0, s21;
	v2 =	vadd.f32 v44, v2;
	v3 =	vadd.f32 v45, v3  }
0x269: {  	s19 =	sor.u32 s20, s19  }
0x26a: {  	s19 =	sshrl.u32 s19, $0x1;
	v2 =	vpack.i.f32.bf16 v3, v2  }
0x26b: {  	[tilespmem:s19+$0x14500] =	vst v2  }
0x26c: {  	v2 =	vld.idx.msk [tilespmem:v30+s8+$0x0], $0xffff  }
0x26d: {  	v3 =	vld.idx.msk [tilespmem:v31+s8+$0x0], $0xffff  }
0x26e: {  	v46 =	vld.idx.msk [tilespmem:v30+s9+$0x0], $0xffff  }
0x26f: {  	v4 =	vld.idx.msk [tilespmem:v31+s9+$0x0], $0xffff;
	_ =	sdelay $0x2  }
0x270: {  	s19 =	sadd.s32 $0xFFFFBA00, s17  }
0x271: {  	s21 =	sadd.s32 $0x8CC0, s16;
	s20 =	sadd.s32 $0xFFFFFFE0, s17;
	v47 =	vor.u32 s19, v0  }
0x272: {  	s21 =	sand.u32 $0xC0, s21;
	s20 =	sand.u32 $0x5F00, s20;
	v48 =	vor.u32 s19, v1;
	v2 =	vadd.f32 v46, v2;
	v3 =	vadd.f32 v4, v3  }
0x273: {  	s20 =	sor.u32 s21, s20  }
0x274: {  	s20 =	sshrl.u32 s20, $0x1;
	v2 =	vpack.i.f32.bf16 v3, v2  }
0x275: {  	s21 =	simm.s32 $0x500;
	[tilespmem:s20+$0x14500] =	vst v2  }
0x276: {  	v2 =	vld.idx.msk [tilespmem:v47+s21+$0x0], $0xffff  }
0x277: {  	v3 =	vld.idx.msk [tilespmem:v48+s21+$0x0], $0xffff  }
0x278: {  	v49 =	vld.idx.msk [tilespmem:v47+s22+$0x0], $0xffff  }
0x279: {  	v50 =	vld.idx.msk [tilespmem:v48+s22+$0x0], $0xffff;
	_ =	sdelay $0x4  }
0x27a: {  	s19 =	sand.u32 $0x1F00, s19;
	v2 =	vadd.f32 v49, v2;
	v3 =	vadd.f32 v50, v3  }
0x27b: {  	s19 =	sshrl.u32 s19, $0x1  }
0x27c: {  	s19 =	sor.u32 s18, s19;
	v2 =	vpack.i.f32.bf16 v3, v2  }
0x27d: {  	[tilespmem:s19+$0x14500] =	vst v2  }
0x27e: {  	v2 =	vld.idx.msk [tilespmem:v47+s23+$0x0], $0xffff  }
0x27f: {  	v3 =	vld.idx.msk [tilespmem:v48+s23+$0x0], $0xffff  }
0x280: {  	v51 =	vld.idx.msk [tilespmem:v47+s24+$0x0], $0xffff  }
0x281: {  	v52 =	vld.idx.msk [tilespmem:v48+s24+$0x0], $0xffff;
	_ =	sdelay $0x3  }
0x282: {  	s20 =	sadd.s32 $0xFFFFC400, s17  }
0x283: {  	s19 =	sand.u32 $0x1F00, s20;
	v2 =	vadd.f32 v51, v2;
	v3 =	vadd.f32 v52, v3  }
0x284: {  	s19 =	sshrl.u32 s19, $0x1  }
0x285: {  	s19 =	sor.u32 s18, s19;
	v2 =	vpack.i.f32.bf16 v3, v2  }
0x286: {  	[tilespmem:s19+$0x14500] =	vst v2  }
0x287: {  	v2 =	vld.idx.msk [tilespmem:v47+s25+$0x0], $0xffff  }
0x288: {  	v3 =	vld.idx.msk [tilespmem:v48+s25+$0x0], $0xffff  }
0x289: {  	v53 =	vld.idx.msk [tilespmem:v47+s26+$0x0], $0xffff  }
0x28a: {  	v54 =	vld.idx.msk [tilespmem:v48+s26+$0x0], $0xffff;
	_ =	sdelay $0x3  }
0x28b: {  	s20 =	sadd.s32 $0xFFFFCE00, s17  }
0x28c: {  	s19 =	sand.u32 $0x3F00, s20;
	v2 =	vadd.f32 v53, v2;
	v3 =	vadd.f32 v54, v3  }
0x28d: {  	s19 =	sshrl.u32 s19, $0x1  }
0x28e: {  	s19 =	sor.u32 s18, s19;
	v2 =	vpack.i.f32.bf16 v3, v2  }
0x28f: {  	[tilespmem:s19+$0x14500] =	vst v2  }
0x290: {  	v2 =	vld.idx.msk [tilespmem:v47+s28+$0x0], $0xffff  }
0x291: {  	v3 =	vld.idx.msk [tilespmem:v48+s28+$0x0], $0xffff  }
0x292: {  	v55 =	vld.idx.msk [tilespmem:v47+s29+$0x0], $0xffff  }
0x293: {  	v56 =	vld.idx.msk [tilespmem:v48+s29+$0x0], $0xffff;
	_ =	sdelay $0x3  }
0x294: {  	s20 =	sadd.s32 $0xFFFFD800, s17  }
0x295: {  	s19 =	sand.u32 $0x3F00, s20;
	v2 =	vadd.f32 v55, v2;
	v3 =	vadd.f32 v56, v3  }
0x296: {  	s19 =	sshrl.u32 s19, $0x1  }
0x297: {  	s19 =	sor.u32 s18, s19;
	v2 =	vpack.i.f32.bf16 v3, v2  }
0x298: {  	[tilespmem:s19+$0x14500] =	vst v2  }
0x299: {  	v2 =	vld.idx.msk [tilespmem:v47+s30+$0x0], $0xffff  }
0x29a: {  	v3 =	vld.idx.msk [tilespmem:v48+s30+$0x0], $0xffff  }
0x29b: {  	v57 =	vld.idx.msk [tilespmem:v47+s31+$0x0], $0xffff  }
0x29c: {  	v58 =	vld.idx.msk [tilespmem:v48+s31+$0x0], $0xffff;
	_ =	sdelay $0x3  }
0x29d: {  	s20 =	sadd.s32 $0xFFFFE200, s17  }
0x29e: {  	s19 =	sand.u32 $0x3F00, s20;
	v2 =	vadd.f32 v57, v2;
	v3 =	vadd.f32 v58, v3  }
0x29f: {  	s19 =	sshrl.u32 s19, $0x1  }
0x2a0: {  	s19 =	sor.u32 s18, s19;
	v2 =	vpack.i.f32.bf16 v3, v2  }
0x2a1: {  	[tilespmem:s19+$0x14500] =	vst v2  }
0x2a2: {  	v2 =	vld.idx.msk [tilespmem:v47+s0+$0x0], $0xffff  }
0x2a3: {  	v3 =	vld.idx.msk [tilespmem:v48+s0+$0x0], $0xffff  }
0x2a4: {  	v59 =	vld.idx.msk [tilespmem:v47+s1+$0x0], $0xffff  }
0x2a5: {  	v60 =	vld.idx.msk [tilespmem:v48+s1+$0x0], $0xffff;
	_ =	sdelay $0x3  }
0x2a6: {  	s20 =	sadd.s32 $0xFFFFEC00, s17  }
0x2a7: {  	s19 =	sand.u32 $0x7F00, s20;
	v2 =	vadd.f32 v59, v2;
	v3 =	vadd.f32 v60, v3  }
0x2a8: {  	s19 =	sshrl.u32 s19, $0x1  }
0x2a9: {  	s19 =	sor.u32 s18, s19;
	v2 =	vpack.i.f32.bf16 v3, v2  }
0x2aa: {  	[tilespmem:s19+$0x14500] =	vst v2  }
0x2ab: {  	v2 =	vld.idx.msk [tilespmem:v47+s11+$0x0], $0xffff  }
0x2ac: {  	v3 =	vld.idx.msk [tilespmem:v48+s11+$0x0], $0xffff  }
0x2ad: {  	v61 =	vld.idx.msk [tilespmem:v47+s7+$0x0], $0xffff  }
0x2ae: {  	v62 =	vld.idx.msk [tilespmem:v48+s7+$0x0], $0xffff;
	_ =	sdelay $0x3  }
0x2af: {  	s20 =	sadd.s32 $0xFFFFF600, s17  }
0x2b0: {  	s19 =	sand.u32 $0x7F00, s20;
	v2 =	vadd.f32 v61, v2;
	v3 =	vadd.f32 v62, v3  }
0x2b1: {  	s19 =	sshrl.u32 s19, $0x1  }
0x2b2: {  	s19 =	sor.u32 s18, s19;
	v2 =	vpack.i.f32.bf16 v3, v2  }
0x2b3: {  	[tilespmem:s19+$0x14500] =	vst v2  }
0x2b4: {  	v2 =	vld.idx.msk [tilespmem:v47+s8+$0x0], $0xffff  }
0x2b5: {  	v3 =	vld.idx.msk [tilespmem:v48+s8+$0x0], $0xffff  }
0x2b6: {  	v63 =	vld.idx.msk [tilespmem:v47+s9+$0x0], $0xffff  }
0x2b7: {  	v4 =	vld.idx.msk [tilespmem:v48+s9+$0x0], $0xffff;
	_ =	sdelay $0x1  }
0x2b8: {  	s15 =	sadd.s32 $0x5, s15  }
0x2b9: {  	p0 =	slt.u32 s15, $0x4B  }
.Ltmp2:
0x2ba: {  	_ = 	snop;
	(pc) =	sbr.rel @p0 .LBB2_3-.Ltmp2, $4  }
0x2bb: {  	s20 =	sand.u32 $0x5F00, s17;
	v2 =	vadd.f32 v63, v2;
	v3 =	vadd.f32 v4, v3  }
0x2bc: {  	s19 =	sshrl.u32 s20, $0x1  }
0x2bd: {  	s18 =	sor.u32 s18, s19;
	v2 =	vpack.i.f32.bf16 v3, v2  }
0x2be: {  	s16 =	sadd.s32 $0x140, s16;
	s17 =	sadd.s32 $0xA0, s17;
	[tilespmem:s18+$0x14500] =	vst v2  }
0x2bf: {  	s15 =	rddreg [dreg:$0x5]  }
0x2c0: {  	s0 =	rddreg [dreg:$0xc]  }
0x2c1: {  	s16 =	rddreg [dreg:$0x6];
	s24 =	simm.s32 $0x0;
	s25 =	simm.s32 $0x14500  }
0x2c2: {  	s26 =	rddreg [dreg:$0xb];
	s28 =	simm.s32 $0xC300;
	s15 =	sadd.s32 s15, s0  }
0x2c3: {  	s29 =	simm.s32 $0x2D00;
	p0 =	seq.s32 s26, $0x1F;
	s15 =	smul.u32 $0xA0, s15  }
.Ltmp3:
0x2c4: {  	s30 =	simm.s32 $0xCD00;
	s31 =	simm.s32 $0x3700;
	(pc) =	sbr.rel @p0 .LBB2_6-.Ltmp3, $4  }
0x2c5: {  	s11 =	simm.s32 $0xD700;
	s9 =	simm.s32 $0x4100;
	s8 =	simm.s32 $0xE100  }
0x2c6: {  	s7 =	simm.s32 $0x4B00;
	s1 =	simm.s32 $0xEB00;
	s15 =	sadd.s32 s16, s15  }
0x2c7: {  	[hbm4b:s15+s24] =	stream.linear.scatter [tilespmem:s25], [sflag:$0x5], $0x2800, $0x38;
	[tilespmem:$0x19500] =	vst v63  }
0x2c8: {  	s26 =	simm.s32 $0x2300;
	s24 =	simm.s32 $0x1900;
	s25 =	simm.s32 $0xB900  }
0x2c9: {  	s0 =	rddreg [dreg:$0xc]  }
0x2ca: {  	v3 =	vld [tilespmem:s0+$0x10];
	_ =	sdelay $0x4  }
0x2cb: {  	(v2sf) =	vpush v3, $0x0  }
0x2cc: {  	v2 =	vld [tilespmem:s0+$0x290];
	_ =	sdelay $0x4  }
0x2cd: {  	(v2sf) =	vpush v2, $0x0;
	_ =	sdelay $0x5  }
0x2ce: {  	(v2sf) =	vpush v3, $0x1;
	_ =	sdelay $0x2  }
0x2cf: {  	s15 =	spop (v2sf)  }
0x2d0: {  	s16 =	sshrl.u32 s15, $0x3  }
0x2d1: {  	(v2sf) =	vpush v2, $0x1;
	s15 =	sshll.u32 s15, $0x7;
	s16 =	smul.u32 $0x5000, s16  }
0x2d2: {  	s15 =	sand.u32 $0x380, s15  }
0x2d3: {  	s15 =	sor.u32 s15, s16  }
0x2d4: {  	s17 =	rddreg [dreg:$0x2];
	s19 =	simm.s32 $0x80;
	s15 =	sshrl.u32 s15, $0x3  }
0x2d5: {  	s20 =	simm.s32 $0x400;
	s18 =	spop (v2sf);
	s15 =	sadd.s32 s17, s15  }
0x2d6: {  	[tilespmem:s21], [sflag:$0x1] =	stream.strided.gather [hbm4b:s15+s19], $0xA00, s20, s19, $0x38;
	[tilespmem:$0x19500] =	vst v63  }
0x2d7: {  	(v2sf) =	vpush v3, $0x2;
	s21 =	sshrl.u32 s18, $0x3  }
0x2d8: {  	s15 =	sshll.u32 s18, $0x7;
	s16 =	smul.u32 $0x5000, s21  }
0x2d9: {  	s15 =	sand.u32 $0x380, s15  }
0x2da: {  	s15 =	sor.u32 s15, s16  }
0x2db: {  	s0 =	spop (v2sf);
	s18 =	rddreg [dreg:$0x3];
	s15 =	sshrl.u32 s15, $0x3  }
0x2dc: {  	s21 =	sshrl.u32 s0, $0x3;
	s15 =	sadd.s32 s18, s15  }
0x2dd: {  	[tilespmem:s22], [sflag:$0x3] =	stream.strided.gather [hbm4b:s15+s19], $0xA00, s20, s19, $0x38;
	[tilespmem:$0x19500] =	vst v63  }
0x2de: {  	s16 =	sshll.u32 s0, $0x7;
	s15 =	smul.u32 $0x5000, s21  }
0x2df: {  	s16 =	sand.u32 $0x380, s16  }
0x2e0: {  	s15 =	sor.u32 s16, s15;
	s0 =	spop (v2sf);
	(v2sf) =	vpush v2, $0x2  }
0x2e1: {  	s15 =	sshrl.u32 s15, $0x3  }
0x2e2: {  	s21 =	sshrl.u32 s0, $0x3;
	s15 =	sadd.s32 s17, s15  }
0x2e3: {  	[tilespmem:s23], [sflag:$0x1] =	stream.strided.gather [hbm4b:s15+s19], $0xA00, s20, s19, $0x38;
	[tilespmem:$0x19500] =	vst v63  }
0x2e4: {  	s16 =	smul.u32 $0x5000, s21;
	s15 =	sshll.u32 s0, $0x7  }
0x2e5: {  	s15 =	sand.u32 $0x380, s15  }
0x2e6: {  	s15 =	sor.u32 s15, s16;
	s16 =	spop (v2sf);
	(v2sf) =	vpush v3, $0x3;
	_ =	sdelay $0x4  }
0x2e7: {  	s15 =	sshrl.u32 s15, $0x3  }
0x2e8: {  	s0 =	simm.s32 $0xAF00;
	s15 =	sadd.s32 s18, s15  }
0x2e9: {  	[tilespmem:s0], [sflag:$0x3] =	stream.strided.gather [hbm4b:s15+s19], $0xA00, s20, s19, $0x38;
	[tilespmem:$0x19500] =	vst v63  }
0x2ea: {  	s0 =	sshrl.u32 s16, $0x3  }
0x2eb: {  	s16 =	sshll.u32 s16, $0x7;
	s15 =	smul.u32 $0x5000, s0;
	s21 =	spop (v2sf);
	(v2sf) =	vpush v2, $0x3  }
0x2ec: {  	s16 =	sand.u32 $0x380, s16  }
0x2ed: {  	s15 =	sor.u32 s16, s15  }
0x2ee: {  	s15 =	sshrl.u32 s15, $0x3  }
0x2ef: {  	s15 =	sadd.s32 s17, s15  }
0x2f0: {  	[tilespmem:s24], [sflag:$0x1] =	stream.strided.gather [hbm4b:s15+s19], $0xA00, s20, s19, $0x38;
	[tilespmem:$0x19500] =	vst v63  }
0x2f1: {  	s0 =	sshrl.u32 s21, $0x3;
	s15 =	sshll.u32 s21, $0x7;
	s21 =	spop (v2sf);
	(v2sf) =	vpush v3, $0x4  }
0x2f2: {  	_ =	sdelay $0x1  }
0x2f3: {  	s16 =	smul.u32 $0x5000, s0  }
0x2f4: {  	s15 =	sand.u32 $0x380, s15  }
0x2f5: {  	s15 =	sor.u32 s15, s16  }
0x2f6: {  	s15 =	sshrl.u32 s15, $0x3  }
0x2f7: {  	s15 =	sadd.s32 s18, s15;
	s0 =	sshrl.u32 s21, $0x3  }
0x2f8: {  	[tilespmem:s25], [sflag:$0x3] =	stream.strided.gather [hbm4b:s15+s19], $0xA00, s20, s19, $0x38;
	[tilespmem:$0x19500] =	vst v63  }
0x2f9: {  	s16 =	sshll.u32 s21, $0x7;
	s15 =	smul.u32 $0x5000, s0;
	s21 =	spop (v2sf);
	(v2sf) =	vpush v2, $0x4  }
0x2fa: {  	s16 =	sand.u32 $0x380, s16  }
0x2fb: {  	s15 =	sor.u32 s16, s15  }
0x2fc: {  	s15 =	sshrl.u32 s15, $0x3  }
0x2fd: {  	s15 =	sadd.s32 s17, s15  }
0x2fe: {  	[tilespmem:s26], [sflag:$0x1] =	stream.strided.gather [hbm4b:s15+s19], $0xA00, s20, s19, $0x38;
	[tilespmem:$0x19500] =	vst v63  }
0x2ff: {  	s0 =	sshrl.u32 s21, $0x3;
	s15 =	sshll.u32 s21, $0x7;
	s21 =	spop (v2sf);
	(v2sf) =	vpush v3, $0x5  }
0x300: {  	_ =	sdelay $0x1  }
0x301: {  	s16 =	smul.u32 $0x5000, s0  }
0x302: {  	s15 =	sand.u32 $0x380, s15  }
0x303: {  	s15 =	sor.u32 s15, s16  }
0x304: {  	s15 =	sshrl.u32 s15, $0x3  }
0x305: {  	s15 =	sadd.s32 s18, s15;
	s0 =	sshrl.u32 s21, $0x3  }
0x306: {  	[tilespmem:s28], [sflag:$0x3] =	stream.strided.gather [hbm4b:s15+s19], $0xA00, s20, s19, $0x38;
	[tilespmem:$0x19500] =	vst v63  }
0x307: {  	s16 =	sshll.u32 s21, $0x7;
	s15 =	smul.u32 $0x5000, s0;
	s21 =	spop (v2sf);
	(v2sf) =	vpush v2, $0x5  }
0x308: {  	s16 =	sand.u32 $0x380, s16  }
0x309: {  	s15 =	sor.u32 s16, s15  }
0x30a: {  	s15 =	sshrl.u32 s15, $0x3  }
0x30b: {  	s15 =	sadd.s32 s17, s15  }
0x30c: {  	[tilespmem:s29], [sflag:$0x1] =	stream.strided.gather [hbm4b:s15+s19], $0xA00, s20, s19, $0x38;
	[tilespmem:$0x19500] =	vst v63  }
0x30d: {  	s0 =	sshrl.u32 s21, $0x3;
	s15 =	sshll.u32 s21, $0x7;
	s21 =	spop (v2sf);
	(v2sf) =	vpush v3, $0x6  }
0x30e: {  	s16 =	smul.u32 $0x5000, s0  }
0x30f: {  	s15 =	sand.u32 $0x380, s15  }
0x310: {  	s15 =	sor.u32 s15, s16  }
0x311: {  	s15 =	sshrl.u32 s15, $0x3  }
0x312: {  	s15 =	sadd.s32 s18, s15;
	s0 =	sshrl.u32 s21, $0x3  }
0x313: {  	[tilespmem:s30], [sflag:$0x3] =	stream.strided.gather [hbm4b:s15+s19], $0xA00, s20, s19, $0x38;
	[tilespmem:$0x19500] =	vst v63  }
0x314: {  	s16 =	sshll.u32 s21, $0x7;
	s15 =	smul.u32 $0x5000, s0  }
0x315: {  	s16 =	sand.u32 $0x380, s16  }
0x316: {  	s15 =	sor.u32 s16, s15;
	s21 =	spop (v2sf);
	(v2sf) =	vpush v2, $0x6  }
0x317: {  	s15 =	sshrl.u32 s15, $0x3  }
0x318: {  	s15 =	sadd.s32 s17, s15  }
0x319: {  	[tilespmem:s31], [sflag:$0x1] =	stream.strided.gather [hbm4b:s15+s19], $0xA00, s20, s19, $0x38;
	[tilespmem:$0x19500] =	vst v63  }
0x31a: {  	s31 =	sshrl.u32 s21, $0x3  }
0x31b: {  	s15 =	sshll.u32 s21, $0x7;
	s16 =	smul.u32 $0x5000, s31  }
0x31c: {  	s15 =	sand.u32 $0x380, s15;
	s0 =	spop (v2sf);
	(v2sf) =	vpush v3, $0x7  }
0x31d: {  	s15 =	sor.u32 s15, s16  }
0x31e: {  	s15 =	sshrl.u32 s15, $0x3  }
0x31f: {  	s15 =	sadd.s32 s18, s15;
	s21 =	sshrl.u32 s0, $0x3  }
0x320: {  	[tilespmem:s11], [sflag:$0x3] =	stream.strided.gather [hbm4b:s15+s19], $0xA00, s20, s19, $0x38;
	[tilespmem:$0x19500] =	vst v63  }
0x321: {  	s16 =	sshll.u32 s0, $0x7;
	s15 =	smul.u32 $0x5000, s21  }
0x322: {  	s16 =	sand.u32 $0x380, s16  }
0x323: {  	s15 =	sor.u32 s16, s15  }
0x324: {  	s15 =	sshrl.u32 s15, $0x3  }
0x325: {  	s15 =	sadd.s32 s17, s15;
	s31 =	spop (v2sf);
	(v2sf) =	vpush v2, $0x7  }
0x326: {  	[tilespmem:s9], [sflag:$0x1] =	stream.strided.gather [hbm4b:s15+s19], $0xA00, s20, s19, $0x38;
	[tilespmem:$0x19500] =	vst v63  }
0x327: {  	s0 =	sshrl.u32 s31, $0x3  }
0x328: {  	s15 =	sshll.u32 s31, $0x7;
	s16 =	smul.u32 $0x5000, s0  }
0x329: {  	s15 =	sand.u32 $0x380, s15  }
0x32a: {  	s15 =	sor.u32 s15, s16  }
0x32b: {  	s15 =	sshrl.u32 s15, $0x3;
	s9 =	spop (v2sf)  }
0x32c: {  	s15 =	sadd.s32 s18, s15;
	s11 =	sshrl.u32 s9, $0x3  }
0x32d: {  	[tilespmem:s8], [sflag:$0x3] =	stream.strided.gather [hbm4b:s15+s19], $0xA00, s20, s19, $0x38;
	[tilespmem:$0x19500] =	vst v63  }
0x32e: {  	s16 =	sshll.u32 s9, $0x7;
	s15 =	smul.u32 $0x5000, s11  }
0x32f: {  	s16 =	sand.u32 $0x380, s16  }
0x330: {  	s15 =	sor.u32 s16, s15  }
0x331: {  	s15 =	sshrl.u32 s15, $0x3  }
0x332: {  	s15 =	sadd.s32 s17, s15  }
0x333: {  	[tilespmem:s7], [sflag:$0x1] =	stream.strided.gather [hbm4b:s15+s19], $0xA00, s20, s19, $0x38;
	[tilespmem:$0x19500] =	vst v63  }
0x334: {  	s21 =	spop (v2sf)  }
0x335: {  	s31 =	sshrl.u32 s21, $0x3  }
0x336: {  	s15 =	sshll.u32 s21, $0x7;
	s16 =	smul.u32 $0x5000, s31  }
0x337: {  	s15 =	sand.u32 $0x380, s15  }
0x338: {  	s15 =	sor.u32 s15, s16  }
0x339: {  	s15 =	sshrl.u32 s15, $0x3  }
0x33a: {  	s15 =	sadd.s32 s18, s15  }
0x33b: {  	[tilespmem:s1], [sflag:$0x3] =	stream.strided.gather [hbm4b:s15+s19], $0xA00, s20, s19, $0x38;
	[tilespmem:$0x19500] =	vst v63  }
.LBB2_6:
0x33c: {  	s0 =	simm.s32 $0x2  }
0x33d: {  	_ =	swait.ge [sflag:s0], $0xA00  }
0x33e: {  	[sflag:s0] =	ssyncset.done $0x0  }
0x33f: {  	s1 =	simm.s32 $0x4;
	[sflag:s0] =	ssyncadd.s32 $0xFFFFF600  }
0x340: {  	_ =	swait.ge [sflag:s1], $0xA00  }
0x341: {  	[sflag:s1] =	ssyncset.done $0x0  }
0x342: {  	[sflag:s1] =	ssyncadd.s32 $0xFFFFF600  }
0x343: {  	_ =	swait.ge [sflag:s0], $0xA00  }
0x344: {  	[sflag:s0] =	ssyncset.done $0x0  }
0x345: {  	[sflag:s0] =	ssyncadd.s32 $0xFFFFF600  }
0x346: {  	_ =	swait.ge [sflag:s1], $0xA00  }
0x347: {  	[sflag:s1] =	ssyncset.done $0x0  }
0x348: {  	[sflag:s1] =	ssyncadd.s32 $0xFFFFF600  }
0x349: {  	_ =	swait.ge [sflag:s0], $0xA00  }
0x34a: {  	[sflag:s0] =	ssyncset.done $0x0  }
0x34b: {  	[sflag:s0] =	ssyncadd.s32 $0xFFFFF600  }
0x34c: {  	_ =	swait.ge [sflag:s1], $0xA00  }
0x34d: {  	[sflag:s1] =	ssyncset.done $0x0  }
0x34e: {  	[sflag:s1] =	ssyncadd.s32 $0xFFFFF600  }
0x34f: {  	_ =	swait.ge [sflag:s0], $0xA00  }
0x350: {  	[sflag:s0] =	ssyncset.done $0x0  }
0x351: {  	[sflag:s0] =	ssyncadd.s32 $0xFFFFF600  }
0x352: {  	_ =	swait.ge [sflag:s1], $0xA00  }
0x353: {  	[sflag:s1] =	ssyncset.done $0x0  }
0x354: {  	[sflag:s1] =	ssyncadd.s32 $0xFFFFF600  }
0x355: {  	_ =	swait.ge [sflag:s0], $0xA00  }
0x356: {  	[sflag:s0] =	ssyncset.done $0x0  }
0x357: {  	[sflag:s0] =	ssyncadd.s32 $0xFFFFF600  }
0x358: {  	_ =	swait.ge [sflag:s1], $0xA00  }
0x359: {  	[sflag:s1] =	ssyncset.done $0x0  }
0x35a: {  	[sflag:s1] =	ssyncadd.s32 $0xFFFFF600  }
0x35b: {  	_ =	swait.ge [sflag:s0], $0xA00  }
0x35c: {  	[sflag:s0] =	ssyncset.done $0x0  }
0x35d: {  	[sflag:s0] =	ssyncadd.s32 $0xFFFFF600  }
0x35e: {  	_ =	swait.ge [sflag:s1], $0xA00  }
0x35f: {  	[sflag:s1] =	ssyncset.done $0x0  }
0x360: {  	[sflag:s1] =	ssyncadd.s32 $0xFFFFF600  }
0x361: {  	_ =	swait.ge [sflag:s0], $0xA00  }
0x362: {  	[sflag:s0] =	ssyncset.done $0x0  }
0x363: {  	[sflag:s0] =	ssyncadd.s32 $0xFFFFF600  }
0x364: {  	_ =	swait.ge [sflag:s1], $0xA00  }
0x365: {  	[sflag:s1] =	ssyncset.done $0x0  }
0x366: {  	[sflag:s1] =	ssyncadd.s32 $0xFFFFF600  }
0x367: {  	_ =	swait.ge [sflag:s0], $0xA00  }
0x368: {  	s15 =	simm.s32 $0xFFFFFFFB;
	s16 =	simm.s32 $0x0;
	[sflag:s0] =	ssyncset.done $0x0  }
0x369: {  	s17 =	simm.s32 $0x4680;
	s9 =	simm.s32 $0x5500;
	[sflag:s0] =	ssyncadd.s32 $0xFFFFF600  }
0x36a: {  	s21 =	simm.s32 $0xF500;
	s8 =	simm.s32 $0x5F00;
	_ =	swait.ge [sflag:s1], $0xA00  }
0x36b: {  	s7 =	simm.s32 $0xFF00;
	s11 =	simm.s32 $0x6900;
	[sflag:s1] =	ssyncset.done $0x0  }
0x36c: {  	s0 =	simm.s32 $0x7300;
	[sflag:s1] =	ssyncadd.s32 $0xFFFFF600;
	s1 =	simm.s32 $0x10900  }
.LBB2_7:
0x36d: {  	s18 =	sadd.s32 $0xFFFFB980, s17  }
0x36e: {  	v2 =	vor.u32 s18, v0  }
0x36f: {  	v3 =	vor.u32 s18, v1;
	_ =	sdelay $0x3  }
0x370: {  	v4 =	vld.idx.msk [tilespmem:v2+s9+$0x0], $0xffff  }
0x371: {  	v5 =	vld.idx.msk [tilespmem:v3+s9+$0x0], $0xffff  }
0x372: {  	v6 =	vld.idx.msk [tilespmem:v2+s21+$0x0], $0xffff  }
0x373: {  	v7 =	vld.idx.msk [tilespmem:v3+s21+$0x0], $0xffff;
	_ =	sdelay $0x4  }
0x374: {  	s19 =	sshrl.u32 s16, $0x1;
	s18 =	sand.u32 $0xF00, s18;
	v4 =	vadd.f32 v6, v4;
	v5 =	vadd.f32 v7, v5  }
0x375: {  	s20 =	sshrl.u32 s18, $0x1;
	s18 =	sand.u32 $0x60, s19  }
0x376: {  	s19 =	sor.u32 s18, s20;
	v4 =	vpack.i.f32.bf16 v5, v4  }
0x377: {  	[tilespmem:s19+$0x16D00] =	vst v4  }
0x378: {  	v4 =	vld.idx.msk [tilespmem:v2+s8+$0x0], $0xffff  }
0x379: {  	v32 =	vld.idx.msk [tilespmem:v3+s8+$0x0], $0xffff  }
0x37a: {  	v33 =	vld.idx.msk [tilespmem:v2+s7+$0x0], $0xffff  }
0x37b: {  	v34 =	vld.idx.msk [tilespmem:v3+s7+$0x0], $0xffff;
	_ =	sdelay $0x4  }
0x37c: {  	v4 =	vadd.f32 v33, v4;
	v5 =	vadd.f32 v34, v32;
	_ =	sdelay $0x1  }
0x37d: {  	v4 =	vpack.i.f32.bf16 v5, v4  }
0x37e: {  	[tilespmem:s19+$0x17200] =	vst v4  }
0x37f: {  	v4 =	vld.idx.msk [tilespmem:v2+s11+$0x0], $0xffff  }
0x380: {  	v35 =	vld.idx.msk [tilespmem:v3+s11+$0x0], $0xffff  }
0x381: {  	v36 =	vld.idx.msk [tilespmem:v2+s1+$0x0], $0xffff  }
0x382: {  	v37 =	vld.idx.msk [tilespmem:v3+s1+$0x0], $0xffff;
	_ =	sdelay $0x4  }
0x383: {  	v4 =	vadd.f32 v36, v4;
	v5 =	vadd.f32 v37, v35;
	_ =	sdelay $0x1  }
0x384: {  	v4 =	vpack.i.f32.bf16 v5, v4  }
0x385: {  	[tilespmem:s19+$0x17700] =	vst v4  }
0x386: {  	v4 =	vld.idx.msk [tilespmem:v2+s0+$0x0], $0xffff  }
0x387: {  	v38 =	vld.idx.msk [tilespmem:v3+s0+$0x0], $0xffff  }
0x388: {  	v39 =	vld.idx.msk [tilespmem:v2+s10+$0x0], $0xffff  }
0x389: {  	v40 =	vld.idx.msk [tilespmem:v3+s10+$0x0], $0xffff;
	_ =	sdelay $0x4  }
0x38a: {  	v4 =	vadd.f32 v39, v4;
	v5 =	vadd.f32 v40, v38;
	_ =	sdelay $0x1  }
0x38b: {  	v4 =	vpack.i.f32.bf16 v5, v4  }
0x38c: {  	[tilespmem:s19+$0x17C00] =	vst v4  }
0x38d: {  	v4 =	vld.idx.msk [tilespmem:v2+s4+$0x0], $0xffff  }
0x38e: {  	v41 =	vld.idx.msk [tilespmem:v3+s4+$0x0], $0xffff  }
0x38f: {  	v42 =	vld.idx.msk [tilespmem:v2+s5+$0x0], $0xffff  }
0x390: {  	v43 =	vld.idx.msk [tilespmem:v3+s5+$0x0], $0xffff;
	_ =	sdelay $0x4  }
0x391: {  	v4 =	vadd.f32 v42, v4;
	v5 =	vadd.f32 v43, v41;
	_ =	sdelay $0x1  }
0x392: {  	v4 =	vpack.i.f32.bf16 v5, v4  }
0x393: {  	[tilespmem:s19+$0x18100] =	vst v4  }
0x394: {  	v4 =	vld.idx.msk [tilespmem:v2+s6+$0x0], $0xffff  }
0x395: {  	v44 =	vld.idx.msk [tilespmem:v3+s6+$0x0], $0xffff  }
0x396: {  	v45 =	vld.idx.msk [tilespmem:v2+s2+$0x0], $0xffff  }
0x397: {  	v46 =	vld.idx.msk [tilespmem:v3+s2+$0x0], $0xffff;
	_ =	sdelay $0x4  }
0x398: {  	v4 =	vadd.f32 v45, v4;
	v5 =	vadd.f32 v46, v44;
	_ =	sdelay $0x1  }
0x399: {  	v4 =	vpack.i.f32.bf16 v5, v4  }
0x39a: {  	[tilespmem:s19+$0x18600] =	vst v4  }
0x39b: {  	v4 =	vld.idx.msk [tilespmem:v2+s3+$0x0], $0xffff  }
0x39c: {  	v47 =	vld.idx.msk [tilespmem:v3+s3+$0x0], $0xffff  }
0x39d: {  	v48 =	vld.idx.msk [tilespmem:v2+s12+$0x0], $0xffff  }
0x39e: {  	v49 =	vld.idx.msk [tilespmem:v3+s12+$0x0], $0xffff;
	_ =	sdelay $0x4  }
0x39f: {  	v4 =	vadd.f32 v48, v4;
	v5 =	vadd.f32 v49, v47;
	_ =	sdelay $0x1  }
0x3a0: {  	v4 =	vpack.i.f32.bf16 v5, v4  }
0x3a1: {  	[tilespmem:s19+$0x18B00] =	vst v4  }
0x3a2: {  	v4 =	vld.idx.msk [tilespmem:v2+s13+$0x0], $0xffff  }
0x3a3: {  	v50 =	vld.idx.msk [tilespmem:v3+s13+$0x0], $0xffff  }
0x3a4: {  	v2 =	vld.idx.msk [tilespmem:v2+s14+$0x0], $0xffff  }
0x3a5: {  	v3 =	vld.idx.msk [tilespmem:v3+s14+$0x0], $0xffff;
	_ =	sdelay $0x2  }
0x3a6: {  	s20 =	sadd.s32 $0xFFFFB9A0, s17  }
0x3a7: {  	v51 =	vor.u32 s20, v0  }
0x3a8: {  	v52 =	vor.u32 s20, v1;
	v2 =	vadd.f32 v2, v4;
	v3 =	vadd.f32 v3, v50;
	_ =	sdelay $0x1  }
0x3a9: {  	v2 =	vpack.i.f32.bf16 v3, v2  }
0x3aa: {  	[tilespmem:s19+$0x19000] =	vst v2  }
0x3ab: {  	v2 =	vld.idx.msk [tilespmem:v51+s9+$0x0], $0xffff  }
0x3ac: {  	v3 =	vld.idx.msk [tilespmem:v52+s9+$0x0], $0xffff  }
0x3ad: {  	v53 =	vld.idx.msk [tilespmem:v51+s21+$0x0], $0xffff  }
0x3ae: {  	v54 =	vld.idx.msk [tilespmem:v52+s21+$0x0], $0xffff;
	_ =	sdelay $0x3  }
0x3af: {  	s31 =	sadd.s32 $0x40, s16  }
0x3b0: {  	s20 =	sand.u32 $0x1F00, s20;
	s19 =	sand.u32 $0xC0, s31;
	v2 =	vadd.f32 v53, v2;
	v3 =	vadd.f32 v54, v3  }
0x3b1: {  	s19 =	sor.u32 s19, s20  }
0x3b2: {  	s19 =	sshrl.u32 s19, $0x1;
	v2 =	vpack.i.f32.bf16 v3, v2  }
0x3b3: {  	[tilespmem:s19+$0x16D00] =	vst v2  }
0x3b4: {  	v2 =	vld.idx.msk [tilespmem:v51+s8+$0x0], $0xffff  }
0x3b5: {  	v3 =	vld.idx.msk [tilespmem:v52+s8+$0x0], $0xffff  }
0x3b6: {  	v55 =	vld.idx.msk [tilespmem:v51+s7+$0x0], $0xffff  }
0x3b7: {  	v56 =	vld.idx.msk [tilespmem:v52+s7+$0x0], $0xffff;
	_ =	sdelay $0x3  }
0x3b8: {  	s31 =	sadd.s32 $0x1440, s16;
	s21 =	sadd.s32 $0xFFFFC3A0, s17  }
0x3b9: {  	s20 =	sand.u32 $0xC0, s31;
	s19 =	sand.u32 $0x1F00, s21;
	v2 =	vadd.f32 v55, v2;
	v3 =	vadd.f32 v56, v3  }
0x3ba: {  	s19 =	sor.u32 s20, s19  }
0x3bb: {  	s19 =	sshrl.u32 s19, $0x1;
	v2 =	vpack.i.f32.bf16 v3, v2  }
0x3bc: {  	[tilespmem:s19+$0x16D00] =	vst v2  }
0x3bd: {  	v2 =	vld.idx.msk [tilespmem:v51+s11+$0x0], $0xffff  }
0x3be: {  	v3 =	vld.idx.msk [tilespmem:v52+s11+$0x0], $0xffff  }
0x3bf: {  	v57 =	vld.idx.msk [tilespmem:v51+s1+$0x0], $0xffff  }
0x3c0: {  	v58 =	vld.idx.msk [tilespmem:v52+s1+$0x0], $0xffff;
	_ =	sdelay $0x3  }
0x3c1: {  	s7 =	sadd.s32 $0xFFFFCDA0, s17;
	s8 =	sadd.s32 $0x2840, s16  }
0x3c2: {  	s20 =	sand.u32 $0xC0, s8;
	s19 =	sand.u32 $0x3F00, s7;
	v2 =	vadd.f32 v57, v2;
	v3 =	vadd.f32 v58, v3  }
0x3c3: {  	s19 =	sor.u32 s20, s19  }
0x3c4: {  	s19 =	sshrl.u32 s19, $0x1;
	v2 =	vpack.i.f32.bf16 v3, v2  }
0x3c5: {  	[tilespmem:s19+$0x16D00] =	vst v2  }
0x3c6: {  	v2 =	vld.idx.msk [tilespmem:v51+s0+$0x0], $0xffff  }
0x3c7: {  	v3 =	vld.idx.msk [tilespmem:v52+s0+$0x0], $0xffff  }
0x3c8: {  	v59 =	vld.idx.msk [tilespmem:v51+s10+$0x0], $0xffff  }
0x3c9: {  	v60 =	vld.idx.msk [tilespmem:v52+s10+$0x0], $0xffff;
	_ =	sdelay $0x3  }
0x3ca: {  	s31 =	sadd.s32 $0x3C40, s16;
	s21 =	sadd.s32 $0xFFFFD7A0, s17  }
0x3cb: {  	s20 =	sand.u32 $0xC0, s31;
	s19 =	sand.u32 $0x3F00, s21;
	v2 =	vadd.f32 v59, v2;
	v3 =	vadd.f32 v60, v3  }
0x3cc: {  	s19 =	sor.u32 s20, s19  }
0x3cd: {  	s19 =	sshrl.u32 s19, $0x1;
	v2 =	vpack.i.f32.bf16 v3, v2  }
0x3ce: {  	[tilespmem:s19+$0x16D00] =	vst v2  }
0x3cf: {  	v2 =	vld.idx.msk [tilespmem:v51+s4+$0x0], $0xffff  }
0x3d0: {  	v3 =	vld.idx.msk [tilespmem:v52+s4+$0x0], $0xffff  }
0x3d1: {  	v61 =	vld.idx.msk [tilespmem:v51+s5+$0x0], $0xffff  }
0x3d2: {  	v62 =	vld.idx.msk [tilespmem:v52+s5+$0x0], $0xffff;
	_ =	sdelay $0x3  }
0x3d3: {  	s8 =	sadd.s32 $0x5040, s16;
	s7 =	sadd.s32 $0xFFFFE1A0, s17  }
0x3d4: {  	s20 =	sand.u32 $0xC0, s8;
	s19 =	sand.u32 $0x3F00, s7;
	v2 =	vadd.f32 v61, v2;
	v3 =	vadd.f32 v62, v3  }
0x3d5: {  	s19 =	sor.u32 s20, s19  }
0x3d6: {  	s19 =	sshrl.u32 s19, $0x1;
	v2 =	vpack.i.f32.bf16 v3, v2  }
0x3d7: {  	[tilespmem:s19+$0x16D00] =	vst v2  }
0x3d8: {  	v2 =	vld.idx.msk [tilespmem:v51+s6+$0x0], $0xffff  }
0x3d9: {  	v3 =	vld.idx.msk [tilespmem:v52+s6+$0x0], $0xffff  }
0x3da: {  	v63 =	vld.idx.msk [tilespmem:v51+s2+$0x0], $0xffff  }
0x3db: {  	v9 =	vld.idx.msk [tilespmem:v52+s2+$0x0], $0xffff;
	_ =	sdelay $0x3  }
0x3dc: {  	s31 =	sadd.s32 $0x6440, s16;
	s21 =	sadd.s32 $0xFFFFEBA0, s17  }
0x3dd: {  	s20 =	sand.u32 $0xC0, s31;
	s19 =	sand.u32 $0x7F00, s21;
	v2 =	vadd.f32 v63, v2;
	v3 =	vadd.f32 v9, v3  }
0x3de: {  	s19 =	sor.u32 s20, s19  }
0x3df: {  	s19 =	sshrl.u32 s19, $0x1;
	v2 =	vpack.i.f32.bf16 v3, v2  }
0x3e0: {  	[tilespmem:s19+$0x16D00] =	vst v2  }
0x3e1: {  	v2 =	vld.idx.msk [tilespmem:v51+s3+$0x0], $0xffff  }
0x3e2: {  	v3 =	vld.idx.msk [tilespmem:v52+s3+$0x0], $0xffff  }
0x3e3: {  	v10 =	vld.idx.msk [tilespmem:v51+s12+$0x0], $0xffff  }
0x3e4: {  	v11 =	vld.idx.msk [tilespmem:v52+s12+$0x0], $0xffff;
	_ =	sdelay $0x3  }
0x3e5: {  	s8 =	sadd.s32 $0x7840, s16;
	s7 =	sadd.s32 $0xFFFFF5A0, s17  }
0x3e6: {  	s20 =	sand.u32 $0xC0, s8;
	s19 =	sand.u32 $0x7F00, s7;
	v2 =	vadd.f32 v10, v2;
	v3 =	vadd.f32 v11, v3  }
0x3e7: {  	s19 =	sor.u32 s20, s19  }
0x3e8: {  	s19 =	sshrl.u32 s19, $0x1;
	v2 =	vpack.i.f32.bf16 v3, v2  }
0x3e9: {  	[tilespmem:s19+$0x16D00] =	vst v2  }
0x3ea: {  	v2 =	vld.idx.msk [tilespmem:v51+s13+$0x0], $0xffff  }
0x3eb: {  	v3 =	vld.idx.msk [tilespmem:v52+s13+$0x0], $0xffff  }
0x3ec: {  	v12 =	vld.idx.msk [tilespmem:v51+s14+$0x0], $0xffff  }
0x3ed: {  	v4 =	vld.idx.msk [tilespmem:v52+s14+$0x0], $0xffff;
	_ =	sdelay $0x2  }
0x3ee: {  	s19 =	sadd.s32 $0xFFFFB9C0, s17  }
0x3ef: {  	s31 =	sadd.s32 $0x8C40, s16;
	s21 =	sadd.s32 $0xFFFFFFA0, s17;
	v13 =	vor.u32 s19, v0  }
0x3f0: {  	s20 =	sand.u32 $0x5F00, s21;
	s21 =	sand.u32 $0xC0, s31;
	v14 =	vor.u32 s19, v1;
	v2 =	vadd.f32 v12, v2;
	v3 =	vadd.f32 v4, v3  }
0x3f1: {  	s20 =	sor.u32 s21, s20  }
0x3f2: {  	s20 =	sshrl.u32 s20, $0x1;
	v2 =	vpack.i.f32.bf16 v3, v2  }
0x3f3: {  	[tilespmem:s20+$0x16D00] =	vst v2  }
0x3f4: {  	v2 =	vld.idx.msk [tilespmem:v13+s9+$0x0], $0xffff  }
0x3f5: {  	s8 =	simm.s32 $0xF500;
	v3 =	vld.idx.msk [tilespmem:v14+s9+$0x0], $0xffff  }
0x3f6: {  	v15 =	vld.idx.msk [tilespmem:v13+s8+$0x0], $0xffff  }
0x3f7: {  	v16 =	vld.idx.msk [tilespmem:v14+s8+$0x0], $0xffff;
	_ =	sdelay $0x3  }
0x3f8: {  	s31 =	sadd.s32 $0x80, s16  }
0x3f9: {  	s19 =	sand.u32 $0x1F00, s19;
	s20 =	sand.u32 $0xC0, s31;
	v2 =	vadd.f32 v15, v2;
	v3 =	vadd.f32 v16, v3  }
0x3fa: {  	s19 =	sor.u32 s20, s19  }
0x3fb: {  	s19 =	sshrl.u32 s19, $0x1;
	v2 =	vpack.i.f32.bf16 v3, v2  }
0x3fc: {  	s7 =	simm.s32 $0x5F00;
	[tilespmem:s19+$0x16D00] =	vst v2  }
0x3fd: {  	v2 =	vld.idx.msk [tilespmem:v13+s7+$0x0], $0xffff  }
0x3fe: {  	v3 =	vld.idx.msk [tilespmem:v14+s7+$0x0], $0xffff;
	s7 =	simm.s32 $0xFF00  }
0x3ff: {  	v17 =	vld.idx.msk [tilespmem:v13+s7+$0x0], $0xffff  }
0x400: {  	v18 =	vld.idx.msk [tilespmem:v14+s7+$0x0], $0xffff;
	_ =	sdelay $0x3  }
0x401: {  	s21 =	sadd.s32 $0xFFFFC3C0, s17;
	s31 =	sadd.s32 $0x1480, s16  }
0x402: {  	s20 =	sand.u32 $0xC0, s31;
	s19 =	sand.u32 $0x1F00, s21;
	v2 =	vadd.f32 v17, v2;
	v3 =	vadd.f32 v18, v3  }
0x403: {  	s19 =	sor.u32 s20, s19  }
0x404: {  	s19 =	sshrl.u32 s19, $0x1;
	v2 =	vpack.i.f32.bf16 v3, v2  }
0x405: {  	[tilespmem:s19+$0x16D00] =	vst v2  }
0x406: {  	v2 =	vld.idx.msk [tilespmem:v13+s11+$0x0], $0xffff  }
0x407: {  	v3 =	vld.idx.msk [tilespmem:v14+s11+$0x0], $0xffff  }
0x408: {  	v19 =	vld.idx.msk [tilespmem:v13+s1+$0x0], $0xffff  }
0x409: {  	v20 =	vld.idx.msk [tilespmem:v14+s1+$0x0], $0xffff;
	_ =	sdelay $0x3  }
0x40a: {  	s31 =	sadd.s32 $0x2880, s16;
	s21 =	sadd.s32 $0xFFFFCDC0, s17  }
0x40b: {  	s20 =	sand.u32 $0xC0, s31;
	s19 =	sand.u32 $0x3F00, s21;
	v2 =	vadd.f32 v19, v2;
	v3 =	vadd.f32 v20, v3  }
0x40c: {  	s19 =	sor.u32 s20, s19  }
0x40d: {  	s19 =	sshrl.u32 s19, $0x1;
	v2 =	vpack.i.f32.bf16 v3, v2  }
0x40e: {  	[tilespmem:s19+$0x16D00] =	vst v2  }
0x40f: {  	v2 =	vld.idx.msk [tilespmem:v13+s0+$0x0], $0xffff  }
0x410: {  	v3 =	vld.idx.msk [tilespmem:v14+s0+$0x0], $0xffff  }
0x411: {  	v21 =	vld.idx.msk [tilespmem:v13+s10+$0x0], $0xffff  }
0x412: {  	v22 =	vld.idx.msk [tilespmem:v14+s10+$0x0], $0xffff;
	_ =	sdelay $0x3  }
0x413: {  	s31 =	sadd.s32 $0x3C80, s16;
	s21 =	sadd.s32 $0xFFFFD7C0, s17  }
0x414: {  	s20 =	sand.u32 $0xC0, s31;
	s19 =	sand.u32 $0x3F00, s21;
	v2 =	vadd.f32 v21, v2;
	v3 =	vadd.f32 v22, v3  }
0x415: {  	s19 =	sor.u32 s20, s19  }
0x416: {  	s19 =	sshrl.u32 s19, $0x1;
	v2 =	vpack.i.f32.bf16 v3, v2  }
0x417: {  	[tilespmem:s19+$0x16D00] =	vst v2  }
0x418: {  	v2 =	vld.idx.msk [tilespmem:v13+s4+$0x0], $0xffff  }
0x419: {  	v3 =	vld.idx.msk [tilespmem:v14+s4+$0x0], $0xffff  }
0x41a: {  	v23 =	vld.idx.msk [tilespmem:v13+s5+$0x0], $0xffff  }
0x41b: {  	v24 =	vld.idx.msk [tilespmem:v14+s5+$0x0], $0xffff;
	_ =	sdelay $0x3  }
0x41c: {  	s31 =	sadd.s32 $0x5080, s16;
	s21 =	sadd.s32 $0xFFFFE1C0, s17  }
0x41d: {  	s20 =	sand.u32 $0xC0, s31;
	s19 =	sand.u32 $0x3F00, s21;
	v2 =	vadd.f32 v23, v2;
	v3 =	vadd.f32 v24, v3  }
0x41e: {  	s19 =	sor.u32 s20, s19  }
0x41f: {  	s19 =	sshrl.u32 s19, $0x1;
	v2 =	vpack.i.f32.bf16 v3, v2  }
0x420: {  	[tilespmem:s19+$0x16D00] =	vst v2  }
0x421: {  	v2 =	vld.idx.msk [tilespmem:v13+s6+$0x0], $0xffff  }
0x422: {  	v3 =	vld.idx.msk [tilespmem:v14+s6+$0x0], $0xffff  }
0x423: {  	v25 =	vld.idx.msk [tilespmem:v13+s2+$0x0], $0xffff  }
0x424: {  	v26 =	vld.idx.msk [tilespmem:v14+s2+$0x0], $0xffff;
	_ =	sdelay $0x3  }
0x425: {  	s31 =	sadd.s32 $0x6480, s16;
	s21 =	sadd.s32 $0xFFFFEBC0, s17  }
0x426: {  	s20 =	sand.u32 $0xC0, s31;
	s19 =	sand.u32 $0x7F00, s21;
	v2 =	vadd.f32 v25, v2;
	v3 =	vadd.f32 v26, v3  }
0x427: {  	s19 =	sor.u32 s20, s19  }
0x428: {  	s19 =	sshrl.u32 s19, $0x1;
	v2 =	vpack.i.f32.bf16 v3, v2  }
0x429: {  	[tilespmem:s19+$0x16D00] =	vst v2  }
0x42a: {  	v2 =	vld.idx.msk [tilespmem:v13+s3+$0x0], $0xffff  }
0x42b: {  	v3 =	vld.idx.msk [tilespmem:v14+s3+$0x0], $0xffff  }
0x42c: {  	v27 =	vld.idx.msk [tilespmem:v13+s12+$0x0], $0xffff  }
0x42d: {  	v28 =	vld.idx.msk [tilespmem:v14+s12+$0x0], $0xffff;
	_ =	sdelay $0x3  }
0x42e: {  	s31 =	sadd.s32 $0x7880, s16;
	s21 =	sadd.s32 $0xFFFFF5C0, s17  }
0x42f: {  	s20 =	sand.u32 $0xC0, s31;
	s19 =	sand.u32 $0x7F00, s21;
	v2 =	vadd.f32 v27, v2;
	v3 =	vadd.f32 v28, v3  }
0x430: {  	s19 =	sor.u32 s20, s19  }
0x431: {  	s19 =	sshrl.u32 s19, $0x1;
	v2 =	vpack.i.f32.bf16 v3, v2  }
0x432: {  	[tilespmem:s19+$0x16D00] =	vst v2  }
0x433: {  	v2 =	vld.idx.msk [tilespmem:v13+s13+$0x0], $0xffff  }
0x434: {  	v3 =	vld.idx.msk [tilespmem:v14+s13+$0x0], $0xffff  }
0x435: {  	v29 =	vld.idx.msk [tilespmem:v13+s14+$0x0], $0xffff  }
0x436: {  	v4 =	vld.idx.msk [tilespmem:v14+s14+$0x0], $0xffff;
	_ =	sdelay $0x2  }
0x437: {  	s19 =	sadd.s32 $0xFFFFB9E0, s17  }
0x438: {  	s31 =	sadd.s32 $0x8C80, s16;
	s21 =	sadd.s32 $0xFFFFFFC0, s17;
	v30 =	vor.u32 s19, v0  }
0x439: {  	s20 =	sand.u32 $0x5F00, s21;
	s21 =	sand.u32 $0xC0, s31;
	v31 =	vor.u32 s19, v1;
	v2 =	vadd.f32 v29, v2;
	v3 =	vadd.f32 v4, v3  }
0x43a: {  	s20 =	sor.u32 s21, s20  }
0x43b: {  	s20 =	sshrl.u32 s20, $0x1;
	v2 =	vpack.i.f32.bf16 v3, v2  }
0x43c: {  	[tilespmem:s20+$0x16D00] =	vst v2  }
0x43d: {  	v2 =	vld.idx.msk [tilespmem:v30+s9+$0x0], $0xffff  }
0x43e: {  	v3 =	vld.idx.msk [tilespmem:v31+s9+$0x0], $0xffff  }
0x43f: {  	v32 =	vld.idx.msk [tilespmem:v30+s8+$0x0], $0xffff  }
0x440: {  	v33 =	vld.idx.msk [tilespmem:v31+s8+$0x0], $0xffff;
	_ =	sdelay $0x3  }
0x441: {  	s31 =	sadd.s32 $0xC0, s16  }
0x442: {  	s19 =	sand.u32 $0x1F00, s19;
	s20 =	sand.u32 $0xC0, s31;
	v2 =	vadd.f32 v32, v2;
	v3 =	vadd.f32 v33, v3  }
0x443: {  	s19 =	sor.u32 s20, s19  }
0x444: {  	s19 =	sshrl.u32 s19, $0x1;
	v2 =	vpack.i.f32.bf16 v3, v2  }
0x445: {  	s8 =	simm.s32 $0x5F00;
	[tilespmem:s19+$0x16D00] =	vst v2  }
0x446: {  	v2 =	vld.idx.msk [tilespmem:v30+s8+$0x0], $0xffff  }
0x447: {  	v3 =	vld.idx.msk [tilespmem:v31+s8+$0x0], $0xffff  }
0x448: {  	v34 =	vld.idx.msk [tilespmem:v30+s7+$0x0], $0xffff  }
0x449: {  	v35 =	vld.idx.msk [tilespmem:v31+s7+$0x0], $0xffff;
	_ =	sdelay $0x3  }
0x44a: {  	s21 =	sadd.s32 $0xFFFFC3E0, s17;
	s31 =	sadd.s32 $0x14C0, s16  }
0x44b: {  	s20 =	sand.u32 $0xC0, s31;
	s19 =	sand.u32 $0x1F00, s21;
	v2 =	vadd.f32 v34, v2;
	v3 =	vadd.f32 v35, v3  }
0x44c: {  	s19 =	sor.u32 s20, s19  }
0x44d: {  	s19 =	sshrl.u32 s19, $0x1;
	v2 =	vpack.i.f32.bf16 v3, v2  }
0x44e: {  	[tilespmem:s19+$0x16D00] =	vst v2  }
0x44f: {  	v2 =	vld.idx.msk [tilespmem:v30+s11+$0x0], $0xffff  }
0x450: {  	v3 =	vld.idx.msk [tilespmem:v31+s11+$0x0], $0xffff  }
0x451: {  	v36 =	vld.idx.msk [tilespmem:v30+s1+$0x0], $0xffff  }
0x452: {  	v37 =	vld.idx.msk [tilespmem:v31+s1+$0x0], $0xffff;
	_ =	sdelay $0x3  }
0x453: {  	s31 =	sadd.s32 $0x28C0, s16;
	s21 =	sadd.s32 $0xFFFFCDE0, s17  }
0x454: {  	s20 =	sand.u32 $0xC0, s31;
	s19 =	sand.u32 $0x3F00, s21;
	v2 =	vadd.f32 v36, v2;
	v3 =	vadd.f32 v37, v3  }
0x455: {  	s19 =	sor.u32 s20, s19  }
0x456: {  	s19 =	sshrl.u32 s19, $0x1;
	v2 =	vpack.i.f32.bf16 v3, v2  }
0x457: {  	[tilespmem:s19+$0x16D00] =	vst v2  }
0x458: {  	v2 =	vld.idx.msk [tilespmem:v30+s0+$0x0], $0xffff  }
0x459: {  	v3 =	vld.idx.msk [tilespmem:v31+s0+$0x0], $0xffff  }
0x45a: {  	v38 =	vld.idx.msk [tilespmem:v30+s10+$0x0], $0xffff  }
0x45b: {  	v39 =	vld.idx.msk [tilespmem:v31+s10+$0x0], $0xffff;
	_ =	sdelay $0x3  }
0x45c: {  	s31 =	sadd.s32 $0x3CC0, s16;
	s21 =	sadd.s32 $0xFFFFD7E0, s17  }
0x45d: {  	s20 =	sand.u32 $0xC0, s31;
	s19 =	sand.u32 $0x3F00, s21;
	v2 =	vadd.f32 v38, v2;
	v3 =	vadd.f32 v39, v3  }
0x45e: {  	s19 =	sor.u32 s20, s19  }
0x45f: {  	s19 =	sshrl.u32 s19, $0x1;
	v2 =	vpack.i.f32.bf16 v3, v2  }
0x460: {  	[tilespmem:s19+$0x16D00] =	vst v2  }
0x461: {  	v2 =	vld.idx.msk [tilespmem:v30+s4+$0x0], $0xffff  }
0x462: {  	v3 =	vld.idx.msk [tilespmem:v31+s4+$0x0], $0xffff  }
0x463: {  	v40 =	vld.idx.msk [tilespmem:v30+s5+$0x0], $0xffff  }
0x464: {  	v41 =	vld.idx.msk [tilespmem:v31+s5+$0x0], $0xffff;
	_ =	sdelay $0x3  }
0x465: {  	s31 =	sadd.s32 $0x50C0, s16;
	s21 =	sadd.s32 $0xFFFFE1E0, s17  }
0x466: {  	s20 =	sand.u32 $0xC0, s31;
	s19 =	sand.u32 $0x3F00, s21;
	v2 =	vadd.f32 v40, v2;
	v3 =	vadd.f32 v41, v3  }
0x467: {  	s19 =	sor.u32 s20, s19  }
0x468: {  	s19 =	sshrl.u32 s19, $0x1;
	v2 =	vpack.i.f32.bf16 v3, v2  }
0x469: {  	[tilespmem:s19+$0x16D00] =	vst v2  }
0x46a: {  	v2 =	vld.idx.msk [tilespmem:v30+s6+$0x0], $0xffff  }
0x46b: {  	v3 =	vld.idx.msk [tilespmem:v31+s6+$0x0], $0xffff  }
0x46c: {  	v42 =	vld.idx.msk [tilespmem:v30+s2+$0x0], $0xffff  }
0x46d: {  	v43 =	vld.idx.msk [tilespmem:v31+s2+$0x0], $0xffff;
	_ =	sdelay $0x3  }
0x46e: {  	s31 =	sadd.s32 $0x64C0, s16;
	s21 =	sadd.s32 $0xFFFFEBE0, s17  }
0x46f: {  	s20 =	sand.u32 $0xC0, s31;
	s19 =	sand.u32 $0x7F00, s21;
	v2 =	vadd.f32 v42, v2;
	v3 =	vadd.f32 v43, v3  }
0x470: {  	s19 =	sor.u32 s20, s19  }
0x471: {  	s19 =	sshrl.u32 s19, $0x1;
	v2 =	vpack.i.f32.bf16 v3, v2  }
0x472: {  	[tilespmem:s19+$0x16D00] =	vst v2  }
0x473: {  	v2 =	vld.idx.msk [tilespmem:v30+s3+$0x0], $0xffff  }
0x474: {  	v3 =	vld.idx.msk [tilespmem:v31+s3+$0x0], $0xffff  }
0x475: {  	v44 =	vld.idx.msk [tilespmem:v30+s12+$0x0], $0xffff  }
0x476: {  	v45 =	vld.idx.msk [tilespmem:v31+s12+$0x0], $0xffff;
	_ =	sdelay $0x3  }
0x477: {  	s31 =	sadd.s32 $0x78C0, s16;
	s21 =	sadd.s32 $0xFFFFF5E0, s17  }
0x478: {  	s20 =	sand.u32 $0xC0, s31;
	s19 =	sand.u32 $0x7F00, s21;
	v2 =	vadd.f32 v44, v2;
	v3 =	vadd.f32 v45, v3  }
0x479: {  	s19 =	sor.u32 s20, s19  }
0x47a: {  	s19 =	sshrl.u32 s19, $0x1;
	v2 =	vpack.i.f32.bf16 v3, v2  }
0x47b: {  	[tilespmem:s19+$0x16D00] =	vst v2  }
0x47c: {  	v2 =	vld.idx.msk [tilespmem:v30+s13+$0x0], $0xffff  }
0x47d: {  	v3 =	vld.idx.msk [tilespmem:v31+s13+$0x0], $0xffff  }
0x47e: {  	v46 =	vld.idx.msk [tilespmem:v30+s14+$0x0], $0xffff  }
0x47f: {  	v4 =	vld.idx.msk [tilespmem:v31+s14+$0x0], $0xffff;
	_ =	sdelay $0x2  }
0x480: {  	s19 =	sadd.s32 $0xFFFFBA00, s17  }
0x481: {  	s31 =	sadd.s32 $0x8CC0, s16;
	s21 =	sadd.s32 $0xFFFFFFE0, s17;
	v47 =	vor.u32 s19, v0  }
0x482: {  	s20 =	sand.u32 $0x5F00, s21;
	s21 =	sand.u32 $0xC0, s31;
	v48 =	vor.u32 s19, v1;
	v2 =	vadd.f32 v46, v2;
	v3 =	vadd.f32 v4, v3  }
0x483: {  	s20 =	sor.u32 s21, s20  }
0x484: {  	s20 =	sshrl.u32 s20, $0x1;
	v2 =	vpack.i.f32.bf16 v3, v2  }
0x485: {  	[tilespmem:s20+$0x16D00] =	vst v2  }
0x486: {  	v2 =	vld.idx.msk [tilespmem:v47+s9+$0x0], $0xffff  }
0x487: {  	s21 =	simm.s32 $0xF500;
	v3 =	vld.idx.msk [tilespmem:v48+s9+$0x0], $0xffff  }
0x488: {  	v49 =	vld.idx.msk [tilespmem:v47+s21+$0x0], $0xffff  }
0x489: {  	v50 =	vld.idx.msk [tilespmem:v48+s21+$0x0], $0xffff;
	_ =	sdelay $0x4  }
0x48a: {  	s19 =	sand.u32 $0x1F00, s19;
	v2 =	vadd.f32 v49, v2;
	v3 =	vadd.f32 v50, v3  }
0x48b: {  	s19 =	sshrl.u32 s19, $0x1  }
0x48c: {  	s19 =	sor.u32 s18, s19;
	v2 =	vpack.i.f32.bf16 v3, v2  }
0x48d: {  	[tilespmem:s19+$0x16D00] =	vst v2  }
0x48e: {  	v2 =	vld.idx.msk [tilespmem:v47+s8+$0x0], $0xffff  }
0x48f: {  	v3 =	vld.idx.msk [tilespmem:v48+s8+$0x0], $0xffff  }
0x490: {  	v51 =	vld.idx.msk [tilespmem:v47+s7+$0x0], $0xffff  }
0x491: {  	v52 =	vld.idx.msk [tilespmem:v48+s7+$0x0], $0xffff;
	_ =	sdelay $0x3  }
0x492: {  	s31 =	sadd.s32 $0xFFFFC400, s17  }
0x493: {  	s19 =	sand.u32 $0x1F00, s31;
	v2 =	vadd.f32 v51, v2;
	v3 =	vadd.f32 v52, v3  }
0x494: {  	s19 =	sshrl.u32 s19, $0x1  }
0x495: {  	s19 =	sor.u32 s18, s19;
	v2 =	vpack.i.f32.bf16 v3, v2  }
0x496: {  	[tilespmem:s19+$0x16D00] =	vst v2  }
0x497: {  	v2 =	vld.idx.msk [tilespmem:v47+s11+$0x0], $0xffff  }
0x498: {  	v3 =	vld.idx.msk [tilespmem:v48+s11+$0x0], $0xffff  }
0x499: {  	v53 =	vld.idx.msk [tilespmem:v47+s1+$0x0], $0xffff  }
0x49a: {  	v54 =	vld.idx.msk [tilespmem:v48+s1+$0x0], $0xffff;
	_ =	sdelay $0x3  }
0x49b: {  	s20 =	sadd.s32 $0xFFFFCE00, s17  }
0x49c: {  	s19 =	sand.u32 $0x3F00, s20;
	v2 =	vadd.f32 v53, v2;
	v3 =	vadd.f32 v54, v3  }
0x49d: {  	s19 =	sshrl.u32 s19, $0x1  }
0x49e: {  	s19 =	sor.u32 s18, s19;
	v2 =	vpack.i.f32.bf16 v3, v2  }
0x49f: {  	[tilespmem:s19+$0x16D00] =	vst v2  }
0x4a0: {  	v2 =	vld.idx.msk [tilespmem:v47+s0+$0x0], $0xffff  }
0x4a1: {  	v3 =	vld.idx.msk [tilespmem:v48+s0+$0x0], $0xffff  }
0x4a2: {  	v55 =	vld.idx.msk [tilespmem:v47+s10+$0x0], $0xffff  }
0x4a3: {  	v56 =	vld.idx.msk [tilespmem:v48+s10+$0x0], $0xffff;
	_ =	sdelay $0x3  }
0x4a4: {  	s31 =	sadd.s32 $0xFFFFD800, s17  }
0x4a5: {  	s19 =	sand.u32 $0x3F00, s31;
	v2 =	vadd.f32 v55, v2;
	v3 =	vadd.f32 v56, v3  }
0x4a6: {  	s19 =	sshrl.u32 s19, $0x1  }
0x4a7: {  	s19 =	sor.u32 s18, s19;
	v2 =	vpack.i.f32.bf16 v3, v2  }
0x4a8: {  	[tilespmem:s19+$0x16D00] =	vst v2  }
0x4a9: {  	v2 =	vld.idx.msk [tilespmem:v47+s4+$0x0], $0xffff  }
0x4aa: {  	v3 =	vld.idx.msk [tilespmem:v48+s4+$0x0], $0xffff  }
0x4ab: {  	v57 =	vld.idx.msk [tilespmem:v47+s5+$0x0], $0xffff  }
0x4ac: {  	v58 =	vld.idx.msk [tilespmem:v48+s5+$0x0], $0xffff;
	_ =	sdelay $0x3  }
0x4ad: {  	s20 =	sadd.s32 $0xFFFFE200, s17  }
0x4ae: {  	s19 =	sand.u32 $0x3F00, s20;
	v2 =	vadd.f32 v57, v2;
	v3 =	vadd.f32 v58, v3  }
0x4af: {  	s19 =	sshrl.u32 s19, $0x1  }
0x4b0: {  	s19 =	sor.u32 s18, s19;
	v2 =	vpack.i.f32.bf16 v3, v2  }
0x4b1: {  	[tilespmem:s19+$0x16D00] =	vst v2  }
0x4b2: {  	v2 =	vld.idx.msk [tilespmem:v47+s6+$0x0], $0xffff  }
0x4b3: {  	v3 =	vld.idx.msk [tilespmem:v48+s6+$0x0], $0xffff  }
0x4b4: {  	v59 =	vld.idx.msk [tilespmem:v47+s2+$0x0], $0xffff  }
0x4b5: {  	v60 =	vld.idx.msk [tilespmem:v48+s2+$0x0], $0xffff;
	_ =	sdelay $0x3  }
0x4b6: {  	s31 =	sadd.s32 $0xFFFFEC00, s17  }
0x4b7: {  	s19 =	sand.u32 $0x7F00, s31;
	v2 =	vadd.f32 v59, v2;
	v3 =	vadd.f32 v60, v3  }
0x4b8: {  	s19 =	sshrl.u32 s19, $0x1  }
0x4b9: {  	s19 =	sor.u32 s18, s19;
	v2 =	vpack.i.f32.bf16 v3, v2  }
0x4ba: {  	[tilespmem:s19+$0x16D00] =	vst v2  }
0x4bb: {  	v2 =	vld.idx.msk [tilespmem:v47+s3+$0x0], $0xffff  }
0x4bc: {  	v3 =	vld.idx.msk [tilespmem:v48+s3+$0x0], $0xffff  }
0x4bd: {  	v61 =	vld.idx.msk [tilespmem:v47+s12+$0x0], $0xffff  }
0x4be: {  	v62 =	vld.idx.msk [tilespmem:v48+s12+$0x0], $0xffff;
	_ =	sdelay $0x3  }
0x4bf: {  	s20 =	sadd.s32 $0xFFFFF600, s17  }
0x4c0: {  	s19 =	sand.u32 $0x7F00, s20;
	v2 =	vadd.f32 v61, v2;
	v3 =	vadd.f32 v62, v3  }
0x4c1: {  	s19 =	sshrl.u32 s19, $0x1  }
0x4c2: {  	s19 =	sor.u32 s18, s19;
	v2 =	vpack.i.f32.bf16 v3, v2  }
0x4c3: {  	[tilespmem:s19+$0x16D00] =	vst v2  }
0x4c4: {  	v2 =	vld.idx.msk [tilespmem:v47+s13+$0x0], $0xffff  }
0x4c5: {  	v3 =	vld.idx.msk [tilespmem:v48+s13+$0x0], $0xffff  }
0x4c6: {  	v63 =	vld.idx.msk [tilespmem:v47+s14+$0x0], $0xffff  }
0x4c7: {  	v4 =	vld.idx.msk [tilespmem:v48+s14+$0x0], $0xffff;
	_ =	sdelay $0x1  }
0x4c8: {  	s15 =	sadd.s32 $0x5, s15  }
0x4c9: {  	p1 =	slt.u32 s15, $0x4B  }
.Ltmp4:
0x4ca: {  	_ = 	snop;
	(pc) =	sbr.rel @p1 .LBB2_7-.Ltmp4, $4  }
0x4cb: {  	s31 =	sand.u32 $0x5F00, s17;
	v2 =	vadd.f32 v63, v2;
	v3 =	vadd.f32 v4, v3  }
0x4cc: {  	s19 =	sshrl.u32 s31, $0x1  }
0x4cd: {  	s18 =	sor.u32 s18, s19;
	v2 =	vpack.i.f32.bf16 v3, v2  }
0x4ce: {  	s16 =	sadd.s32 $0x140, s16;
	s17 =	sadd.s32 $0xA0, s17;
	[tilespmem:s18+$0x16D00] =	vst v2  }
0x4cf: {  	s15 =	rddreg [dreg:$0x5]  }
0x4d0: {  	s17 =	rddreg [dreg:$0xc]  }
0x4d1: {  	s15 =	sadd.s32 s17, s15  }
0x4d2: {  	s15 =	smul.u32 $0xA0, s15  }
.Ltmp5:
0x4d3: {  	_ = 	snop;
	(pc) =	sbr.rel @p0 .LBB2_10-.Ltmp5, $4  }
0x4d4: {  	s31 =	simm.s32 $0x7300;
	s16 =	rddreg [dreg:$0x6]  }
0x4d5: {  	s1 =	simm.s32 $0x10900;
	s11 =	simm.s32 $0x6900;
	s15 =	sadd.s32 s16, s15  }
0x4d6: {  	s20 =	simm.s32 $0x0;
	s0 =	simm.s32 $0x16D00;
	s15 =	sadd.s32 $0x500, s15  }
0x4d7: {  	[hbm4b:s15+s20] =	stream.linear.scatter [tilespmem:s0], [sflag:$0x6], $0x2800, $0x38;
	[tilespmem:$0x19500] =	vst v63  }
0x4d8: {  	v3 =	vld [tilespmem:s17+$0x18];
	_ =	sdelay $0x4  }
0x4d9: {  	v2 =	vld [tilespmem:s17+$0x298];
	(v2sf) =	vpush v3, $0x0;
	_ =	sdelay $0x4  }
0x4da: {  	(v2sf) =	vpush v2, $0x0;
	_ =	sdelay $0x5  }
0x4db: {  	(v2sf) =	vpush v3, $0x1;
	_ =	sdelay $0x3  }
0x4dc: {  	s15 =	spop (v2sf)  }
0x4dd: {  	s16 =	sshrl.u32 s15, $0x3  }
0x4de: {  	(v2sf) =	vpush v2, $0x1;
	s15 =	sshll.u32 s15, $0x7;
	s16 =	smul.u32 $0x5000, s16  }
0x4df: {  	s15 =	sand.u32 $0x380, s15  }
0x4e0: {  	s17 =	rddreg [dreg:$0x2];
	s15 =	sor.u32 s15, s16  }
0x4e1: {  	s19 =	simm.s32 $0x80;
	s25 =	spop (v2sf);
	s15 =	sshrl.u32 s15, $0x3  }
0x4e2: {  	s20 =	simm.s32 $0x400;
	s26 =	sshrl.u32 s25, $0x3;
	s15 =	sadd.s32 s17, s15  }
0x4e3: {  	[tilespmem:s9], [sflag:$0x2] =	stream.strided.gather [hbm4b:s15+s19], $0xA00, s20, s19, $0x38;
	[tilespmem:$0x19500] =	vst v63  }
0x4e4: {  	(v2sf) =	vpush v3, $0x2;
	s16 =	smul.u32 $0x5000, s26;
	s15 =	sshll.u32 s25, $0x7  }
0x4e5: {  	s15 =	sand.u32 $0x380, s15  }
0x4e6: {  	s15 =	sor.u32 s15, s16  }
0x4e7: {  	s18 =	rddreg [dreg:$0x3];
	s28 =	spop (v2sf);
	s15 =	sshrl.u32 s15, $0x3  }
0x4e8: {  	s29 =	sshrl.u32 s28, $0x3;
	s15 =	sadd.s32 s18, s15  }
0x4e9: {  	[tilespmem:s21], [sflag:$0x4] =	stream.strided.gather [hbm4b:s15+s19], $0xA00, s20, s19, $0x38;
	[tilespmem:$0x19500] =	vst v63  }
0x4ea: {  	s16 =	sshll.u32 s28, $0x7;
	s15 =	smul.u32 $0x5000, s29  }
0x4eb: {  	s16 =	sand.u32 $0x380, s16  }
0x4ec: {  	s15 =	sor.u32 s16, s15  }
0x4ed: {  	s15 =	sshrl.u32 s15, $0x3;
	s30 =	spop (v2sf);
	(v2sf) =	vpush v2, $0x2  }
0x4ee: {  	s15 =	sadd.s32 s17, s15;
	s0 =	sshrl.u32 s30, $0x3  }
0x4ef: {  	[tilespmem:s8], [sflag:$0x2] =	stream.strided.gather [hbm4b:s15+s19], $0xA00, s20, s19, $0x38;
	[tilespmem:$0x19500] =	vst v63  }
0x4f0: {  	s16 =	smul.u32 $0x5000, s0;
	s15 =	sshll.u32 s30, $0x7  }
0x4f1: {  	s15 =	sand.u32 $0x380, s15  }
0x4f2: {  	s15 =	sor.u32 s15, s16  }
0x4f3: {  	s8 =	spop (v2sf);
	(v2sf) =	vpush v3, $0x3;
	s15 =	sshrl.u32 s15, $0x3  }
0x4f4: {  	s9 =	sshrl.u32 s8, $0x3;
	s15 =	sadd.s32 s18, s15  }
0x4f5: {  	[tilespmem:s7], [sflag:$0x4] =	stream.strided.gather [hbm4b:s15+s19], $0xA00, s20, s19, $0x38;
	[tilespmem:$0x19500] =	vst v63  }
0x4f6: {  	s16 =	sshll.u32 s8, $0x7;
	s15 =	smul.u32 $0x5000, s9  }
0x4f7: {  	s16 =	sand.u32 $0x380, s16  }
0x4f8: {  	s15 =	sor.u32 s16, s15  }
0x4f9: {  	s15 =	sshrl.u32 s15, $0x3  }
0x4fa: {  	s15 =	sadd.s32 s17, s15  }
0x4fb: {  	[tilespmem:s11], [sflag:$0x2] =	stream.strided.gather [hbm4b:s15+s19], $0xA00, s20, s19, $0x38;
	[tilespmem:$0x19500] =	vst v63  }
0x4fc: {  	s11 =	spop (v2sf);
	(v2sf) =	vpush v2, $0x3;
	_ =	sdelay $0x5  }
0x4fd: {  	s24 =	spop (v2sf);
	(v2sf) =	vpush v3, $0x4;
	_ =	sdelay $0x3  }
0x4fe: {  	s21 =	sshrl.u32 s11, $0x3  }
0x4ff: {  	s15 =	sshll.u32 s11, $0x7;
	s16 =	smul.u32 $0x5000, s21  }
0x500: {  	s15 =	sand.u32 $0x380, s15  }
0x501: {  	s15 =	sor.u32 s15, s16  }
0x502: {  	s15 =	sshrl.u32 s15, $0x3  }
0x503: {  	s25 =	sshrl.u32 s24, $0x3;
	s15 =	sadd.s32 s18, s15;
	s26 =	spop (v2sf);
	(v2sf) =	vpush v2, $0x4  }
0x504: {  	[tilespmem:s1], [sflag:$0x4] =	stream.strided.gather [hbm4b:s15+s19], $0xA00, s20, s19, $0x38;
	[tilespmem:$0x19500] =	vst v63  }
0x505: {  	s16 =	sshll.u32 s24, $0x7;
	s15 =	smul.u32 $0x5000, s25  }
0x506: {  	s16 =	sand.u32 $0x380, s16  }
0x507: {  	s15 =	sor.u32 s16, s15  }
0x508: {  	s15 =	sshrl.u32 s15, $0x3  }
0x509: {  	s15 =	sadd.s32 s17, s15;
	s29 =	spop (v2sf);
	(v2sf) =	vpush v3, $0x5  }
0x50a: {  	[tilespmem:s31], [sflag:$0x2] =	stream.strided.gather [hbm4b:s15+s19], $0xA00, s20, s19, $0x38;
	[tilespmem:$0x19500] =	vst v63  }
0x50b: {  	s28 =	sshrl.u32 s26, $0x3  }
0x50c: {  	s15 =	sshll.u32 s26, $0x7;
	s16 =	smul.u32 $0x5000, s28  }
0x50d: {  	s15 =	sand.u32 $0x380, s15  }
0x50e: {  	s15 =	sor.u32 s15, s16  }
0x50f: {  	s15 =	sshrl.u32 s15, $0x3  }
0x510: {  	s30 =	sshrl.u32 s29, $0x3;
	s15 =	sadd.s32 s18, s15  }
0x511: {  	[tilespmem:s10], [sflag:$0x4] =	stream.strided.gather [hbm4b:s15+s19], $0xA00, s20, s19, $0x38;
	[tilespmem:$0x19500] =	vst v63  }
0x512: {  	s16 =	sshll.u32 s29, $0x7;
	s15 =	smul.u32 $0x5000, s30;
	s31 =	spop (v2sf);
	(v2sf) =	vpush v2, $0x5  }
0x513: {  	s16 =	sand.u32 $0x380, s16  }
0x514: {  	s15 =	sor.u32 s16, s15  }
0x515: {  	s15 =	sshrl.u32 s15, $0x3  }
0x516: {  	s15 =	sadd.s32 s17, s15  }
0x517: {  	[tilespmem:s4], [sflag:$0x2] =	stream.strided.gather [hbm4b:s15+s19], $0xA00, s20, s19, $0x38;
	[tilespmem:$0x19500] =	vst v63  }
0x518: {  	s0 =	sshrl.u32 s31, $0x3;
	s1 =	spop (v2sf);
	(v2sf) =	vpush v3, $0x6  }
0x519: {  	s15 =	sshll.u32 s31, $0x7;
	s16 =	smul.u32 $0x5000, s0  }
0x51a: {  	s15 =	sand.u32 $0x380, s15  }
0x51b: {  	s15 =	sor.u32 s15, s16  }
0x51c: {  	s15 =	sshrl.u32 s15, $0x3  }
0x51d: {  	s7 =	sshrl.u32 s1, $0x3;
	s15 =	sadd.s32 s18, s15  }
0x51e: {  	[tilespmem:s5], [sflag:$0x4] =	stream.strided.gather [hbm4b:s15+s19], $0xA00, s20, s19, $0x38;
	[tilespmem:$0x19500] =	vst v63  }
0x51f: {  	s16 =	sshll.u32 s1, $0x7;
	s15 =	smul.u32 $0x5000, s7  }
0x520: {  	s16 =	sand.u32 $0x380, s16  }
0x521: {  	s15 =	sor.u32 s16, s15;
	s8 =	spop (v2sf);
	(v2sf) =	vpush v2, $0x6  }
0x522: {  	s15 =	sshrl.u32 s15, $0x3  }
0x523: {  	s15 =	sadd.s32 s17, s15  }
0x524: {  	[tilespmem:s6], [sflag:$0x2] =	stream.strided.gather [hbm4b:s15+s19], $0xA00, s20, s19, $0x38;
	[tilespmem:$0x19500] =	vst v63  }
0x525: {  	s9 =	sshrl.u32 s8, $0x3  }
0x526: {  	s15 =	sshll.u32 s8, $0x7;
	s16 =	smul.u32 $0x5000, s9  }
0x527: {  	s15 =	sand.u32 $0x380, s15;
	s11 =	spop (v2sf);
	(v2sf) =	vpush v3, $0x7  }
0x528: {  	s15 =	sor.u32 s15, s16  }
0x529: {  	s15 =	sshrl.u32 s15, $0x3  }
0x52a: {  	s21 =	sshrl.u32 s11, $0x3;
	s15 =	sadd.s32 s18, s15  }
0x52b: {  	[tilespmem:s2], [sflag:$0x4] =	stream.strided.gather [hbm4b:s15+s19], $0xA00, s20, s19, $0x38;
	[tilespmem:$0x19500] =	vst v63  }
0x52c: {  	s16 =	sshll.u32 s11, $0x7;
	s15 =	smul.u32 $0x5000, s21  }
0x52d: {  	s16 =	sand.u32 $0x380, s16  }
0x52e: {  	s15 =	sor.u32 s16, s15  }
0x52f: {  	s15 =	sshrl.u32 s15, $0x3  }
0x530: {  	s15 =	sadd.s32 s17, s15;
	s24 =	spop (v2sf);
	(v2sf) =	vpush v2, $0x7  }
0x531: {  	[tilespmem:s3], [sflag:$0x2] =	stream.strided.gather [hbm4b:s15+s19], $0xA00, s20, s19, $0x38;
	[tilespmem:$0x19500] =	vst v63  }
0x532: {  	s25 =	sshrl.u32 s24, $0x3  }
0x533: {  	s15 =	sshll.u32 s24, $0x7;
	s16 =	smul.u32 $0x5000, s25  }
0x534: {  	s15 =	sand.u32 $0x380, s15  }
0x535: {  	s15 =	sor.u32 s15, s16  }
0x536: {  	s26 =	spop (v2sf);
	s15 =	sshrl.u32 s15, $0x3  }
0x537: {  	s28 =	sshrl.u32 s26, $0x3;
	s15 =	sadd.s32 s18, s15  }
0x538: {  	[tilespmem:s12], [sflag:$0x4] =	stream.strided.gather [hbm4b:s15+s19], $0xA00, s20, s19, $0x38;
	[tilespmem:$0x19500] =	vst v63  }
0x539: {  	s16 =	sshll.u32 s26, $0x7;
	s15 =	smul.u32 $0x5000, s28  }
0x53a: {  	s16 =	sand.u32 $0x380, s16  }
0x53b: {  	s15 =	sor.u32 s16, s15  }
0x53c: {  	s15 =	sshrl.u32 s15, $0x3  }
0x53d: {  	s15 =	sadd.s32 s17, s15  }
0x53e: {  	[tilespmem:s13], [sflag:$0x2] =	stream.strided.gather [hbm4b:s15+s19], $0xA00, s20, s19, $0x38;
	[tilespmem:$0x19500] =	vst v63  }
0x53f: {  	s29 =	spop (v2sf)  }
0x540: {  	s30 =	sshrl.u32 s29, $0x3  }
0x541: {  	s15 =	sshll.u32 s29, $0x7;
	s16 =	smul.u32 $0x5000, s30  }
.Ltmp6:
0x542: {  	s15 =	sand.u32 $0x380, s15;
	(pc) =	sbr.rel .LBB2_2-.Ltmp6, $4  }
0x543: {  	s15 =	sor.u32 s15, s16  }
0x544: {  	s31 =	rddreg [dreg:$0xb];
	s15 =	sshrl.u32 s15, $0x3  }
0x545: {  	s7 =	sadd.s32 $0x1, s31;
	s21 =	simm.s32 $0x500;
	s15 =	sadd.s32 s18, s15  }
0x546: {  	[tilespmem:s14], [sflag:$0x4] =	stream.strided.gather [hbm4b:s15+s19], $0xA00, s20, s19, $0x38;
	[tilespmem:$0x19500] =	vst v63  }
.LBB2_11:
0x547: {  	_ =	sfence.sel $0x180000  }
0x548: {  	[bflag:$0x0] =	sbarrier.arrive $0xFFFF  }
0x549: {  	_ =	strace $0x90000047  }
0x54a: {  	s0 =	stileid.u32;
	[bflag:$0x2] =	sbarrier.arrive $0xFFFF  }
0x54b: {  	p0 =	sne.s32 s0, $0x0;
	s0 =	rddreg [dreg:$0x4]  }
0x54c: {  	s0 =	sadd.s32 @!p0 $0x100000, s0  }
0x54d: {  	[sflag:s0] =	ssyncadd.tile.s32 @!p0 $0x1;
	_ =	shalt  }
.Lfunc_end2:
_tile_overlayer_lowered:
.L_overlay_start_2:
0x54e: {  	(tag) =	ssettag $0x2  }
0x54f: {  	s0 =	rddreg [dreg:$0x0];
	s2 =	stileid.u32  }
0x550: {  	s1 =	rddreg [dreg:$0x1];
	p0 =	sne.s32 s2, $0x0  }
0x551: {  	s3 =	rddreg [dreg:$0x2];
	[bflag:$0x3] =	sbarrier.arrive $0xFFFF;
	s2 =	simm.s32 @!p0 $0x1C07  }
0x552: {  	[timem:s3], [sflag:s2] =	dma.local @!p0 [hbm:s0], s1  }
0x553: {  	s0 =	simm.s32 @!p0 $0x7  }
0x554: {  	_ =	swait.ge @!p0 [sflag:s0], s1  }
0x555: {  	s1 =	ssub.s32 @!p0 $0x0, s1;
	[sflag:s0] =	ssyncset.done @!p0 $0x0  }
0x556: {  	[sflag:s0] =	ssyncadd.s32 @!p0 s1  }
0x557: {  	[bflag:$0x3] =	sbarrier.arrive $0xFFFF  }
0x558: {  	_ =	shalt  }

</sc_bundles>
